<compile_context>
chip_gen: v7x
topology: tpu7x:2x2x1
jax: 0.10.2.dev20260603
libtpu: 0.0.44.dev20260713+nightly
codegen_flags: <defaults>
</compile_context>

<pallas_src>
import functools

import jax
import jax.numpy as jnp
import numpy as np
from jax import lax
from jax.experimental import pallas as pl
from jax.experimental.pallas import tpu as pltpu, tpu_sc as plsc

B = 1024
L = 20
C = 23
HID = 128
NH = 4
DH = HID // NH
VOCAB = 23
POS = 200
ITER = 1000
LMAX = 10000.0
LMIN = 0.001

BB = 8
LP = 24
LC = L * C
NW = 32
BPW = B // NW

_INTERPRET = False


def _div_term_np():
    base = LMAX / (2.0 * np.pi)
    scale = LMIN / LMAX
    return (base * scale ** (np.arange(0, DH, 2, dtype=np.float32) / DH)).astype(np.float32)


def _inv_dt128_np():
    dt = _div_term_np()
    inv = (np.float32(1.0) / dt).astype(np.float32)
    h = (inv / 2.0).astype(np.float32)
    return np.concatenate([inv, inv, inv, inv, h, h, h, h]).reshape(1, HID)



def _sc_embed(sqP, spP, siP, caP, seq_table, pos_table, iter_table):
    mesh = plsc.VectorSubcoreMesh(core_axis_name="c", subcore_axis_name="s")

    @functools.partial(
        pl.kernel, mesh=mesh,
        out_type=[jax.ShapeDtypeStruct((B, L, HID), jnp.float32),
                  jax.ShapeDtypeStruct((B, LC, HID), jnp.float32)],
        scratch_types=[
            pltpu.VMEM((LP,), jnp.int32),
            pltpu.VMEM((LP,), jnp.int32),
            pltpu.VMEM((LP,), jnp.int32),
            pltpu.VMEM((LP,), jnp.int32),
            pltpu.VMEM((LP, HID), jnp.float32),
            pltpu.VMEM((LP, HID), jnp.float32),
            pltpu.VMEM((LP, HID), jnp.float32),
            pltpu.VMEM((LP, HID), jnp.float32),
            pltpu.VMEM((L, HID), jnp.float32),
            pltpu.VMEM((LC, HID), jnp.float32),
            pltpu.SemaphoreType.DMA,
        ],
    )
    def k(sq_h, sp_h, si_h, ca_h, st_h, pt_h, it_h, seqe_h, cande_h,
          sqv, spv, siv, cav, posr, iterr, seqr, candr, pib, candbuf, sem):
        wid = lax.axis_index("s") * 2 + lax.axis_index("c")

        def per_batch(b, carry):
            row = wid * BPW + b
            pltpu.sync_copy(sq_h.at[row], sqv)
            pltpu.sync_copy(sp_h.at[row], spv)
            pltpu.sync_copy(si_h.at[row], siv)
            pltpu.sync_copy(ca_h.at[row], cav)
            pltpu.async_copy(pt_h.at[spv], posr, sem).wait()
            pltpu.async_copy(it_h.at[siv], iterr, sem).wait()
            pltpu.async_copy(st_h.at[sqv], seqr, sem).wait()
            pltpu.async_copy(st_h.at[cav], candr, sem).wait()
            for l in range(L):
                for j in range(8):
                    sl = pl.ds(j * 16, 16)
                    pib[l, sl] = posr[l, sl] + iterr[l, sl] + seqr[l, sl]

            def per_l(l, acc):
                def per_c(c, acc2):
                    r = l * C + c
                    for j in range(8):
                        sl = pl.ds(j * 16, 16)
                        candbuf[r, sl] = posr[l, sl] + iterr[l, sl] + candr[c, sl]
                    return acc2
                return lax.fori_loop(0, C, per_c, acc)

            lax.fori_loop(0, L, per_l, 0)
            pltpu.sync_copy(pib, seqe_h.at[row])
            pltpu.sync_copy(candbuf, cande_h.at[row])
            return carry

        lax.fori_loop(0, BPW, per_batch, 0)

    return k(sqP, spP, siP, caP, seq_table, pos_table, iter_table)



def _tc_body(a2_r, arep_r, cbt_r, inv_r, seq_me_r, cand_me_r):
    inv128 = inv_r[...][None]
    lane = jax.lax.broadcasted_iota(jnp.int32, (1, 1, HID), 2)
    sin_mask = (lane % DH) < (DH // 2)

    def heads4(out):
        r, k = out.shape[0], out.shape[1]
        return jnp.concatenate(
            [jax.lax.broadcast_in_dim(out[:, :, h * DH:(h + 1) * DH],
                                      (r, k, 2, DH), (0, 1, 3)) for h in (0, 2)],
            axis=2)

    xs = a2_r[...][:, :, None] * inv128
    outs = jnp.where(sin_mask, jnp.sin(xs), jnp.cos(xs))
    seq_me_r[...] = heads4(outs)

    cm3 = (arep_r[...] + cbt_r[...])[:, :, None]
    CH = 96
    for s in range(0, LC, CH):
        e = min(s + CH, LC)
        xc = cm3[:, s:e] * inv128
        outc = jnp.where(sin_mask, jnp.sin(xc), jnp.cos(xc))
        cand_me_r[:, s:e] = heads4(outc)


@jax.jit
def _run(sqP, spP, siP, caP, a2, arep, cbt, seq_table, pos_table, iter_table, inv):
    seq_e, cand_e = _sc_embed(sqP, spP, siP, caP, seq_table, pos_table, iter_table)
    seq_me, cand_me = pl.pallas_call(
        _tc_body,
        grid=(B // BB,),
        in_specs=[
            pl.BlockSpec((BB, L), lambda i: (i, 0)),
            pl.BlockSpec((BB, LC), lambda i: (i, 0)),
            pl.BlockSpec((BB, LC), lambda i: (i, 0)),
            pl.BlockSpec((1, HID), lambda i: (0, 0)),
        ],
        out_specs=[
            pl.BlockSpec((BB, L, NH, DH), lambda i: (i, 0, 0, 0)),
            pl.BlockSpec((BB, LC, NH, DH), lambda i: (i, 0, 0, 0)),
        ],
        out_shape=[
            jax.ShapeDtypeStruct((B, L, NH, DH), jnp.float32),
            jax.ShapeDtypeStruct((B, LC, NH, DH), jnp.float32),
        ],
        interpret=_INTERPRET,
    )(a2, arep, cbt, inv)
    return seq_e, seq_me, cand_e, cand_me


def _pad24(x2d):
    return jnp.pad(x2d.astype(jnp.int32), ((0, 0), (0, LP - x2d.shape[1])))


def kernel(seq, seq_pos, seq_iter, seq_mass_forward, candidate_aa, candidate_aa_mass,
           seq_table, pos_table, iter_table):
    inv = jnp.asarray(_inv_dt128_np())
    sqP = _pad24(seq)
    spP = _pad24(jnp.minimum(seq_pos, POS - 1))
    siP = _pad24(jnp.minimum(seq_iter, ITER - 1))
    caP = _pad24(candidate_aa)
    arep = jnp.repeat(seq_mass_forward, C, axis=1)
    cbt = jnp.tile(candidate_aa_mass, (1, L))
    return tuple(_run(sqP, spP, siP, caP, seq_mass_forward.astype(jnp.float32),
                      arep, cbt, seq_table, pos_table, iter_table, inv))

# --- scband reference (transcript-rebuilt; emitter-appended) ---
"""Pipeline reference for scband-sequence-embedding-3143916060826 (READ-ONLY COPY).

The authoritative reference and input builder live on the scoring server;
editing this copy changes nothing except your own understanding.
"""

import jax, jax.numpy as jnp
import numpy as np

B = 1024
L = 20
C = 23
HID = 128
NH = 4
DH = HID // NH
VOCAB = 23
POS = 200
ITER = 1000
LMAX = 10000.0
LMIN = 0.001


def _div_term():
    base = LMAX / (2.0 * np.pi)
    scale = LMIN / LMAX
    dt = base * scale ** (np.arange(0, DH, 2, dtype=np.float32) / DH)
    return jnp.asarray(dt, dtype=jnp.float32)


def _sinusoidal(mass_position):
    dt = _div_term()
    x = mass_position[..., None] / dt
    return jnp.concatenate([jnp.sin(x), jnp.cos(x)], axis=-1).astype(jnp.float32)


def _relative(seq_mass_forward):
    m1 = _sinusoidal(seq_mass_forward)
    m2 = _sinusoidal(seq_mass_forward / 2.0)
    st = jnp.stack([m1, m2], axis=2)
    return jnp.repeat(st, NH // 2, axis=2)


def _absolute(seq, seq_pos, seq_iter, seq_table, pos_table, iter_table):
    e_seq = jnp.take(seq_table, seq, axis=0)
    e_pos = jnp.take(pos_table, jnp.clip(seq_pos, None, POS - 1), axis=0)
    e_iter = jnp.take(iter_table, jnp.clip(seq_iter, None, ITER - 1), axis=0)
    return e_seq + e_pos + e_iter


def setup_inputs(seed: int = 0) -> dict:
    key = jax.random.key(seed)
    ks = jax.random.split(key, 9)
    return {
        "seq": jax.random.randint(ks[0], (B, L), 0, VOCAB, dtype=jnp.int64 if jax.config.jax_enable_x64 else jnp.int32),
        "seq_pos": jax.random.randint(ks[1], (B, L), 0, POS),
        "seq_iter": jax.random.randint(ks[2], (B, L), 0, ITER),
        "seq_mass_forward": jax.random.uniform(ks[3], (B, L), dtype=jnp.float32) * 2000.0,
        "candidate_aa": jax.random.randint(ks[4], (B, C), 0, VOCAB),
        "candidate_aa_mass": jax.random.uniform(ks[5], (B, C), dtype=jnp.float32) * 200.0,
        "seq_table": jax.random.normal(ks[6], (VOCAB, HID), dtype=jnp.float32) * 0.02,
        "pos_table": jax.random.normal(ks[7], (POS, HID), dtype=jnp.float32) * 0.02,
        "iter_table": jax.random.normal(ks[8], (ITER, HID), dtype=jnp.float32) * 0.02,
    }


def reference(seq, seq_pos, seq_iter, seq_mass_forward, candidate_aa, candidate_aa_mass, seq_table, pos_table, iter_table):
    seq_len = seq.shape[1]
    cand = jnp.tile(candidate_aa, (1, seq_len))
    cand_pos = jnp.repeat(seq_pos, C, axis=1)
    cand_iter = jnp.repeat(seq_iter, C, axis=1)
    cand_mass = jnp.tile(candidate_aa_mass, (1, seq_len)) + jnp.repeat(seq_mass_forward, C, axis=1)
    seq_e = _absolute(seq, seq_pos, seq_iter, seq_table, pos_table, iter_table)
    seq_mass_e = _relative(seq_mass_forward)
    cand_e = _absolute(cand, cand_pos, cand_iter, seq_table, pos_table, iter_table)
    cand_mass_e = _relative(cand_mass)
    return (seq_e, seq_mass_e, cand_e, cand_mass_e)

if __name__ == "__main__":
    import jax
    _d = setup_inputs()
    print(jax.jit(kernel)(*tuple(_d.values())))

</pallas_src>

<mosaic_0001>
#map = affine_map<(d0, d1) -> (0, 0)>
#map1 = affine_map<(d0, d1) -> (0, 0, 0)>
module attributes {stable_mosaic.version = 14 : i64} {
  func.func @k(%arg0: i32, %arg1: i32, %arg2: memref<1024x24xi32, #tpu.memory_space<hbm>>, %arg3: memref<1024x24xi32, #tpu.memory_space<hbm>>, %arg4: memref<1024x24xi32, #tpu.memory_space<hbm>>, %arg5: memref<1024x24xi32, #tpu.memory_space<hbm>>, %arg6: memref<23x128xf32, #tpu.memory_space<hbm>>, %arg7: memref<200x128xf32, #tpu.memory_space<hbm>>, %arg8: memref<1000x128xf32, #tpu.memory_space<hbm>>, %arg9: memref<1024x20x128xf32, #tpu.memory_space<hbm>>, %arg10: memref<1024x460x128xf32, #tpu.memory_space<hbm>>, %arg11: memref<24xi32, #tpu.memory_space<vmem>>, %arg12: memref<24xi32, #tpu.memory_space<vmem>>, %arg13: memref<24xi32, #tpu.memory_space<vmem>>, %arg14: memref<24xi32, #tpu.memory_space<vmem>>, %arg15: memref<24x128xf32, #tpu.memory_space<vmem>>, %arg16: memref<24x128xf32, #tpu.memory_space<vmem>>, %arg17: memref<24x128xf32, #tpu.memory_space<vmem>>, %arg18: memref<24x128xf32, #tpu.memory_space<vmem>>, %arg19: memref<20x128xf32, #tpu.memory_space<vmem>>, %arg20: memref<460x128xf32, #tpu.memory_space<vmem>>, %arg21: memref<!tpu.dma_semaphore, #tpu.memory_space<semaphore_mem>>) attributes {dimension_semantics = [#tpu.dimension_semantics<core_parallel>, #tpu.dimension_semantics<subcore_parallel>], iteration_bounds = array<i64: 2, 16>, scalar_prefetch = 0 : i64, scratch_operands = 11 : i64, tpu.core_type = #tpu.core_type<sc_vector_subcore>, window_params = [{transform_indices = #map}, {transform_indices = #map}, {transform_indices = #map}, {transform_indices = #map}, {transform_indices = #map}, {transform_indices = #map}, {transform_indices = #map}, {transform_indices = #map1}, {transform_indices = #map1}]} {
    %mul3A = arith.constant 2 : i32
    %mul3A_0 = arith.muli %arg1, %mul3A : i32
    %add3A = arith.addi %mul3A_0, %arg0 : i32
    %scan3A = arith.constant 0 : i32
    %scan3A_1 = arith.constant 0 : i32
    %scan3A_2 = arith.constant 32 : i32
    %scan3A_3 = arith.addi %scan3A_1, %scan3A_2 : i32
    %scan3A_4 = arith.constant 1 : i32
    scf.for %scan3A_6 = %scan3A_1 to %scan3A_3 step %scan3A_4  : i32 {
      %mul3A_7 = arith.constant 32 : i32
      %mul3A_8 = arith.muli %add3A, %mul3A_7 : i32
      %add3A_9 = arith.addi %mul3A_8, %scan3A_6 : i32
      "tpu.region"() ({
        %run_scoped3A = tpu.sem_alloc : memref<!tpu.dma_semaphore, #tpu.memory_space<semaphore_mem>>
        %dma_start3A_3716 = arith.constant 0 : i32
        %dma_start3A_3717 = tpu.memref_slice %arg2[%add3A_9, %dma_start3A_3716] : memref<1024x24xi32, #tpu.memory_space<hbm>> -> memref<1x24xi32, #tpu.memory_space<hbm>>
        %dma_start3A_3718 = tpu.memref_squeeze %dma_start3A_3717 : memref<1x24xi32, #tpu.memory_space<hbm>> -> memref<24xi32, #tpu.memory_space<hbm>>
        %dma_start3A_3719 = arith.constant 0 : i32
        %dma_start3A_3720 = tpu.memref_slice %arg2[%add3A_9, %dma_start3A_3719] : memref<1024x24xi32, #tpu.memory_space<hbm>> -> memref<1x24xi32, #tpu.memory_space<hbm>>
        %dma_start3A_3721 = tpu.memref_squeeze %dma_start3A_3720 : memref<1x24xi32, #tpu.memory_space<hbm>> -> memref<24xi32, #tpu.memory_space<hbm>>
        tpu.enqueue_dma source(%dma_start3A_3721 : memref<24xi32, #tpu.memory_space<hbm>>) target(%arg11 : memref<24xi32, #tpu.memory_space<vmem>>) target_semaphore(%run_scoped3A : memref<!tpu.dma_semaphore, #tpu.memory_space<semaphore_mem>>)
        %dma_wait3A_3722 = arith.constant 0 : i32
        %dma_wait3A_3723 = tpu.memref_slice %arg2[%add3A_9, %dma_wait3A_3722] : memref<1024x24xi32, #tpu.memory_space<hbm>> -> memref<1x24xi32, #tpu.memory_space<hbm>>
        %dma_wait3A_3724 = tpu.memref_squeeze %dma_wait3A_3723 : memref<1x24xi32, #tpu.memory_space<hbm>> -> memref<24xi32, #tpu.memory_space<hbm>>
        %dma_wait3A_3725 = arith.constant 0 : i32
        %dma_wait3A_3726 = tpu.memref_slice %arg2[%add3A_9, %dma_wait3A_3725] : memref<1024x24xi32, #tpu.memory_space<hbm>> -> memref<1x24xi32, #tpu.memory_space<hbm>>
        %dma_wait3A_3727 = tpu.memref_squeeze %dma_wait3A_3726 : memref<1x24xi32, #tpu.memory_space<hbm>> -> memref<24xi32, #tpu.memory_space<hbm>>
        tpu.wait_dma2 semaphore(%run_scoped3A : memref<!tpu.dma_semaphore, #tpu.memory_space<semaphore_mem>>) src(%dma_wait3A_3727 : memref<24xi32, #tpu.memory_space<hbm>>) dst(%arg11 : memref<24xi32, #tpu.memory_space<vmem>>)
        tpu.yield
      }) : () -> ()
      "tpu.region"() ({
        %run_scoped3A = tpu.sem_alloc : memref<!tpu.dma_semaphore, #tpu.memory_space<semaphore_mem>>
        %dma_start3A_3716 = arith.constant 0 : i32
        %dma_start3A_3717 = tpu.memref_slice %arg3[%add3A_9, %dma_start3A_3716] : memref<1024x24xi32, #tpu.memory_space<hbm>> -> memref<1x24xi32, #tpu.memory_space<hbm>>
        %dma_start3A_3718 = tpu.memref_squeeze %dma_start3A_3717 : memref<1x24xi32, #tpu.memory_space<hbm>> -> memref<24xi32, #tpu.memory_space<hbm>>
        %dma_start3A_3719 = arith.constant 0 : i32
        %dma_start3A_3720 = tpu.memref_slice %arg3[%add3A_9, %dma_start3A_3719] : memref<1024x24xi32, #tpu.memory_space<hbm>> -> memref<1x24xi32, #tpu.memory_space<hbm>>
        %dma_start3A_3721 = tpu.memref_squeeze %dma_start3A_3720 : memref<1x24xi32, #tpu.memory_space<hbm>> -> memref<24xi32, #tpu.memory_space<hbm>>
        tpu.enqueue_dma source(%dma_start3A_3721 : memref<24xi32, #tpu.memory_space<hbm>>) target(%arg12 : memref<24xi32, #tpu.memory_space<vmem>>) target_semaphore(%run_scoped3A : memref<!tpu.dma_semaphore, #tpu.memory_space<semaphore_mem>>)
        %dma_wait3A_3722 = arith.constant 0 : i32
        %dma_wait3A_3723 = tpu.memref_slice %arg3[%add3A_9, %dma_wait3A_3722] : memref<1024x24xi32, #tpu.memory_space<hbm>> -> memref<1x24xi32, #tpu.memory_space<hbm>>
        %dma_wait3A_3724 = tpu.memref_squeeze %dma_wait3A_3723 : memref<1x24xi32, #tpu.memory_space<hbm>> -> memref<24xi32, #tpu.memory_space<hbm>>
        %dma_wait3A_3725 = arith.constant 0 : i32
        %dma_wait3A_3726 = tpu.memref_slice %arg3[%add3A_9, %dma_wait3A_3725] : memref<1024x24xi32, #tpu.memory_space<hbm>> -> memref<1x24xi32, #tpu.memory_space<hbm>>
        %dma_wait3A_3727 = tpu.memref_squeeze %dma_wait3A_3726 : memref<1x24xi32, #tpu.memory_space<hbm>> -> memref<24xi32, #tpu.memory_space<hbm>>
        tpu.wait_dma2 semaphore(%run_scoped3A : memref<!tpu.dma_semaphore, #tpu.memory_space<semaphore_mem>>) src(%dma_wait3A_3727 : memref<24xi32, #tpu.memory_space<hbm>>) dst(%arg12 : memref<24xi32, #tpu.memory_space<vmem>>)
        tpu.yield
      }) : () -> ()
      "tpu.region"() ({
        %run_scoped3A = tpu.sem_alloc : memref<!tpu.dma_semaphore, #tpu.memory_space<semaphore_mem>>
        %dma_start3A_3716 = arith.constant 0 : i32
        %dma_start3A_3717 = tpu.memref_slice %arg4[%add3A_9, %dma_start3A_3716] : memref<1024x24xi32, #tpu.memory_space<hbm>> -> memref<1x24xi32, #tpu.memory_space<hbm>>
        %dma_start3A_3718 = tpu.memref_squeeze %dma_start3A_3717 : memref<1x24xi32, #tpu.memory_space<hbm>> -> memref<24xi32, #tpu.memory_space<hbm>>
        %dma_start3A_3719 = arith.constant 0 : i32
        %dma_start3A_3720 = tpu.memref_slice %arg4[%add3A_9, %dma_start3A_3719] : memref<1024x24xi32, #tpu.memory_space<hbm>> -> memref<1x24xi32, #tpu.memory_space<hbm>>
        %dma_start3A_3721 = tpu.memref_squeeze %dma_start3A_3720 : memref<1x24xi32, #tpu.memory_space<hbm>> -> memref<24xi32, #tpu.memory_space<hbm>>
        tpu.enqueue_dma source(%dma_start3A_3721 : memref<24xi32, #tpu.memory_space<hbm>>) target(%arg13 : memref<24xi32, #tpu.memory_space<vmem>>) target_semaphore(%run_scoped3A : memref<!tpu.dma_semaphore, #tpu.memory_space<semaphore_mem>>)
        %dma_wait3A_3722 = arith.constant 0 : i32
        %dma_wait3A_3723 = tpu.memref_slice %arg4[%add3A_9, %dma_wait3A_3722] : memref<1024x24xi32, #tpu.memory_space<hbm>> -> memref<1x24xi32, #tpu.memory_space<hbm>>
        %dma_wait3A_3724 = tpu.memref_squeeze %dma_wait3A_3723 : memref<1x24xi32, #tpu.memory_space<hbm>> -> memref<24xi32, #tpu.memory_space<hbm>>
        %dma_wait3A_3725 = arith.constant 0 : i32
        %dma_wait3A_3726 = tpu.memref_slice %arg4[%add3A_9, %dma_wait3A_3725] : memref<1024x24xi32, #tpu.memory_space<hbm>> -> memref<1x24xi32, #tpu.memory_space<hbm>>
        %dma_wait3A_3727 = tpu.memref_squeeze %dma_wait3A_3726 : memref<1x24xi32, #tpu.memory_space<hbm>> -> memref<24xi32, #tpu.memory_space<hbm>>
        tpu.wait_dma2 semaphore(%run_scoped3A : memref<!tpu.dma_semaphore, #tpu.memory_space<semaphore_mem>>) src(%dma_wait3A_3727 : memref<24xi32, #tpu.memory_space<hbm>>) dst(%arg13 : memref<24xi32, #tpu.memory_space<vmem>>)
        tpu.yield
      }) : () -> ()
      "tpu.region"() ({
        %run_scoped3A = tpu.sem_alloc : memref<!tpu.dma_semaphore, #tpu.memory_space<semaphore_mem>>
        %dma_start3A_3716 = arith.constant 0 : i32
        %dma_start3A_3717 = tpu.memref_slice %arg5[%add3A_9, %dma_start3A_3716] : memref<1024x24xi32, #tpu.memory_space<hbm>> -> memref<1x24xi32, #tpu.memory_space<hbm>>
        %dma_start3A_3718 = tpu.memref_squeeze %dma_start3A_3717 : memref<1x24xi32, #tpu.memory_space<hbm>> -> memref<24xi32, #tpu.memory_space<hbm>>
        %dma_start3A_3719 = arith.constant 0 : i32
        %dma_start3A_3720 = tpu.memref_slice %arg5[%add3A_9, %dma_start3A_3719] : memref<1024x24xi32, #tpu.memory_space<hbm>> -> memref<1x24xi32, #tpu.memory_space<hbm>>
        %dma_start3A_3721 = tpu.memref_squeeze %dma_start3A_3720 : memref<1x24xi32, #tpu.memory_space<hbm>> -> memref<24xi32, #tpu.memory_space<hbm>>
        tpu.enqueue_dma source(%dma_start3A_3721 : memref<24xi32, #tpu.memory_space<hbm>>) target(%arg14 : memref<24xi32, #tpu.memory_space<vmem>>) target_semaphore(%run_scoped3A : memref<!tpu.dma_semaphore, #tpu.memory_space<semaphore_mem>>)
        %dma_wait3A_3722 = arith.constant 0 : i32
        %dma_wait3A_3723 = tpu.memref_slice %arg5[%add3A_9, %dma_wait3A_3722] : memref<1024x24xi32, #tpu.memory_space<hbm>> -> memref<1x24xi32, #tpu.memory_space<hbm>>
        %dma_wait3A_3724 = tpu.memref_squeeze %dma_wait3A_3723 : memref<1x24xi32, #tpu.memory_space<hbm>> -> memref<24xi32, #tpu.memory_space<hbm>>
        %dma_wait3A_3725 = arith.constant 0 : i32
        %dma_wait3A_3726 = tpu.memref_slice %arg5[%add3A_9, %dma_wait3A_3725] : memref<1024x24xi32, #tpu.memory_space<hbm>> -> memref<1x24xi32, #tpu.memory_space<hbm>>
        %dma_wait3A_3727 = tpu.memref_squeeze %dma_wait3A_3726 : memref<1x24xi32, #tpu.memory_space<hbm>> -> memref<24xi32, #tpu.memory_space<hbm>>
        tpu.wait_dma2 semaphore(%run_scoped3A : memref<!tpu.dma_semaphore, #tpu.memory_space<semaphore_mem>>) src(%dma_wait3A_3727 : memref<24xi32, #tpu.memory_space<hbm>>) dst(%arg14 : memref<24xi32, #tpu.memory_space<vmem>>)
        tpu.yield
      }) : () -> ()
      %dma_start3A = arith.constant 0 : i32
      %dma_start3A_10 = arith.constant 0 : i32
      %dma_start3A_11 = tpu.memref_slice %arg7[%dma_start3A, %dma_start3A_10] : memref<200x128xf32, #tpu.memory_space<hbm>> -> memref<200x128xf32, #tpu.memory_space<hbm>>
      tpu.enqueue_indirect_dma source(%dma_start3A_11 : memref<200x128xf32, #tpu.memory_space<hbm>>) target(%arg15 : memref<24x128xf32, #tpu.memory_space<vmem>>) offsets(%arg12 : memref<24xi32, #tpu.memory_space<vmem>>) semaphore(%arg21 : memref<!tpu.dma_semaphore, #tpu.memory_space<semaphore_mem>>)
      %dma_wait3A = arith.constant 0 : i32
      %dma_wait3A_12 = arith.constant 0 : i32
      %dma_wait3A_13 = tpu.memref_slice %arg7[%dma_wait3A, %dma_wait3A_12] : memref<200x128xf32, #tpu.memory_space<hbm>> -> memref<200x128xf32, #tpu.memory_space<hbm>>
      tpu.wait_indirect_dma semaphore(%arg21 : memref<!tpu.dma_semaphore, #tpu.memory_space<semaphore_mem>>) src(%dma_wait3A_13 : memref<200x128xf32, #tpu.memory_space<hbm>>) dst(%arg15 : memref<24x128xf32, #tpu.memory_space<vmem>>)
      %dma_start3A_14 = arith.constant 0 : i32
      %dma_start3A_15 = arith.constant 0 : i32
      %dma_start3A_16 = tpu.memref_slice %arg8[%dma_start3A_14, %dma_start3A_15] : memref<1000x128xf32, #tpu.memory_space<hbm>> -> memref<1000x128xf32, #tpu.memory_space<hbm>>
      tpu.enqueue_indirect_dma source(%dma_start3A_16 : memref<1000x128xf32, #tpu.memory_space<hbm>>) target(%arg16 : memref<24x128xf32, #tpu.memory_space<vmem>>) offsets(%arg13 : memref<24xi32, #tpu.memory_space<vmem>>) semaphore(%arg21 : memref<!tpu.dma_semaphore, #tpu.memory_space<semaphore_mem>>)
      %dma_wait3A_17 = arith.constant 0 : i32
      %dma_wait3A_18 = arith.constant 0 : i32
      %dma_wait3A_19 = tpu.memref_slice %arg8[%dma_wait3A_17, %dma_wait3A_18] : memref<1000x128xf32, #tpu.memory_space<hbm>> -> memref<1000x128xf32, #tpu.memory_space<hbm>>
      tpu.wait_indirect_dma semaphore(%arg21 : memref<!tpu.dma_semaphore, #tpu.memory_space<semaphore_mem>>) src(%dma_wait3A_19 : memref<1000x128xf32, #tpu.memory_space<hbm>>) dst(%arg16 : memref<24x128xf32, #tpu.memory_space<vmem>>)
      %dma_start3A_20 = arith.constant 0 : i32
      %dma_start3A_21 = arith.constant 0 : i32
      %dma_start3A_22 = tpu.memref_slice %arg6[%dma_start3A_20, %dma_start3A_21] : memref<23x128xf32, #tpu.memory_space<hbm>> -> memref<23x128xf32, #tpu.memory_space<hbm>>
      tpu.enqueue_indirect_dma source(%dma_start3A_22 : memref<23x128xf32, #tpu.memory_space<hbm>>) target(%arg17 : memref<24x128xf32, #tpu.memory_space<vmem>>) offsets(%arg11 : memref<24xi32, #tpu.memory_space<vmem>>) semaphore(%arg21 : memref<!tpu.dma_semaphore, #tpu.memory_space<semaphore_mem>>)
      %dma_wait3A_23 = arith.constant 0 : i32
      %dma_wait3A_24 = arith.constant 0 : i32
      %dma_wait3A_25 = tpu.memref_slice %arg6[%dma_wait3A_23, %dma_wait3A_24] : memref<23x128xf32, #tpu.memory_space<hbm>> -> memref<23x128xf32, #tpu.memory_space<hbm>>
      tpu.wait_indirect_dma semaphore(%arg21 : memref<!tpu.dma_semaphore, #tpu.memory_space<semaphore_mem>>) src(%dma_wait3A_25 : memref<23x128xf32, #tpu.memory_space<hbm>>) dst(%arg17 : memref<24x128xf32, #tpu.memory_space<vmem>>)
      %dma_start3A_26 = arith.constant 0 : i32
      %dma_start3A_27 = arith.constant 0 : i32
      %dma_start3A_28 = tpu.memref_slice %arg6[%dma_start3A_26, %dma_start3A_27] : memref<23x128xf32, #tpu.memory_space<hbm>> -> memref<23x128xf32, #tpu.memory_space<hbm>>
      tpu.enqueue_indirect_dma source(%dma_start3A_28 : memref<23x128xf32, #tpu.memory_space<hbm>>) target(%arg18 : memref<24x128xf32, #tpu.memory_space<vmem>>) offsets(%arg14 : memref<24xi32, #tpu.memory_space<vmem>>) semaphore(%arg21 : memref<!tpu.dma_semaphore, #tpu.memory_space<semaphore_mem>>)
      %dma_wait3A_29 = arith.constant 0 : i32
      %dma_wait3A_30 = arith.constant 0 : i32
      %dma_wait3A_31 = tpu.memref_slice %arg6[%dma_wait3A_29, %dma_wait3A_30] : memref<23x128xf32, #tpu.memory_space<hbm>> -> memref<23x128xf32, #tpu.memory_space<hbm>>
      tpu.wait_indirect_dma semaphore(%arg21 : memref<!tpu.dma_semaphore, #tpu.memory_space<semaphore_mem>>) src(%dma_wait3A_31 : memref<23x128xf32, #tpu.memory_space<hbm>>) dst(%arg18 : memref<24x128xf32, #tpu.memory_space<vmem>>)
      %get3A = arith.constant 0 : i32
      %get3A_32 = arith.index_cast %get3A : i32 to index
      %get3A_33 = arith.constant 0 : index
      %get3A_34 = tpu.vector_load %arg15[%get3A_32, %get3A_33] {strides = array<i32>} : memref<24x128xf32, #tpu.memory_space<vmem>>, vector<1x16xf32>,
      %get3A_35 = vector.shape_cast %get3A_34 : vector<1x16xf32> to vector<16xf32>
      %get3A_36 = arith.constant 0 : i32
      %get3A_37 = arith.index_cast %get3A_36 : i32 to index
      %get3A_38 = arith.constant 0 : index
      %get3A_39 = tpu.vector_load %arg16[%get3A_37, %get3A_38] {strides = array<i32>} : memref<24x128xf32, #tpu.memory_space<vmem>>, vector<1x16xf32>,
      %get3A_40 = vector.shape_cast %get3A_39 : vector<1x16xf32> to vector<16xf32>
      %add3A_41 = arith.addf %get3A_35, %get3A_40 : vector<16xf32>
      %get3A_42 = arith.constant 0 : i32
      %get3A_43 = arith.index_cast %get3A_42 : i32 to index
      %get3A_44 = arith.constant 0 : index
      %get3A_45 = tpu.vector_load %arg17[%get3A_43, %get3A_44] {strides = array<i32>} : memref<24x128xf32, #tpu.memory_space<vmem>>, vector<1x16xf32>,
      %get3A_46 = vector.shape_cast %get3A_45 : vector<1x16xf32> to vector<16xf32>
      %add3A_47 = arith.addf %add3A_41, %get3A_46 : vector<16xf32>
      %swap3A = arith.constant 0 : i32
      %swap3A_48 = arith.index_cast %swap3A : i32 to index
      %swap3A_49 = arith.constant 0 : index
      %swap3A_50 = tpu.vector_load %arg19[%swap3A_48, %swap3A_49] {strides = array<i32>} : memref<20x128xf32, #tpu.memory_space<vmem>>, vector<1x16xf32>,
      %swap3A_51 = vector.shape_cast %swap3A_50 : vector<1x16xf32> to vector<16xf32>
      %swap3A_52 = vector.shape_cast %add3A_47 : vector<16xf32> to vector<1x16xf32>
      tpu.vector_store %arg19[%swap3A_48, %swap3A_49], %swap3A_52 {strides = array<i32>} : memref<20x128xf32, #tpu.memory_space<vmem>>, vector<1x16xf32>,
      %get3A_53 = arith.constant 0 : i32
      %get3A_54 = arith.index_cast %get3A_53 : i32 to index
      %get3A_55 = arith.constant 16 : index
      %get3A_56 = tpu.vector_load %arg15[%get3A_54, %get3A_55] {strides = array<i32>} : memref<24x128xf32, #tpu.memory_space<vmem>>, vector<1x16xf32>,
      %get3A_57 = vector.shape_cast %get3A_56 : vector<1x16xf32> to vector<16xf32>
      %get3A_58 = arith.constant 0 : i32
      %get3A_59 = arith.index_cast %get3A_58 : i32 to index
      %get3A_60 = arith.constant 16 : index
      %get3A_61 = tpu.vector_load %arg16[%get3A_59, %get3A_60] {strides = array<i32>} : memref<24x128xf32, #tpu.memory_space<vmem>>, vector<1x16xf32>,
      %get3A_62 = vector.shape_cast %get3A_61 : vector<1x16xf32> to vector<16xf32>
      %add3A_63 = arith.addf %get3A_57, %get3A_62 : vector<16xf32>
      %get3A_64 = arith.constant 0 : i32
      %get3A_65 = arith.index_cast %get3A_64 : i32 to index
      %get3A_66 = arith.constant 16 : index
      %get3A_67 = tpu.vector_load %arg17[%get3A_65, %get3A_66] {strides = array<i32>} : memref<24x128xf32, #tpu.memory_space<vmem>>, vector<1x16xf32>,
      %get3A_68 = vector.shape_cast %get3A_67 : vector<1x16xf32> to vector<16xf32>
      %add3A_69 = arith.addf %add3A_63, %get3A_68 : vector<16xf32>
      %swap3A_70 = arith.constant 0 : i32
      %swap3A_71 = arith.index_cast %swap3A_70 : i32 to index
      %swap3A_72 = arith.constant 16 : index
      %swap3A_73 = tpu.vector_load %arg19[%swap3A_71, %swap3A_72] {strides = array<i32>} : memref<20x128xf32, #tpu.memory_space<vmem>>, vector<1x16xf32>,
      %swap3A_74 = vector.shape_cast %swap3A_73 : vector<1x16xf32> to vector<16xf32>
      %swap3A_75 = vector.shape_cast %add3A_69 : vector<16xf32> to vector<1x16xf32>
      tpu.vector_store %arg19[%swap3A_71, %swap3A_72], %swap3A_75 {strides = array<i32>} : memref<20x128xf32, #tpu.memory_space<vmem>>, vector<1x16xf32>,
      %get3A_76 = arith.constant 0 : i32
      %get3A_77 = arith.index_cast %get3A_76 : i32 to index
      %get3A_78 = arith.constant 32 : index
      %get3A_79 = tpu.vector_load %arg15[%get3A_77, %get3A_78] {strides = array<i32>} : memref<24x128xf32, #tpu.memory_space<vmem>>, vector<1x16xf32>,
      %get3A_80 = vector.shape_cast %get3A_79 : vector<1x16xf32> to vector<16xf32>
      %get3A_81 = arith.constant 0 : i32
      %get3A_82 = arith.index_cast %get3A_81 : i32 to index
      %get3A_83 = arith.constant 32 : index
      %get3A_84 = tpu.vector_load %arg16[%get3A_82, %get3A_83] {strides = array<i32>} : memref<24x128xf32, #tpu.memory_space<vmem>>, vector<1x16xf32>,
      %get3A_85 = vector.shape_cast %get3A_84 : vector<1x16xf32> to vector<16xf32>
      %add3A_86 = arith.addf %get3A_80, %get3A_85 : vector<16xf32>
      %get3A_87 = arith.constant 0 : i32
      %get3A_88 = arith.index_cast %get3A_87 : i32 to index
      %get3A_89 = arith.constant 32 : index
      %get3A_90 = tpu.vector_load %arg17[%get3A_88, %get3A_89] {strides = array<i32>} : memref<24x128xf32, #tpu.memory_space<vmem>>, vector<1x16xf32>,
      %get3A_91 = vector.shape_cast %get3A_90 : vector<1x16xf32> to vector<16xf32>
      %add3A_92 = arith.addf %add3A_86, %get3A_91 : vector<16xf32>
      %swap3A_93 = arith.constant 0 : i32
      %swap3A_94 = arith.index_cast %swap3A_93 : i32 to index
      %swap3A_95 = arith.constant 32 : index
      %swap3A_96 = tpu.vector_load %arg19[%swap3A_94, %swap3A_95] {strides = array<i32>} : memref<20x128xf32, #tpu.memory_space<vmem>>, vector<1x16xf32>,
      %swap3A_97 = vector.shape_cast %swap3A_96 : vector<1x16xf32> to vector<16xf32>
      %swap3A_98 = vector.shape_cast %add3A_92 : vector<16xf32> to vector<1x16xf32>
      tpu.vector_store %arg19[%swap3A_94, %swap3A_95], %swap3A_98 {strides = array<i32>} : memref<20x128xf32, #tpu.memory_space<vmem>>, vector<1x16xf32>,
      %get3A_99 = arith.constant 0 : i32
      %get3A_100 = arith.index_cast %get3A_99 : i32 to index
      %get3A_101 = arith.constant 48 : index
      %get3A_102 = tpu.vector_load %arg15[%get3A_100, %get3A_101] {strides = array<i32>} : memref<24x128xf32, #tpu.memory_space<vmem>>, vector<1x16xf32>,
      %get3A_103 = vector.shape_cast %get3A_102 : vector<1x16xf32> to vector<16xf32>
      %get3A_104 = arith.constant 0 : i32
      %get3A_105 = arith.index_cast %get3A_104 : i32 to index
      %get3A_106 = arith.constant 48 : index
      %get3A_107 = tpu.vector_load %arg16[%get3A_105, %get3A_106] {strides = array<i32>} : memref<24x128xf32, #tpu.memory_space<vmem>>, vector<1x16xf32>,
      %get3A_108 = vector.shape_cast %get3A_107 : vector<1x16xf32> to vector<16xf32>
      %add3A_109 = arith.addf %get3A_103, %get3A_108 : vector<16xf32>
      %get3A_110 = arith.constant 0 : i32
      %get3A_111 = arith.index_cast %get3A_110 : i32 to index
      %get3A_112 = arith.constant 48 : index
      %get3A_113 = tpu.vector_load %arg17[%get3A_111, %get3A_112] {strides = array<i32>} : memref<24x128xf32, #tpu.memory_space<vmem>>, vector<1x16xf32>,
      %get3A_114 = vector.shape_cast %get3A_113 : vector<1x16xf32> to vector<16xf32>
      %add3A_115 = arith.addf %add3A_109, %get3A_114 : vector<16xf32>
      %swap3A_116 = arith.constant 0 : i32
      %swap3A_117 = arith.index_cast %swap3A_116 : i32 to index
      %swap3A_118 = arith.constant 48 : index
      %swap3A_119 = tpu.vector_load %arg19[%swap3A_117, %swap3A_118] {strides = array<i32>} : memref<20x128xf32, #tpu.memory_space<vmem>>, vector<1x16xf32>,
      %swap3A_120 = vector.shape_cast %swap3A_119 : vector<1x16xf32> to vector<16xf32>
      %swap3A_121 = vector.shape_cast %add3A_115 : vector<16xf32> to vector<1x16xf32>
      tpu.vector_store %arg19[%swap3A_117, %swap3A_118], %swap3A_121 {strides = array<i32>} : memref<20x128xf32, #tpu.memory_space<vmem>>, vector<1x16xf32>,
      %get3A_122 = arith.constant 0 : i32
      %get3A_123 = arith.index_cast %get3A_122 : i32 to index
      %get3A_124 = arith.constant 64 : index
      %get3A_125 = tpu.vector_load %arg15[%get3A_123, %get3A_124] {strides = array<i32>} : memref<24x128xf32, #tpu.memory_space<vmem>>, vector<1x16xf32>,
      %get3A_126 = vector.shape_cast %get3A_125 : vector<1x16xf32> to vector<16xf32>
      %get3A_127 = arith.constant 0 : i32
      %get3A_128 = arith.index_cast %get3A_127 : i32 to index
      %get3A_129 = arith.constant 64 : index
      %get3A_130 = tpu.vector_load %arg16[%get3A_128, %get3A_129] {strides = array<i32>} : memref<24x128xf32, #tpu.memory_space<vmem>>, vector<1x16xf32>,
      %get3A_131 = vector.shape_cast %get3A_130 : vector<1x16xf32> to vector<16xf32>
      %add3A_132 = arith.addf %get3A_126, %get3A_131 : vector<16xf32>
      %get3A_133 = arith.constant 0 : i32
      %get3A_134 = arith.index_cast %get3A_133 : i32 to index
      %get3A_135 = arith.constant 64 : index
      %get3A_136 = tpu.vector_load %arg17[%get3A_134, %get3A_135] {strides = array<i32>} : memref<24x128xf32, #tpu.memory_space<vmem>>, vector<1x16xf32>,
      %get3A_137 = vector.shape_cast %get3A_136 : vector<1x16xf32> to vector<16xf32>
      %add3A_138 = arith.addf %add3A_132, %get3A_137 : vector<16xf32>
      %swap3A_139 = arith.constant 0 : i32
      %swap3A_140 = arith.index_cast %swap3A_139 : i32 to index
      %swap3A_141 = arith.constant 64 : index
      %swap3A_142 = tpu.vector_load %arg19[%swap3A_140, %swap3A_141] {strides = array<i32>} : memref<20x128xf32, #tpu.memory_space<vmem>>, vector<1x16xf32>,
      %swap3A_143 = vector.shape_cast %swap3A_142 : vector<1x16xf32> to vector<16xf32>
      %swap3A_144 = vector.shape_cast %add3A_138 : vector<16xf32> to vector<1x16xf32>
      tpu.vector_store %arg19[%swap3A_140, %swap3A_141], %swap3A_144 {strides = array<i32>} : memref<20x128xf32, #tpu.memory_space<vmem>>, vector<1x16xf32>,
      %get3A_145 = arith.constant 0 : i32
      %get3A_146 = arith.index_cast %get3A_145 : i32 to index
      %get3A_147 = arith.constant 80 : index
      %get3A_148 = tpu.vector_load %arg15[%get3A_146, %get3A_147] {strides = array<i32>} : memref<24x128xf32, #tpu.memory_space<vmem>>, vector<1x16xf32>,
      %get3A_149 = vector.shape_cast %get3A_148 : vector<1x16xf32> to vector<16xf32>
      %get3A_150 = arith.constant 0 : i32
      %get3A_151 = arith.index_cast %get3A_150 : i32 to index
      %get3A_152 = arith.constant 80 : index
      %get3A_153 = tpu.vector_load %arg16[%get3A_151, %get3A_152] {strides = array<i32>} : memref<24x128xf32, #tpu.memory_space<vmem>>, vector<1x16xf32>,
      %get3A_154 = vector.shape_cast %get3A_153 : vector<1x16xf32> to vector<16xf32>
      %add3A_155 = arith.addf %get3A_149, %get3A_154 : vector<16xf32>
      %get3A_156 = arith.constant 0 : i32
      %get3A_157 = arith.index_cast %get3A_156 : i32 to index
      %get3A_158 = arith.constant 80 : index
      %get3A_159 = tpu.vector_load %arg17[%get3A_157, %get3A_158] {strides = array<i32>} : memref<24x128xf32, #tpu.memory_space<vmem>>, vector<1x16xf32>,
      %get3A_160 = vector.shape_cast %get3A_159 : vector<1x16xf32> to vector<16xf32>
      %add3A_161 = arith.addf %add3A_155, %get3A_160 : vector<16xf32>
      %swap3A_162 = arith.constant 0 : i32
      %swap3A_163 = arith.index_cast %swap3A_162 : i32 to index
      %swap3A_164 = arith.constant 80 : index
      %swap3A_165 = tpu.vector_load %arg19[%swap3A_163, %swap3A_164] {strides = array<i32>} : memref<20x128xf32, #tpu.memory_space<vmem>>, vector<1x16xf32>,
      %swap3A_166 = vector.shape_cast %swap3A_165 : vector<1x16xf32> to vector<16xf32>
      %swap3A_167 = vector.shape_cast %add3A_161 : vector<16xf32> to vector<1x16xf32>
      tpu.vector_store %arg19[%swap3A_163, %swap3A_164], %swap3A_167 {strides = array<i32>} : memref<20x128xf32, #tpu.memory_space<vmem>>, vector<1x16xf32>,
      %get3A_168 = arith.constant 0 : i32
      %get3A_169 = arith.index_cast %get3A_168 : i32 to index
      %get3A_170 = arith.constant 96 : index
      %get3A_171 = tpu.vector_load %arg15[%get3A_169, %get3A_170] {strides = array<i32>} : memref<24x128xf32, #tpu.memory_space<vmem>>, vector<1x16xf32>,
      %get3A_172 = vector.shape_cast %get3A_171 : vector<1x16xf32> to vector<16xf32>
      %get3A_173 = arith.constant 0 : i32
      %get3A_174 = arith.index_cast %get3A_173 : i32 to index
      %get3A_175 = arith.constant 96 : index
      %get3A_176 = tpu.vector_load %arg16[%get3A_174, %get3A_175] {strides = array<i32>} : memref<24x128xf32, #tpu.memory_space<vmem>>, vector<1x16xf32>,
      %get3A_177 = vector.shape_cast %get3A_176 : vector<1x16xf32> to vector<16xf32>
      %add3A_178 = arith.addf %get3A_172, %get3A_177 : vector<16xf32>
      %get3A_179 = arith.constant 0 : i32
      %get3A_180 = arith.index_cast %get3A_179 : i32 to index
      %get3A_181 = arith.constant 96 : index
      %get3A_182 = tpu.vector_load %arg17[%get3A_180, %get3A_181] {strides = array<i32>} : memref<24x128xf32, #tpu.memory_space<vmem>>, vector<1x16xf32>,
      %get3A_183 = vector.shape_cast %get3A_182 : vector<1x16xf32> to vector<16xf32>
      %add3A_184 = arith.addf %add3A_178, %get3A_183 : vector<16xf32>
      %swap3A_185 = arith.constant 0 : i32
      %swap3A_186 = arith.index_cast %swap3A_185 : i32 to index
      %swap3A_187 = arith.constant 96 : index
      %swap3A_188 = tpu.vector_load %arg19[%swap3A_186, %swap3A_187] {strides = array<i32>} : memref<20x128xf32, #tpu.memory_space<vmem>>, vector<1x16xf32>,
      %swap3A_189 = vector.shape_cast %swap3A_188 : vector<1x16xf32> to vector<16xf32>
      %swap3A_190 = vector.shape_cast %add3A_184 : vector<16xf32> to vector<1x16xf32>
      tpu.vector_store %arg19[%swap3A_186, %swap3A_187], %swap3A_190 {strides = array<i32>} : memref<20x128xf32, #tpu.memory_space<vmem>>, vector<1x16xf32>,
      %get3A_191 = arith.constant 0 : i32
      %get3A_192 = arith.index_cast %get3A_191 : i32 to index
      %get3A_193 = arith.constant 112 : index
      %get3A_194 = tpu.vector_load %arg15[%get3A_192, %get3A_193] {strides = array<i32>} : memref<24x128xf32, #tpu.memory_space<vmem>>, vector<1x16xf32>,
      %get3A_195 = vector.shape_cast %get3A_194 : vector<1x16xf32> to vector<16xf32>
      %get3A_196 = arith.constant 0 : i32
      %get3A_197 = arith.index_cast %get3A_196 : i32 to index
      %get3A_198 = arith.constant 112 : index
      %get3A_199 = tpu.vector_load %arg16[%get3A_197, %get3A_198] {strides = array<i32>} : memref<24x128xf32, #tpu.memory_space<vmem>>, vector<1x16xf32>,
      %get3A_200 = vector.shape_cast %get3A_199 : vector<1x16xf32> to vector<16xf32>
      %add3A_201 = arith.addf %get3A_195, %get3A_200 : vector<16xf32>
      %get3A_202 = arith.constant 0 : i32
      %get3A_203 = arith.index_cast %get3A_202 : i32 to index
      %get3A_204 = arith.constant 112 : index
      %get3A_205 = tpu.vector_load %arg17[%get3A_203, %get3A_204] {strides = array<i32>} : memref<24x128xf32, #tpu.memory_space<vmem>>, vector<1x16xf32>,
      %get3A_206 = vector.shape_cast %get3A_205 : vector<1x16xf32> to vector<16xf32>
      %add3A_207 = arith.addf %add3A_201, %get3A_206 : vector<16xf32>
      %swap3A_208 = arith.constant 0 : i32
      %swap3A_209 = arith.index_cast %swap3A_208 : i32 to index
      %swap3A_210 = arith.constant 112 : index
      %swap3A_211 = tpu.vector_load %arg19[%swap3A_209, %swap3A_210] {strides = array<i32>} : memref<20x128xf32, #tpu.memory_space<vmem>>, vector<1x16xf32>,
      %swap3A_212 = vector.shape_cast %swap3A_211 : vector<1x16xf32> to vector<16xf32>
      %swap3A_213 = vector.shape_cast %add3A_207 : vector<16xf32> to vector<1x16xf32>
      tpu.vector_store %arg19[%swap3A_209, %swap3A_210], %swap3A_213 {strides = array<i32>} : memref<20x128xf32, #tpu.memory_space<vmem>>, vector<1x16xf32>,
      %get3A_214 = arith.constant 1 : i32
      %get3A_215 = arith.index_cast %get3A_214 : i32 to index
      %get3A_216 = arith.constant 0 : index
      %get3A_217 = tpu.vector_load %arg15[%get3A_215, %get3A_216] {strides = array<i32>} : memref<24x128xf32, #tpu.memory_space<vmem>>, vector<1x16xf32>,
      %get3A_218 = vector.shape_cast %get3A_217 : vector<1x16xf32> to vector<16xf32>
      %get3A_219 = arith.constant 1 : i32
      %get3A_220 = arith.index_cast %get3A_219 : i32 to index
      %get3A_221 = arith.constant 0 : index
      %get3A_222 = tpu.vector_load %arg16[%get3A_220, %get3A_221] {strides = array<i32>} : memref<24x128xf32, #tpu.memory_space<vmem>>, vector<1x16xf32>,
      %get3A_223 = vector.shape_cast %get3A_222 : vector<1x16xf32> to vector<16xf32>
      %add3A_224 = arith.addf %get3A_218, %get3A_223 : vector<16xf32>
      %get3A_225 = arith.constant 1 : i32
      %get3A_226 = arith.index_cast %get3A_225 : i32 to index
      %get3A_227 = arith.constant 0 : index
      %get3A_228 = tpu.vector_load %arg17[%get3A_226, %get3A_227] {strides = array<i32>} : memref<24x128xf32, #tpu.memory_space<vmem>>, vector<1x16xf32>,
      %get3A_229 = vector.shape_cast %get3A_228 : vector<1x16xf32> to vector<16xf32>
      %add3A_230 = arith.addf %add3A_224, %get3A_229 : vector<16xf32>
      %swap3A_231 = arith.constant 1 : i32
      %swap3A_232 = arith.index_cast %swap3A_231 : i32 to index
      %swap3A_233 = arith.constant 0 : index
      %swap3A_234 = tpu.vector_load %arg19[%swap3A_232, %swap3A_233] {strides = array<i32>} : memref<20x128xf32, #tpu.memory_space<vmem>>, vector<1x16xf32>,
      %swap3A_235 = vector.shape_cast %swap3A_234 : vector<1x16xf32> to vector<16xf32>
      %swap3A_236 = vector.shape_cast %add3A_230 : vector<16xf32> to vector<1x16xf32>
      tpu.vector_store %arg19[%swap3A_232, %swap3A_233], %swap3A_236 {strides = array<i32>} : memref<20x128xf32, #tpu.memory_space<vmem>>, vector<1x16xf32>,
      %get3A_237 = arith.constant 1 : i32
      %get3A_238 = arith.index_cast %get3A_237 : i32 to index
      %get3A_239 = arith.constant 16 : index
      %get3A_240 = tpu.vector_load %arg15[%get3A_238, %get3A_239] {strides = array<i32>} : memref<24x128xf32, #tpu.memory_space<vmem>>, vector<1x16xf32>,
      %get3A_241 = vector.shape_cast %get3A_240 : vector<1x16xf32> to vector<16xf32>
      %get3A_242 = arith.constant 1 : i32
      %get3A_243 = arith.index_cast %get3A_242 : i32 to index
      %get3A_244 = arith.constant 16 : index
      %get3A_245 = tpu.vector_load %arg16[%get3A_243, %get3A_244] {strides = array<i32>} : memref<24x128xf32, #tpu.memory_space<vmem>>, vector<1x16xf32>,
      %get3A_246 = vector.shape_cast %get3A_245 : vector<1x16xf32> to vector<16xf32>
      %add3A_247 = arith.addf %get3A_241, %get3A_246 : vector<16xf32>
      %get3A_248 = arith.constant 1 : i32
      %get3A_249 = arith.index_cast %get3A_248 : i32 to index
      %get3A_250 = arith.constant 16 : index
      %get3A_251 = tpu.vector_load %arg17[%get3A_249, %get3A_250] {strides = array<i32>} : memref<24x128xf32, #tpu.memory_space<vmem>>, vector<1x16xf32>,
      %get3A_252 = vector.shape_cast %get3A_251 : vector<1x16xf32> to vector<16xf32>
      %add3A_253 = arith.addf %add3A_247, %get3A_252 : vector<16xf32>
      %swap3A_254 = arith.constant 1 : i32
      %swap3A_255 = arith.index_cast %swap3A_254 : i32 to index
      %swap3A_256 = arith.constant 16 : index
      %swap3A_257 = tpu.vector_load %arg19[%swap3A_255, %swap3A_256] {strides = array<i32>} : memref<20x128xf32, #tpu.memory_space<vmem>>, vector<1x16xf32>,
      %swap3A_258 = vector.shape_cast %swap3A_257 : vector<1x16xf32> to vector<16xf32>
      %swap3A_259 = vector.shape_cast %add3A_253 : vector<16xf32> to vector<1x16xf32>
      tpu.vector_store %arg19[%swap3A_255, %swap3A_256], %swap3A_259 {strides = array<i32>} : memref<20x128xf32, #tpu.memory_space<vmem>>, vector<1x16xf32>,
      %get3A_260 = arith.constant 1 : i32
      %get3A_261 = arith.index_cast %get3A_260 : i32 to index
      %get3A_262 = arith.constant 32 : index
      %get3A_263 = tpu.vector_load %arg15[%get3A_261, %get3A_262] {strides = array<i32>} : memref<24x128xf32, #tpu.memory_space<vmem>>, vector<1x16xf32>,
      %get3A_264 = vector.shape_cast %get3A_263 : vector<1x16xf32> to vector<16xf32>
      %get3A_265 = arith.constant 1 : i32
      %get3A_266 = arith.index_cast %get3A_265 : i32 to index
      %get3A_267 = arith.constant 32 : index
      %get3A_268 = tpu.vector_load %arg16[%get3A_266, %get3A_267] {strides = array<i32>} : memref<24x128xf32, #tpu.memory_space<vmem>>, vector<1x16xf32>,
      %get3A_269 = vector.shape_cast %get3A_268 : vector<1x16xf32> to vector<16xf32>
      %add3A_270 = arith.addf %get3A_264, %get3A_269 : vector<16xf32>
      %get3A_271 = arith.constant 1 : i32
      %get3A_272 = arith.index_cast %get3A_271 : i32 to index
      %get3A_273 = arith.constant 32 : index
      %get3A_274 = tpu.vector_load %arg17[%get3A_272, %get3A_273] {strides = array<i32>} : memref<24x128xf32, #tpu.memory_space<vmem>>, vector<1x16xf32>,
      %get3A_275 = vector.shape_cast %get3A_274 : vector<1x16xf32> to vector<16xf32>
      %add3A_276 = arith.addf %add3A_270, %get3A_275 : vector<16xf32>
      %swap3A_277 = arith.constant 1 : i32
      %swap3A_278 = arith.index_cast %swap3A_277 : i32 to index
      %swap3A_279 = arith.constant 32 : index
      %swap3A_280 = tpu.vector_load %arg19[%swap3A_278, %swap3A_279] {strides = array<i32>} : memref<20x128xf32, #tpu.memory_space<vmem>>, vector<1x16xf32>,
      %swap3A_281 = vector.shape_cast %swap3A_280 : vector<1x16xf32> to vector<16xf32>
      %swap3A_282 = vector.shape_cast %add3A_276 : vector<16xf32> to vector<1x16xf32>
      tpu.vector_store %arg19[%swap3A_278, %swap3A_279], %swap3A_282 {strides = array<i32>} : memref<20x128xf32, #tpu.memory_space<vmem>>, vector<1x16xf32>,
      %get3A_283 = arith.constant 1 : i32
      %get3A_284 = arith.index_cast %get3A_283 : i32 to index
      %get3A_285 = arith.constant 48 : index
      %get3A_286 = tpu.vector_load %arg15[%get3A_284, %get3A_285] {strides = array<i32>} : memref<24x128xf32, #tpu.memory_space<vmem>>, vector<1x16xf32>,
      %get3A_287 = vector.shape_cast %get3A_286 : vector<1x16xf32> to vector<16xf32>
      %get3A_288 = arith.constant 1 : i32
      %get3A_289 = arith.index_cast %get3A_288 : i32 to index
      %get3A_290 = arith.constant 48 : index
      %get3A_291 = tpu.vector_load %arg16[%get3A_289, %get3A_290] {strides = array<i32>} : memref<24x128xf32, #tpu.memory_space<vmem>>, vector<1x16xf32>,
      %get3A_292 = vector.shape_cast %get3A_291 : vector<1x16xf32> to vector<16xf32>
      %add3A_293 = arith.addf %get3A_287, %get3A_292 : vector<16xf32>
      %get3A_294 = arith.constant 1 : i32
      %get3A_295 = arith.index_cast %get3A_294 : i32 to index
      %get3A_296 = arith.constant 48 : index
      %get3A_297 = tpu.vector_load %arg17[%get3A_295, %get3A_296] {strides = array<i32>} : memref<24x128xf32, #tpu.memory_space<vmem>>, vector<1x16xf32>,
      %get3A_298 = vector.shape_cast %get3A_297 : vector<1x16xf32> to vector<16xf32>
      %add3A_299 = arith.addf %add3A_293, %get3A_298 : vector<16xf32>
      %swap3A_300 = arith.constant 1 : i32
      %swap3A_301 = arith.index_cast %swap3A_300 : i32 to index
      %swap3A_302 = arith.constant 48 : index
      %swap3A_303 = tpu.vector_load %arg19[%swap3A_301, %swap3A_302] {strides = array<i32>} : memref<20x128xf32, #tpu.memory_space<vmem>>, vector<1x16xf32>,
      %swap3A_304 = vector.shape_cast %swap3A_303 : vector<1x16xf32> to vector<16xf32>
      %swap3A_305 = vector.shape_cast %add3A_299 : vector<16xf32> to vector<1x16xf32>
      tpu.vector_store %arg19[%swap3A_301, %swap3A_302], %swap3A_305 {strides = array<i32>} : memref<20x128xf32, #tpu.memory_space<vmem>>, vector<1x16xf32>,
      %get3A_306 = arith.constant 1 : i32
      %get3A_307 = arith.index_cast %get3A_306 : i32 to index
      %get3A_308 = arith.constant 64 : index
      %get3A_309 = tpu.vector_load %arg15[%get3A_307, %get3A_308] {strides = array<i32>} : memref<24x128xf32, #tpu.memory_space<vmem>>, vector<1x16xf32>,
      %get3A_310 = vector.shape_cast %get3A_309 : vector<1x16xf32> to vector<16xf32>
      %get3A_311 = arith.constant 1 : i32
      %get3A_312 = arith.index_cast %get3A_311 : i32 to index
      %get3A_313 = arith.constant 64 : index
      %get3A_314 = tpu.vector_load %arg16[%get3A_312, %get3A_313] {strides = array<i32>} : memref<24x128xf32, #tpu.memory_space<vmem>>, vector<1x16xf32>,
      %get3A_315 = vector.shape_cast %get3A_314 : vector<1x16xf32> to vector<16xf32>
      %add3A_316 = arith.addf %get3A_310, %get3A_315 : vector<16xf32>
      %get3A_317 = arith.constant 1 : i32
      %get3A_318 = arith.index_cast %get3A_317 : i32 to index
      %get3A_319 = arith.constant 64 : index
      %get3A_320 = tpu.vector_load %arg17[%get3A_318, %get3A_319] {strides = array<i32>} : memref<24x128xf32, #tpu.memory_space<vmem>>, vector<1x16xf32>,
      %get3A_321 = vector.shape_cast %get3A_320 : vector<1x16xf32> to vector<16xf32>
      %add3A_322 = arith.addf %add3A_316, %get3A_321 : vector<16xf32>
      %swap3A_323 = arith.constant 1 : i32
      %swap3A_324 = arith.index_cast %swap3A_323 : i32 to index
      %swap3A_325 = arith.constant 64 : index
      %swap3A_326 = tpu.vector_load %arg19[%swap3A_324, %swap3A_325] {strides = array<i32>} : memref<20x128xf32, #tpu.memory_space<vmem>>, vector<1x16xf32>,
      %swap3A_327 = vector.shape_cast %swap3A_326 : vector<1x16xf32> to vector<16xf32>
      %swap3A_328 = vector.shape_cast %add3A_322 : vector<16xf32> to vector<1x16xf32>
      tpu.vector_store %arg19[%swap3A_324, %swap3A_325], %swap3A_328 {strides = array<i32>} : memref<20x128xf32, #tpu.memory_space<vmem>>, vector<1x16xf32>,
      %get3A_329 = arith.constant 1 : i32
      %get3A_330 = arith.index_cast %get3A_329 : i32 to index
      %get3A_331 = arith.constant 80 : index
      %get3A_332 = tpu.vector_load %arg15[%get3A_330, %get3A_331] {strides = array<i32>} : memref<24x128xf32, #tpu.memory_space<vmem>>, vector<1x16xf32>,
      %get3A_333 = vector.shape_cast %get3A_332 : vector<1x16xf32> to vector<16xf32>
      %get3A_334 = arith.constant 1 : i32
      %get3A_335 = arith.index_cast %get3A_334 : i32 to index
      %get3A_336 = arith.constant 80 : index
      %get3A_337 = tpu.vector_load %arg16[%get3A_335, %get3A_336] {strides = array<i32>} : memref<24x128xf32, #tpu.memory_space<vmem>>, vector<1x16xf32>,
      %get3A_338 = vector.shape_cast %get3A_337 : vector<1x16xf32> to vector<16xf32>
      %add3A_339 = arith.addf %get3A_333, %get3A_338 : vector<16xf32>
      %get3A_340 = arith.constant 1 : i32
      %get3A_341 = arith.index_cast %get3A_340 : i32 to index
      %get3A_342 = arith.constant 80 : index
      %get3A_343 = tpu.vector_load %arg17[%get3A_341, %get3A_342] {strides = array<i32>} : memref<24x128xf32, #tpu.memory_space<vmem>>, vector<1x16xf32>,
      %get3A_344 = vector.shape_cast %get3A_343 : vector<1x16xf32> to vector<16xf32>
      %add3A_345 = arith.addf %add3A_339, %get3A_344 : vector<16xf32>
      %swap3A_346 = arith.constant 1 : i32
      %swap3A_347 = arith.index_cast %swap3A_346 : i32 to index
      %swap3A_348 = arith.constant 80 : index
      %swap3A_349 = tpu.vector_load %arg19[%swap3A_347, %swap3A_348] {strides = array<i32>} : memref<20x128xf32, #tpu.memory_space<vmem>>, vector<1x16xf32>,
      %swap3A_350 = vector.shape_cast %swap3A_349 : vector<1x16xf32> to vector<16xf32>
      %swap3A_351 = vector.shape_cast %add3A_345 : vector<16xf32> to vector<1x16xf32>
      tpu.vector_store %arg19[%swap3A_347, %swap3A_348], %swap3A_351 {strides = array<i32>} : memref<20x128xf32, #tpu.memory_space<vmem>>, vector<1x16xf32>,
      %get3A_352 = arith.constant 1 : i32
      %get3A_353 = arith.index_cast %get3A_352 : i32 to index
      %get3A_354 = arith.constant 96 : index
      %get3A_355 = tpu.vector_load %arg15[%get3A_353, %get3A_354] {strides = array<i32>} : memref<24x128xf32, #tpu.memory_space<vmem>>, vector<1x16xf32>,
      %get3A_356 = vector.shape_cast %get3A_355 : vector<1x16xf32> to vector<16xf32>
      %get3A_357 = arith.constant 1 : i32
      %get3A_358 = arith.index_cast %get3A_357 : i32 to index
      %get3A_359 = arith.constant 96 : index
      %get3A_360 = tpu.vector_load %arg16[%get3A_358, %get3A_359] {strides = array<i32>} : memref<24x128xf32, #tpu.memory_space<vmem>>, vector<1x16xf32>,
      %get3A_361 = vector.shape_cast %get3A_360 : vector<1x16xf32> to vector<16xf32>
      %add3A_362 = arith.addf %get3A_356, %get3A_361 : vector<16xf32>
      %get3A_363 = arith.constant 1 : i32
      %get3A_364 = arith.index_cast %get3A_363 : i32 to index
      %get3A_365 = arith.constant 96 : index
      %get3A_366 = tpu.vector_load %arg17[%get3A_364, %get3A_365] {strides = array<i32>} : memref<24x128xf32, #tpu.memory_space<vmem>>, vector<1x16xf32>,
      %get3A_367 = vector.shape_cast %get3A_366 : vector<1x16xf32> to vector<16xf32>
      %add3A_368 = arith.addf %add3A_362, %get3A_367 : vector<16xf32>
      %swap3A_369 = arith.constant 1 : i32
      %swap3A_370 = arith.index_cast %swap3A_369 : i32 to index
      %swap3A_371 = arith.constant 96 : index
      %swap3A_372 = tpu.vector_load %arg19[%swap3A_370, %swap3A_371] {strides = array<i32>} : memref<20x128xf32, #tpu.memory_space<vmem>>, vector<1x16xf32>,
      %swap3A_373 = vector.shape_cast %swap3A_372 : vector<1x16xf32> to vector<16xf32>
      %swap3A_374 = vector.shape_cast %add3A_368 : vector<16xf32> to vector<1x16xf32>
      tpu.vector_store %arg19[%swap3A_370, %swap3A_371], %swap3A_374 {strides = array<i32>} : memref<20x128xf32, #tpu.memory_space<vmem>>, vector<1x16xf32>,
      %get3A_375 = arith.constant 1 : i32
      %get3A_376 = arith.index_cast %get3A_375 : i32 to index
      %get3A_377 = arith.constant 112 : index
      %get3A_378 = tpu.vector_load %arg15[%get3A_376, %get3A_377] {strides = array<i32>} : memref<24x128xf32, #tpu.memory_space<vmem>>, vector<1x16xf32>,
      %get3A_379 = vector.shape_cast %get3A_378 : vector<1x16xf32> to vector<16xf32>
      %get3A_380 = arith.constant 1 : i32
      %get3A_381 = arith.index_cast %get3A_380 : i32 to index
      %get3A_382 = arith.constant 112 : index
      %get3A_383 = tpu.vector_load %arg16[%get3A_381, %get3A_382] {strides = array<i32>} : memref<24x128xf32, #tpu.memory_space<vmem>>, vector<1x16xf32>,
      %get3A_384 = vector.shape_cast %get3A_383 : vector<1x16xf32> to vector<16xf32>
      %add3A_385 = arith.addf %get3A_379, %get3A_384 : vector<16xf32>
      %get3A_386 = arith.constant 1 : i32
      %get3A_387 = arith.index_cast %get3A_386 : i32 to index
      %get3A_388 = arith.constant 112 : index
      %get3A_389 = tpu.vector_load %arg17[%get3A_387, %get3A_388] {strides = array<i32>} : memref<24x128xf32, #tpu.memory_space<vmem>>, vector<1x16xf32>,
      %get3A_390 = vector.shape_cast %get3A_389 : vector<1x16xf32> to vector<16xf32>
      %add3A_391 = arith.addf %add3A_385, %get3A_390 : vector<16xf32>
      %swap3A_392 = arith.constant 1 : i32
      %swap3A_393 = arith.index_cast %swap3A_392 : i32 to index
      %swap3A_394 = arith.constant 112 : index
      %swap3A_395 = tpu.vector_load %arg19[%swap3A_393, %swap3A_394] {strides = array<i32>} : memref<20x128xf32, #tpu.memory_space<vmem>>, vector<1x16xf32>,
      %swap3A_396 = vector.shape_cast %swap3A_395 : vector<1x16xf32> to vector<16xf32>
      %swap3A_397 = vector.shape_cast %add3A_391 : vector<16xf32> to vector<1x16xf32>
      tpu.vector_store %arg19[%swap3A_393, %swap3A_394], %swap3A_397 {strides = array<i32>} : memref<20x128xf32, #tpu.memory_space<vmem>>, vector<1x16xf32>,
      %get3A_398 = arith.constant 2 : i32
      %get3A_399 = arith.index_cast %get3A_398 : i32 to index
      %get3A_400 = arith.constant 0 : index
      %get3A_401 = tpu.vector_load %arg15[%get3A_399, %get3A_400] {strides = array<i32>} : memref<24x128xf32, #tpu.memory_space<vmem>>, vector<1x16xf32>,
      %get3A_402 = vector.shape_cast %get3A_401 : vector<1x16xf32> to vector<16xf32>
      %get3A_403 = arith.constant 2 : i32
      %get3A_404 = arith.index_cast %get3A_403 : i32 to index
      %get3A_405 = arith.constant 0 : index
      %get3A_406 = tpu.vector_load %arg16[%get3A_404, %get3A_405] {strides = array<i32>} : memref<24x128xf32, #tpu.memory_space<vmem>>, vector<1x16xf32>,
      %get3A_407 = vector.shape_cast %get3A_406 : vector<1x16xf32> to vector<16xf32>
      %add3A_408 = arith.addf %get3A_402, %get3A_407 : vector<16xf32>
      %get3A_409 = arith.constant 2 : i32
      %get3A_410 = arith.index_cast %get3A_409 : i32 to index
      %get3A_411 = arith.constant 0 : index
      %get3A_412 = tpu.vector_load %arg17[%get3A_410, %get3A_411] {strides = array<i32>} : memref<24x128xf32, #tpu.memory_space<vmem>>, vector<1x16xf32>,
      %get3A_413 = vector.shape_cast %get3A_412 : vector<1x16xf32> to vector<16xf32>
      %add3A_414 = arith.addf %add3A_408, %get3A_413 : vector<16xf32>
      %swap3A_415 = arith.constant 2 : i32
      %swap3A_416 = arith.index_cast %swap3A_415 : i32 to index
      %swap3A_417 = arith.constant 0 : index
      %swap3A_418 = tpu.vector_load %arg19[%swap3A_416, %swap3A_417] {strides = array<i32>} : memref<20x128xf32, #tpu.memory_space<vmem>>, vector<1x16xf32>,
      %swap3A_419 = vector.shape_cast %swap3A_418 : vector<1x16xf32> to vector<16xf32>
      %swap3A_420 = vector.shape_cast %add3A_414 : vector<16xf32> to vector<1x16xf32>
      tpu.vector_store %arg19[%swap3A_416, %swap3A_417], %swap3A_420 {strides = array<i32>} : memref<20x128xf32, #tpu.memory_space<vmem>>, vector<1x16xf32>,
      %get3A_421 = arith.constant 2 : i32
      %get3A_422 = arith.index_cast %get3A_421 : i32 to index
      %get3A_423 = arith.constant 16 : index
      %get3A_424 = tpu.vector_load %arg15[%get3A_422, %get3A_423] {strides = array<i32>} : memref<24x128xf32, #tpu.memory_space<vmem>>, vector<1x16xf32>,
      %get3A_425 = vector.shape_cast %get3A_424 : vector<1x16xf32> to vector<16xf32>
      %get3A_426 = arith.constant 2 : i32
      %get3A_427 = arith.index_cast %get3A_426 : i32 to index
      %get3A_428 = arith.constant 16 : index
      %get3A_429 = tpu.vector_load %arg16[%get3A_427, %get3A_428] {strides = array<i32>} : memref<24x128xf32, #tpu.memory_space<vmem>>, vector<1x16xf32>,
      %get3A_430 = vector.shape_cast %get3A_429 : vector<1x16xf32> to vector<16xf32>
      %add3A_431 = arith.addf %get3A_425, %get3A_430 : vector<16xf32>
      %get3A_432 = arith.constant 2 : i32
      %get3A_433 = arith.index_cast %get3A_432 : i32 to index
      %get3A_434 = arith.constant 16 : index
      %get3A_435 = tpu.vector_load %arg17[%get3A_433, %get3A_434] {strides = array<i32>} : memref<24x128xf32, #tpu.memory_space<vmem>>, vector<1x16xf32>,
      %get3A_436 = vector.shape_cast %get3A_435 : vector<1x16xf32> to vector<16xf32>
      %add3A_437 = arith.addf %add3A_431, %get3A_436 : vector<16xf32>
      %swap3A_438 = arith.constant 2 : i32
      %swap3A_439 = arith.index_cast %swap3A_438 : i32 to index
      %swap3A_440 = arith.constant 16 : index
      %swap3A_441 = tpu.vector_load %arg19[%swap3A_439, %swap3A_440] {strides = array<i32>} : memref<20x128xf32, #tpu.memory_space<vmem>>, vector<1x16xf32>,
      %swap3A_442 = vector.shape_cast %swap3A_441 : vector<1x16xf32> to vector<16xf32>
      %swap3A_443 = vector.shape_cast %add3A_437 : vector<16xf32> to vector<1x16xf32>
      tpu.vector_store %arg19[%swap3A_439, %swap3A_440], %swap3A_443 {strides = array<i32>} : memref<20x128xf32, #tpu.memory_space<vmem>>, vector<1x16xf32>,
      %get3A_444 = arith.constant 2 : i32
      %get3A_445 = arith.index_cast %get3A_444 : i32 to index
      %get3A_446 = arith.constant 32 : index
      %get3A_447 = tpu.vector_load %arg15[%get3A_445, %get3A_446] {strides = array<i32>} : memref<24x128xf32, #tpu.memory_space<vmem>>, vector<1x16xf32>,
      %get3A_448 = vector.shape_cast %get3A_447 : vector<1x16xf32> to vector<16xf32>
      %get3A_449 = arith.constant 2 : i32
      %get3A_450 = arith.index_cast %get3A_449 : i32 to index
      %get3A_451 = arith.constant 32 : index
      %get3A_452 = tpu.vector_load %arg16[%get3A_450, %get3A_451] {strides = array<i32>} : memref<24x128xf32, #tpu.memory_space<vmem>>, vector<1x16xf32>,
      %get3A_453 = vector.shape_cast %get3A_452 : vector<1x16xf32> to vector<16xf32>
      %add3A_454 = arith.addf %get3A_448, %get3A_453 : vector<16xf32>
      %get3A_455 = arith.constant 2 : i32
      %get3A_456 = arith.index_cast %get3A_455 : i32 to index
      %get3A_457 = arith.constant 32 : index
      %get3A_458 = tpu.vector_load %arg17[%get3A_456, %get3A_457] {strides = array<i32>} : memref<24x128xf32, #tpu.memory_space<vmem>>, vector<1x16xf32>,
      %get3A_459 = vector.shape_cast %get3A_458 : vector<1x16xf32> to vector<16xf32>
      %add3A_460 = arith.addf %add3A_454, %get3A_459 : vector<16xf32>
      %swap3A_461 = arith.constant 2 : i32
      %swap3A_462 = arith.index_cast %swap3A_461 : i32 to index
      %swap3A_463 = arith.constant 32 : index
      %swap3A_464 = tpu.vector_load %arg19[%swap3A_462, %swap3A_463] {strides = array<i32>} : memref<20x128xf32, #tpu.memory_space<vmem>>, vector<1x16xf32>,
      %swap3A_465 = vector.shape_cast %swap3A_464 : vector<1x16xf32> to vector<16xf32>
      %swap3A_466 = vector.shape_cast %add3A_460 : vector<16xf32> to vector<1x16xf32>
      tpu.vector_store %arg19[%swap3A_462, %swap3A_463], %swap3A_466 {strides = array<i32>} : memref<20x128xf32, #tpu.memory_space<vmem>>, vector<1x16xf32>,
      %get3A_467 = arith.constant 2 : i32
      %get3A_468 = arith.index_cast %get3A_467 : i32 to index
      %get3A_469 = arith.constant 48 : index
      %get3A_470 = tpu.vector_load %arg15[%get3A_468, %get3A_469] {strides = array<i32>} : memref<24x128xf32, #tpu.memory_space<vmem>>, vector<1x16xf32>,
      %get3A_471 = vector.shape_cast %get3A_470 : vector<1x16xf32> to vector<16xf32>
      %get3A_472 = arith.constant 2 : i32
      %get3A_473 = arith.index_cast %get3A_472 : i32 to index
      %get3A_474 = arith.constant 48 : index
      %get3A_475 = tpu.vector_load %arg16[%get3A_473, %get3A_474] {strides = array<i32>} : memref<24x128xf32, #tpu.memory_space<vmem>>, vector<1x16xf32>,
      %get3A_476 = vector.shape_cast %get3A_475 : vector<1x16xf32> to vector<16xf32>
      %add3A_477 = arith.addf %get3A_471, %get3A_476 : vector<16xf32>
      %get3A_478 = arith.constant 2 : i32
      %get3A_479 = arith.index_cast %get3A_478 : i32 to index
      %get3A_480 = arith.constant 48 : index
      %get3A_481 = tpu.vector_load %arg17[%get3A_479, %get3A_480] {strides = array<i32>} : memref<24x128xf32, #tpu.memory_space<vmem>>, vector<1x16xf32>,
      %get3A_482 = vector.shape_cast %get3A_481 : vector<1x16xf32> to vector<16xf32>
      %add3A_483 = arith.addf %add3A_477, %get3A_482 : vector<16xf32>
      %swap3A_484 = arith.constant 2 : i32
      %swap3A_485 = arith.index_cast %swap3A_484 : i32 to index
      %swap3A_486 = arith.constant 48 : index
      %swap3A_487 = tpu.vector_load %arg19[%swap3A_485, %swap3A_486] {strides = array<i32>} : memref<20x128xf32, #tpu.memory_space<vmem>>, vector<1x16xf32>,
      %swap3A_488 = vector.shape_cast %swap3A_487 : vector<1x16xf32> to vector<16xf32>
      %swap3A_489 = vector.shape_cast %add3A_483 : vector<16xf32> to vector<1x16xf32>
      tpu.vector_store %arg19[%swap3A_485, %swap3A_486], %swap3A_489 {strides = array<i32>} : memref<20x128xf32, #tpu.memory_space<vmem>>, vector<1x16xf32>,
      %get3A_490 = arith.constant 2 : i32
      %get3A_491 = arith.index_cast %get3A_490 : i32 to index
      %get3A_492 = arith.constant 64 : index
      %get3A_493 = tpu.vector_load %arg15[%get3A_491, %get3A_492] {strides = array<i32>} : memref<24x128xf32, #tpu.memory_space<vmem>>, vector<1x16xf32>,
      %get3A_494 = vector.shape_cast %get3A_493 : vector<1x16xf32> to vector<16xf32>
      %get3A_495 = arith.constant 2 : i32
      %get3A_496 = arith.index_cast %get3A_495 : i32 to index
      %get3A_497 = arith.constant 64 : index
      %get3A_498 = tpu.vector_load %arg16[%get3A_496, %get3A_497] {strides = array<i32>} : memref<24x128xf32, #tpu.memory_space<vmem>>, vector<1x16xf32>,
      %get3A_499 = vector.shape_cast %get3A_498 : vector<1x16xf32> to vector<16xf32>
      %add3A_500 = arith.addf %get3A_494, %get3A_499 : vector<16xf32>
      %get3A_501 = arith.constant 2 : i32
      %get3A_502 = arith.index_cast %get3A_501 : i32 to index
      %get3A_503 = arith.constant 64 : index
      %get3A_504 = tpu.vector_load %arg17[%get3A_502, %get3A_503] {strides = array<i32>} : memref<24x128xf32, #tpu.memory_space<vmem>>, vector<1x16xf32>,
      %get3A_505 = vector.shape_cast %get3A_504 : vector<1x16xf32> to vector<16xf32>
      %add3A_506 = arith.addf %add3A_500, %get3A_505 : vector<16xf32>
      %swap3A_507 = arith.constant 2 : i32
      %swap3A_508 = arith.index_cast %swap3A_507 : i32 to index
      %swap3A_509 = arith.constant 64 : index
      %swap3A_510 = tpu.vector_load %arg19[%swap3A_508, %swap3A_509] {strides = array<i32>} : memref<20x128xf32, #tpu.memory_space<vmem>>, vector<1x16xf32>,
      %swap3A_511 = vector.shape_cast %swap3A_510 : vector<1x16xf32> to vector<16xf32>
      %swap3A_512 = vector.shape_cast %add3A_506 : vector<16xf32> to vector<1x16xf32>
      tpu.vector_store %arg19[%swap3A_508, %swap3A_509], %swap3A_512 {strides = array<i32>} : memref<20x128xf32, #tpu.memory_space<vmem>>, vector<1x16xf32>,
      %get3A_513 = arith.constant 2 : i32
      %get3A_514 = arith.index_cast %get3A_513 : i32 to index
      %get3A_515 = arith.constant 80 : index
      %get3A_516 = tpu.vector_load %arg15[%get3A_514, %get3A_515] {strides = array<i32>} : memref<24x128xf32, #tpu.memory_space<vmem>>, vector<1x16xf32>,
      %get3A_517 = vector.shape_cast %get3A_516 : vector<1x16xf32> to vector<16xf32>
      %get3A_518 = arith.constant 2 : i32
      %get3A_519 = arith.index_cast %get3A_518 : i32 to index
      %get3A_520 = arith.constant 80 : index
      %get3A_521 = tpu.vector_load %arg16[%get3A_519, %get3A_520] {strides = array<i32>} : memref<24x128xf32, #tpu.memory_space<vmem>>, vector<1x16xf32>,
      %get3A_522 = vector.shape_cast %get3A_521 : vector<1x16xf32> to vector<16xf32>
      %add3A_523 = arith.addf %get3A_517, %get3A_522 : vector<16xf32>
      %get3A_524 = arith.constant 2 : i32
      %get3A_525 = arith.index_cast %get3A_524 : i32 to index
      %get3A_526 = arith.constant 80 : index
      %get3A_527 = tpu.vector_load %arg17[%get3A_525, %get3A_526] {strides = array<i32>} : memref<24x128xf32, #tpu.memory_space<vmem>>, vector<1x16xf32>,
      %get3A_528 = vector.shape_cast %get3A_527 : vector<1x16xf32> to vector<16xf32>
      %add3A_529 = arith.addf %add3A_523, %get3A_528 : vector<16xf32>
      %swap3A_530 = arith.constant 2 : i32
      %swap3A_531 = arith.index_cast %swap3A_530 : i32 to index
      %swap3A_532 = arith.constant 80 : index
      %swap3A_533 = tpu.vector_load %arg19[%swap3A_531, %swap3A_532] {strides = array<i32>} : memref<20x128xf32, #tpu.memory_space<vmem>>, vector<1x16xf32>,
      %swap3A_534 = vector.shape_cast %swap3A_533 : vector<1x16xf32> to vector<16xf32>
      %swap3A_535 = vector.shape_cast %add3A_529 : vector<16xf32> to vector<1x16xf32>
      tpu.vector_store %arg19[%swap3A_531, %swap3A_532], %swap3A_535 {strides = array<i32>} : memref<20x128xf32, #tpu.memory_space<vmem>>, vector<1x16xf32>,
      %get3A_536 = arith.constant 2 : i32
      %get3A_537 = arith.index_cast %get3A_536 : i32 to index
      %get3A_538 = arith.constant 96 : index
      %get3A_539 = tpu.vector_load %arg15[%get3A_537, %get3A_538] {strides = array<i32>} : memref<24x128xf32, #tpu.memory_space<vmem>>, vector<1x16xf32>,
      %get3A_540 = vector.shape_cast %get3A_539 : vector<1x16xf32> to vector<16xf32>
      %get3A_541 = arith.constant 2 : i32
      %get3A_542 = arith.index_cast %get3A_541 : i32 to index
      %get3A_543 = arith.constant 96 : index
      %get3A_544 = tpu.vector_load %arg16[%get3A_542, %get3A_543] {strides = array<i32>} : memref<24x128xf32, #tpu.memory_space<vmem>>, vector<1x16xf32>,
      %get3A_545 = vector.shape_cast %get3A_544 : vector<1x16xf32> to vector<16xf32>
      %add3A_546 = arith.addf %get3A_540, %get3A_545 : vector<16xf32>
      %get3A_547 = arith.constant 2 : i32
      %get3A_548 = arith.index_cast %get3A_547 : i32 to index
      %get3A_549 = arith.constant 96 : index
      %get3A_550 = tpu.vector_load %arg17[%get3A_548, %get3A_549] {strides = array<i32>} : memref<24x128xf32, #tpu.memory_space<vmem>>, vector<1x16xf32>,
      %get3A_551 = vector.shape_cast %get3A_550 : vector<1x16xf32> to vector<16xf32>
      %add3A_552 = arith.addf %add3A_546, %get3A_551 : vector<16xf32>
      %swap3A_553 = arith.constant 2 : i32
      %swap3A_554 = arith.index_cast %swap3A_553 : i32 to index
      %swap3A_555 = arith.constant 96 : index
      %swap3A_556 = tpu.vector_load %arg19[%swap3A_554, %swap3A_555] {strides = array<i32>} : memref<20x128xf32, #tpu.memory_space<vmem>>, vector<1x16xf32>,
      %swap3A_557 = vector.shape_cast %swap3A_556 : vector<1x16xf32> to vector<16xf32>
      %swap3A_558 = vector.shape_cast %add3A_552 : vector<16xf32> to vector<1x16xf32>
      tpu.vector_store %arg19[%swap3A_554, %swap3A_555], %swap3A_558 {strides = array<i32>} : memref<20x128xf32, #tpu.memory_space<vmem>>, vector<1x16xf32>,
      %get3A_559 = arith.constant 2 : i32
      %get3A_560 = arith.index_cast %get3A_559 : i32 to index
      %get3A_561 = arith.constant 112 : index
      %get3A_562 = tpu.vector_load %arg15[%get3A_560, %get3A_561] {strides = array<i32>} : memref<24x128xf32, #tpu.memory_space<vmem>>, vector<1x16xf32>,
      %get3A_563 = vector.shape_cast %get3A_562 : vector<1x16xf32> to vector<16xf32>
      %get3A_564 = arith.constant 2 : i32
      %get3A_565 = arith.index_cast %get3A_564 : i32 to index
      %get3A_566 = arith.constant 112 : index
      %get3A_567 = tpu.vector_load %arg16[%get3A_565, %get3A_566] {strides = array<i32>} : memref<24x128xf32, #tpu.memory_space<vmem>>, vector<1x16xf32>,
      %get3A_568 = vector.shape_cast %get3A_567 : vector<1x16xf32> to vector<16xf32>
      %add3A_569 = arith.addf %get3A_563, %get3A_568 : vector<16xf32>
      %get3A_570 = arith.constant 2 : i32
      %get3A_571 = arith.index_cast %get3A_570 : i32 to index
      %get3A_572 = arith.constant 112 : index
      %get3A_573 = tpu.vector_load %arg17[%get3A_571, %get3A_572] {strides = array<i32>} : memref<24x128xf32, #tpu.memory_space<vmem>>, vector<1x16xf32>,
      %get3A_574 = vector.shape_cast %get3A_573 : vector<1x16xf32> to vector<16xf32>
      %add3A_575 = arith.addf %add3A_569, %get3A_574 : vector<16xf32>
      %swap3A_576 = arith.constant 2 : i32
      %swap3A_577 = arith.index_cast %swap3A_576 : i32 to index
      %swap3A_578 = arith.constant 112 : index
      %swap3A_579 = tpu.vector_load %arg19[%swap3A_577, %swap3A_578] {strides = array<i32>} : memref<20x128xf32, #tpu.memory_space<vmem>>, vector<1x16xf32>,
      %swap3A_580 = vector.shape_cast %swap3A_579 : vector<1x16xf32> to vector<16xf32>
      %swap3A_581 = vector.shape_cast %add3A_575 : vector<16xf32> to vector<1x16xf32>
      tpu.vector_store %arg19[%swap3A_577, %swap3A_578], %swap3A_581 {strides = array<i32>} : memref<20x128xf32, #tpu.memory_space<vmem>>, vector<1x16xf32>,
      %get3A_582 = arith.constant 3 : i32
      %get3A_583 = arith.index_cast %get3A_582 : i32 to index
      %get3A_584 = arith.constant 0 : index
      %get3A_585 = tpu.vector_load %arg15[%get3A_583, %get3A_584] {strides = array<i32>} : memref<24x128xf32, #tpu.memory_space<vmem>>, vector<1x16xf32>,
      %get3A_586 = vector.shape_cast %get3A_585 : vector<1x16xf32> to vector<16xf32>
      %get3A_587 = arith.constant 3 : i32
      %get3A_588 = arith.index_cast %get3A_587 : i32 to index
      %get3A_589 = arith.constant 0 : index
      %get3A_590 = tpu.vector_load %arg16[%get3A_588, %get3A_589] {strides = array<i32>} : memref<24x128xf32, #tpu.memory_space<vmem>>, vector<1x16xf32>,
      %get3A_591 = vector.shape_cast %get3A_590 : vector<1x16xf32> to vector<16xf32>
      %add3A_592 = arith.addf %get3A_586, %get3A_591 : vector<16xf32>
      %get3A_593 = arith.constant 3 : i32
      %get3A_594 = arith.index_cast %get3A_593 : i32 to index
      %get3A_595 = arith.constant 0 : index
      %get3A_596 = tpu.vector_load %arg17[%get3A_594, %get3A_595] {strides = array<i32>} : memref<24x128xf32, #tpu.memory_space<vmem>>, vector<1x16xf32>,
      %get3A_597 = vector.shape_cast %get3A_596 : vector<1x16xf32> to vector<16xf32>
      %add3A_598 = arith.addf %add3A_592, %get3A_597 : vector<16xf32>
      %swap3A_599 = arith.constant 3 : i32
      %swap3A_600 = arith.index_cast %swap3A_599 : i32 to index
      %swap3A_601 = arith.constant 0 : index
      %swap3A_602 = tpu.vector_load %arg19[%swap3A_600, %swap3A_601] {strides = array<i32>} : memref<20x128xf32, #tpu.memory_space<vmem>>, vector<1x16xf32>,
      %swap3A_603 = vector.shape_cast %swap3A_602 : vector<1x16xf32> to vector<16xf32>
      %swap3A_604 = vector.shape_cast %add3A_598 : vector<16xf32> to vector<1x16xf32>
      tpu.vector_store %arg19[%swap3A_600, %swap3A_601], %swap3A_604 {strides = array<i32>} : memref<20x128xf32, #tpu.memory_space<vmem>>, vector<1x16xf32>,
      %get3A_605 = arith.constant 3 : i32
      %get3A_606 = arith.index_cast %get3A_605 : i32 to index
      %get3A_607 = arith.constant 16 : index
      %get3A_608 = tpu.vector_load %arg15[%get3A_606, %get3A_607] {strides = array<i32>} : memref<24x128xf32, #tpu.memory_space<vmem>>, vector<1x16xf32>,
      %get3A_609 = vector.shape_cast %get3A_608 : vector<1x16xf32> to vector<16xf32>
      %get3A_610 = arith.constant 3 : i32
      %get3A_611 = arith.index_cast %get3A_610 : i32 to index
      %get3A_612 = arith.constant 16 : index
      %get3A_613 = tpu.vector_load %arg16[%get3A_611, %get3A_612] {strides = array<i32>} : memref<24x128xf32, #tpu.memory_space<vmem>>, vector<1x16xf32>,
      %get3A_614 = vector.shape_cast %get3A_613 : vector<1x16xf32> to vector<16xf32>
      %add3A_615 = arith.addf %get3A_609, %get3A_614 : vector<16xf32>
      %get3A_616 = arith.constant 3 : i32
      %get3A_617 = arith.index_cast %get3A_616 : i32 to index
      %get3A_618 = arith.constant 16 : index
      %get3A_619 = tpu.vector_load %arg17[%get3A_617, %get3A_618] {strides = array<i32>} : memref<24x128xf32, #tpu.memory_space<vmem>>, vector<1x16xf32>,
      %get3A_620 = vector.shape_cast %get3A_619 : vector<1x16xf32> to vector<16xf32>
      %add3A_621 = arith.addf %add3A_615, %get3A_620 : vector<16xf32>
      %swap3A_622 = arith.constant 3 : i32
      %swap3A_623 = arith.index_cast %swap3A_622 : i32 to index
      %swap3A_624 = arith.constant 16 : index
      %swap3A_625 = tpu.vector_load %arg19[%swap3A_623, %swap3A_624] {strides = array<i32>} : memref<20x128xf32, #tpu.memory_space<vmem>>, vector<1x16xf32>,
      %swap3A_626 = vector.shape_cast %swap3A_625 : vector<1x16xf32> to vector<16xf32>
      %swap3A_627 = vector.shape_cast %add3A_621 : vector<16xf32> to vector<1x16xf32>
      tpu.vector_store %arg19[%swap3A_623, %swap3A_624], %swap3A_627 {strides = array<i32>} : memref<20x128xf32, #tpu.memory_space<vmem>>, vector<1x16xf32>,
      %get3A_628 = arith.constant 3 : i32
      %get3A_629 = arith.index_cast %get3A_628 : i32 to index
      %get3A_630 = arith.constant 32 : index
      %get3A_631 = tpu.vector_load %arg15[%get3A_629, %get3A_630] {strides = array<i32>} : memref<24x128xf32, #tpu.memory_space<vmem>>, vector<1x16xf32>,
      %get3A_632 = vector.shape_cast %get3A_631 : vector<1x16xf32> to vector<16xf32>
      %get3A_633 = arith.constant 3 : i32
      %get3A_634 = arith.index_cast %get3A_633 : i32 to index
      %get3A_635 = arith.constant 32 : index
      %get3A_636 = tpu.vector_load %arg16[%get3A_634, %get3A_635] {strides = array<i32>} : memref<24x128xf32, #tpu.memory_space<vmem>>, vector<1x16xf32>,
      %get3A_637 = vector.shape_cast %get3A_636 : vector<1x16xf32> to vector<16xf32>
      %add3A_638 = arith.addf %get3A_632, %get3A_637 : vector<16xf32>
      %get3A_639 = arith.constant 3 : i32
      %get3A_640 = arith.index_cast %get3A_639 : i32 to index
      %get3A_641 = arith.constant 32 : index
      %get3A_642 = tpu.vector_load %arg17[%get3A_640, %get3A_641] {strides = array<i32>} : memref<24x128xf32, #tpu.memory_space<vmem>>, vector<1x16xf32>,
      %get3A_643 = vector.shape_cast %get3A_642 : vector<1x16xf32> to vector<16xf32>
      %add3A_644 = arith.addf %add3A_638, %get3A_643 : vector<16xf32>
      %swap3A_645 = arith.constant 3 : i32
      %swap3A_646 = arith.index_cast %swap3A_645 : i32 to index
      %swap3A_647 = arith.constant 32 : index
      %swap3A_648 = tpu.vector_load %arg19[%swap3A_646, %swap3A_647] {strides = array<i32>} : memref<20x128xf32, #tpu.memory_space<vmem>>, vector<1x16xf32>,
      %swap3A_649 = vector.shape_cast %swap3A_648 : vector<1x16xf32> to vector<16xf32>
      %swap3A_650 = vector.shape_cast %add3A_644 : vector<16xf32> to vector<1x16xf32>
      tpu.vector_store %arg19[%swap3A_646, %swap3A_647], %swap3A_650 {strides = array<i32>} : memref<20x128xf32, #tpu.memory_space<vmem>>, vector<1x16xf32>,
      %get3A_651 = arith.constant 3 : i32
      %get3A_652 = arith.index_cast %get3A_651 : i32 to index
      %get3A_653 = arith.constant 48 : index
      %get3A_654 = tpu.vector_load %arg15[%get3A_652, %get3A_653] {strides = array<i32>} : memref<24x128xf32, #tpu.memory_space<vmem>>, vector<1x16xf32>,
      %get3A_655 = vector.shape_cast %get3A_654 : vector<1x16xf32> to vector<16xf32>
      %get3A_656 = arith.constant 3 : i32
      %get3A_657 = arith.index_cast %get3A_656 : i32 to index
      %get3A_658 = arith.constant 48 : index
      %get3A_659 = tpu.vector_load %arg16[%get3A_657, %get3A_658] {strides = array<i32>} : memref<24x128xf32, #tpu.memory_space<vmem>>, vector<1x16xf32>,
      %get3A_660 = vector.shape_cast %get3A_659 : vector<1x16xf32> to vector<16xf32>
      %add3A_661 = arith.addf %get3A_655, %get3A_660 : vector<16xf32>
      %get3A_662 = arith.constant 3 : i32
      %get3A_663 = arith.index_cast %get3A_662 : i32 to index
      %get3A_664 = arith.constant 48 : index
      %get3A_665 = tpu.vector_load %arg17[%get3A_663, %get3A_664] {strides = array<i32>} : memref<24x128xf32, #tpu.memory_space<vmem>>, vector<1x16xf32>,
      %get3A_666 = vector.shape_cast %get3A_665 : vector<1x16xf32> to vector<16xf32>
      %add3A_667 = arith.addf %add3A_661, %get3A_666 : vector<16xf32>
      %swap3A_668 = arith.constant 3 : i32
      %swap3A_669 = arith.index_cast %swap3A_668 : i32 to index
      %swap3A_670 = arith.constant 48 : index
      %swap3A_671 = tpu.vector_load %arg19[%swap3A_669, %swap3A_670] {strides = array<i32>} : memref<20x128xf32, #tpu.memory_space<vmem>>, vector<1x16xf32>,
      %swap3A_672 = vector.shape_cast %swap3A_671 : vector<1x16xf32> to vector<16xf32>
      %swap3A_673 = vector.shape_cast %add3A_667 : vector<16xf32> to vector<1x16xf32>
      tpu.vector_store %arg19[%swap3A_669, %swap3A_670], %swap3A_673 {strides = array<i32>} : memref<20x128xf32, #tpu.memory_space<vmem>>, vector<1x16xf32>,
      %get3A_674 = arith.constant 3 : i32
      %get3A_675 = arith.index_cast %get3A_674 : i32 to index
      %get3A_676 = arith.constant 64 : index
      %get3A_677 = tpu.vector_load %arg15[%get3A_675, %get3A_676] {strides = array<i32>} : memref<24x128xf32, #tpu.memory_space<vmem>>, vector<1x16xf32>,
      %get3A_678 = vector.shape_cast %get3A_677 : vector<1x16xf32> to vector<16xf32>
      %get3A_679 = arith.constant 3 : i32
      %get3A_680 = arith.index_cast %get3A_679 : i32 to index
      %get3A_681 = arith.constant 64 : index
      %get3A_682 = tpu.vector_load %arg16[%get3A_680, %get3A_681] {strides = array<i32>} : memref<24x128xf32, #tpu.memory_space<vmem>>, vector<1x16xf32>,
      %get3A_683 = vector.shape_cast %get3A_682 : vector<1x16xf32> to vector<16xf32>
      %add3A_684 = arith.addf %get3A_678, %get3A_683 : vector<16xf32>
      %get3A_685 = arith.constant 3 : i32
      %get3A_686 = arith.index_cast %get3A_685 : i32 to index
      %get3A_687 = arith.constant 64 : index
      %get3A_688 = tpu.vector_load %arg17[%get3A_686, %get3A_687] {strides = array<i32>} : memref<24x128xf32, #tpu.memory_space<vmem>>, vector<1x16xf32>,
      %get3A_689 = vector.shape_cast %get3A_688 : vector<1x16xf32> to vector<16xf32>
      %add3A_690 = arith.addf %add3A_684, %get3A_689 : vector<16xf32>
      %swap3A_691 = arith.constant 3 : i32
      %swap3A_692 = arith.index_cast %swap3A_691 : i32 to index
      %swap3A_693 = arith.constant 64 : index
      %swap3A_694 = tpu.vector_load %arg19[%swap3A_692, %swap3A_693] {strides = array<i32>} : memref<20x128xf32, #tpu.memory_space<vmem>>, vector<1x16xf32>,
      %swap3A_695 = vector.shape_cast %swap3A_694 : vector<1x16xf32> to vector<16xf32>
      %swap3A_696 = vector.shape_cast %add3A_690 : vector<16xf32> to vector<1x16xf32>
      tpu.vector_store %arg19[%swap3A_692, %swap3A_693], %swap3A_696 {strides = array<i32>} : memref<20x128xf32, #tpu.memory_space<vmem>>, vector<1x16xf32>,
      %get3A_697 = arith.constant 3 : i32
      %get3A_698 = arith.index_cast %get3A_697 : i32 to index
      %get3A_699 = arith.constant 80 : index
      %get3A_700 = tpu.vector_load %arg15[%get3A_698, %get3A_699] {strides = array<i32>} : memref<24x128xf32, #tpu.memory_space<vmem>>, vector<1x16xf32>,
      %get3A_701 = vector.shape_cast %get3A_700 : vector<1x16xf32> to vector<16xf32>
      %get3A_702 = arith.constant 3 : i32
      %get3A_703 = arith.index_cast %get3A_702 : i32 to index
      %get3A_704 = arith.constant 80 : index
      %get3A_705 = tpu.vector_load %arg16[%get3A_703, %get3A_704] {strides = array<i32>} : memref<24x128xf32, #tpu.memory_space<vmem>>, vector<1x16xf32>,
      %get3A_706 = vector.shape_cast %get3A_705 : vector<1x16xf32> to vector<16xf32>
      %add3A_707 = arith.addf %get3A_701, %get3A_706 : vector<16xf32>
      %get3A_708 = arith.constant 3 : i32
      %get3A_709 = arith.index_cast %get3A_708 : i32 to index
      %get3A_710 = arith.constant 80 : index
      %get3A_711 = tpu.vector_load %arg17[%get3A_709, %get3A_710] {strides = array<i32>} : memref<24x128xf32, #tpu.memory_space<vmem>>, vector<1x16xf32>,
      %get3A_712 = vector.shape_cast %get3A_711 : vector<1x16xf32> to vector<16xf32>
      %add3A_713 = arith.addf %add3A_707, %get3A_712 : vector<16xf32>
      %swap3A_714 = arith.constant 3 : i32
      %swap3A_715 = arith.index_cast %swap3A_714 : i32 to index
      %swap3A_716 = arith.constant 80 : index
      %swap3A_717 = tpu.vector_load %arg19[%swap3A_715, %swap3A_716] {strides = array<i32>} : memref<20x128xf32, #tpu.memory_space<vmem>>, vector<1x16xf32>,
      %swap3A_718 = vector.shape_cast %swap3A_717 : vector<1x16xf32> to vector<16xf32>
      %swap3A_719 = vector.shape_cast %add3A_713 : vector<16xf32> to vector<1x16xf32>
      tpu.vector_store %arg19[%swap3A_715, %swap3A_716], %swap3A_719 {strides = array<i32>} : memref<20x128xf32, #tpu.memory_space<vmem>>, vector<1x16xf32>,
      %get3A_720 = arith.constant 3 : i32
      %get3A_721 = arith.index_cast %get3A_720 : i32 to index
      %get3A_722 = arith.constant 96 : index
      %get3A_723 = tpu.vector_load %arg15[%get3A_721, %get3A_722] {strides = array<i32>} : memref<24x128xf32, #tpu.memory_space<vmem>>, vector<1x16xf32>,
      %get3A_724 = vector.shape_cast %get3A_723 : vector<1x16xf32> to vector<16xf32>
      %get3A_725 = arith.constant 3 : i32
      %get3A_726 = arith.index_cast %get3A_725 : i32 to index
      %get3A_727 = arith.constant 96 : index
      %get3A_728 = tpu.vector_load %arg16[%get3A_726, %get3A_727] {strides = array<i32>} : memref<24x128xf32, #tpu.memory_space<vmem>>, vector<1x16xf32>,
      %get3A_729 = vector.shape_cast %get3A_728 : vector<1x16xf32> to vector<16xf32>
      %add3A_730 = arith.addf %get3A_724, %get3A_729 : vector<16xf32>
      %get3A_731 = arith.constant 3 : i32
      %get3A_732 = arith.index_cast %get3A_731 : i32 to index
      %get3A_733 = arith.constant 96 : index
      %get3A_734 = tpu.vector_load %arg17[%get3A_732, %get3A_733] {strides = array<i32>} : memref<24x128xf32, #tpu.memory_space<vmem>>, vector<1x16xf32>,
      %get3A_735 = vector.shape_cast %get3A_734 : vector<1x16xf32> to vector<16xf32>
      %add3A_736 = arith.addf %add3A_730, %get3A_735 : vector<16xf32>
      %swap3A_737 = arith.constant 3 : i32
      %swap3A_738 = arith.index_cast %swap3A_737 : i32 to index
      %swap3A_739 = arith.constant 96 : index
      %swap3A_740 = tpu.vector_load %arg19[%swap3A_738, %swap3A_739] {strides = array<i32>} : memref<20x128xf32, #tpu.memory_space<vmem>>, vector<1x16xf32>,
      %swap3A_741 = vector.shape_cast %swap3A_740 : vector<1x16xf32> to vector<16xf32>
      %swap3A_742 = vector.shape_cast %add3A_736 : vector<16xf32> to vector<1x16xf32>
      tpu.vector_store %arg19[%swap3A_738, %swap3A_739], %swap3A_742 {strides = array<i32>} : memref<20x128xf32, #tpu.memory_space<vmem>>, vector<1x16xf32>,
      %get3A_743 = arith.constant 3 : i32
      %get3A_744 = arith.index_cast %get3A_743 : i32 to index
      %get3A_745 = arith.constant 112 : index
      %get3A_746 = tpu.vector_load %arg15[%get3A_744, %get3A_745] {strides = array<i32>} : memref<24x128xf32, #tpu.memory_space<vmem>>, vector<1x16xf32>,
      %get3A_747 = vector.shape_cast %get3A_746 : vector<1x16xf32> to vector<16xf32>
      %get3A_748 = arith.constant 3 : i32
      %get3A_749 = arith.index_cast %get3A_748 : i32 to index
      %get3A_750 = arith.constant 112 : index
      %get3A_751 = tpu.vector_load %arg16[%get3A_749, %get3A_750] {strides = array<i32>} : memref<24x128xf32, #tpu.memory_space<vmem>>, vector<1x16xf32>,
      %get3A_752 = vector.shape_cast %get3A_751 : vector<1x16xf32> to vector<16xf32>
      %add3A_753 = arith.addf %get3A_747, %get3A_752 : vector<16xf32>
      %get3A_754 = arith.constant 3 : i32
      %get3A_755 = arith.index_cast %get3A_754 : i32 to index
      %get3A_756 = arith.constant 112 : index
      %get3A_757 = tpu.vector_load %arg17[%get3A_755, %get3A_756] {strides = array<i32>} : memref<24x128xf32, #tpu.memory_space<vmem>>, vector<1x16xf32>,
      %get3A_758 = vector.shape_cast %get3A_757 : vector<1x16xf32> to vector<16xf32>
      %add3A_759 = arith.addf %add3A_753, %get3A_758 : vector<16xf32>
      %swap3A_760 = arith.constant 3 : i32
      %swap3A_761 = arith.index_cast %swap3A_760 : i32 to index
      %swap3A_762 = arith.constant 112 : index
      %swap3A_763 = tpu.vector_load %arg19[%swap3A_761, %swap3A_762] {strides = array<i32>} : memref<20x128xf32, #tpu.memory_space<vmem>>, vector<1x16xf32>,
      %swap3A_764 = vector.shape_cast %swap3A_763 : vector<1x16xf32> to vector<16xf32>
      %swap3A_765 = vector.shape_cast %add3A_759 : vector<16xf32> to vector<1x16xf32>
      tpu.vector_store %arg19[%swap3A_761, %swap3A_762], %swap3A_765 {strides = array<i32>} : memref<20x128xf32, #tpu.memory_space<vmem>>, vector<1x16xf32>,
      %get3A_766 = arith.constant 4 : i32
      %get3A_767 = arith.index_cast %get3A_766 : i32 to index
      %get3A_768 = arith.constant 0 : index
      %get3A_769 = tpu.vector_load %arg15[%get3A_767, %get3A_768] {strides = array<i32>} : memref<24x128xf32, #tpu.memory_space<vmem>>, vector<1x16xf32>,
      %get3A_770 = vector.shape_cast %get3A_769 : vector<1x16xf32> to vector<16xf32>
      %get3A_771 = arith.constant 4 : i32
      %get3A_772 = arith.index_cast %get3A_771 : i32 to index
      %get3A_773 = arith.constant 0 : index
      %get3A_774 = tpu.vector_load %arg16[%get3A_772, %get3A_773] {strides = array<i32>} : memref<24x128xf32, #tpu.memory_space<vmem>>, vector<1x16xf32>,
      %get3A_775 = vector.shape_cast %get3A_774 : vector<1x16xf32> to vector<16xf32>
      %add3A_776 = arith.addf %get3A_770, %get3A_775 : vector<16xf32>
      %get3A_777 = arith.constant 4 : i32
      %get3A_778 = arith.index_cast %get3A_777 : i32 to index
      %get3A_779 = arith.constant 0 : index
      %get3A_780 = tpu.vector_load %arg17[%get3A_778, %get3A_779] {strides = array<i32>} : memref<24x128xf32, #tpu.memory_space<vmem>>, vector<1x16xf32>,
      %get3A_781 = vector.shape_cast %get3A_780 : vector<1x16xf32> to vector<16xf32>
      %add3A_782 = arith.addf %add3A_776, %get3A_781 : vector<16xf32>
      %swap3A_783 = arith.constant 4 : i32
      %swap3A_784 = arith.index_cast %swap3A_783 : i32 to index
      %swap3A_785 = arith.constant 0 : index
      %swap3A_786 = tpu.vector_load %arg19[%swap3A_784, %swap3A_785] {strides = array<i32>} : memref<20x128xf32, #tpu.memory_space<vmem>>, vector<1x16xf32>,
      %swap3A_787 = vector.shape_cast %swap3A_786 : vector<1x16xf32> to vector<16xf32>
      %swap3A_788 = vector.shape_cast %add3A_782 : vector<16xf32> to vector<1x16xf32>
      tpu.vector_store %arg19[%swap3A_784, %swap3A_785], %swap3A_788 {strides = array<i32>} : memref<20x128xf32, #tpu.memory_space<vmem>>, vector<1x16xf32>,
      %get3A_789 = arith.constant 4 : i32
      %get3A_790 = arith.index_cast %get3A_789 : i32 to index
      %get3A_791 = arith.constant 16 : index
      %get3A_792 = tpu.vector_load %arg15[%get3A_790, %get3A_791] {strides = array<i32>} : memref<24x128xf32, #tpu.memory_space<vmem>>, vector<1x16xf32>,
      %get3A_793 = vector.shape_cast %get3A_792 : vector<1x16xf32> to vector<16xf32>
      %get3A_794 = arith.constant 4 : i32
      %get3A_795 = arith.index_cast %get3A_794 : i32 to index
      %get3A_796 = arith.constant 16 : index
      %get3A_797 = tpu.vector_load %arg16[%get3A_795, %get3A_796] {strides = array<i32>} : memref<24x128xf32, #tpu.memory_space<vmem>>, vector<1x16xf32>,
      %get3A_798 = vector.shape_cast %get3A_797 : vector<1x16xf32> to vector<16xf32>
      %add3A_799 = arith.addf %get3A_793, %get3A_798 : vector<16xf32>
      %get3A_800 = arith.constant 4 : i32
      %get3A_801 = arith.index_cast %get3A_800 : i32 to index
      %get3A_802 = arith.constant 16 : index
      %get3A_803 = tpu.vector_load %arg17[%get3A_801, %get3A_802] {strides = array<i32>} : memref<24x128xf32, #tpu.memory_space<vmem>>, vector<1x16xf32>,
      %get3A_804 = vector.shape_cast %get3A_803 : vector<1x16xf32> to vector<16xf32>
      %add3A_805 = arith.addf %add3A_799, %get3A_804 : vector<16xf32>
      %swap3A_806 = arith.constant 4 : i32
      %swap3A_807 = arith.index_cast %swap3A_806 : i32 to index
      %swap3A_808 = arith.constant 16 : index
      %swap3A_809 = tpu.vector_load %arg19[%swap3A_807, %swap3A_808] {strides = array<i32>} : memref<20x128xf32, #tpu.memory_space<vmem>>, vector<1x16xf32>,
      %swap3A_810 = vector.shape_cast %swap3A_809 : vector<1x16xf32> to vector<16xf32>
      %swap3A_811 = vector.shape_cast %add3A_805 : vector<16xf32> to vector<1x16xf32>
      tpu.vector_store %arg19[%swap3A_807, %swap3A_808], %swap3A_811 {strides = array<i32>} : memref<20x128xf32, #tpu.memory_space<vmem>>, vector<1x16xf32>,
      %get3A_812 = arith.constant 4 : i32
      %get3A_813 = arith.index_cast %get3A_812 : i32 to index
      %get3A_814 = arith.constant 32 : index
      %get3A_815 = tpu.vector_load %arg15[%get3A_813, %get3A_814] {strides = array<i32>} : memref<24x128xf32, #tpu.memory_space<vmem>>, vector<1x16xf32>,
      %get3A_816 = vector.shape_cast %get3A_815 : vector<1x16xf32> to vector<16xf32>
      %get3A_817 = arith.constant 4 : i32
      %get3A_818 = arith.index_cast %get3A_817 : i32 to index
      %get3A_819 = arith.constant 32 : index
      %get3A_820 = tpu.vector_load %arg16[%get3A_818, %get3A_819] {strides = array<i32>} : memref<24x128xf32, #tpu.memory_space<vmem>>, vector<1x16xf32>,
      %get3A_821 = vector.shape_cast %get3A_820 : vector<1x16xf32> to vector<16xf32>
      %add3A_822 = arith.addf %get3A_816, %get3A_821 : vector<16xf32>
      %get3A_823 = arith.constant 4 : i32
      %get3A_824 = arith.index_cast %get3A_823 : i32 to index
      %get3A_825 = arith.constant 32 : index
      %get3A_826 = tpu.vector_load %arg17[%get3A_824, %get3A_825] {strides = array<i32>} : memref<24x128xf32, #tpu.memory_space<vmem>>, vector<1x16xf32>,
      %get3A_827 = vector.shape_cast %get3A_826 : vector<1x16xf32> to vector<16xf32>
      %add3A_828 = arith.addf %add3A_822, %get3A_827 : vector<16xf32>
      %swap3A_829 = arith.constant 4 : i32
      %swap3A_830 = arith.index_cast %swap3A_829 : i32 to index
      %swap3A_831 = arith.constant 32 : index
      %swap3A_832 = tpu.vector_load %arg19[%swap3A_830, %swap3A_831] {strides = array<i32>} : memref<20x128xf32, #tpu.memory_space<vmem>>, vector<1x16xf32>,
      %swap3A_833 = vector.shape_cast %swap3A_832 : vector<1x16xf32> to vector<16xf32>
      %swap3A_834 = vector.shape_cast %add3A_828 : vector<16xf32> to vector<1x16xf32>
      tpu.vector_store %arg19[%swap3A_830, %swap3A_831], %swap3A_834 {strides = array<i32>} : memref<20x128xf32, #tpu.memory_space<vmem>>, vector<1x16xf32>,
      %get3A_835 = arith.constant 4 : i32
      %get3A_836 = arith.index_cast %get3A_835 : i32 to index
      %get3A_837 = arith.constant 48 : index
      %get3A_838 = tpu.vector_load %arg15[%get3A_836, %get3A_837] {strides = array<i32>} : memref<24x128xf32, #tpu.memory_space<vmem>>, vector<1x16xf32>,
      %get3A_839 = vector.shape_cast %get3A_838 : vector<1x16xf32> to vector<16xf32>
      %get3A_840 = arith.constant 4 : i32
      %get3A_841 = arith.index_cast %get3A_840 : i32 to index
      %get3A_842 = arith.constant 48 : index
      %get3A_843 = tpu.vector_load %arg16[%get3A_841, %get3A_842] {strides = array<i32>} : memref<24x128xf32, #tpu.memory_space<vmem>>, vector<1x16xf32>,
      %get3A_844 = vector.shape_cast %get3A_843 : vector<1x16xf32> to vector<16xf32>
      %add3A_845 = arith.addf %get3A_839, %get3A_844 : vector<16xf32>
      %get3A_846 = arith.constant 4 : i32
      %get3A_847 = arith.index_cast %get3A_846 : i32 to index
      %get3A_848 = arith.constant 48 : index
      %get3A_849 = tpu.vector_load %arg17[%get3A_847, %get3A_848] {strides = array<i32>} : memref<24x128xf32, #tpu.memory_space<vmem>>, vector<1x16xf32>,
      %get3A_850 = vector.shape_cast %get3A_849 : vector<1x16xf32> to vector<16xf32>
      %add3A_851 = arith.addf %add3A_845, %get3A_850 : vector<16xf32>
      %swap3A_852 = arith.constant 4 : i32
      %swap3A_853 = arith.index_cast %swap3A_852 : i32 to index
      %swap3A_854 = arith.constant 48 : index
      %swap3A_855 = tpu.vector_load %arg19[%swap3A_853, %swap3A_854] {strides = array<i32>} : memref<20x128xf32, #tpu.memory_space<vmem>>, vector<1x16xf32>,
      %swap3A_856 = vector.shape_cast %swap3A_855 : vector<1x16xf32> to vector<16xf32>
      %swap3A_857 = vector.shape_cast %add3A_851 : vector<16xf32> to vector<1x16xf32>
      tpu.vector_store %arg19[%swap3A_853, %swap3A_854], %swap3A_857 {strides = array<i32>} : memref<20x128xf32, #tpu.memory_space<vmem>>, vector<1x16xf32>,
      %get3A_858 = arith.constant 4 : i32
      %get3A_859 = arith.index_cast %get3A_858 : i32 to index
      %get3A_860 = arith.constant 64 : index
      %get3A_861 = tpu.vector_load %arg15[%get3A_859, %get3A_860] {strides = array<i32>} : memref<24x128xf32, #tpu.memory_space<vmem>>, vector<1x16xf32>,
      %get3A_862 = vector.shape_cast %get3A_861 : vector<1x16xf32> to vector<16xf32>
      %get3A_863 = arith.constant 4 : i32
      %get3A_864 = arith.index_cast %get3A_863 : i32 to index
      %get3A_865 = arith.constant 64 : index
      %get3A_866 = tpu.vector_load %arg16[%get3A_864, %get3A_865] {strides = array<i32>} : memref<24x128xf32, #tpu.memory_space<vmem>>, vector<1x16xf32>,
      %get3A_867 = vector.shape_cast %get3A_866 : vector<1x16xf32> to vector<16xf32>
      %add3A_868 = arith.addf %get3A_862, %get3A_867 : vector<16xf32>
      %get3A_869 = arith.constant 4 : i32
      %get3A_870 = arith.index_cast %get3A_869 : i32 to index
      %get3A_871 = arith.constant 64 : index
      %get3A_872 = tpu.vector_load %arg17[%get3A_870, %get3A_871] {strides = array<i32>} : memref<24x128xf32, #tpu.memory_space<vmem>>, vector<1x16xf32>,
      %get3A_873 = vector.shape_cast %get3A_872 : vector<1x16xf32> to vector<16xf32>
      %add3A_874 = arith.addf %add3A_868, %get3A_873 : vector<16xf32>
      %swap3A_875 = arith.constant 4 : i32
      %swap3A_876 = arith.index_cast %swap3A_875 : i32 to index
      %swap3A_877 = arith.constant 64 : index
      %swap3A_878 = tpu.vector_load %arg19[%swap3A_876, %swap3A_877] {strides = array<i32>} : memref<20x128xf32, #tpu.memory_space<vmem>>, vector<1x16xf32>,
      %swap3A_879 = vector.shape_cast %swap3A_878 : vector<1x16xf32> to vector<16xf32>
      %swap3A_880 = vector.shape_cast %add3A_874 : vector<16xf32> to vector<1x16xf32>
      tpu.vector_store %arg19[%swap3A_876, %swap3A_877], %swap3A_880 {strides = array<i32>} : memref<20x128xf32, #tpu.memory_space<vmem>>, vector<1x16xf32>,
      %get3A_881 = arith.constant 4 : i32
      %get3A_882 = arith.index_cast %get3A_881 : i32 to index
      %get3A_883 = arith.constant 80 : index
      %get3A_884 = tpu.vector_load %arg15[%get3A_882, %get3A_883] {strides = array<i32>} : memref<24x128xf32, #tpu.memory_space<vmem>>, vector<1x16xf32>,
      %get3A_885 = vector.shape_cast %get3A_884 : vector<1x16xf32> to vector<16xf32>
      %get3A_886 = arith.constant 4 : i32
      %get3A_887 = arith.index_cast %get3A_886 : i32 to index
      %get3A_888 = arith.constant 80 : index
      %get3A_889 = tpu.vector_load %arg16[%get3A_887, %get3A_888] {strides = array<i32>} : memref<24x128xf32, #tpu.memory_space<vmem>>, vector<1x16xf32>,
      %get3A_890 = vector.shape_cast %get3A_889 : vector<1x16xf32> to vector<16xf32>
      %add3A_891 = arith.addf %get3A_885, %get3A_890 : vector<16xf32>
      %get3A_892 = arith.constant 4 : i32
      %get3A_893 = arith.index_cast %get3A_892 : i32 to index
      %get3A_894 = arith.constant 80 : index
      %get3A_895 = tpu.vector_load %arg17[%get3A_893, %get3A_894] {strides = array<i32>} : memref<24x128xf32, #tpu.memory_space<vmem>>, vector<1x16xf32>,
      %get3A_896 = vector.shape_cast %get3A_895 : vector<1x16xf32> to vector<16xf32>
      %add3A_897 = arith.addf %add3A_891, %get3A_896 : vector<16xf32>
      %swap3A_898 = arith.constant 4 : i32
      %swap3A_899 = arith.index_cast %swap3A_898 : i32 to index
      %swap3A_900 = arith.constant 80 : index
      %swap3A_901 = tpu.vector_load %arg19[%swap3A_899, %swap3A_900] {strides = array<i32>} : memref<20x128xf32, #tpu.memory_space<vmem>>, vector<1x16xf32>,
      %swap3A_902 = vector.shape_cast %swap3A_901 : vector<1x16xf32> to vector<16xf32>
      %swap3A_903 = vector.shape_cast %add3A_897 : vector<16xf32> to vector<1x16xf32>
      tpu.vector_store %arg19[%swap3A_899, %swap3A_900], %swap3A_903 {strides = array<i32>} : memref<20x128xf32, #tpu.memory_space<vmem>>, vector<1x16xf32>,
      %get3A_904 = arith.constant 4 : i32
      %get3A_905 = arith.index_cast %get3A_904 : i32 to index
      %get3A_906 = arith.constant 96 : index
      %get3A_907 = tpu.vector_load %arg15[%get3A_905, %get3A_906] {strides = array<i32>} : memref<24x128xf32, #tpu.memory_space<vmem>>, vector<1x16xf32>,
      %get3A_908 = vector.shape_cast %get3A_907 : vector<1x16xf32> to vector<16xf32>
      %get3A_909 = arith.constant 4 : i32
      %get3A_910 = arith.index_cast %get3A_909 : i32 to index
      %get3A_911 = arith.constant 96 : index
      %get3A_912 = tpu.vector_load %arg16[%get3A_910, %get3A_911] {strides = array<i32>} : memref<24x128xf32, #tpu.memory_space<vmem>>, vector<1x16xf32>,
      %get3A_913 = vector.shape_cast %get3A_912 : vector<1x16xf32> to vector<16xf32>
      %add3A_914 = arith.addf %get3A_908, %get3A_913 : vector<16xf32>
      %get3A_915 = arith.constant 4 : i32
      %get3A_916 = arith.index_cast %get3A_915 : i32 to index
      %get3A_917 = arith.constant 96 : index
      %get3A_918 = tpu.vector_load %arg17[%get3A_916, %get3A_917] {strides = array<i32>} : memref<24x128xf32, #tpu.memory_space<vmem>>, vector<1x16xf32>,
      %get3A_919 = vector.shape_cast %get3A_918 : vector<1x16xf32> to vector<16xf32>
      %add3A_920 = arith.addf %add3A_914, %get3A_919 : vector<16xf32>
      %swap3A_921 = arith.constant 4 : i32
      %swap3A_922 = arith.index_cast %swap3A_921 : i32 to index
      %swap3A_923 = arith.constant 96 : index
      %swap3A_924 = tpu.vector_load %arg19[%swap3A_922, %swap3A_923] {strides = array<i32>} : memref<20x128xf32, #tpu.memory_space<vmem>>, vector<1x16xf32>,
      %swap3A_925 = vector.shape_cast %swap3A_924 : vector<1x16xf32> to vector<16xf32>
      %swap3A_926 = vector.shape_cast %add3A_920 : vector<16xf32> to vector<1x16xf32>
      tpu.vector_store %arg19[%swap3A_922, %swap3A_923], %swap3A_926 {strides = array<i32>} : memref<20x128xf32, #tpu.memory_space<vmem>>, vector<1x16xf32>,
      %get3A_927 = arith.constant 4 : i32
      %get3A_928 = arith.index_cast %get3A_927 : i32 to index
      %get3A_929 = arith.constant 112 : index
      %get3A_930 = tpu.vector_load %arg15[%get3A_928, %get3A_929] {strides = array<i32>} : memref<24x128xf32, #tpu.memory_space<vmem>>, vector<1x16xf32>,
      %get3A_931 = vector.shape_cast %get3A_930 : vector<1x16xf32> to vector<16xf32>
      %get3A_932 = arith.constant 4 : i32
      %get3A_933 = arith.index_cast %get3A_932 : i32 to index
      %get3A_934 = arith.constant 112 : index
      %get3A_935 = tpu.vector_load %arg16[%get3A_933, %get3A_934] {strides = array<i32>} : memref<24x128xf32, #tpu.memory_space<vmem>>, vector<1x16xf32>,
      %get3A_936 = vector.shape_cast %get3A_935 : vector<1x16xf32> to vector<16xf32>
      %add3A_937 = arith.addf %get3A_931, %get3A_936 : vector<16xf32>
      %get3A_938 = arith.constant 4 : i32
      %get3A_939 = arith.index_cast %get3A_938 : i32 to index
      %get3A_940 = arith.constant 112 : index
      %get3A_941 = tpu.vector_load %arg17[%get3A_939, %get3A_940] {strides = array<i32>} : memref<24x128xf32, #tpu.memory_space<vmem>>, vector<1x16xf32>,
      %get3A_942 = vector.shape_cast %get3A_941 : vector<1x16xf32> to vector<16xf32>
      %add3A_943 = arith.addf %add3A_937, %get3A_942 : vector<16xf32>
      %swap3A_944 = arith.constant 4 : i32
      %swap3A_945 = arith.index_cast %swap3A_944 : i32 to index
      %swap3A_946 = arith.constant 112 : index
      %swap3A_947 = tpu.vector_load %arg19[%swap3A_945, %swap3A_946] {strides = array<i32>} : memref<20x128xf32, #tpu.memory_space<vmem>>, vector<1x16xf32>,
      %swap3A_948 = vector.shape_cast %swap3A_947 : vector<1x16xf32> to vector<16xf32>
      %swap3A_949 = vector.shape_cast %add3A_943 : vector<16xf32> to vector<1x16xf32>
      tpu.vector_store %arg19[%swap3A_945, %swap3A_946], %swap3A_949 {strides = array<i32>} : memref<20x128xf32, #tpu.memory_space<vmem>>, vector<1x16xf32>,
      %get3A_950 = arith.constant 5 : i32
      %get3A_951 = arith.index_cast %get3A_950 : i32 to index
      %get3A_952 = arith.constant 0 : index
      %get3A_953 = tpu.vector_load %arg15[%get3A_951, %get3A_952] {strides = array<i32>} : memref<24x128xf32, #tpu.memory_space<vmem>>, vector<1x16xf32>,
      %get3A_954 = vector.shape_cast %get3A_953 : vector<1x16xf32> to vector<16xf32>
      %get3A_955 = arith.constant 5 : i32
      %get3A_956 = arith.index_cast %get3A_955 : i32 to index
      %get3A_957 = arith.constant 0 : index
      %get3A_958 = tpu.vector_load %arg16[%get3A_956, %get3A_957] {strides = array<i32>} : memref<24x128xf32, #tpu.memory_space<vmem>>, vector<1x16xf32>,
      %get3A_959 = vector.shape_cast %get3A_958 : vector<1x16xf32> to vector<16xf32>
      %add3A_960 = arith.addf %get3A_954, %get3A_959 : vector<16xf32>
      %get3A_961 = arith.constant 5 : i32
      %get3A_962 = arith.index_cast %get3A_961 : i32 to index
      %get3A_963 = arith.constant 0 : index
      %get3A_964 = tpu.vector_load %arg17[%get3A_962, %get3A_963] {strides = array<i32>} : memref<24x128xf32, #tpu.memory_space<vmem>>, vector<1x16xf32>,
      %get3A_965 = vector.shape_cast %get3A_964 : vector<1x16xf32> to vector<16xf32>
      %add3A_966 = arith.addf %add3A_960, %get3A_965 : vector<16xf32>
      %swap3A_967 = arith.constant 5 : i32
      %swap3A_968 = arith.index_cast %swap3A_967 : i32 to index
      %swap3A_969 = arith.constant 0 : index
      %swap3A_970 = tpu.vector_load %arg19[%swap3A_968, %swap3A_969] {strides = array<i32>} : memref<20x128xf32, #tpu.memory_space<vmem>>, vector<1x16xf32>,
      %swap3A_971 = vector.shape_cast %swap3A_970 : vector<1x16xf32> to vector<16xf32>
      %swap3A_972 = vector.shape_cast %add3A_966 : vector<16xf32> to vector<1x16xf32>
      tpu.vector_store %arg19[%swap3A_968, %swap3A_969], %swap3A_972 {strides = array<i32>} : memref<20x128xf32, #tpu.memory_space<vmem>>, vector<1x16xf32>,
      %get3A_973 = arith.constant 5 : i32
      %get3A_974 = arith.index_cast %get3A_973 : i32 to index
      %get3A_975 = arith.constant 16 : index
      %get3A_976 = tpu.vector_load %arg15[%get3A_974, %get3A_975] {strides = array<i32>} : memref<24x128xf32, #tpu.memory_space<vmem>>, vector<1x16xf32>,
      %get3A_977 = vector.shape_cast %get3A_976 : vector<1x16xf32> to vector<16xf32>
      %get3A_978 = arith.constant 5 : i32
      %get3A_979 = arith.index_cast %get3A_978 : i32 to index
      %get3A_980 = arith.constant 16 : index
      %get3A_981 = tpu.vector_load %arg16[%get3A_979, %get3A_980] {strides = array<i32>} : memref<24x128xf32, #tpu.memory_space<vmem>>, vector<1x16xf32>,
      %get3A_982 = vector.shape_cast %get3A_981 : vector<1x16xf32> to vector<16xf32>
      %add3A_983 = arith.addf %get3A_977, %get3A_982 : vector<16xf32>
      %get3A_984 = arith.constant 5 : i32
      %get3A_985 = arith.index_cast %get3A_984 : i32 to index
      %get3A_986 = arith.constant 16 : index
      %get3A_987 = tpu.vector_load %arg17[%get3A_985, %get3A_986] {strides = array<i32>} : memref<24x128xf32, #tpu.memory_space<vmem>>, vector<1x16xf32>,
      %get3A_988 = vector.shape_cast %get3A_987 : vector<1x16xf32> to vector<16xf32>
      %add3A_989 = arith.addf %add3A_983, %get3A_988 : vector<16xf32>
      %swap3A_990 = arith.constant 5 : i32
      %swap3A_991 = arith.index_cast %swap3A_990 : i32 to index
      %swap3A_992 = arith.constant 16 : index
      %swap3A_993 = tpu.vector_load %arg19[%swap3A_991, %swap3A_992] {strides = array<i32>} : memref<20x128xf32, #tpu.memory_space<vmem>>, vector<1x16xf32>,
      %swap3A_994 = vector.shape_cast %swap3A_993 : vector<1x16xf32> to vector<16xf32>
      %swap3A_995 = vector.shape_cast %add3A_989 : vector<16xf32> to vector<1x16xf32>
      tpu.vector_store %arg19[%swap3A_991, %swap3A_992], %swap3A_995 {strides = array<i32>} : memref<20x128xf32, #tpu.memory_space<vmem>>, vector<1x16xf32>,
      %get3A_996 = arith.constant 5 : i32
      %get3A_997 = arith.index_cast %get3A_996 : i32 to index
      %get3A_998 = arith.constant 32 : index
      %get3A_999 = tpu.vector_load %arg15[%get3A_997, %get3A_998] {strides = array<i32>} : memref<24x128xf32, #tpu.memory_space<vmem>>, vector<1x16xf32>,
      %get3A_1000 = vector.shape_cast %get3A_999 : vector<1x16xf32> to vector<16xf32>
      %get3A_1001 = arith.constant 5 : i32
      %get3A_1002 = arith.index_cast %get3A_1001 : i32 to index
      %get3A_1003 = arith.constant 32 : index
      %get3A_1004 = tpu.vector_load %arg16[%get3A_1002, %get3A_1003] {strides = array<i32>} : memref<24x128xf32, #tpu.memory_space<vmem>>, vector<1x16xf32>,
      %get3A_1005 = vector.shape_cast %get3A_1004 : vector<1x16xf32> to vector<16xf32>
      %add3A_1006 = arith.addf %get3A_1000, %get3A_1005 : vector<16xf32>
      %get3A_1007 = arith.constant 5 : i32
      %get3A_1008 = arith.index_cast %get3A_1007 : i32 to index
      %get3A_1009 = arith.constant 32 : index
      %get3A_1010 = tpu.vector_load %arg17[%get3A_1008, %get3A_1009] {strides = array<i32>} : memref<24x128xf32, #tpu.memory_space<vmem>>, vector<1x16xf32>,
      %get3A_1011 = vector.shape_cast %get3A_1010 : vector<1x16xf32> to vector<16xf32>
      %add3A_1012 = arith.addf %add3A_1006, %get3A_1011 : vector<16xf32>
      %swap3A_1013 = arith.constant 5 : i32
      %swap3A_1014 = arith.index_cast %swap3A_1013 : i32 to index
      %swap3A_1015 = arith.constant 32 : index
      %swap3A_1016 = tpu.vector_load %arg19[%swap3A_1014, %swap3A_1015] {strides = array<i32>} : memref<20x128xf32, #tpu.memory_space<vmem>>, vector<1x16xf32>,
      %swap3A_1017 = vector.shape_cast %swap3A_1016 : vector<1x16xf32> to vector<16xf32>
      %swap3A_1018 = vector.shape_cast %add3A_1012 : vector<16xf32> to vector<1x16xf32>
      tpu.vector_store %arg19[%swap3A_1014, %swap3A_1015], %swap3A_1018 {strides = array<i32>} : memref<20x128xf32, #tpu.memory_space<vmem>>, vector<1x16xf32>,
      %get3A_1019 = arith.constant 5 : i32
      %get3A_1020 = arith.index_cast %get3A_1019 : i32 to index
      %get3A_1021 = arith.constant 48 : index
      %get3A_1022 = tpu.vector_load %arg15[%get3A_1020, %get3A_1021] {strides = array<i32>} : memref<24x128xf32, #tpu.memory_space<vmem>>, vector<1x16xf32>,
      %get3A_1023 = vector.shape_cast %get3A_1022 : vector<1x16xf32> to vector<16xf32>
      %get3A_1024 = arith.constant 5 : i32
      %get3A_1025 = arith.index_cast %get3A_1024 : i32 to index
      %get3A_1026 = arith.constant 48 : index
      %get3A_1027 = tpu.vector_load %arg16[%get3A_1025, %get3A_1026] {strides = array<i32>} : memref<24x128xf32, #tpu.memory_space<vmem>>, vector<1x16xf32>,
      %get3A_1028 = vector.shape_cast %get3A_1027 : vector<1x16xf32> to vector<16xf32>
      %add3A_1029 = arith.addf %get3A_1023, %get3A_1028 : vector<16xf32>
      %get3A_1030 = arith.constant 5 : i32
      %get3A_1031 = arith.index_cast %get3A_1030 : i32 to index
      %get3A_1032 = arith.constant 48 : index
      %get3A_1033 = tpu.vector_load %arg17[%get3A_1031, %get3A_1032] {strides = array<i32>} : memref<24x128xf32, #tpu.memory_space<vmem>>, vector<1x16xf32>,
      %get3A_1034 = vector.shape_cast %get3A_1033 : vector<1x16xf32> to vector<16xf32>
      %add3A_1035 = arith.addf %add3A_1029, %get3A_1034 : vector<16xf32>
      %swap3A_1036 = arith.constant 5 : i32
      %swap3A_1037 = arith.index_cast %swap3A_1036 : i32 to index
      %swap3A_1038 = arith.constant 48 : index
      %swap3A_1039 = tpu.vector_load %arg19[%swap3A_1037, %swap3A_1038] {strides = array<i32>} : memref<20x128xf32, #tpu.memory_space<vmem>>, vector<1x16xf32>,
      %swap3A_1040 = vector.shape_cast %swap3A_1039 : vector<1x16xf32> to vector<16xf32>
      %swap3A_1041 = vector.shape_cast %add3A_1035 : vector<16xf32> to vector<1x16xf32>
      tpu.vector_store %arg19[%swap3A_1037, %swap3A_1038], %swap3A_1041 {strides = array<i32>} : memref<20x128xf32, #tpu.memory_space<vmem>>, vector<1x16xf32>,
      %get3A_1042 = arith.constant 5 : i32
      %get3A_1043 = arith.index_cast %get3A_1042 : i32 to index
      %get3A_1044 = arith.constant 64 : index
      %get3A_1045 = tpu.vector_load %arg15[%get3A_1043, %get3A_1044] {strides = array<i32>} : memref<24x128xf32, #tpu.memory_space<vmem>>, vector<1x16xf32>,
      %get3A_1046 = vector.shape_cast %get3A_1045 : vector<1x16xf32> to vector<16xf32>
      %get3A_1047 = arith.constant 5 : i32
      %get3A_1048 = arith.index_cast %get3A_1047 : i32 to index
      %get3A_1049 = arith.constant 64 : index
      %get3A_1050 = tpu.vector_load %arg16[%get3A_1048, %get3A_1049] {strides = array<i32>} : memref<24x128xf32, #tpu.memory_space<vmem>>, vector<1x16xf32>,
      %get3A_1051 = vector.shape_cast %get3A_1050 : vector<1x16xf32> to vector<16xf32>
      %add3A_1052 = arith.addf %get3A_1046, %get3A_1051 : vector<16xf32>
      %get3A_1053 = arith.constant 5 : i32
      %get3A_1054 = arith.index_cast %get3A_1053 : i32 to index
      %get3A_1055 = arith.constant 64 : index
      %get3A_1056 = tpu.vector_load %arg17[%get3A_1054, %get3A_1055] {strides = array<i32>} : memref<24x128xf32, #tpu.memory_space<vmem>>, vector<1x16xf32>,
      %get3A_1057 = vector.shape_cast %get3A_1056 : vector<1x16xf32> to vector<16xf32>
      %add3A_1058 = arith.addf %add3A_1052, %get3A_1057 : vector<16xf32>
      %swap3A_1059 = arith.constant 5 : i32
      %swap3A_1060 = arith.index_cast %swap3A_1059 : i32 to index
      %swap3A_1061 = arith.constant 64 : index
      %swap3A_1062 = tpu.vector_load %arg19[%swap3A_1060, %swap3A_1061] {strides = array<i32>} : memref<20x128xf32, #tpu.memory_space<vmem>>, vector<1x16xf32>,
      %swap3A_1063 = vector.shape_cast %swap3A_1062 : vector<1x16xf32> to vector<16xf32>
      %swap3A_1064 = vector.shape_cast %add3A_1058 : vector<16xf32> to vector<1x16xf32>
      tpu.vector_store %arg19[%swap3A_1060, %swap3A_1061], %swap3A_1064 {strides = array<i32>} : memref<20x128xf32, #tpu.memory_space<vmem>>, vector<1x16xf32>,
      %get3A_1065 = arith.constant 5 : i32
      %get3A_1066 = arith.index_cast %get3A_1065 : i32 to index
      %get3A_1067 = arith.constant 80 : index
      %get3A_1068 = tpu.vector_load %arg15[%get3A_1066, %get3A_1067] {strides = array<i32>} : memref<24x128xf32, #tpu.memory_space<vmem>>, vector<1x16xf32>,
      %get3A_1069 = vector.shape_cast %get3A_1068 : vector<1x16xf32> to vector<16xf32>
      %get3A_1070 = arith.constant 5 : i32
      %get3A_1071 = arith.index_cast %get3A_1070 : i32 to index
      %get3A_1072 = arith.constant 80 : index
      %get3A_1073 = tpu.vector_load %arg16[%get3A_1071, %get3A_1072] {strides = array<i32>} : memref<24x128xf32, #tpu.memory_space<vmem>>, vector<1x16xf32>,
      %get3A_1074 = vector.shape_cast %get3A_1073 : vector<1x16xf32> to vector<16xf32>
      %add3A_1075 = arith.addf %get3A_1069, %get3A_1074 : vector<16xf32>
      %get3A_1076 = arith.constant 5 : i32
      %get3A_1077 = arith.index_cast %get3A_1076 : i32 to index
      %get3A_1078 = arith.constant 80 : index
      %get3A_1079 = tpu.vector_load %arg17[%get3A_1077, %get3A_1078] {strides = array<i32>} : memref<24x128xf32, #tpu.memory_space<vmem>>, vector<1x16xf32>,
      %get3A_1080 = vector.shape_cast %get3A_1079 : vector<1x16xf32> to vector<16xf32>
      %add3A_1081 = arith.addf %add3A_1075, %get3A_1080 : vector<16xf32>
      %swap3A_1082 = arith.constant 5 : i32
      %swap3A_1083 = arith.index_cast %swap3A_1082 : i32 to index
      %swap3A_1084 = arith.constant 80 : index
      %swap3A_1085 = tpu.vector_load %arg19[%swap3A_1083, %swap3A_1084] {strides = array<i32>} : memref<20x128xf32, #tpu.memory_space<vmem>>, vector<1x16xf32>,
      %swap3A_1086 = vector.shape_cast %swap3A_1085 : vector<1x16xf32> to vector<16xf32>
      %swap3A_1087 = vector.shape_cast %add3A_1081 : vector<16xf32> to vector<1x16xf32>
      tpu.vector_store %arg19[%swap3A_1083, %swap3A_1084], %swap3A_1087 {strides = array<i32>} : memref<20x128xf32, #tpu.memory_space<vmem>>, vector<1x16xf32>,
      %get3A_1088 = arith.constant 5 : i32
      %get3A_1089 = arith.index_cast %get3A_1088 : i32 to index
      %get3A_1090 = arith.constant 96 : index
      %get3A_1091 = tpu.vector_load %arg15[%get3A_1089, %get3A_1090] {strides = array<i32>} : memref<24x128xf32, #tpu.memory_space<vmem>>, vector<1x16xf32>,
      %get3A_1092 = vector.shape_cast %get3A_1091 : vector<1x16xf32> to vector<16xf32>
      %get3A_1093 = arith.constant 5 : i32
      %get3A_1094 = arith.index_cast %get3A_1093 : i32 to index
      %get3A_1095 = arith.constant 96 : index
      %get3A_1096 = tpu.vector_load %arg16[%get3A_1094, %get3A_1095] {strides = array<i32>} : memref<24x128xf32, #tpu.memory_space<vmem>>, vector<1x16xf32>,
      %get3A_1097 = vector.shape_cast %get3A_1096 : vector<1x16xf32> to vector<16xf32>
      %add3A_1098 = arith.addf %get3A_1092, %get3A_1097 : vector<16xf32>
      %get3A_1099 = arith.constant 5 : i32
      %get3A_1100 = arith.index_cast %get3A_1099 : i32 to index
      %get3A_1101 = arith.constant 96 : index
      %get3A_1102 = tpu.vector_load %arg17[%get3A_1100, %get3A_1101] {strides = array<i32>} : memref<24x128xf32, #tpu.memory_space<vmem>>, vector<1x16xf32>,
      %get3A_1103 = vector.shape_cast %get3A_1102 : vector<1x16xf32> to vector<16xf32>
      %add3A_1104 = arith.addf %add3A_1098, %get3A_1103 : vector<16xf32>
      %swap3A_1105 = arith.constant 5 : i32
      %swap3A_1106 = arith.index_cast %swap3A_1105 : i32 to index
      %swap3A_1107 = arith.constant 96 : index
      %swap3A_1108 = tpu.vector_load %arg19[%swap3A_1106, %swap3A_1107] {strides = array<i32>} : memref<20x128xf32, #tpu.memory_space<vmem>>, vector<1x16xf32>,
      %swap3A_1109 = vector.shape_cast %swap3A_1108 : vector<1x16xf32> to vector<16xf32>
      %swap3A_1110 = vector.shape_cast %add3A_1104 : vector<16xf32> to vector<1x16xf32>
      tpu.vector_store %arg19[%swap3A_1106, %swap3A_1107], %swap3A_1110 {strides = array<i32>} : memref<20x128xf32, #tpu.memory_space<vmem>>, vector<1x16xf32>,
      %get3A_1111 = arith.constant 5 : i32
      %get3A_1112 = arith.index_cast %get3A_1111 : i32 to index
      %get3A_1113 = arith.constant 112 : index
      %get3A_1114 = tpu.vector_load %arg15[%get3A_1112, %get3A_1113] {strides = array<i32>} : memref<24x128xf32, #tpu.memory_space<vmem>>, vector<1x16xf32>,
      %get3A_1115 = vector.shape_cast %get3A_1114 : vector<1x16xf32> to vector<16xf32>
      %get3A_1116 = arith.constant 5 : i32
      %get3A_1117 = arith.index_cast %get3A_1116 : i32 to index
      %get3A_1118 = arith.constant 112 : index
      %get3A_1119 = tpu.vector_load %arg16[%get3A_1117, %get3A_1118] {strides = array<i32>} : memref<24x128xf32, #tpu.memory_space<vmem>>, vector<1x16xf32>,
      %get3A_1120 = vector.shape_cast %get3A_1119 : vector<1x16xf32> to vector<16xf32>
      %add3A_1121 = arith.addf %get3A_1115, %get3A_1120 : vector<16xf32>
      %get3A_1122 = arith.constant 5 : i32
      %get3A_1123 = arith.index_cast %get3A_1122 : i32 to index
      %get3A_1124 = arith.constant 112 : index
      %get3A_1125 = tpu.vector_load %arg17[%get3A_1123, %get3A_1124] {strides = array<i32>} : memref<24x128xf32, #tpu.memory_space<vmem>>, vector<1x16xf32>,
      %get3A_1126 = vector.shape_cast %get3A_1125 : vector<1x16xf32> to vector<16xf32>
      %add3A_1127 = arith.addf %add3A_1121, %get3A_1126 : vector<16xf32>
      %swap3A_1128 = arith.constant 5 : i32
      %swap3A_1129 = arith.index_cast %swap3A_1128 : i32 to index
      %swap3A_1130 = arith.constant 112 : index
      %swap3A_1131 = tpu.vector_load %arg19[%swap3A_1129, %swap3A_1130] {strides = array<i32>} : memref<20x128xf32, #tpu.memory_space<vmem>>, vector<1x16xf32>,
      %swap3A_1132 = vector.shape_cast %swap3A_1131 : vector<1x16xf32> to vector<16xf32>
      %swap3A_1133 = vector.shape_cast %add3A_1127 : vector<16xf32> to vector<1x16xf32>
      tpu.vector_store %arg19[%swap3A_1129, %swap3A_1130], %swap3A_1133 {strides = array<i32>} : memref<20x128xf32, #tpu.memory_space<vmem>>, vector<1x16xf32>,
      %get3A_1134 = arith.constant 6 : i32
      %get3A_1135 = arith.index_cast %get3A_1134 : i32 to index
      %get3A_1136 = arith.constant 0 : index
      %get3A_1137 = tpu.vector_load %arg15[%get3A_1135, %get3A_1136] {strides = array<i32>} : memref<24x128xf32, #tpu.memory_space<vmem>>, vector<1x16xf32>,
      %get3A_1138 = vector.shape_cast %get3A_1137 : vector<1x16xf32> to vector<16xf32>
      %get3A_1139 = arith.constant 6 : i32
      %get3A_1140 = arith.index_cast %get3A_1139 : i32 to index
      %get3A_1141 = arith.constant 0 : index
      %get3A_1142 = tpu.vector_load %arg16[%get3A_1140, %get3A_1141] {strides = array<i32>} : memref<24x128xf32, #tpu.memory_space<vmem>>, vector<1x16xf32>,
      %get3A_1143 = vector.shape_cast %get3A_1142 : vector<1x16xf32> to vector<16xf32>
      %add3A_1144 = arith.addf %get3A_1138, %get3A_1143 : vector<16xf32>
      %get3A_1145 = arith.constant 6 : i32
      %get3A_1146 = arith.index_cast %get3A_1145 : i32 to index
      %get3A_1147 = arith.constant 0 : index
      %get3A_1148 = tpu.vector_load %arg17[%get3A_1146, %get3A_1147] {strides = array<i32>} : memref<24x128xf32, #tpu.memory_space<vmem>>, vector<1x16xf32>,
      %get3A_1149 = vector.shape_cast %get3A_1148 : vector<1x16xf32> to vector<16xf32>
      %add3A_1150 = arith.addf %add3A_1144, %get3A_1149 : vector<16xf32>
      %swap3A_1151 = arith.constant 6 : i32
      %swap3A_1152 = arith.index_cast %swap3A_1151 : i32 to index
      %swap3A_1153 = arith.constant 0 : index
      %swap3A_1154 = tpu.vector_load %arg19[%swap3A_1152, %swap3A_1153] {strides = array<i32>} : memref<20x128xf32, #tpu.memory_space<vmem>>, vector<1x16xf32>,
      %swap3A_1155 = vector.shape_cast %swap3A_1154 : vector<1x16xf32> to vector<16xf32>
      %swap3A_1156 = vector.shape_cast %add3A_1150 : vector<16xf32> to vector<1x16xf32>
      tpu.vector_store %arg19[%swap3A_1152, %swap3A_1153], %swap3A_1156 {strides = array<i32>} : memref<20x128xf32, #tpu.memory_space<vmem>>, vector<1x16xf32>,
      %get3A_1157 = arith.constant 6 : i32
      %get3A_1158 = arith.index_cast %get3A_1157 : i32 to index
      %get3A_1159 = arith.constant 16 : index
      %get3A_1160 = tpu.vector_load %arg15[%get3A_1158, %get3A_1159] {strides = array<i32>} : memref<24x128xf32, #tpu.memory_space<vmem>>, vector<1x16xf32>,
      %get3A_1161 = vector.shape_cast %get3A_1160 : vector<1x16xf32> to vector<16xf32>
      %get3A_1162 = arith.constant 6 : i32
      %get3A_1163 = arith.index_cast %get3A_1162 : i32 to index
      %get3A_1164 = arith.constant 16 : index
      %get3A_1165 = tpu.vector_load %arg16[%get3A_1163, %get3A_1164] {strides = array<i32>} : memref<24x128xf32, #tpu.memory_space<vmem>>, vector<1x16xf32>,
      %get3A_1166 = vector.shape_cast %get3A_1165 : vector<1x16xf32> to vector<16xf32>
      %add3A_1167 = arith.addf %get3A_1161, %get3A_1166 : vector<16xf32>
      %get3A_1168 = arith.constant 6 : i32
      %get3A_1169 = arith.index_cast %get3A_1168 : i32 to index
      %get3A_1170 = arith.constant 16 : index
      %get3A_1171 = tpu.vector_load %arg17[%get3A_1169, %get3A_1170] {strides = array<i32>} : memref<24x128xf32, #tpu.memory_space<vmem>>, vector<1x16xf32>,
      %get3A_1172 = vector.shape_cast %get3A_1171 : vector<1x16xf32> to vector<16xf32>
      %add3A_1173 = arith.addf %add3A_1167, %get3A_1172 : vector<16xf32>
      %swap3A_1174 = arith.constant 6 : i32
      %swap3A_1175 = arith.index_cast %swap3A_1174 : i32 to index
      %swap3A_1176 = arith.constant 16 : index
      %swap3A_1177 = tpu.vector_load %arg19[%swap3A_1175, %swap3A_1176] {strides = array<i32>} : memref<20x128xf32, #tpu.memory_space<vmem>>, vector<1x16xf32>,
      %swap3A_1178 = vector.shape_cast %swap3A_1177 : vector<1x16xf32> to vector<16xf32>
      %swap3A_1179 = vector.shape_cast %add3A_1173 : vector<16xf32> to vector<1x16xf32>
      tpu.vector_store %arg19[%swap3A_1175, %swap3A_1176], %swap3A_1179 {strides = array<i32>} : memref<20x128xf32, #tpu.memory_space<vmem>>, vector<1x16xf32>,
      %get3A_1180 = arith.constant 6 : i32
      %get3A_1181 = arith.index_cast %get3A_1180 : i32 to index
      %get3A_1182 = arith.constant 32 : index
      %get3A_1183 = tpu.vector_load %arg15[%get3A_1181, %get3A_1182] {strides = array<i32>} : memref<24x128xf32, #tpu.memory_space<vmem>>, vector<1x16xf32>,
      %get3A_1184 = vector.shape_cast %get3A_1183 : vector<1x16xf32> to vector<16xf32>
      %get3A_1185 = arith.constant 6 : i32
      %get3A_1186 = arith.index_cast %get3A_1185 : i32 to index
      %get3A_1187 = arith.constant 32 : index
      %get3A_1188 = tpu.vector_load %arg16[%get3A_1186, %get3A_1187] {strides = array<i32>} : memref<24x128xf32, #tpu.memory_space<vmem>>, vector<1x16xf32>,
      %get3A_1189 = vector.shape_cast %get3A_1188 : vector<1x16xf32> to vector<16xf32>
      %add3A_1190 = arith.addf %get3A_1184, %get3A_1189 : vector<16xf32>
      %get3A_1191 = arith.constant 6 : i32
      %get3A_1192 = arith.index_cast %get3A_1191 : i32 to index
      %get3A_1193 = arith.constant 32 : index
      %get3A_1194 = tpu.vector_load %arg17[%get3A_1192, %get3A_1193] {strides = array<i32>} : memref<24x128xf32, #tpu.memory_space<vmem>>, vector<1x16xf32>,
      %get3A_1195 = vector.shape_cast %get3A_1194 : vector<1x16xf32> to vector<16xf32>
      %add3A_1196 = arith.addf %add3A_1190, %get3A_1195 : vector<16xf32>
      %swap3A_1197 = arith.constant 6 : i32
      %swap3A_1198 = arith.index_cast %swap3A_1197 : i32 to index
      %swap3A_1199 = arith.constant 32 : index
      %swap3A_1200 = tpu.vector_load %arg19[%swap3A_1198, %swap3A_1199] {strides = array<i32>} : memref<20x128xf32, #tpu.memory_space<vmem>>, vector<1x16xf32>,
      %swap3A_1201 = vector.shape_cast %swap3A_1200 : vector<1x16xf32> to vector<16xf32>
      %swap3A_1202 = vector.shape_cast %add3A_1196 : vector<16xf32> to vector<1x16xf32>
      tpu.vector_store %arg19[%swap3A_1198, %swap3A_1199], %swap3A_1202 {strides = array<i32>} : memref<20x128xf32, #tpu.memory_space<vmem>>, vector<1x16xf32>,
      %get3A_1203 = arith.constant 6 : i32
      %get3A_1204 = arith.index_cast %get3A_1203 : i32 to index
      %get3A_1205 = arith.constant 48 : index
      %get3A_1206 = tpu.vector_load %arg15[%get3A_1204, %get3A_1205] {strides = array<i32>} : memref<24x128xf32, #tpu.memory_space<vmem>>, vector<1x16xf32>,
      %get3A_1207 = vector.shape_cast %get3A_1206 : vector<1x16xf32> to vector<16xf32>
      %get3A_1208 = arith.constant 6 : i32
      %get3A_1209 = arith.index_cast %get3A_1208 : i32 to index
      %get3A_1210 = arith.constant 48 : index
      %get3A_1211 = tpu.vector_load %arg16[%get3A_1209, %get3A_1210] {strides = array<i32>} : memref<24x128xf32, #tpu.memory_space<vmem>>, vector<1x16xf32>,
      %get3A_1212 = vector.shape_cast %get3A_1211 : vector<1x16xf32> to vector<16xf32>
      %add3A_1213 = arith.addf %get3A_1207, %get3A_1212 : vector<16xf32>
      %get3A_1214 = arith.constant 6 : i32
      %get3A_1215 = arith.index_cast %get3A_1214 : i32 to index
      %get3A_1216 = arith.constant 48 : index
      %get3A_1217 = tpu.vector_load %arg17[%get3A_1215, %get3A_1216] {strides = array<i32>} : memref<24x128xf32, #tpu.memory_space<vmem>>, vector<1x16xf32>,
      %get3A_1218 = vector.shape_cast %get3A_1217 : vector<1x16xf32> to vector<16xf32>
      %add3A_1219 = arith.addf %add3A_1213, %get3A_1218 : vector<16xf32>
      %swap3A_1220 = arith.constant 6 : i32
      %swap3A_1221 = arith.index_cast %swap3A_1220 : i32 to index
      %swap3A_1222 = arith.constant 48 : index
      %swap3A_1223 = tpu.vector_load %arg19[%swap3A_1221, %swap3A_1222] {strides = array<i32>} : memref<20x128xf32, #tpu.memory_space<vmem>>, vector<1x16xf32>,
      %swap3A_1224 = vector.shape_cast %swap3A_1223 : vector<1x16xf32> to vector<16xf32>
      %swap3A_1225 = vector.shape_cast %add3A_1219 : vector<16xf32> to vector<1x16xf32>
      tpu.vector_store %arg19[%swap3A_1221, %swap3A_1222], %swap3A_1225 {strides = array<i32>} : memref<20x128xf32, #tpu.memory_space<vmem>>, vector<1x16xf32>,
      %get3A_1226 = arith.constant 6 : i32
      %get3A_1227 = arith.index_cast %get3A_1226 : i32 to index
      %get3A_1228 = arith.constant 64 : index
      %get3A_1229 = tpu.vector_load %arg15[%get3A_1227, %get3A_1228] {strides = array<i32>} : memref<24x128xf32, #tpu.memory_space<vmem>>, vector<1x16xf32>,
      %get3A_1230 = vector.shape_cast %get3A_1229 : vector<1x16xf32> to vector<16xf32>
      %get3A_1231 = arith.constant 6 : i32
      %get3A_1232 = arith.index_cast %get3A_1231 : i32 to index
      %get3A_1233 = arith.constant 64 : index
      %get3A_1234 = tpu.vector_load %arg16[%get3A_1232, %get3A_1233] {strides = array<i32>} : memref<24x128xf32, #tpu.memory_space<vmem>>, vector<1x16xf32>,
      %get3A_1235 = vector.shape_cast %get3A_1234 : vector<1x16xf32> to vector<16xf32>
      %add3A_1236 = arith.addf %get3A_1230, %get3A_1235 : vector<16xf32>
      %get3A_1237 = arith.constant 6 : i32
      %get3A_1238 = arith.index_cast %get3A_1237 : i32 to index
      %get3A_1239 = arith.constant 64 : index
      %get3A_1240 = tpu.vector_load %arg17[%get3A_1238, %get3A_1239] {strides = array<i32>} : memref<24x128xf32, #tpu.memory_space<vmem>>, vector<1x16xf32>,
      %get3A_1241 = vector.shape_cast %get3A_1240 : vector<1x16xf32> to vector<16xf32>
      %add3A_1242 = arith.addf %add3A_1236, %get3A_1241 : vector<16xf32>
      %swap3A_1243 = arith.constant 6 : i32
      %swap3A_1244 = arith.index_cast %swap3A_1243 : i32 to index
      %swap3A_1245 = arith.constant 64 : index
      %swap3A_1246 = tpu.vector_load %arg19[%swap3A_1244, %swap3A_1245] {strides = array<i32>} : memref<20x128xf32, #tpu.memory_space<vmem>>, vector<1x16xf32>,
      %swap3A_1247 = vector.shape_cast %swap3A_1246 : vector<1x16xf32> to vector<16xf32>
      %swap3A_1248 = vector.shape_cast %add3A_1242 : vector<16xf32> to vector<1x16xf32>
      tpu.vector_store %arg19[%swap3A_1244, %swap3A_1245], %swap3A_1248 {strides = array<i32>} : memref<20x128xf32, #tpu.memory_space<vmem>>, vector<1x16xf32>,
      %get3A_1249 = arith.constant 6 : i32
      %get3A_1250 = arith.index_cast %get3A_1249 : i32 to index
      %get3A_1251 = arith.constant 80 : index
      %get3A_1252 = tpu.vector_load %arg15[%get3A_1250, %get3A_1251] {strides = array<i32>} : memref<24x128xf32, #tpu.memory_space<vmem>>, vector<1x16xf32>,
      %get3A_1253 = vector.shape_cast %get3A_1252 : vector<1x16xf32> to vector<16xf32>
      %get3A_1254 = arith.constant 6 : i32
      %get3A_1255 = arith.index_cast %get3A_1254 : i32 to index
      %get3A_1256 = arith.constant 80 : index
      %get3A_1257 = tpu.vector_load %arg16[%get3A_1255, %get3A_1256] {strides = array<i32>} : memref<24x128xf32, #tpu.memory_space<vmem>>, vector<1x16xf32>,
      %get3A_1258 = vector.shape_cast %get3A_1257 : vector<1x16xf32> to vector<16xf32>
      %add3A_1259 = arith.addf %get3A_1253, %get3A_1258 : vector<16xf32>
      %get3A_1260 = arith.constant 6 : i32
      %get3A_1261 = arith.index_cast %get3A_1260 : i32 to index
      %get3A_1262 = arith.constant 80 : index
      %get3A_1263 = tpu.vector_load %arg17[%get3A_1261, %get3A_1262] {strides = array<i32>} : memref<24x128xf32, #tpu.memory_space<vmem>>, vector<1x16xf32>,
      %get3A_1264 = vector.shape_cast %get3A_1263 : vector<1x16xf32> to vector<16xf32>
      %add3A_1265 = arith.addf %add3A_1259, %get3A_1264 : vector<16xf32>
      %swap3A_1266 = arith.constant 6 : i32
      %swap3A_1267 = arith.index_cast %swap3A_1266 : i32 to index
      %swap3A_1268 = arith.constant 80 : index
      %swap3A_1269 = tpu.vector_load %arg19[%swap3A_1267, %swap3A_1268] {strides = array<i32>} : memref<20x128xf32, #tpu.memory_space<vmem>>, vector<1x16xf32>,
      %swap3A_1270 = vector.shape_cast %swap3A_1269 : vector<1x16xf32> to vector<16xf32>
      %swap3A_1271 = vector.shape_cast %add3A_1265 : vector<16xf32> to vector<1x16xf32>
      tpu.vector_store %arg19[%swap3A_1267, %swap3A_1268], %swap3A_1271 {strides = array<i32>} : memref<20x128xf32, #tpu.memory_space<vmem>>, vector<1x16xf32>,
      %get3A_1272 = arith.constant 6 : i32
      %get3A_1273 = arith.index_cast %get3A_1272 : i32 to index
      %get3A_1274 = arith.constant 96 : index
      %get3A_1275 = tpu.vector_load %arg15[%get3A_1273, %get3A_1274] {strides = array<i32>} : memref<24x128xf32, #tpu.memory_space<vmem>>, vector<1x16xf32>,
      %get3A_1276 = vector.shape_cast %get3A_1275 : vector<1x16xf32> to vector<16xf32>
      %get3A_1277 = arith.constant 6 : i32
      %get3A_1278 = arith.index_cast %get3A_1277 : i32 to index
      %get3A_1279 = arith.constant 96 : index
      %get3A_1280 = tpu.vector_load %arg16[%get3A_1278, %get3A_1279] {strides = array<i32>} : memref<24x128xf32, #tpu.memory_space<vmem>>, vector<1x16xf32>,
      %get3A_1281 = vector.shape_cast %get3A_1280 : vector<1x16xf32> to vector<16xf32>
      %add3A_1282 = arith.addf %get3A_1276, %get3A_1281 : vector<16xf32>
      %get3A_1283 = arith.constant 6 : i32
      %get3A_1284 = arith.index_cast %get3A_1283 : i32 to index
      %get3A_1285 = arith.constant 96 : index
      %get3A_1286 = tpu.vector_load %arg17[%get3A_1284, %get3A_1285] {strides = array<i32>} : memref<24x128xf32, #tpu.memory_space<vmem>>, vector<1x16xf32>,
      %get3A_1287 = vector.shape_cast %get3A_1286 : vector<1x16xf32> to vector<16xf32>
      %add3A_1288 = arith.addf %add3A_1282, %get3A_1287 : vector<16xf32>
      %swap3A_1289 = arith.constant 6 : i32
      %swap3A_1290 = arith.index_cast %swap3A_1289 : i32 to index
      %swap3A_1291 = arith.constant 96 : index
      %swap3A_1292 = tpu.vector_load %arg19[%swap3A_1290, %swap3A_1291] {strides = array<i32>} : memref<20x128xf32, #tpu.memory_space<vmem>>, vector<1x16xf32>,
      %swap3A_1293 = vector.shape_cast %swap3A_1292 : vector<1x16xf32> to vector<16xf32>
      %swap3A_1294 = vector.shape_cast %add3A_1288 : vector<16xf32> to vector<1x16xf32>
      tpu.vector_store %arg19[%swap3A_1290, %swap3A_1291], %swap3A_1294 {strides = array<i32>} : memref<20x128xf32, #tpu.memory_space<vmem>>, vector<1x16xf32>,
      %get3A_1295 = arith.constant 6 : i32
      %get3A_1296 = arith.index_cast %get3A_1295 : i32 to index
      %get3A_1297 = arith.constant 112 : index
      %get3A_1298 = tpu.vector_load %arg15[%get3A_1296, %get3A_1297] {strides = array<i32>} : memref<24x128xf32, #tpu.memory_space<vmem>>, vector<1x16xf32>,
      %get3A_1299 = vector.shape_cast %get3A_1298 : vector<1x16xf32> to vector<16xf32>
      %get3A_1300 = arith.constant 6 : i32
      %get3A_1301 = arith.index_cast %get3A_1300 : i32 to index
      %get3A_1302 = arith.constant 112 : index
      %get3A_1303 = tpu.vector_load %arg16[%get3A_1301, %get3A_1302] {strides = array<i32>} : memref<24x128xf32, #tpu.memory_space<vmem>>, vector<1x16xf32>,
      %get3A_1304 = vector.shape_cast %get3A_1303 : vector<1x16xf32> to vector<16xf32>
      %add3A_1305 = arith.addf %get3A_1299, %get3A_1304 : vector<16xf32>
      %get3A_1306 = arith.constant 6 : i32
      %get3A_1307 = arith.index_cast %get3A_1306 : i32 to index
      %get3A_1308 = arith.constant 112 : index
      %get3A_1309 = tpu.vector_load %arg17[%get3A_1307, %get3A_1308] {strides = array<i32>} : memref<24x128xf32, #tpu.memory_space<vmem>>, vector<1x16xf32>,
      %get3A_1310 = vector.shape_cast %get3A_1309 : vector<1x16xf32> to vector<16xf32>
      %add3A_1311 = arith.addf %add3A_1305, %get3A_1310 : vector<16xf32>
      %swap3A_1312 = arith.constant 6 : i32
      %swap3A_1313 = arith.index_cast %swap3A_1312 : i32 to index
      %swap3A_1314 = arith.constant 112 : index
      %swap3A_1315 = tpu.vector_load %arg19[%swap3A_1313, %swap3A_1314] {strides = array<i32>} : memref<20x128xf32, #tpu.memory_space<vmem>>, vector<1x16xf32>,
      %swap3A_1316 = vector.shape_cast %swap3A_1315 : vector<1x16xf32> to vector<16xf32>
      %swap3A_1317 = vector.shape_cast %add3A_1311 : vector<16xf32> to vector<1x16xf32>
      tpu.vector_store %arg19[%swap3A_1313, %swap3A_1314], %swap3A_1317 {strides = array<i32>} : memref<20x128xf32, #tpu.memory_space<vmem>>, vector<1x16xf32>,
      %get3A_1318 = arith.constant 7 : i32
      %get3A_1319 = arith.index_cast %get3A_1318 : i32 to index
      %get3A_1320 = arith.constant 0 : index
      %get3A_1321 = tpu.vector_load %arg15[%get3A_1319, %get3A_1320] {strides = array<i32>} : memref<24x128xf32, #tpu.memory_space<vmem>>, vector<1x16xf32>,
      %get3A_1322 = vector.shape_cast %get3A_1321 : vector<1x16xf32> to vector<16xf32>
      %get3A_1323 = arith.constant 7 : i32
      %get3A_1324 = arith.index_cast %get3A_1323 : i32 to index
      %get3A_1325 = arith.constant 0 : index
      %get3A_1326 = tpu.vector_load %arg16[%get3A_1324, %get3A_1325] {strides = array<i32>} : memref<24x128xf32, #tpu.memory_space<vmem>>, vector<1x16xf32>,
      %get3A_1327 = vector.shape_cast %get3A_1326 : vector<1x16xf32> to vector<16xf32>
      %add3A_1328 = arith.addf %get3A_1322, %get3A_1327 : vector<16xf32>
      %get3A_1329 = arith.constant 7 : i32
      %get3A_1330 = arith.index_cast %get3A_1329 : i32 to index
      %get3A_1331 = arith.constant 0 : index
      %get3A_1332 = tpu.vector_load %arg17[%get3A_1330, %get3A_1331] {strides = array<i32>} : memref<24x128xf32, #tpu.memory_space<vmem>>, vector<1x16xf32>,
      %get3A_1333 = vector.shape_cast %get3A_1332 : vector<1x16xf32> to vector<16xf32>
      %add3A_1334 = arith.addf %add3A_1328, %get3A_1333 : vector<16xf32>
      %swap3A_1335 = arith.constant 7 : i32
      %swap3A_1336 = arith.index_cast %swap3A_1335 : i32 to index
      %swap3A_1337 = arith.constant 0 : index
      %swap3A_1338 = tpu.vector_load %arg19[%swap3A_1336, %swap3A_1337] {strides = array<i32>} : memref<20x128xf32, #tpu.memory_space<vmem>>, vector<1x16xf32>,
      %swap3A_1339 = vector.shape_cast %swap3A_1338 : vector<1x16xf32> to vector<16xf32>
      %swap3A_1340 = vector.shape_cast %add3A_1334 : vector<16xf32> to vector<1x16xf32>
      tpu.vector_store %arg19[%swap3A_1336, %swap3A_1337], %swap3A_1340 {strides = array<i32>} : memref<20x128xf32, #tpu.memory_space<vmem>>, vector<1x16xf32>,
      %get3A_1341 = arith.constant 7 : i32
      %get3A_1342 = arith.index_cast %get3A_1341 : i32 to index
      %get3A_1343 = arith.constant 16 : index
      %get3A_1344 = tpu.vector_load %arg15[%get3A_1342, %get3A_1343] {strides = array<i32>} : memref<24x128xf32, #tpu.memory_space<vmem>>, vector<1x16xf32>,
      %get3A_1345 = vector.shape_cast %get3A_1344 : vector<1x16xf32> to vector<16xf32>
      %get3A_1346 = arith.constant 7 : i32
      %get3A_1347 = arith.index_cast %get3A_1346 : i32 to index
      %get3A_1348 = arith.constant 16 : index
      %get3A_1349 = tpu.vector_load %arg16[%get3A_1347, %get3A_1348] {strides = array<i32>} : memref<24x128xf32, #tpu.memory_space<vmem>>, vector<1x16xf32>,
      %get3A_1350 = vector.shape_cast %get3A_1349 : vector<1x16xf32> to vector<16xf32>
      %add3A_1351 = arith.addf %get3A_1345, %get3A_1350 : vector<16xf32>
      %get3A_1352 = arith.constant 7 : i32
      %get3A_1353 = arith.index_cast %get3A_1352 : i32 to index
      %get3A_1354 = arith.constant 16 : index
      %get3A_1355 = tpu.vector_load %arg17[%get3A_1353, %get3A_1354] {strides = array<i32>} : memref<24x128xf32, #tpu.memory_space<vmem>>, vector<1x16xf32>,
      %get3A_1356 = vector.shape_cast %get3A_1355 : vector<1x16xf32> to vector<16xf32>
      %add3A_1357 = arith.addf %add3A_1351, %get3A_1356 : vector<16xf32>
      %swap3A_1358 = arith.constant 7 : i32
      %swap3A_1359 = arith.index_cast %swap3A_1358 : i32 to index
      %swap3A_1360 = arith.constant 16 : index
      %swap3A_1361 = tpu.vector_load %arg19[%swap3A_1359, %swap3A_1360] {strides = array<i32>} : memref<20x128xf32, #tpu.memory_space<vmem>>, vector<1x16xf32>,
      %swap3A_1362 = vector.shape_cast %swap3A_1361 : vector<1x16xf32> to vector<16xf32>
      %swap3A_1363 = vector.shape_cast %add3A_1357 : vector<16xf32> to vector<1x16xf32>
      tpu.vector_store %arg19[%swap3A_1359, %swap3A_1360], %swap3A_1363 {strides = array<i32>} : memref<20x128xf32, #tpu.memory_space<vmem>>, vector<1x16xf32>,
      %get3A_1364 = arith.constant 7 : i32
      %get3A_1365 = arith.index_cast %get3A_1364 : i32 to index
      %get3A_1366 = arith.constant 32 : index
      %get3A_1367 = tpu.vector_load %arg15[%get3A_1365, %get3A_1366] {strides = array<i32>} : memref<24x128xf32, #tpu.memory_space<vmem>>, vector<1x16xf32>,
      %get3A_1368 = vector.shape_cast %get3A_1367 : vector<1x16xf32> to vector<16xf32>
      %get3A_1369 = arith.constant 7 : i32
      %get3A_1370 = arith.index_cast %get3A_1369 : i32 to index
      %get3A_1371 = arith.constant 32 : index
      %get3A_1372 = tpu.vector_load %arg16[%get3A_1370, %get3A_1371] {strides = array<i32>} : memref<24x128xf32, #tpu.memory_space<vmem>>, vector<1x16xf32>,
      %get3A_1373 = vector.shape_cast %get3A_1372 : vector<1x16xf32> to vector<16xf32>
      %add3A_1374 = arith.addf %get3A_1368, %get3A_1373 : vector<16xf32>
      %get3A_1375 = arith.constant 7 : i32
      %get3A_1376 = arith.index_cast %get3A_1375 : i32 to index
      %get3A_1377 = arith.constant 32 : index
      %get3A_1378 = tpu.vector_load %arg17[%get3A_1376, %get3A_1377] {strides = array<i32>} : memref<24x128xf32, #tpu.memory_space<vmem>>, vector<1x16xf32>,
      %get3A_1379 = vector.shape_cast %get3A_1378 : vector<1x16xf32> to vector<16xf32>
      %add3A_1380 = arith.addf %add3A_1374, %get3A_1379 : vector<16xf32>
      %swap3A_1381 = arith.constant 7 : i32
      %swap3A_1382 = arith.index_cast %swap3A_1381 : i32 to index
      %swap3A_1383 = arith.constant 32 : index
      %swap3A_1384 = tpu.vector_load %arg19[%swap3A_1382, %swap3A_1383] {strides = array<i32>} : memref<20x128xf32, #tpu.memory_space<vmem>>, vector<1x16xf32>,
      %swap3A_1385 = vector.shape_cast %swap3A_1384 : vector<1x16xf32> to vector<16xf32>
      %swap3A_1386 = vector.shape_cast %add3A_1380 : vector<16xf32> to vector<1x16xf32>
      tpu.vector_store %arg19[%swap3A_1382, %swap3A_1383], %swap3A_1386 {strides = array<i32>} : memref<20x128xf32, #tpu.memory_space<vmem>>, vector<1x16xf32>,
      %get3A_1387 = arith.constant 7 : i32
      %get3A_1388 = arith.index_cast %get3A_1387 : i32 to index
      %get3A_1389 = arith.constant 48 : index
      %get3A_1390 = tpu.vector_load %arg15[%get3A_1388, %get3A_1389] {strides = array<i32>} : memref<24x128xf32, #tpu.memory_space<vmem>>, vector<1x16xf32>,
      %get3A_1391 = vector.shape_cast %get3A_1390 : vector<1x16xf32> to vector<16xf32>
      %get3A_1392 = arith.constant 7 : i32
      %get3A_1393 = arith.index_cast %get3A_1392 : i32 to index
      %get3A_1394 = arith.constant 48 : index
      %get3A_1395 = tpu.vector_load %arg16[%get3A_1393, %get3A_1394] {strides = array<i32>} : memref<24x128xf32, #tpu.memory_space<vmem>>, vector<1x16xf32>,
      %get3A_1396 = vector.shape_cast %get3A_1395 : vector<1x16xf32> to vector<16xf32>
      %add3A_1397 = arith.addf %get3A_1391, %get3A_1396 : vector<16xf32>
      %get3A_1398 = arith.constant 7 : i32
      %get3A_1399 = arith.index_cast %get3A_1398 : i32 to index
      %get3A_1400 = arith.constant 48 : index
      %get3A_1401 = tpu.vector_load %arg17[%get3A_1399, %get3A_1400] {strides = array<i32>} : memref<24x128xf32, #tpu.memory_space<vmem>>, vector<1x16xf32>,
      %get3A_1402 = vector.shape_cast %get3A_1401 : vector<1x16xf32> to vector<16xf32>
      %add3A_1403 = arith.addf %add3A_1397, %get3A_1402 : vector<16xf32>
      %swap3A_1404 = arith.constant 7 : i32
      %swap3A_1405 = arith.index_cast %swap3A_1404 : i32 to index
      %swap3A_1406 = arith.constant 48 : index
      %swap3A_1407 = tpu.vector_load %arg19[%swap3A_1405, %swap3A_1406] {strides = array<i32>} : memref<20x128xf32, #tpu.memory_space<vmem>>, vector<1x16xf32>,
      %swap3A_1408 = vector.shape_cast %swap3A_1407 : vector<1x16xf32> to vector<16xf32>
      %swap3A_1409 = vector.shape_cast %add3A_1403 : vector<16xf32> to vector<1x16xf32>
      tpu.vector_store %arg19[%swap3A_1405, %swap3A_1406], %swap3A_1409 {strides = array<i32>} : memref<20x128xf32, #tpu.memory_space<vmem>>, vector<1x16xf32>,
      %get3A_1410 = arith.constant 7 : i32
      %get3A_1411 = arith.index_cast %get3A_1410 : i32 to index
      %get3A_1412 = arith.constant 64 : index
      %get3A_1413 = tpu.vector_load %arg15[%get3A_1411, %get3A_1412] {strides = array<i32>} : memref<24x128xf32, #tpu.memory_space<vmem>>, vector<1x16xf32>,
      %get3A_1414 = vector.shape_cast %get3A_1413 : vector<1x16xf32> to vector<16xf32>
      %get3A_1415 = arith.constant 7 : i32
      %get3A_1416 = arith.index_cast %get3A_1415 : i32 to index
      %get3A_1417 = arith.constant 64 : index
      %get3A_1418 = tpu.vector_load %arg16[%get3A_1416, %get3A_1417] {strides = array<i32>} : memref<24x128xf32, #tpu.memory_space<vmem>>, vector<1x16xf32>,
      %get3A_1419 = vector.shape_cast %get3A_1418 : vector<1x16xf32> to vector<16xf32>
      %add3A_1420 = arith.addf %get3A_1414, %get3A_1419 : vector<16xf32>
      %get3A_1421 = arith.constant 7 : i32
      %get3A_1422 = arith.index_cast %get3A_1421 : i32 to index
      %get3A_1423 = arith.constant 64 : index
      %get3A_1424 = tpu.vector_load %arg17[%get3A_1422, %get3A_1423] {strides = array<i32>} : memref<24x128xf32, #tpu.memory_space<vmem>>, vector<1x16xf32>,
      %get3A_1425 = vector.shape_cast %get3A_1424 : vector<1x16xf32> to vector<16xf32>
      %add3A_1426 = arith.addf %add3A_1420, %get3A_1425 : vector<16xf32>
      %swap3A_1427 = arith.constant 7 : i32
      %swap3A_1428 = arith.index_cast %swap3A_1427 : i32 to index
      %swap3A_1429 = arith.constant 64 : index
      %swap3A_1430 = tpu.vector_load %arg19[%swap3A_1428, %swap3A_1429] {strides = array<i32>} : memref<20x128xf32, #tpu.memory_space<vmem>>, vector<1x16xf32>,
      %swap3A_1431 = vector.shape_cast %swap3A_1430 : vector<1x16xf32> to vector<16xf32>
      %swap3A_1432 = vector.shape_cast %add3A_1426 : vector<16xf32> to vector<1x16xf32>
      tpu.vector_store %arg19[%swap3A_1428, %swap3A_1429], %swap3A_1432 {strides = array<i32>} : memref<20x128xf32, #tpu.memory_space<vmem>>, vector<1x16xf32>,
      %get3A_1433 = arith.constant 7 : i32
      %get3A_1434 = arith.index_cast %get3A_1433 : i32 to index
      %get3A_1435 = arith.constant 80 : index
      %get3A_1436 = tpu.vector_load %arg15[%get3A_1434, %get3A_1435] {strides = array<i32>} : memref<24x128xf32, #tpu.memory_space<vmem>>, vector<1x16xf32>,
      %get3A_1437 = vector.shape_cast %get3A_1436 : vector<1x16xf32> to vector<16xf32>
      %get3A_1438 = arith.constant 7 : i32
      %get3A_1439 = arith.index_cast %get3A_1438 : i32 to index
      %get3A_1440 = arith.constant 80 : index
      %get3A_1441 = tpu.vector_load %arg16[%get3A_1439, %get3A_1440] {strides = array<i32>} : memref<24x128xf32, #tpu.memory_space<vmem>>, vector<1x16xf32>,
      %get3A_1442 = vector.shape_cast %get3A_1441 : vector<1x16xf32> to vector<16xf32>
      %add3A_1443 = arith.addf %get3A_1437, %get3A_1442 : vector<16xf32>
      %get3A_1444 = arith.constant 7 : i32
      %get3A_1445 = arith.index_cast %get3A_1444 : i32 to index
      %get3A_1446 = arith.constant 80 : index
      %get3A_1447 = tpu.vector_load %arg17[%get3A_1445, %get3A_1446] {strides = array<i32>} : memref<24x128xf32, #tpu.memory_space<vmem>>, vector<1x16xf32>,
      %get3A_1448 = vector.shape_cast %get3A_1447 : vector<1x16xf32> to vector<16xf32>
      %add3A_1449 = arith.addf %add3A_1443, %get3A_1448 : vector<16xf32>
      %swap3A_1450 = arith.constant 7 : i32
      %swap3A_1451 = arith.index_cast %swap3A_1450 : i32 to index
      %swap3A_1452 = arith.constant 80 : index
      %swap3A_1453 = tpu.vector_load %arg19[%swap3A_1451, %swap3A_1452] {strides = array<i32>} : memref<20x128xf32, #tpu.memory_space<vmem>>, vector<1x16xf32>,
      %swap3A_1454 = vector.shape_cast %swap3A_1453 : vector<1x16xf32> to vector<16xf32>
      %swap3A_1455 = vector.shape_cast %add3A_1449 : vector<16xf32> to vector<1x16xf32>
      tpu.vector_store %arg19[%swap3A_1451, %swap3A_1452], %swap3A_1455 {strides = array<i32>} : memref<20x128xf32, #tpu.memory_space<vmem>>, vector<1x16xf32>,
      %get3A_1456 = arith.constant 7 : i32
      %get3A_1457 = arith.index_cast %get3A_1456 : i32 to index
      %get3A_1458 = arith.constant 96 : index
      %get3A_1459 = tpu.vector_load %arg15[%get3A_1457, %get3A_1458] {strides = array<i32>} : memref<24x128xf32, #tpu.memory_space<vmem>>, vector<1x16xf32>,
      %get3A_1460 = vector.shape_cast %get3A_1459 : vector<1x16xf32> to vector<16xf32>
      %get3A_1461 = arith.constant 7 : i32
      %get3A_1462 = arith.index_cast %get3A_1461 : i32 to index
      %get3A_1463 = arith.constant 96 : index
      %get3A_1464 = tpu.vector_load %arg16[%get3A_1462, %get3A_1463] {strides = array<i32>} : memref<24x128xf32, #tpu.memory_space<vmem>>, vector<1x16xf32>,
      %get3A_1465 = vector.shape_cast %get3A_1464 : vector<1x16xf32> to vector<16xf32>
      %add3A_1466 = arith.addf %get3A_1460, %get3A_1465 : vector<16xf32>
      %get3A_1467 = arith.constant 7 : i32
      %get3A_1468 = arith.index_cast %get3A_1467 : i32 to index
      %get3A_1469 = arith.constant 96 : index
      %get3A_1470 = tpu.vector_load %arg17[%get3A_1468, %get3A_1469] {strides = array<i32>} : memref<24x128xf32, #tpu.memory_space<vmem>>, vector<1x16xf32>,
      %get3A_1471 = vector.shape_cast %get3A_1470 : vector<1x16xf32> to vector<16xf32>
      %add3A_1472 = arith.addf %add3A_1466, %get3A_1471 : vector<16xf32>
      %swap3A_1473 = arith.constant 7 : i32
      %swap3A_1474 = arith.index_cast %swap3A_1473 : i32 to index
      %swap3A_1475 = arith.constant 96 : index
      %swap3A_1476 = tpu.vector_load %arg19[%swap3A_1474, %swap3A_1475] {strides = array<i32>} : memref<20x128xf32, #tpu.memory_space<vmem>>, vector<1x16xf32>,
      %swap3A_1477 = vector.shape_cast %swap3A_1476 : vector<1x16xf32> to vector<16xf32>
      %swap3A_1478 = vector.shape_cast %add3A_1472 : vector<16xf32> to vector<1x16xf32>
      tpu.vector_store %arg19[%swap3A_1474, %swap3A_1475], %swap3A_1478 {strides = array<i32>} : memref<20x128xf32, #tpu.memory_space<vmem>>, vector<1x16xf32>,
      %get3A_1479 = arith.constant 7 : i32
      %get3A_1480 = arith.index_cast %get3A_1479 : i32 to index
      %get3A_1481 = arith.constant 112 : index
      %get3A_1482 = tpu.vector_load %arg15[%get3A_1480, %get3A_1481] {strides = array<i32>} : memref<24x128xf32, #tpu.memory_space<vmem>>, vector<1x16xf32>,
      %get3A_1483 = vector.shape_cast %get3A_1482 : vector<1x16xf32> to vector<16xf32>
      %get3A_1484 = arith.constant 7 : i32
      %get3A_1485 = arith.index_cast %get3A_1484 : i32 to index
      %get3A_1486 = arith.constant 112 : index
      %get3A_1487 = tpu.vector_load %arg16[%get3A_1485, %get3A_1486] {strides = array<i32>} : memref<24x128xf32, #tpu.memory_space<vmem>>, vector<1x16xf32>,
      %get3A_1488 = vector.shape_cast %get3A_1487 : vector<1x16xf32> to vector<16xf32>
      %add3A_1489 = arith.addf %get3A_1483, %get3A_1488 : vector<16xf32>
      %get3A_1490 = arith.constant 7 : i32
      %get3A_1491 = arith.index_cast %get3A_1490 : i32 to index
      %get3A_1492 = arith.constant 112 : index
      %get3A_1493 = tpu.vector_load %arg17[%get3A_1491, %get3A_1492] {strides = array<i32>} : memref<24x128xf32, #tpu.memory_space<vmem>>, vector<1x16xf32>,
      %get3A_1494 = vector.shape_cast %get3A_1493 : vector<1x16xf32> to vector<16xf32>
      %add3A_1495 = arith.addf %add3A_1489, %get3A_1494 : vector<16xf32>
      %swap3A_1496 = arith.constant 7 : i32
      %swap3A_1497 = arith.index_cast %swap3A_1496 : i32 to index
      %swap3A_1498 = arith.constant 112 : index
      %swap3A_1499 = tpu.vector_load %arg19[%swap3A_1497, %swap3A_1498] {strides = array<i32>} : memref<20x128xf32, #tpu.memory_space<vmem>>, vector<1x16xf32>,
      %swap3A_1500 = vector.shape_cast %swap3A_1499 : vector<1x16xf32> to vector<16xf32>
      %swap3A_1501 = vector.shape_cast %add3A_1495 : vector<16xf32> to vector<1x16xf32>
      tpu.vector_store %arg19[%swap3A_1497, %swap3A_1498], %swap3A_1501 {strides = array<i32>} : memref<20x128xf32, #tpu.memory_space<vmem>>, vector<1x16xf32>,
      %get3A_1502 = arith.constant 8 : i32
      %get3A_1503 = arith.index_cast %get3A_1502 : i32 to index
      %get3A_1504 = arith.constant 0 : index
      %get3A_1505 = tpu.vector_load %arg15[%get3A_1503, %get3A_1504] {strides = array<i32>} : memref<24x128xf32, #tpu.memory_space<vmem>>, vector<1x16xf32>,
      %get3A_1506 = vector.shape_cast %get3A_1505 : vector<1x16xf32> to vector<16xf32>
      %get3A_1507 = arith.constant 8 : i32
      %get3A_1508 = arith.index_cast %get3A_1507 : i32 to index
      %get3A_1509 = arith.constant 0 : index
      %get3A_1510 = tpu.vector_load %arg16[%get3A_1508, %get3A_1509] {strides = array<i32>} : memref<24x128xf32, #tpu.memory_space<vmem>>, vector<1x16xf32>,
      %get3A_1511 = vector.shape_cast %get3A_1510 : vector<1x16xf32> to vector<16xf32>
      %add3A_1512 = arith.addf %get3A_1506, %get3A_1511 : vector<16xf32>
      %get3A_1513 = arith.constant 8 : i32
      %get3A_1514 = arith.index_cast %get3A_1513 : i32 to index
      %get3A_1515 = arith.constant 0 : index
      %get3A_1516 = tpu.vector_load %arg17[%get3A_1514, %get3A_1515] {strides = array<i32>} : memref<24x128xf32, #tpu.memory_space<vmem>>, vector<1x16xf32>,
      %get3A_1517 = vector.shape_cast %get3A_1516 : vector<1x16xf32> to vector<16xf32>
      %add3A_1518 = arith.addf %add3A_1512, %get3A_1517 : vector<16xf32>
      %swap3A_1519 = arith.constant 8 : i32
      %swap3A_1520 = arith.index_cast %swap3A_1519 : i32 to index
      %swap3A_1521 = arith.constant 0 : index
      %swap3A_1522 = tpu.vector_load %arg19[%swap3A_1520, %swap3A_1521] {strides = array<i32>} : memref<20x128xf32, #tpu.memory_space<vmem>>, vector<1x16xf32>,
      %swap3A_1523 = vector.shape_cast %swap3A_1522 : vector<1x16xf32> to vector<16xf32>
      %swap3A_1524 = vector.shape_cast %add3A_1518 : vector<16xf32> to vector<1x16xf32>
      tpu.vector_store %arg19[%swap3A_1520, %swap3A_1521], %swap3A_1524 {strides = array<i32>} : memref<20x128xf32, #tpu.memory_space<vmem>>, vector<1x16xf32>,
      %get3A_1525 = arith.constant 8 : i32
      %get3A_1526 = arith.index_cast %get3A_1525 : i32 to index
      %get3A_1527 = arith.constant 16 : index
      %get3A_1528 = tpu.vector_load %arg15[%get3A_1526, %get3A_1527] {strides = array<i32>} : memref<24x128xf32, #tpu.memory_space<vmem>>, vector<1x16xf32>,
      %get3A_1529 = vector.shape_cast %get3A_1528 : vector<1x16xf32> to vector<16xf32>
      %get3A_1530 = arith.constant 8 : i32
      %get3A_1531 = arith.index_cast %get3A_1530 : i32 to index
      %get3A_1532 = arith.constant 16 : index
      %get3A_1533 = tpu.vector_load %arg16[%get3A_1531, %get3A_1532] {strides = array<i32>} : memref<24x128xf32, #tpu.memory_space<vmem>>, vector<1x16xf32>,
      %get3A_1534 = vector.shape_cast %get3A_1533 : vector<1x16xf32> to vector<16xf32>
      %add3A_1535 = arith.addf %get3A_1529, %get3A_1534 : vector<16xf32>
      %get3A_1536 = arith.constant 8 : i32
      %get3A_1537 = arith.index_cast %get3A_1536 : i32 to index
      %get3A_1538 = arith.constant 16 : index
      %get3A_1539 = tpu.vector_load %arg17[%get3A_1537, %get3A_1538] {strides = array<i32>} : memref<24x128xf32, #tpu.memory_space<vmem>>, vector<1x16xf32>,
      %get3A_1540 = vector.shape_cast %get3A_1539 : vector<1x16xf32> to vector<16xf32>
      %add3A_1541 = arith.addf %add3A_1535, %get3A_1540 : vector<16xf32>
      %swap3A_1542 = arith.constant 8 : i32
      %swap3A_1543 = arith.index_cast %swap3A_1542 : i32 to index
      %swap3A_1544 = arith.constant 16 : index
      %swap3A_1545 = tpu.vector_load %arg19[%swap3A_1543, %swap3A_1544] {strides = array<i32>} : memref<20x128xf32, #tpu.memory_space<vmem>>, vector<1x16xf32>,
      %swap3A_1546 = vector.shape_cast %swap3A_1545 : vector<1x16xf32> to vector<16xf32>
      %swap3A_1547 = vector.shape_cast %add3A_1541 : vector<16xf32> to vector<1x16xf32>
      tpu.vector_store %arg19[%swap3A_1543, %swap3A_1544], %swap3A_1547 {strides = array<i32>} : memref<20x128xf32, #tpu.memory_space<vmem>>, vector<1x16xf32>,
      %get3A_1548 = arith.constant 8 : i32
      %get3A_1549 = arith.index_cast %get3A_1548 : i32 to index
      %get3A_1550 = arith.constant 32 : index
      %get3A_1551 = tpu.vector_load %arg15[%get3A_1549, %get3A_1550] {strides = array<i32>} : memref<24x128xf32, #tpu.memory_space<vmem>>, vector<1x16xf32>,
      %get3A_1552 = vector.shape_cast %get3A_1551 : vector<1x16xf32> to vector<16xf32>
      %get3A_1553 = arith.constant 8 : i32
      %get3A_1554 = arith.index_cast %get3A_1553 : i32 to index
      %get3A_1555 = arith.constant 32 : index
      %get3A_1556 = tpu.vector_load %arg16[%get3A_1554, %get3A_1555] {strides = array<i32>} : memref<24x128xf32, #tpu.memory_space<vmem>>, vector<1x16xf32>,
      %get3A_1557 = vector.shape_cast %get3A_1556 : vector<1x16xf32> to vector<16xf32>
      %add3A_1558 = arith.addf %get3A_1552, %get3A_1557 : vector<16xf32>
      %get3A_1559 = arith.constant 8 : i32
      %get3A_1560 = arith.index_cast %get3A_1559 : i32 to index
      %get3A_1561 = arith.constant 32 : index
      %get3A_1562 = tpu.vector_load %arg17[%get3A_1560, %get3A_1561] {strides = array<i32>} : memref<24x128xf32, #tpu.memory_space<vmem>>, vector<1x16xf32>,
      %get3A_1563 = vector.shape_cast %get3A_1562 : vector<1x16xf32> to vector<16xf32>
      %add3A_1564 = arith.addf %add3A_1558, %get3A_1563 : vector<16xf32>
      %swap3A_1565 = arith.constant 8 : i32
      %swap3A_1566 = arith.index_cast %swap3A_1565 : i32 to index
      %swap3A_1567 = arith.constant 32 : index
      %swap3A_1568 = tpu.vector_load %arg19[%swap3A_1566, %swap3A_1567] {strides = array<i32>} : memref<20x128xf32, #tpu.memory_space<vmem>>, vector<1x16xf32>,
      %swap3A_1569 = vector.shape_cast %swap3A_1568 : vector<1x16xf32> to vector<16xf32>
      %swap3A_1570 = vector.shape_cast %add3A_1564 : vector<16xf32> to vector<1x16xf32>
      tpu.vector_store %arg19[%swap3A_1566, %swap3A_1567], %swap3A_1570 {strides = array<i32>} : memref<20x128xf32, #tpu.memory_space<vmem>>, vector<1x16xf32>,
      %get3A_1571 = arith.constant 8 : i32
      %get3A_1572 = arith.index_cast %get3A_1571 : i32 to index
      %get3A_1573 = arith.constant 48 : index
      %get3A_1574 = tpu.vector_load %arg15[%get3A_1572, %get3A_1573] {strides = array<i32>} : memref<24x128xf32, #tpu.memory_space<vmem>>, vector<1x16xf32>,
      %get3A_1575 = vector.shape_cast %get3A_1574 : vector<1x16xf32> to vector<16xf32>
      %get3A_1576 = arith.constant 8 : i32
      %get3A_1577 = arith.index_cast %get3A_1576 : i32 to index
      %get3A_1578 = arith.constant 48 : index
      %get3A_1579 = tpu.vector_load %arg16[%get3A_1577, %get3A_1578] {strides = array<i32>} : memref<24x128xf32, #tpu.memory_space<vmem>>, vector<1x16xf32>,
      %get3A_1580 = vector.shape_cast %get3A_1579 : vector<1x16xf32> to vector<16xf32>
      %add3A_1581 = arith.addf %get3A_1575, %get3A_1580 : vector<16xf32>
      %get3A_1582 = arith.constant 8 : i32
      %get3A_1583 = arith.index_cast %get3A_1582 : i32 to index
      %get3A_1584 = arith.constant 48 : index
      %get3A_1585 = tpu.vector_load %arg17[%get3A_1583, %get3A_1584] {strides = array<i32>} : memref<24x128xf32, #tpu.memory_space<vmem>>, vector<1x16xf32>,
      %get3A_1586 = vector.shape_cast %get3A_1585 : vector<1x16xf32> to vector<16xf32>
      %add3A_1587 = arith.addf %add3A_1581, %get3A_1586 : vector<16xf32>
      %swap3A_1588 = arith.constant 8 : i32
      %swap3A_1589 = arith.index_cast %swap3A_1588 : i32 to index
      %swap3A_1590 = arith.constant 48 : index
      %swap3A_1591 = tpu.vector_load %arg19[%swap3A_1589, %swap3A_1590] {strides = array<i32>} : memref<20x128xf32, #tpu.memory_space<vmem>>, vector<1x16xf32>,
      %swap3A_1592 = vector.shape_cast %swap3A_1591 : vector<1x16xf32> to vector<16xf32>
      %swap3A_1593 = vector.shape_cast %add3A_1587 : vector<16xf32> to vector<1x16xf32>
      tpu.vector_store %arg19[%swap3A_1589, %swap3A_1590], %swap3A_1593 {strides = array<i32>} : memref<20x128xf32, #tpu.memory_space<vmem>>, vector<1x16xf32>,
      %get3A_1594 = arith.constant 8 : i32
      %get3A_1595 = arith.index_cast %get3A_1594 : i32 to index
      %get3A_1596 = arith.constant 64 : index
      %get3A_1597 = tpu.vector_load %arg15[%get3A_1595, %get3A_1596] {strides = array<i32>} : memref<24x128xf32, #tpu.memory_space<vmem>>, vector<1x16xf32>,
      %get3A_1598 = vector.shape_cast %get3A_1597 : vector<1x16xf32> to vector<16xf32>
      %get3A_1599 = arith.constant 8 : i32
      %get3A_1600 = arith.index_cast %get3A_1599 : i32 to index
      %get3A_1601 = arith.constant 64 : index
      %get3A_1602 = tpu.vector_load %arg16[%get3A_1600, %get3A_1601] {strides = array<i32>} : memref<24x128xf32, #tpu.memory_space<vmem>>, vector<1x16xf32>,
      %get3A_1603 = vector.shape_cast %get3A_1602 : vector<1x16xf32> to vector<16xf32>
      %add3A_1604 = arith.addf %get3A_1598, %get3A_1603 : vector<16xf32>
      %get3A_1605 = arith.constant 8 : i32
      %get3A_1606 = arith.index_cast %get3A_1605 : i32 to index
      %get3A_1607 = arith.constant 64 : index
      %get3A_1608 = tpu.vector_load %arg17[%get3A_1606, %get3A_1607] {strides = array<i32>} : memref<24x128xf32, #tpu.memory_space<vmem>>, vector<1x16xf32>,
      %get3A_1609 = vector.shape_cast %get3A_1608 : vector<1x16xf32> to vector<16xf32>
      %add3A_1610 = arith.addf %add3A_1604, %get3A_1609 : vector<16xf32>
      %swap3A_1611 = arith.constant 8 : i32
      %swap3A_1612 = arith.index_cast %swap3A_1611 : i32 to index
      %swap3A_1613 = arith.constant 64 : index
      %swap3A_1614 = tpu.vector_load %arg19[%swap3A_1612, %swap3A_1613] {strides = array<i32>} : memref<20x128xf32, #tpu.memory_space<vmem>>, vector<1x16xf32>,
      %swap3A_1615 = vector.shape_cast %swap3A_1614 : vector<1x16xf32> to vector<16xf32>
      %swap3A_1616 = vector.shape_cast %add3A_1610 : vector<16xf32> to vector<1x16xf32>
      tpu.vector_store %arg19[%swap3A_1612, %swap3A_1613], %swap3A_1616 {strides = array<i32>} : memref<20x128xf32, #tpu.memory_space<vmem>>, vector<1x16xf32>,
      %get3A_1617 = arith.constant 8 : i32
      %get3A_1618 = arith.index_cast %get3A_1617 : i32 to index
      %get3A_1619 = arith.constant 80 : index
      %get3A_1620 = tpu.vector_load %arg15[%get3A_1618, %get3A_1619] {strides = array<i32>} : memref<24x128xf32, #tpu.memory_space<vmem>>, vector<1x16xf32>,
      %get3A_1621 = vector.shape_cast %get3A_1620 : vector<1x16xf32> to vector<16xf32>
      %get3A_1622 = arith.constant 8 : i32
      %get3A_1623 = arith.index_cast %get3A_1622 : i32 to index
      %get3A_1624 = arith.constant 80 : index
      %get3A_1625 = tpu.vector_load %arg16[%get3A_1623, %get3A_1624] {strides = array<i32>} : memref<24x128xf32, #tpu.memory_space<vmem>>, vector<1x16xf32>,
      %get3A_1626 = vector.shape_cast %get3A_1625 : vector<1x16xf32> to vector<16xf32>
      %add3A_1627 = arith.addf %get3A_1621, %get3A_1626 : vector<16xf32>
      %get3A_1628 = arith.constant 8 : i32
      %get3A_1629 = arith.index_cast %get3A_1628 : i32 to index
      %get3A_1630 = arith.constant 80 : index
      %get3A_1631 = tpu.vector_load %arg17[%get3A_1629, %get3A_1630] {strides = array<i32>} : memref<24x128xf32, #tpu.memory_space<vmem>>, vector<1x16xf32>,
      %get3A_1632 = vector.shape_cast %get3A_1631 : vector<1x16xf32> to vector<16xf32>
      %add3A_1633 = arith.addf %add3A_1627, %get3A_1632 : vector<16xf32>
      %swap3A_1634 = arith.constant 8 : i32
      %swap3A_1635 = arith.index_cast %swap3A_1634 : i32 to index
      %swap3A_1636 = arith.constant 80 : index
      %swap3A_1637 = tpu.vector_load %arg19[%swap3A_1635, %swap3A_1636] {strides = array<i32>} : memref<20x128xf32, #tpu.memory_space<vmem>>, vector<1x16xf32>,
      %swap3A_1638 = vector.shape_cast %swap3A_1637 : vector<1x16xf32> to vector<16xf32>
      %swap3A_1639 = vector.shape_cast %add3A_1633 : vector<16xf32> to vector<1x16xf32>
      tpu.vector_store %arg19[%swap3A_1635, %swap3A_1636], %swap3A_1639 {strides = array<i32>} : memref<20x128xf32, #tpu.memory_space<vmem>>, vector<1x16xf32>,
      %get3A_1640 = arith.constant 8 : i32
      %get3A_1641 = arith.index_cast %get3A_1640 : i32 to index
      %get3A_1642 = arith.constant 96 : index
      %get3A_1643 = tpu.vector_load %arg15[%get3A_1641, %get3A_1642] {strides = array<i32>} : memref<24x128xf32, #tpu.memory_space<vmem>>, vector<1x16xf32>,
      %get3A_1644 = vector.shape_cast %get3A_1643 : vector<1x16xf32> to vector<16xf32>
      %get3A_1645 = arith.constant 8 : i32
      %get3A_1646 = arith.index_cast %get3A_1645 : i32 to index
      %get3A_1647 = arith.constant 96 : index
      %get3A_1648 = tpu.vector_load %arg16[%get3A_1646, %get3A_1647] {strides = array<i32>} : memref<24x128xf32, #tpu.memory_space<vmem>>, vector<1x16xf32>,
      %get3A_1649 = vector.shape_cast %get3A_1648 : vector<1x16xf32> to vector<16xf32>
      %add3A_1650 = arith.addf %get3A_1644, %get3A_1649 : vector<16xf32>
      %get3A_1651 = arith.constant 8 : i32
      %get3A_1652 = arith.index_cast %get3A_1651 : i32 to index
      %get3A_1653 = arith.constant 96 : index
      %get3A_1654 = tpu.vector_load %arg17[%get3A_1652, %get3A_1653] {strides = array<i32>} : memref<24x128xf32, #tpu.memory_space<vmem>>, vector<1x16xf32>,
      %get3A_1655 = vector.shape_cast %get3A_1654 : vector<1x16xf32> to vector<16xf32>
      %add3A_1656 = arith.addf %add3A_1650, %get3A_1655 : vector<16xf32>
      %swap3A_1657 = arith.constant 8 : i32
      %swap3A_1658 = arith.index_cast %swap3A_1657 : i32 to index
      %swap3A_1659 = arith.constant 96 : index
      %swap3A_1660 = tpu.vector_load %arg19[%swap3A_1658, %swap3A_1659] {strides = array<i32>} : memref<20x128xf32, #tpu.memory_space<vmem>>, vector<1x16xf32>,
      %swap3A_1661 = vector.shape_cast %swap3A_1660 : vector<1x16xf32> to vector<16xf32>
      %swap3A_1662 = vector.shape_cast %add3A_1656 : vector<16xf32> to vector<1x16xf32>
      tpu.vector_store %arg19[%swap3A_1658, %swap3A_1659], %swap3A_1662 {strides = array<i32>} : memref<20x128xf32, #tpu.memory_space<vmem>>, vector<1x16xf32>,
      %get3A_1663 = arith.constant 8 : i32
      %get3A_1664 = arith.index_cast %get3A_1663 : i32 to index
      %get3A_1665 = arith.constant 112 : index
      %get3A_1666 = tpu.vector_load %arg15[%get3A_1664, %get3A_1665] {strides = array<i32>} : memref<24x128xf32, #tpu.memory_space<vmem>>, vector<1x16xf32>,
      %get3A_1667 = vector.shape_cast %get3A_1666 : vector<1x16xf32> to vector<16xf32>
      %get3A_1668 = arith.constant 8 : i32
      %get3A_1669 = arith.index_cast %get3A_1668 : i32 to index
      %get3A_1670 = arith.constant 112 : index
      %get3A_1671 = tpu.vector_load %arg16[%get3A_1669, %get3A_1670] {strides = array<i32>} : memref<24x128xf32, #tpu.memory_space<vmem>>, vector<1x16xf32>,
      %get3A_1672 = vector.shape_cast %get3A_1671 : vector<1x16xf32> to vector<16xf32>
      %add3A_1673 = arith.addf %get3A_1667, %get3A_1672 : vector<16xf32>
      %get3A_1674 = arith.constant 8 : i32
      %get3A_1675 = arith.index_cast %get3A_1674 : i32 to index
      %get3A_1676 = arith.constant 112 : index
      %get3A_1677 = tpu.vector_load %arg17[%get3A_1675, %get3A_1676] {strides = array<i32>} : memref<24x128xf32, #tpu.memory_space<vmem>>, vector<1x16xf32>,
      %get3A_1678 = vector.shape_cast %get3A_1677 : vector<1x16xf32> to vector<16xf32>
      %add3A_1679 = arith.addf %add3A_1673, %get3A_1678 : vector<16xf32>
      %swap3A_1680 = arith.constant 8 : i32
      %swap3A_1681 = arith.index_cast %swap3A_1680 : i32 to index
      %swap3A_1682 = arith.constant 112 : index
      %swap3A_1683 = tpu.vector_load %arg19[%swap3A_1681, %swap3A_1682] {strides = array<i32>} : memref<20x128xf32, #tpu.memory_space<vmem>>, vector<1x16xf32>,
      %swap3A_1684 = vector.shape_cast %swap3A_1683 : vector<1x16xf32> to vector<16xf32>
      %swap3A_1685 = vector.shape_cast %add3A_1679 : vector<16xf32> to vector<1x16xf32>
      tpu.vector_store %arg19[%swap3A_1681, %swap3A_1682], %swap3A_1685 {strides = array<i32>} : memref<20x128xf32, #tpu.memory_space<vmem>>, vector<1x16xf32>,
      %get3A_1686 = arith.constant 9 : i32
      %get3A_1687 = arith.index_cast %get3A_1686 : i32 to index
      %get3A_1688 = arith.constant 0 : index
      %get3A_1689 = tpu.vector_load %arg15[%get3A_1687, %get3A_1688] {strides = array<i32>} : memref<24x128xf32, #tpu.memory_space<vmem>>, vector<1x16xf32>,
      %get3A_1690 = vector.shape_cast %get3A_1689 : vector<1x16xf32> to vector<16xf32>
      %get3A_1691 = arith.constant 9 : i32
      %get3A_1692 = arith.index_cast %get3A_1691 : i32 to index
      %get3A_1693 = arith.constant 0 : index
      %get3A_1694 = tpu.vector_load %arg16[%get3A_1692, %get3A_1693] {strides = array<i32>} : memref<24x128xf32, #tpu.memory_space<vmem>>, vector<1x16xf32>,
      %get3A_1695 = vector.shape_cast %get3A_1694 : vector<1x16xf32> to vector<16xf32>
      %add3A_1696 = arith.addf %get3A_1690, %get3A_1695 : vector<16xf32>
      %get3A_1697 = arith.constant 9 : i32
      %get3A_1698 = arith.index_cast %get3A_1697 : i32 to index
      %get3A_1699 = arith.constant 0 : index
      %get3A_1700 = tpu.vector_load %arg17[%get3A_1698, %get3A_1699] {strides = array<i32>} : memref<24x128xf32, #tpu.memory_space<vmem>>, vector<1x16xf32>,
      %get3A_1701 = vector.shape_cast %get3A_1700 : vector<1x16xf32> to vector<16xf32>
      %add3A_1702 = arith.addf %add3A_1696, %get3A_1701 : vector<16xf32>
      %swap3A_1703 = arith.constant 9 : i32
      %swap3A_1704 = arith.index_cast %swap3A_1703 : i32 to index
      %swap3A_1705 = arith.constant 0 : index
      %swap3A_1706 = tpu.vector_load %arg19[%swap3A_1704, %swap3A_1705] {strides = array<i32>} : memref<20x128xf32, #tpu.memory_space<vmem>>, vector<1x16xf32>,
      %swap3A_1707 = vector.shape_cast %swap3A_1706 : vector<1x16xf32> to vector<16xf32>
      %swap3A_1708 = vector.shape_cast %add3A_1702 : vector<16xf32> to vector<1x16xf32>
      tpu.vector_store %arg19[%swap3A_1704, %swap3A_1705], %swap3A_1708 {strides = array<i32>} : memref<20x128xf32, #tpu.memory_space<vmem>>, vector<1x16xf32>,
      %get3A_1709 = arith.constant 9 : i32
      %get3A_1710 = arith.index_cast %get3A_1709 : i32 to index
      %get3A_1711 = arith.constant 16 : index
      %get3A_1712 = tpu.vector_load %arg15[%get3A_1710, %get3A_1711] {strides = array<i32>} : memref<24x128xf32, #tpu.memory_space<vmem>>, vector<1x16xf32>,
      %get3A_1713 = vector.shape_cast %get3A_1712 : vector<1x16xf32> to vector<16xf32>
      %get3A_1714 = arith.constant 9 : i32
      %get3A_1715 = arith.index_cast %get3A_1714 : i32 to index
      %get3A_1716 = arith.constant 16 : index
      %get3A_1717 = tpu.vector_load %arg16[%get3A_1715, %get3A_1716] {strides = array<i32>} : memref<24x128xf32, #tpu.memory_space<vmem>>, vector<1x16xf32>,
      %get3A_1718 = vector.shape_cast %get3A_1717 : vector<1x16xf32> to vector<16xf32>
      %add3A_1719 = arith.addf %get3A_1713, %get3A_1718 : vector<16xf32>
      %get3A_1720 = arith.constant 9 : i32
      %get3A_1721 = arith.index_cast %get3A_1720 : i32 to index
      %get3A_1722 = arith.constant 16 : index
      %get3A_1723 = tpu.vector_load %arg17[%get3A_1721, %get3A_1722] {strides = array<i32>} : memref<24x128xf32, #tpu.memory_space<vmem>>, vector<1x16xf32>,
      %get3A_1724 = vector.shape_cast %get3A_1723 : vector<1x16xf32> to vector<16xf32>
      %add3A_1725 = arith.addf %add3A_1719, %get3A_1724 : vector<16xf32>
      %swap3A_1726 = arith.constant 9 : i32
      %swap3A_1727 = arith.index_cast %swap3A_1726 : i32 to index
      %swap3A_1728 = arith.constant 16 : index
      %swap3A_1729 = tpu.vector_load %arg19[%swap3A_1727, %swap3A_1728] {strides = array<i32>} : memref<20x128xf32, #tpu.memory_space<vmem>>, vector<1x16xf32>,
      %swap3A_1730 = vector.shape_cast %swap3A_1729 : vector<1x16xf32> to vector<16xf32>
      %swap3A_1731 = vector.shape_cast %add3A_1725 : vector<16xf32> to vector<1x16xf32>
      tpu.vector_store %arg19[%swap3A_1727, %swap3A_1728], %swap3A_1731 {strides = array<i32>} : memref<20x128xf32, #tpu.memory_space<vmem>>, vector<1x16xf32>,
      %get3A_1732 = arith.constant 9 : i32
      %get3A_1733 = arith.index_cast %get3A_1732 : i32 to index
      %get3A_1734 = arith.constant 32 : index
      %get3A_1735 = tpu.vector_load %arg15[%get3A_1733, %get3A_1734] {strides = array<i32>} : memref<24x128xf32, #tpu.memory_space<vmem>>, vector<1x16xf32>,
      %get3A_1736 = vector.shape_cast %get3A_1735 : vector<1x16xf32> to vector<16xf32>
      %get3A_1737 = arith.constant 9 : i32
      %get3A_1738 = arith.index_cast %get3A_1737 : i32 to index
      %get3A_1739 = arith.constant 32 : index
      %get3A_1740 = tpu.vector_load %arg16[%get3A_1738, %get3A_1739] {strides = array<i32>} : memref<24x128xf32, #tpu.memory_space<vmem>>, vector<1x16xf32>,
      %get3A_1741 = vector.shape_cast %get3A_1740 : vector<1x16xf32> to vector<16xf32>
      %add3A_1742 = arith.addf %get3A_1736, %get3A_1741 : vector<16xf32>
      %get3A_1743 = arith.constant 9 : i32
      %get3A_1744 = arith.index_cast %get3A_1743 : i32 to index
      %get3A_1745 = arith.constant 32 : index
      %get3A_1746 = tpu.vector_load %arg17[%get3A_1744, %get3A_1745] {strides = array<i32>} : memref<24x128xf32, #tpu.memory_space<vmem>>, vector<1x16xf32>,
      %get3A_1747 = vector.shape_cast %get3A_1746 : vector<1x16xf32> to vector<16xf32>
      %add3A_1748 = arith.addf %add3A_1742, %get3A_1747 : vector<16xf32>
      %swap3A_1749 = arith.constant 9 : i32
      %swap3A_1750 = arith.index_cast %swap3A_1749 : i32 to index
      %swap3A_1751 = arith.constant 32 : index
      %swap3A_1752 = tpu.vector_load %arg19[%swap3A_1750, %swap3A_1751] {strides = array<i32>} : memref<20x128xf32, #tpu.memory_space<vmem>>, vector<1x16xf32>,
      %swap3A_1753 = vector.shape_cast %swap3A_1752 : vector<1x16xf32> to vector<16xf32>
      %swap3A_1754 = vector.shape_cast %add3A_1748 : vector<16xf32> to vector<1x16xf32>
      tpu.vector_store %arg19[%swap3A_1750, %swap3A_1751], %swap3A_1754 {strides = array<i32>} : memref<20x128xf32, #tpu.memory_space<vmem>>, vector<1x16xf32>,
      %get3A_1755 = arith.constant 9 : i32
      %get3A_1756 = arith.index_cast %get3A_1755 : i32 to index
      %get3A_1757 = arith.constant 48 : index
      %get3A_1758 = tpu.vector_load %arg15[%get3A_1756, %get3A_1757] {strides = array<i32>} : memref<24x128xf32, #tpu.memory_space<vmem>>, vector<1x16xf32>,
      %get3A_1759 = vector.shape_cast %get3A_1758 : vector<1x16xf32> to vector<16xf32>
      %get3A_1760 = arith.constant 9 : i32
      %get3A_1761 = arith.index_cast %get3A_1760 : i32 to index
      %get3A_1762 = arith.constant 48 : index
      %get3A_1763 = tpu.vector_load %arg16[%get3A_1761, %get3A_1762] {strides = array<i32>} : memref<24x128xf32, #tpu.memory_space<vmem>>, vector<1x16xf32>,
      %get3A_1764 = vector.shape_cast %get3A_1763 : vector<1x16xf32> to vector<16xf32>
      %add3A_1765 = arith.addf %get3A_1759, %get3A_1764 : vector<16xf32>
      %get3A_1766 = arith.constant 9 : i32
      %get3A_1767 = arith.index_cast %get3A_1766 : i32 to index
      %get3A_1768 = arith.constant 48 : index
      %get3A_1769 = tpu.vector_load %arg17[%get3A_1767, %get3A_1768] {strides = array<i32>} : memref<24x128xf32, #tpu.memory_space<vmem>>, vector<1x16xf32>,
      %get3A_1770 = vector.shape_cast %get3A_1769 : vector<1x16xf32> to vector<16xf32>
      %add3A_1771 = arith.addf %add3A_1765, %get3A_1770 : vector<16xf32>
      %swap3A_1772 = arith.constant 9 : i32
      %swap3A_1773 = arith.index_cast %swap3A_1772 : i32 to index
      %swap3A_1774 = arith.constant 48 : index
      %swap3A_1775 = tpu.vector_load %arg19[%swap3A_1773, %swap3A_1774] {strides = array<i32>} : memref<20x128xf32, #tpu.memory_space<vmem>>, vector<1x16xf32>,
      %swap3A_1776 = vector.shape_cast %swap3A_1775 : vector<1x16xf32> to vector<16xf32>
      %swap3A_1777 = vector.shape_cast %add3A_1771 : vector<16xf32> to vector<1x16xf32>
      tpu.vector_store %arg19[%swap3A_1773, %swap3A_1774], %swap3A_1777 {strides = array<i32>} : memref<20x128xf32, #tpu.memory_space<vmem>>, vector<1x16xf32>,
      %get3A_1778 = arith.constant 9 : i32
      %get3A_1779 = arith.index_cast %get3A_1778 : i32 to index
      %get3A_1780 = arith.constant 64 : index
      %get3A_1781 = tpu.vector_load %arg15[%get3A_1779, %get3A_1780] {strides = array<i32>} : memref<24x128xf32, #tpu.memory_space<vmem>>, vector<1x16xf32>,
      %get3A_1782 = vector.shape_cast %get3A_1781 : vector<1x16xf32> to vector<16xf32>
      %get3A_1783 = arith.constant 9 : i32
      %get3A_1784 = arith.index_cast %get3A_1783 : i32 to index
      %get3A_1785 = arith.constant 64 : index
      %get3A_1786 = tpu.vector_load %arg16[%get3A_1784, %get3A_1785] {strides = array<i32>} : memref<24x128xf32, #tpu.memory_space<vmem>>, vector<1x16xf32>,
      %get3A_1787 = vector.shape_cast %get3A_1786 : vector<1x16xf32> to vector<16xf32>
      %add3A_1788 = arith.addf %get3A_1782, %get3A_1787 : vector<16xf32>
      %get3A_1789 = arith.constant 9 : i32
      %get3A_1790 = arith.index_cast %get3A_1789 : i32 to index
      %get3A_1791 = arith.constant 64 : index
      %get3A_1792 = tpu.vector_load %arg17[%get3A_1790, %get3A_1791] {strides = array<i32>} : memref<24x128xf32, #tpu.memory_space<vmem>>, vector<1x16xf32>,
      %get3A_1793 = vector.shape_cast %get3A_1792 : vector<1x16xf32> to vector<16xf32>
      %add3A_1794 = arith.addf %add3A_1788, %get3A_1793 : vector<16xf32>
      %swap3A_1795 = arith.constant 9 : i32
      %swap3A_1796 = arith.index_cast %swap3A_1795 : i32 to index
      %swap3A_1797 = arith.constant 64 : index
      %swap3A_1798 = tpu.vector_load %arg19[%swap3A_1796, %swap3A_1797] {strides = array<i32>} : memref<20x128xf32, #tpu.memory_space<vmem>>, vector<1x16xf32>,
      %swap3A_1799 = vector.shape_cast %swap3A_1798 : vector<1x16xf32> to vector<16xf32>
      %swap3A_1800 = vector.shape_cast %add3A_1794 : vector<16xf32> to vector<1x16xf32>
      tpu.vector_store %arg19[%swap3A_1796, %swap3A_1797], %swap3A_1800 {strides = array<i32>} : memref<20x128xf32, #tpu.memory_space<vmem>>, vector<1x16xf32>,
      %get3A_1801 = arith.constant 9 : i32
      %get3A_1802 = arith.index_cast %get3A_1801 : i32 to index
      %get3A_1803 = arith.constant 80 : index
      %get3A_1804 = tpu.vector_load %arg15[%get3A_1802, %get3A_1803] {strides = array<i32>} : memref<24x128xf32, #tpu.memory_space<vmem>>, vector<1x16xf32>,
      %get3A_1805 = vector.shape_cast %get3A_1804 : vector<1x16xf32> to vector<16xf32>
      %get3A_1806 = arith.constant 9 : i32
      %get3A_1807 = arith.index_cast %get3A_1806 : i32 to index
      %get3A_1808 = arith.constant 80 : index
      %get3A_1809 = tpu.vector_load %arg16[%get3A_1807, %get3A_1808] {strides = array<i32>} : memref<24x128xf32, #tpu.memory_space<vmem>>, vector<1x16xf32>,
      %get3A_1810 = vector.shape_cast %get3A_1809 : vector<1x16xf32> to vector<16xf32>
      %add3A_1811 = arith.addf %get3A_1805, %get3A_1810 : vector<16xf32>
      %get3A_1812 = arith.constant 9 : i32
      %get3A_1813 = arith.index_cast %get3A_1812 : i32 to index
      %get3A_1814 = arith.constant 80 : index
      %get3A_1815 = tpu.vector_load %arg17[%get3A_1813, %get3A_1814] {strides = array<i32>} : memref<24x128xf32, #tpu.memory_space<vmem>>, vector<1x16xf32>,
      %get3A_1816 = vector.shape_cast %get3A_1815 : vector<1x16xf32> to vector<16xf32>
      %add3A_1817 = arith.addf %add3A_1811, %get3A_1816 : vector<16xf32>
      %swap3A_1818 = arith.constant 9 : i32
      %swap3A_1819 = arith.index_cast %swap3A_1818 : i32 to index
      %swap3A_1820 = arith.constant 80 : index
      %swap3A_1821 = tpu.vector_load %arg19[%swap3A_1819, %swap3A_1820] {strides = array<i32>} : memref<20x128xf32, #tpu.memory_space<vmem>>, vector<1x16xf32>,
      %swap3A_1822 = vector.shape_cast %swap3A_1821 : vector<1x16xf32> to vector<16xf32>
      %swap3A_1823 = vector.shape_cast %add3A_1817 : vector<16xf32> to vector<1x16xf32>
      tpu.vector_store %arg19[%swap3A_1819, %swap3A_1820], %swap3A_1823 {strides = array<i32>} : memref<20x128xf32, #tpu.memory_space<vmem>>, vector<1x16xf32>,
      %get3A_1824 = arith.constant 9 : i32
      %get3A_1825 = arith.index_cast %get3A_1824 : i32 to index
      %get3A_1826 = arith.constant 96 : index
      %get3A_1827 = tpu.vector_load %arg15[%get3A_1825, %get3A_1826] {strides = array<i32>} : memref<24x128xf32, #tpu.memory_space<vmem>>, vector<1x16xf32>,
      %get3A_1828 = vector.shape_cast %get3A_1827 : vector<1x16xf32> to vector<16xf32>
      %get3A_1829 = arith.constant 9 : i32
      %get3A_1830 = arith.index_cast %get3A_1829 : i32 to index
      %get3A_1831 = arith.constant 96 : index
      %get3A_1832 = tpu.vector_load %arg16[%get3A_1830, %get3A_1831] {strides = array<i32>} : memref<24x128xf32, #tpu.memory_space<vmem>>, vector<1x16xf32>,
      %get3A_1833 = vector.shape_cast %get3A_1832 : vector<1x16xf32> to vector<16xf32>
      %add3A_1834 = arith.addf %get3A_1828, %get3A_1833 : vector<16xf32>
      %get3A_1835 = arith.constant 9 : i32
      %get3A_1836 = arith.index_cast %get3A_1835 : i32 to index
      %get3A_1837 = arith.constant 96 : index
      %get3A_1838 = tpu.vector_load %arg17[%get3A_1836, %get3A_1837] {strides = array<i32>} : memref<24x128xf32, #tpu.memory_space<vmem>>, vector<1x16xf32>,
      %get3A_1839 = vector.shape_cast %get3A_1838 : vector<1x16xf32> to vector<16xf32>
      %add3A_1840 = arith.addf %add3A_1834, %get3A_1839 : vector<16xf32>
      %swap3A_1841 = arith.constant 9 : i32
      %swap3A_1842 = arith.index_cast %swap3A_1841 : i32 to index
      %swap3A_1843 = arith.constant 96 : index
      %swap3A_1844 = tpu.vector_load %arg19[%swap3A_1842, %swap3A_1843] {strides = array<i32>} : memref<20x128xf32, #tpu.memory_space<vmem>>, vector<1x16xf32>,
      %swap3A_1845 = vector.shape_cast %swap3A_1844 : vector<1x16xf32> to vector<16xf32>
      %swap3A_1846 = vector.shape_cast %add3A_1840 : vector<16xf32> to vector<1x16xf32>
      tpu.vector_store %arg19[%swap3A_1842, %swap3A_1843], %swap3A_1846 {strides = array<i32>} : memref<20x128xf32, #tpu.memory_space<vmem>>, vector<1x16xf32>,
      %get3A_1847 = arith.constant 9 : i32
      %get3A_1848 = arith.index_cast %get3A_1847 : i32 to index
      %get3A_1849 = arith.constant 112 : index
      %get3A_1850 = tpu.vector_load %arg15[%get3A_1848, %get3A_1849] {strides = array<i32>} : memref<24x128xf32, #tpu.memory_space<vmem>>, vector<1x16xf32>,
      %get3A_1851 = vector.shape_cast %get3A_1850 : vector<1x16xf32> to vector<16xf32>
      %get3A_1852 = arith.constant 9 : i32
      %get3A_1853 = arith.index_cast %get3A_1852 : i32 to index
      %get3A_1854 = arith.constant 112 : index
      %get3A_1855 = tpu.vector_load %arg16[%get3A_1853, %get3A_1854] {strides = array<i32>} : memref<24x128xf32, #tpu.memory_space<vmem>>, vector<1x16xf32>,
      %get3A_1856 = vector.shape_cast %get3A_1855 : vector<1x16xf32> to vector<16xf32>
      %add3A_1857 = arith.addf %get3A_1851, %get3A_1856 : vector<16xf32>
      %get3A_1858 = arith.constant 9 : i32
      %get3A_1859 = arith.index_cast %get3A_1858 : i32 to index
      %get3A_1860 = arith.constant 112 : index
      %get3A_1861 = tpu.vector_load %arg17[%get3A_1859, %get3A_1860] {strides = array<i32>} : memref<24x128xf32, #tpu.memory_space<vmem>>, vector<1x16xf32>,
      %get3A_1862 = vector.shape_cast %get3A_1861 : vector<1x16xf32> to vector<16xf32>
      %add3A_1863 = arith.addf %add3A_1857, %get3A_1862 : vector<16xf32>
      %swap3A_1864 = arith.constant 9 : i32
      %swap3A_1865 = arith.index_cast %swap3A_1864 : i32 to index
      %swap3A_1866 = arith.constant 112 : index
      %swap3A_1867 = tpu.vector_load %arg19[%swap3A_1865, %swap3A_1866] {strides = array<i32>} : memref<20x128xf32, #tpu.memory_space<vmem>>, vector<1x16xf32>,
      %swap3A_1868 = vector.shape_cast %swap3A_1867 : vector<1x16xf32> to vector<16xf32>
      %swap3A_1869 = vector.shape_cast %add3A_1863 : vector<16xf32> to vector<1x16xf32>
      tpu.vector_store %arg19[%swap3A_1865, %swap3A_1866], %swap3A_1869 {strides = array<i32>} : memref<20x128xf32, #tpu.memory_space<vmem>>, vector<1x16xf32>,
      %get3A_1870 = arith.constant 10 : i32
      %get3A_1871 = arith.index_cast %get3A_1870 : i32 to index
      %get3A_1872 = arith.constant 0 : index
      %get3A_1873 = tpu.vector_load %arg15[%get3A_1871, %get3A_1872] {strides = array<i32>} : memref<24x128xf32, #tpu.memory_space<vmem>>, vector<1x16xf32>,
      %get3A_1874 = vector.shape_cast %get3A_1873 : vector<1x16xf32> to vector<16xf32>
      %get3A_1875 = arith.constant 10 : i32
      %get3A_1876 = arith.index_cast %get3A_1875 : i32 to index
      %get3A_1877 = arith.constant 0 : index
      %get3A_1878 = tpu.vector_load %arg16[%get3A_1876, %get3A_1877] {strides = array<i32>} : memref<24x128xf32, #tpu.memory_space<vmem>>, vector<1x16xf32>,
      %get3A_1879 = vector.shape_cast %get3A_1878 : vector<1x16xf32> to vector<16xf32>
      %add3A_1880 = arith.addf %get3A_1874, %get3A_1879 : vector<16xf32>
      %get3A_1881 = arith.constant 10 : i32
      %get3A_1882 = arith.index_cast %get3A_1881 : i32 to index
      %get3A_1883 = arith.constant 0 : index
      %get3A_1884 = tpu.vector_load %arg17[%get3A_1882, %get3A_1883] {strides = array<i32>} : memref<24x128xf32, #tpu.memory_space<vmem>>, vector<1x16xf32>,
      %get3A_1885 = vector.shape_cast %get3A_1884 : vector<1x16xf32> to vector<16xf32>
      %add3A_1886 = arith.addf %add3A_1880, %get3A_1885 : vector<16xf32>
      %swap3A_1887 = arith.constant 10 : i32
      %swap3A_1888 = arith.index_cast %swap3A_1887 : i32 to index
      %swap3A_1889 = arith.constant 0 : index
      %swap3A_1890 = tpu.vector_load %arg19[%swap3A_1888, %swap3A_1889] {strides = array<i32>} : memref<20x128xf32, #tpu.memory_space<vmem>>, vector<1x16xf32>,
      %swap3A_1891 = vector.shape_cast %swap3A_1890 : vector<1x16xf32> to vector<16xf32>
      %swap3A_1892 = vector.shape_cast %add3A_1886 : vector<16xf32> to vector<1x16xf32>
      tpu.vector_store %arg19[%swap3A_1888, %swap3A_1889], %swap3A_1892 {strides = array<i32>} : memref<20x128xf32, #tpu.memory_space<vmem>>, vector<1x16xf32>,
      %get3A_1893 = arith.constant 10 : i32
      %get3A_1894 = arith.index_cast %get3A_1893 : i32 to index
      %get3A_1895 = arith.constant 16 : index
      %get3A_1896 = tpu.vector_load %arg15[%get3A_1894, %get3A_1895] {strides = array<i32>} : memref<24x128xf32, #tpu.memory_space<vmem>>, vector<1x16xf32>,
      %get3A_1897 = vector.shape_cast %get3A_1896 : vector<1x16xf32> to vector<16xf32>
      %get3A_1898 = arith.constant 10 : i32
      %get3A_1899 = arith.index_cast %get3A_1898 : i32 to index
      %get3A_1900 = arith.constant 16 : index
      %get3A_1901 = tpu.vector_load %arg16[%get3A_1899, %get3A_1900] {strides = array<i32>} : memref<24x128xf32, #tpu.memory_space<vmem>>, vector<1x16xf32>,
      %get3A_1902 = vector.shape_cast %get3A_1901 : vector<1x16xf32> to vector<16xf32>
      %add3A_1903 = arith.addf %get3A_1897, %get3A_1902 : vector<16xf32>
      %get3A_1904 = arith.constant 10 : i32
      %get3A_1905 = arith.index_cast %get3A_1904 : i32 to index
      %get3A_1906 = arith.constant 16 : index
      %get3A_1907 = tpu.vector_load %arg17[%get3A_1905, %get3A_1906] {strides = array<i32>} : memref<24x128xf32, #tpu.memory_space<vmem>>, vector<1x16xf32>,
      %get3A_1908 = vector.shape_cast %get3A_1907 : vector<1x16xf32> to vector<16xf32>
      %add3A_1909 = arith.addf %add3A_1903, %get3A_1908 : vector<16xf32>
      %swap3A_1910 = arith.constant 10 : i32
      %swap3A_1911 = arith.index_cast %swap3A_1910 : i32 to index
      %swap3A_1912 = arith.constant 16 : index
      %swap3A_1913 = tpu.vector_load %arg19[%swap3A_1911, %swap3A_1912] {strides = array<i32>} : memref<20x128xf32, #tpu.memory_space<vmem>>, vector<1x16xf32>,
      %swap3A_1914 = vector.shape_cast %swap3A_1913 : vector<1x16xf32> to vector<16xf32>
      %swap3A_1915 = vector.shape_cast %add3A_1909 : vector<16xf32> to vector<1x16xf32>
      tpu.vector_store %arg19[%swap3A_1911, %swap3A_1912], %swap3A_1915 {strides = array<i32>} : memref<20x128xf32, #tpu.memory_space<vmem>>, vector<1x16xf32>,
      %get3A_1916 = arith.constant 10 : i32
      %get3A_1917 = arith.index_cast %get3A_1916 : i32 to index
      %get3A_1918 = arith.constant 32 : index
      %get3A_1919 = tpu.vector_load %arg15[%get3A_1917, %get3A_1918] {strides = array<i32>} : memref<24x128xf32, #tpu.memory_space<vmem>>, vector<1x16xf32>,
      %get3A_1920 = vector.shape_cast %get3A_1919 : vector<1x16xf32> to vector<16xf32>
      %get3A_1921 = arith.constant 10 : i32
      %get3A_1922 = arith.index_cast %get3A_1921 : i32 to index
      %get3A_1923 = arith.constant 32 : index
      %get3A_1924 = tpu.vector_load %arg16[%get3A_1922, %get3A_1923] {strides = array<i32>} : memref<24x128xf32, #tpu.memory_space<vmem>>, vector<1x16xf32>,
      %get3A_1925 = vector.shape_cast %get3A_1924 : vector<1x16xf32> to vector<16xf32>
      %add3A_1926 = arith.addf %get3A_1920, %get3A_1925 : vector<16xf32>
      %get3A_1927 = arith.constant 10 : i32
      %get3A_1928 = arith.index_cast %get3A_1927 : i32 to index
      %get3A_1929 = arith.constant 32 : index
      %get3A_1930 = tpu.vector_load %arg17[%get3A_1928, %get3A_1929] {strides = array<i32>} : memref<24x128xf32, #tpu.memory_space<vmem>>, vector<1x16xf32>,
      %get3A_1931 = vector.shape_cast %get3A_1930 : vector<1x16xf32> to vector<16xf32>
      %add3A_1932 = arith.addf %add3A_1926, %get3A_1931 : vector<16xf32>
      %swap3A_1933 = arith.constant 10 : i32
      %swap3A_1934 = arith.index_cast %swap3A_1933 : i32 to index
      %swap3A_1935 = arith.constant 32 : index
      %swap3A_1936 = tpu.vector_load %arg19[%swap3A_1934, %swap3A_1935] {strides = array<i32>} : memref<20x128xf32, #tpu.memory_space<vmem>>, vector<1x16xf32>,
      %swap3A_1937 = vector.shape_cast %swap3A_1936 : vector<1x16xf32> to vector<16xf32>
      %swap3A_1938 = vector.shape_cast %add3A_1932 : vector<16xf32> to vector<1x16xf32>
      tpu.vector_store %arg19[%swap3A_1934, %swap3A_1935], %swap3A_1938 {strides = array<i32>} : memref<20x128xf32, #tpu.memory_space<vmem>>, vector<1x16xf32>,
      %get3A_1939 = arith.constant 10 : i32
      %get3A_1940 = arith.index_cast %get3A_1939 : i32 to index
      %get3A_1941 = arith.constant 48 : index
      %get3A_1942 = tpu.vector_load %arg15[%get3A_1940, %get3A_1941] {strides = array<i32>} : memref<24x128xf32, #tpu.memory_space<vmem>>, vector<1x16xf32>,
      %get3A_1943 = vector.shape_cast %get3A_1942 : vector<1x16xf32> to vector<16xf32>
      %get3A_1944 = arith.constant 10 : i32
      %get3A_1945 = arith.index_cast %get3A_1944 : i32 to index
      %get3A_1946 = arith.constant 48 : index
      %get3A_1947 = tpu.vector_load %arg16[%get3A_1945, %get3A_1946] {strides = array<i32>} : memref<24x128xf32, #tpu.memory_space<vmem>>, vector<1x16xf32>,
      %get3A_1948 = vector.shape_cast %get3A_1947 : vector<1x16xf32> to vector<16xf32>
      %add3A_1949 = arith.addf %get3A_1943, %get3A_1948 : vector<16xf32>
      %get3A_1950 = arith.constant 10 : i32
      %get3A_1951 = arith.index_cast %get3A_1950 : i32 to index
      %get3A_1952 = arith.constant 48 : index
      %get3A_1953 = tpu.vector_load %arg17[%get3A_1951, %get3A_1952] {strides = array<i32>} : memref<24x128xf32, #tpu.memory_space<vmem>>, vector<1x16xf32>,
      %get3A_1954 = vector.shape_cast %get3A_1953 : vector<1x16xf32> to vector<16xf32>
      %add3A_1955 = arith.addf %add3A_1949, %get3A_1954 : vector<16xf32>
      %swap3A_1956 = arith.constant 10 : i32
      %swap3A_1957 = arith.index_cast %swap3A_1956 : i32 to index
      %swap3A_1958 = arith.constant 48 : index
      %swap3A_1959 = tpu.vector_load %arg19[%swap3A_1957, %swap3A_1958] {strides = array<i32>} : memref<20x128xf32, #tpu.memory_space<vmem>>, vector<1x16xf32>,
      %swap3A_1960 = vector.shape_cast %swap3A_1959 : vector<1x16xf32> to vector<16xf32>
      %swap3A_1961 = vector.shape_cast %add3A_1955 : vector<16xf32> to vector<1x16xf32>
      tpu.vector_store %arg19[%swap3A_1957, %swap3A_1958], %swap3A_1961 {strides = array<i32>} : memref<20x128xf32, #tpu.memory_space<vmem>>, vector<1x16xf32>,
      %get3A_1962 = arith.constant 10 : i32
      %get3A_1963 = arith.index_cast %get3A_1962 : i32 to index
      %get3A_1964 = arith.constant 64 : index
      %get3A_1965 = tpu.vector_load %arg15[%get3A_1963, %get3A_1964] {strides = array<i32>} : memref<24x128xf32, #tpu.memory_space<vmem>>, vector<1x16xf32>,
      %get3A_1966 = vector.shape_cast %get3A_1965 : vector<1x16xf32> to vector<16xf32>
      %get3A_1967 = arith.constant 10 : i32
      %get3A_1968 = arith.index_cast %get3A_1967 : i32 to index
      %get3A_1969 = arith.constant 64 : index
      %get3A_1970 = tpu.vector_load %arg16[%get3A_1968, %get3A_1969] {strides = array<i32>} : memref<24x128xf32, #tpu.memory_space<vmem>>, vector<1x16xf32>,
      %get3A_1971 = vector.shape_cast %get3A_1970 : vector<1x16xf32> to vector<16xf32>
      %add3A_1972 = arith.addf %get3A_1966, %get3A_1971 : vector<16xf32>
      %get3A_1973 = arith.constant 10 : i32
      %get3A_1974 = arith.index_cast %get3A_1973 : i32 to index
      %get3A_1975 = arith.constant 64 : index
      %get3A_1976 = tpu.vector_load %arg17[%get3A_1974, %get3A_1975] {strides = array<i32>} : memref<24x128xf32, #tpu.memory_space<vmem>>, vector<1x16xf32>,
      %get3A_1977 = vector.shape_cast %get3A_1976 : vector<1x16xf32> to vector<16xf32>
      %add3A_1978 = arith.addf %add3A_1972, %get3A_1977 : vector<16xf32>
      %swap3A_1979 = arith.constant 10 : i32
      %swap3A_1980 = arith.index_cast %swap3A_1979 : i32 to index
      %swap3A_1981 = arith.constant 64 : index
      %swap3A_1982 = tpu.vector_load %arg19[%swap3A_1980, %swap3A_1981] {strides = array<i32>} : memref<20x128xf32, #tpu.memory_space<vmem>>, vector<1x16xf32>,
      %swap3A_1983 = vector.shape_cast %swap3A_1982 : vector<1x16xf32> to vector<16xf32>
      %swap3A_1984 = vector.shape_cast %add3A_1978 : vector<16xf32> to vector<1x16xf32>
      tpu.vector_store %arg19[%swap3A_1980, %swap3A_1981], %swap3A_1984 {strides = array<i32>} : memref<20x128xf32, #tpu.memory_space<vmem>>, vector<1x16xf32>,
      %get3A_1985 = arith.constant 10 : i32
      %get3A_1986 = arith.index_cast %get3A_1985 : i32 to index
      %get3A_1987 = arith.constant 80 : index
      %get3A_1988 = tpu.vector_load %arg15[%get3A_1986, %get3A_1987] {strides = array<i32>} : memref<24x128xf32, #tpu.memory_space<vmem>>, vector<1x16xf32>,
      %get3A_1989 = vector.shape_cast %get3A_1988 : vector<1x16xf32> to vector<16xf32>
      %get3A_1990 = arith.constant 10 : i32
      %get3A_1991 = arith.index_cast %get3A_1990 : i32 to index
      %get3A_1992 = arith.constant 80 : index
      %get3A_1993 = tpu.vector_load %arg16[%get3A_1991, %get3A_1992] {strides = array<i32>} : memref<24x128xf32, #tpu.memory_space<vmem>>, vector<1x16xf32>,
      %get3A_1994 = vector.shape_cast %get3A_1993 : vector<1x16xf32> to vector<16xf32>
      %add3A_1995 = arith.addf %get3A_1989, %get3A_1994 : vector<16xf32>
      %get3A_1996 = arith.constant 10 : i32
      %get3A_1997 = arith.index_cast %get3A_1996 : i32 to index
      %get3A_1998 = arith.constant 80 : index
      %get3A_1999 = tpu.vector_load %arg17[%get3A_1997, %get3A_1998] {strides = array<i32>} : memref<24x128xf32, #tpu.memory_space<vmem>>, vector<1x16xf32>,
      %get3A_2000 = vector.shape_cast %get3A_1999 : vector<1x16xf32> to vector<16xf32>
      %add3A_2001 = arith.addf %add3A_1995, %get3A_2000 : vector<16xf32>
      %swap3A_2002 = arith.constant 10 : i32
      %swap3A_2003 = arith.index_cast %swap3A_2002 : i32 to index
      %swap3A_2004 = arith.constant 80 : index
      %swap3A_2005 = tpu.vector_load %arg19[%swap3A_2003, %swap3A_2004] {strides = array<i32>} : memref<20x128xf32, #tpu.memory_space<vmem>>, vector<1x16xf32>,
      %swap3A_2006 = vector.shape_cast %swap3A_2005 : vector<1x16xf32> to vector<16xf32>
      %swap3A_2007 = vector.shape_cast %add3A_2001 : vector<16xf32> to vector<1x16xf32>
      tpu.vector_store %arg19[%swap3A_2003, %swap3A_2004], %swap3A_2007 {strides = array<i32>} : memref<20x128xf32, #tpu.memory_space<vmem>>, vector<1x16xf32>,
      %get3A_2008 = arith.constant 10 : i32
      %get3A_2009 = arith.index_cast %get3A_2008 : i32 to index
      %get3A_2010 = arith.constant 96 : index
      %get3A_2011 = tpu.vector_load %arg15[%get3A_2009, %get3A_2010] {strides = array<i32>} : memref<24x128xf32, #tpu.memory_space<vmem>>, vector<1x16xf32>,
      %get3A_2012 = vector.shape_cast %get3A_2011 : vector<1x16xf32> to vector<16xf32>
      %get3A_2013 = arith.constant 10 : i32
      %get3A_2014 = arith.index_cast %get3A_2013 : i32 to index
      %get3A_2015 = arith.constant 96 : index
      %get3A_2016 = tpu.vector_load %arg16[%get3A_2014, %get3A_2015] {strides = array<i32>} : memref<24x128xf32, #tpu.memory_space<vmem>>, vector<1x16xf32>,
      %get3A_2017 = vector.shape_cast %get3A_2016 : vector<1x16xf32> to vector<16xf32>
      %add3A_2018 = arith.addf %get3A_2012, %get3A_2017 : vector<16xf32>
      %get3A_2019 = arith.constant 10 : i32
      %get3A_2020 = arith.index_cast %get3A_2019 : i32 to index
      %get3A_2021 = arith.constant 96 : index
      %get3A_2022 = tpu.vector_load %arg17[%get3A_2020, %get3A_2021] {strides = array<i32>} : memref<24x128xf32, #tpu.memory_space<vmem>>, vector<1x16xf32>,
      %get3A_2023 = vector.shape_cast %get3A_2022 : vector<1x16xf32> to vector<16xf32>
      %add3A_2024 = arith.addf %add3A_2018, %get3A_2023 : vector<16xf32>
      %swap3A_2025 = arith.constant 10 : i32
      %swap3A_2026 = arith.index_cast %swap3A_2025 : i32 to index
      %swap3A_2027 = arith.constant 96 : index
      %swap3A_2028 = tpu.vector_load %arg19[%swap3A_2026, %swap3A_2027] {strides = array<i32>} : memref<20x128xf32, #tpu.memory_space<vmem>>, vector<1x16xf32>,
      %swap3A_2029 = vector.shape_cast %swap3A_2028 : vector<1x16xf32> to vector<16xf32>
      %swap3A_2030 = vector.shape_cast %add3A_2024 : vector<16xf32> to vector<1x16xf32>
      tpu.vector_store %arg19[%swap3A_2026, %swap3A_2027], %swap3A_2030 {strides = array<i32>} : memref<20x128xf32, #tpu.memory_space<vmem>>, vector<1x16xf32>,
      %get3A_2031 = arith.constant 10 : i32
      %get3A_2032 = arith.index_cast %get3A_2031 : i32 to index
      %get3A_2033 = arith.constant 112 : index
      %get3A_2034 = tpu.vector_load %arg15[%get3A_2032, %get3A_2033] {strides = array<i32>} : memref<24x128xf32, #tpu.memory_space<vmem>>, vector<1x16xf32>,
      %get3A_2035 = vector.shape_cast %get3A_2034 : vector<1x16xf32> to vector<16xf32>
      %get3A_2036 = arith.constant 10 : i32
      %get3A_2037 = arith.index_cast %get3A_2036 : i32 to index
      %get3A_2038 = arith.constant 112 : index
      %get3A_2039 = tpu.vector_load %arg16[%get3A_2037, %get3A_2038] {strides = array<i32>} : memref<24x128xf32, #tpu.memory_space<vmem>>, vector<1x16xf32>,
      %get3A_2040 = vector.shape_cast %get3A_2039 : vector<1x16xf32> to vector<16xf32>
      %add3A_2041 = arith.addf %get3A_2035, %get3A_2040 : vector<16xf32>
      %get3A_2042 = arith.constant 10 : i32
      %get3A_2043 = arith.index_cast %get3A_2042 : i32 to index
      %get3A_2044 = arith.constant 112 : index
      %get3A_2045 = tpu.vector_load %arg17[%get3A_2043, %get3A_2044] {strides = array<i32>} : memref<24x128xf32, #tpu.memory_space<vmem>>, vector<1x16xf32>,
      %get3A_2046 = vector.shape_cast %get3A_2045 : vector<1x16xf32> to vector<16xf32>
      %add3A_2047 = arith.addf %add3A_2041, %get3A_2046 : vector<16xf32>
      %swap3A_2048 = arith.constant 10 : i32
      %swap3A_2049 = arith.index_cast %swap3A_2048 : i32 to index
      %swap3A_2050 = arith.constant 112 : index
      %swap3A_2051 = tpu.vector_load %arg19[%swap3A_2049, %swap3A_2050] {strides = array<i32>} : memref<20x128xf32, #tpu.memory_space<vmem>>, vector<1x16xf32>,
      %swap3A_2052 = vector.shape_cast %swap3A_2051 : vector<1x16xf32> to vector<16xf32>
      %swap3A_2053 = vector.shape_cast %add3A_2047 : vector<16xf32> to vector<1x16xf32>
      tpu.vector_store %arg19[%swap3A_2049, %swap3A_2050], %swap3A_2053 {strides = array<i32>} : memref<20x128xf32, #tpu.memory_space<vmem>>, vector<1x16xf32>,
      %get3A_2054 = arith.constant 11 : i32
      %get3A_2055 = arith.index_cast %get3A_2054 : i32 to index
      %get3A_2056 = arith.constant 0 : index
      %get3A_2057 = tpu.vector_load %arg15[%get3A_2055, %get3A_2056] {strides = array<i32>} : memref<24x128xf32, #tpu.memory_space<vmem>>, vector<1x16xf32>,
      %get3A_2058 = vector.shape_cast %get3A_2057 : vector<1x16xf32> to vector<16xf32>
      %get3A_2059 = arith.constant 11 : i32
      %get3A_2060 = arith.index_cast %get3A_2059 : i32 to index
      %get3A_2061 = arith.constant 0 : index
      %get3A_2062 = tpu.vector_load %arg16[%get3A_2060, %get3A_2061] {strides = array<i32>} : memref<24x128xf32, #tpu.memory_space<vmem>>, vector<1x16xf32>,
      %get3A_2063 = vector.shape_cast %get3A_2062 : vector<1x16xf32> to vector<16xf32>
      %add3A_2064 = arith.addf %get3A_2058, %get3A_2063 : vector<16xf32>
      %get3A_2065 = arith.constant 11 : i32
      %get3A_2066 = arith.index_cast %get3A_2065 : i32 to index
      %get3A_2067 = arith.constant 0 : index
      %get3A_2068 = tpu.vector_load %arg17[%get3A_2066, %get3A_2067] {strides = array<i32>} : memref<24x128xf32, #tpu.memory_space<vmem>>, vector<1x16xf32>,
      %get3A_2069 = vector.shape_cast %get3A_2068 : vector<1x16xf32> to vector<16xf32>
      %add3A_2070 = arith.addf %add3A_2064, %get3A_2069 : vector<16xf32>
      %swap3A_2071 = arith.constant 11 : i32
      %swap3A_2072 = arith.index_cast %swap3A_2071 : i32 to index
      %swap3A_2073 = arith.constant 0 : index
      %swap3A_2074 = tpu.vector_load %arg19[%swap3A_2072, %swap3A_2073] {strides = array<i32>} : memref<20x128xf32, #tpu.memory_space<vmem>>, vector<1x16xf32>,
      %swap3A_2075 = vector.shape_cast %swap3A_2074 : vector<1x16xf32> to vector<16xf32>
      %swap3A_2076 = vector.shape_cast %add3A_2070 : vector<16xf32> to vector<1x16xf32>
      tpu.vector_store %arg19[%swap3A_2072, %swap3A_2073], %swap3A_2076 {strides = array<i32>} : memref<20x128xf32, #tpu.memory_space<vmem>>, vector<1x16xf32>,
      %get3A_2077 = arith.constant 11 : i32
      %get3A_2078 = arith.index_cast %get3A_2077 : i32 to index
      %get3A_2079 = arith.constant 16 : index
      %get3A_2080 = tpu.vector_load %arg15[%get3A_2078, %get3A_2079] {strides = array<i32>} : memref<24x128xf32, #tpu.memory_space<vmem>>, vector<1x16xf32>,
      %get3A_2081 = vector.shape_cast %get3A_2080 : vector<1x16xf32> to vector<16xf32>
      %get3A_2082 = arith.constant 11 : i32
      %get3A_2083 = arith.index_cast %get3A_2082 : i32 to index
      %get3A_2084 = arith.constant 16 : index
      %get3A_2085 = tpu.vector_load %arg16[%get3A_2083, %get3A_2084] {strides = array<i32>} : memref<24x128xf32, #tpu.memory_space<vmem>>, vector<1x16xf32>,
      %get3A_2086 = vector.shape_cast %get3A_2085 : vector<1x16xf32> to vector<16xf32>
      %add3A_2087 = arith.addf %get3A_2081, %get3A_2086 : vector<16xf32>
      %get3A_2088 = arith.constant 11 : i32
      %get3A_2089 = arith.index_cast %get3A_2088 : i32 to index
      %get3A_2090 = arith.constant 16 : index
      %get3A_2091 = tpu.vector_load %arg17[%get3A_2089, %get3A_2090] {strides = array<i32>} : memref<24x128xf32, #tpu.memory_space<vmem>>, vector<1x16xf32>,
      %get3A_2092 = vector.shape_cast %get3A_2091 : vector<1x16xf32> to vector<16xf32>
      %add3A_2093 = arith.addf %add3A_2087, %get3A_2092 : vector<16xf32>
      %swap3A_2094 = arith.constant 11 : i32
      %swap3A_2095 = arith.index_cast %swap3A_2094 : i32 to index
      %swap3A_2096 = arith.constant 16 : index
      %swap3A_2097 = tpu.vector_load %arg19[%swap3A_2095, %swap3A_2096] {strides = array<i32>} : memref<20x128xf32, #tpu.memory_space<vmem>>, vector<1x16xf32>,
      %swap3A_2098 = vector.shape_cast %swap3A_2097 : vector<1x16xf32> to vector<16xf32>
      %swap3A_2099 = vector.shape_cast %add3A_2093 : vector<16xf32> to vector<1x16xf32>
      tpu.vector_store %arg19[%swap3A_2095, %swap3A_2096], %swap3A_2099 {strides = array<i32>} : memref<20x128xf32, #tpu.memory_space<vmem>>, vector<1x16xf32>,
      %get3A_2100 = arith.constant 11 : i32
      %get3A_2101 = arith.index_cast %get3A_2100 : i32 to index
      %get3A_2102 = arith.constant 32 : index
      %get3A_2103 = tpu.vector_load %arg15[%get3A_2101, %get3A_2102] {strides = array<i32>} : memref<24x128xf32, #tpu.memory_space<vmem>>, vector<1x16xf32>,
      %get3A_2104 = vector.shape_cast %get3A_2103 : vector<1x16xf32> to vector<16xf32>
      %get3A_2105 = arith.constant 11 : i32
      %get3A_2106 = arith.index_cast %get3A_2105 : i32 to index
      %get3A_2107 = arith.constant 32 : index
      %get3A_2108 = tpu.vector_load %arg16[%get3A_2106, %get3A_2107] {strides = array<i32>} : memref<24x128xf32, #tpu.memory_space<vmem>>, vector<1x16xf32>,
      %get3A_2109 = vector.shape_cast %get3A_2108 : vector<1x16xf32> to vector<16xf32>
      %add3A_2110 = arith.addf %get3A_2104, %get3A_2109 : vector<16xf32>
      %get3A_2111 = arith.constant 11 : i32
      %get3A_2112 = arith.index_cast %get3A_2111 : i32 to index
      %get3A_2113 = arith.constant 32 : index
      %get3A_2114 = tpu.vector_load %arg17[%get3A_2112, %get3A_2113] {strides = array<i32>} : memref<24x128xf32, #tpu.memory_space<vmem>>, vector<1x16xf32>,
      %get3A_2115 = vector.shape_cast %get3A_2114 : vector<1x16xf32> to vector<16xf32>
      %add3A_2116 = arith.addf %add3A_2110, %get3A_2115 : vector<16xf32>
      %swap3A_2117 = arith.constant 11 : i32
      %swap3A_2118 = arith.index_cast %swap3A_2117 : i32 to index
      %swap3A_2119 = arith.constant 32 : index
      %swap3A_2120 = tpu.vector_load %arg19[%swap3A_2118, %swap3A_2119] {strides = array<i32>} : memref<20x128xf32, #tpu.memory_space<vmem>>, vector<1x16xf32>,
      %swap3A_2121 = vector.shape_cast %swap3A_2120 : vector<1x16xf32> to vector<16xf32>
      %swap3A_2122 = vector.shape_cast %add3A_2116 : vector<16xf32> to vector<1x16xf32>
      tpu.vector_store %arg19[%swap3A_2118, %swap3A_2119], %swap3A_2122 {strides = array<i32>} : memref<20x128xf32, #tpu.memory_space<vmem>>, vector<1x16xf32>,
      %get3A_2123 = arith.constant 11 : i32
      %get3A_2124 = arith.index_cast %get3A_2123 : i32 to index
      %get3A_2125 = arith.constant 48 : index
      %get3A_2126 = tpu.vector_load %arg15[%get3A_2124, %get3A_2125] {strides = array<i32>} : memref<24x128xf32, #tpu.memory_space<vmem>>, vector<1x16xf32>,
      %get3A_2127 = vector.shape_cast %get3A_2126 : vector<1x16xf32> to vector<16xf32>
      %get3A_2128 = arith.constant 11 : i32
      %get3A_2129 = arith.index_cast %get3A_2128 : i32 to index
      %get3A_2130 = arith.constant 48 : index
      %get3A_2131 = tpu.vector_load %arg16[%get3A_2129, %get3A_2130] {strides = array<i32>} : memref<24x128xf32, #tpu.memory_space<vmem>>, vector<1x16xf32>,
      %get3A_2132 = vector.shape_cast %get3A_2131 : vector<1x16xf32> to vector<16xf32>
      %add3A_2133 = arith.addf %get3A_2127, %get3A_2132 : vector<16xf32>
      %get3A_2134 = arith.constant 11 : i32
      %get3A_2135 = arith.index_cast %get3A_2134 : i32 to index
      %get3A_2136 = arith.constant 48 : index
      %get3A_2137 = tpu.vector_load %arg17[%get3A_2135, %get3A_2136] {strides = array<i32>} : memref<24x128xf32, #tpu.memory_space<vmem>>, vector<1x16xf32>,
      %get3A_2138 = vector.shape_cast %get3A_2137 : vector<1x16xf32> to vector<16xf32>
      %add3A_2139 = arith.addf %add3A_2133, %get3A_2138 : vector<16xf32>
      %swap3A_2140 = arith.constant 11 : i32
      %swap3A_2141 = arith.index_cast %swap3A_2140 : i32 to index
      %swap3A_2142 = arith.constant 48 : index
      %swap3A_2143 = tpu.vector_load %arg19[%swap3A_2141, %swap3A_2142] {strides = array<i32>} : memref<20x128xf32, #tpu.memory_space<vmem>>, vector<1x16xf32>,
      %swap3A_2144 = vector.shape_cast %swap3A_2143 : vector<1x16xf32> to vector<16xf32>
      %swap3A_2145 = vector.shape_cast %add3A_2139 : vector<16xf32> to vector<1x16xf32>
      tpu.vector_store %arg19[%swap3A_2141, %swap3A_2142], %swap3A_2145 {strides = array<i32>} : memref<20x128xf32, #tpu.memory_space<vmem>>, vector<1x16xf32>,
      %get3A_2146 = arith.constant 11 : i32
      %get3A_2147 = arith.index_cast %get3A_2146 : i32 to index
      %get3A_2148 = arith.constant 64 : index
      %get3A_2149 = tpu.vector_load %arg15[%get3A_2147, %get3A_2148] {strides = array<i32>} : memref<24x128xf32, #tpu.memory_space<vmem>>, vector<1x16xf32>,
      %get3A_2150 = vector.shape_cast %get3A_2149 : vector<1x16xf32> to vector<16xf32>
      %get3A_2151 = arith.constant 11 : i32
      %get3A_2152 = arith.index_cast %get3A_2151 : i32 to index
      %get3A_2153 = arith.constant 64 : index
      %get3A_2154 = tpu.vector_load %arg16[%get3A_2152, %get3A_2153] {strides = array<i32>} : memref<24x128xf32, #tpu.memory_space<vmem>>, vector<1x16xf32>,
      %get3A_2155 = vector.shape_cast %get3A_2154 : vector<1x16xf32> to vector<16xf32>
      %add3A_2156 = arith.addf %get3A_2150, %get3A_2155 : vector<16xf32>
      %get3A_2157 = arith.constant 11 : i32
      %get3A_2158 = arith.index_cast %get3A_2157 : i32 to index
      %get3A_2159 = arith.constant 64 : index
      %get3A_2160 = tpu.vector_load %arg17[%get3A_2158, %get3A_2159] {strides = array<i32>} : memref<24x128xf32, #tpu.memory_space<vmem>>, vector<1x16xf32>,
      %get3A_2161 = vector.shape_cast %get3A_2160 : vector<1x16xf32> to vector<16xf32>
      %add3A_2162 = arith.addf %add3A_2156, %get3A_2161 : vector<16xf32>
      %swap3A_2163 = arith.constant 11 : i32
      %swap3A_2164 = arith.index_cast %swap3A_2163 : i32 to index
      %swap3A_2165 = arith.constant 64 : index
      %swap3A_2166 = tpu.vector_load %arg19[%swap3A_2164, %swap3A_2165] {strides = array<i32>} : memref<20x128xf32, #tpu.memory_space<vmem>>, vector<1x16xf32>,
      %swap3A_2167 = vector.shape_cast %swap3A_2166 : vector<1x16xf32> to vector<16xf32>
      %swap3A_2168 = vector.shape_cast %add3A_2162 : vector<16xf32> to vector<1x16xf32>
      tpu.vector_store %arg19[%swap3A_2164, %swap3A_2165], %swap3A_2168 {strides = array<i32>} : memref<20x128xf32, #tpu.memory_space<vmem>>, vector<1x16xf32>,
      %get3A_2169 = arith.constant 11 : i32
      %get3A_2170 = arith.index_cast %get3A_2169 : i32 to index
      %get3A_2171 = arith.constant 80 : index
      %get3A_2172 = tpu.vector_load %arg15[%get3A_2170, %get3A_2171] {strides = array<i32>} : memref<24x128xf32, #tpu.memory_space<vmem>>, vector<1x16xf32>,
      %get3A_2173 = vector.shape_cast %get3A_2172 : vector<1x16xf32> to vector<16xf32>
      %get3A_2174 = arith.constant 11 : i32
      %get3A_2175 = arith.index_cast %get3A_2174 : i32 to index
      %get3A_2176 = arith.constant 80 : index
      %get3A_2177 = tpu.vector_load %arg16[%get3A_2175, %get3A_2176] {strides = array<i32>} : memref<24x128xf32, #tpu.memory_space<vmem>>, vector<1x16xf32>,
      %get3A_2178 = vector.shape_cast %get3A_2177 : vector<1x16xf32> to vector<16xf32>
      %add3A_2179 = arith.addf %get3A_2173, %get3A_2178 : vector<16xf32>
      %get3A_2180 = arith.constant 11 : i32
      %get3A_2181 = arith.index_cast %get3A_2180 : i32 to index
      %get3A_2182 = arith.constant 80 : index
      %get3A_2183 = tpu.vector_load %arg17[%get3A_2181, %get3A_2182] {strides = array<i32>} : memref<24x128xf32, #tpu.memory_space<vmem>>, vector<1x16xf32>,
      %get3A_2184 = vector.shape_cast %get3A_2183 : vector<1x16xf32> to vector<16xf32>
      %add3A_2185 = arith.addf %add3A_2179, %get3A_2184 : vector<16xf32>
      %swap3A_2186 = arith.constant 11 : i32
      %swap3A_2187 = arith.index_cast %swap3A_2186 : i32 to index
      %swap3A_2188 = arith.constant 80 : index
      %swap3A_2189 = tpu.vector_load %arg19[%swap3A_2187, %swap3A_2188] {strides = array<i32>} : memref<20x128xf32, #tpu.memory_space<vmem>>, vector<1x16xf32>,
      %swap3A_2190 = vector.shape_cast %swap3A_2189 : vector<1x16xf32> to vector<16xf32>
      %swap3A_2191 = vector.shape_cast %add3A_2185 : vector<16xf32> to vector<1x16xf32>
      tpu.vector_store %arg19[%swap3A_2187, %swap3A_2188], %swap3A_2191 {strides = array<i32>} : memref<20x128xf32, #tpu.memory_space<vmem>>, vector<1x16xf32>,
      %get3A_2192 = arith.constant 11 : i32
      %get3A_2193 = arith.index_cast %get3A_2192 : i32 to index
      %get3A_2194 = arith.constant 96 : index
      %get3A_2195 = tpu.vector_load %arg15[%get3A_2193, %get3A_2194] {strides = array<i32>} : memref<24x128xf32, #tpu.memory_space<vmem>>, vector<1x16xf32>,
      %get3A_2196 = vector.shape_cast %get3A_2195 : vector<1x16xf32> to vector<16xf32>
      %get3A_2197 = arith.constant 11 : i32
      %get3A_2198 = arith.index_cast %get3A_2197 : i32 to index
      %get3A_2199 = arith.constant 96 : index
      %get3A_2200 = tpu.vector_load %arg16[%get3A_2198, %get3A_2199] {strides = array<i32>} : memref<24x128xf32, #tpu.memory_space<vmem>>, vector<1x16xf32>,
      %get3A_2201 = vector.shape_cast %get3A_2200 : vector<1x16xf32> to vector<16xf32>
      %add3A_2202 = arith.addf %get3A_2196, %get3A_2201 : vector<16xf32>
      %get3A_2203 = arith.constant 11 : i32
      %get3A_2204 = arith.index_cast %get3A_2203 : i32 to index
      %get3A_2205 = arith.constant 96 : index
      %get3A_2206 = tpu.vector_load %arg17[%get3A_2204, %get3A_2205] {strides = array<i32>} : memref<24x128xf32, #tpu.memory_space<vmem>>, vector<1x16xf32>,
      %get3A_2207 = vector.shape_cast %get3A_2206 : vector<1x16xf32> to vector<16xf32>
      %add3A_2208 = arith.addf %add3A_2202, %get3A_2207 : vector<16xf32>
      %swap3A_2209 = arith.constant 11 : i32
      %swap3A_2210 = arith.index_cast %swap3A_2209 : i32 to index
      %swap3A_2211 = arith.constant 96 : index
      %swap3A_2212 = tpu.vector_load %arg19[%swap3A_2210, %swap3A_2211] {strides = array<i32>} : memref<20x128xf32, #tpu.memory_space<vmem>>, vector<1x16xf32>,
      %swap3A_2213 = vector.shape_cast %swap3A_2212 : vector<1x16xf32> to vector<16xf32>
      %swap3A_2214 = vector.shape_cast %add3A_2208 : vector<16xf32> to vector<1x16xf32>
      tpu.vector_store %arg19[%swap3A_2210, %swap3A_2211], %swap3A_2214 {strides = array<i32>} : memref<20x128xf32, #tpu.memory_space<vmem>>, vector<1x16xf32>,
      %get3A_2215 = arith.constant 11 : i32
      %get3A_2216 = arith.index_cast %get3A_2215 : i32 to index
      %get3A_2217 = arith.constant 112 : index
      %get3A_2218 = tpu.vector_load %arg15[%get3A_2216, %get3A_2217] {strides = array<i32>} : memref<24x128xf32, #tpu.memory_space<vmem>>, vector<1x16xf32>,
      %get3A_2219 = vector.shape_cast %get3A_2218 : vector<1x16xf32> to vector<16xf32>
      %get3A_2220 = arith.constant 11 : i32
      %get3A_2221 = arith.index_cast %get3A_2220 : i32 to index
      %get3A_2222 = arith.constant 112 : index
      %get3A_2223 = tpu.vector_load %arg16[%get3A_2221, %get3A_2222] {strides = array<i32>} : memref<24x128xf32, #tpu.memory_space<vmem>>, vector<1x16xf32>,
      %get3A_2224 = vector.shape_cast %get3A_2223 : vector<1x16xf32> to vector<16xf32>
      %add3A_2225 = arith.addf %get3A_2219, %get3A_2224 : vector<16xf32>
      %get3A_2226 = arith.constant 11 : i32
      %get3A_2227 = arith.index_cast %get3A_2226 : i32 to index
      %get3A_2228 = arith.constant 112 : index
      %get3A_2229 = tpu.vector_load %arg17[%get3A_2227, %get3A_2228] {strides = array<i32>} : memref<24x128xf32, #tpu.memory_space<vmem>>, vector<1x16xf32>,
      %get3A_2230 = vector.shape_cast %get3A_2229 : vector<1x16xf32> to vector<16xf32>
      %add3A_2231 = arith.addf %add3A_2225, %get3A_2230 : vector<16xf32>
      %swap3A_2232 = arith.constant 11 : i32
      %swap3A_2233 = arith.index_cast %swap3A_2232 : i32 to index
      %swap3A_2234 = arith.constant 112 : index
      %swap3A_2235 = tpu.vector_load %arg19[%swap3A_2233, %swap3A_2234] {strides = array<i32>} : memref<20x128xf32, #tpu.memory_space<vmem>>, vector<1x16xf32>,
      %swap3A_2236 = vector.shape_cast %swap3A_2235 : vector<1x16xf32> to vector<16xf32>
      %swap3A_2237 = vector.shape_cast %add3A_2231 : vector<16xf32> to vector<1x16xf32>
      tpu.vector_store %arg19[%swap3A_2233, %swap3A_2234], %swap3A_2237 {strides = array<i32>} : memref<20x128xf32, #tpu.memory_space<vmem>>, vector<1x16xf32>,
      %get3A_2238 = arith.constant 12 : i32
      %get3A_2239 = arith.index_cast %get3A_2238 : i32 to index
      %get3A_2240 = arith.constant 0 : index
      %get3A_2241 = tpu.vector_load %arg15[%get3A_2239, %get3A_2240] {strides = array<i32>} : memref<24x128xf32, #tpu.memory_space<vmem>>, vector<1x16xf32>,
      %get3A_2242 = vector.shape_cast %get3A_2241 : vector<1x16xf32> to vector<16xf32>
      %get3A_2243 = arith.constant 12 : i32
      %get3A_2244 = arith.index_cast %get3A_2243 : i32 to index
      %get3A_2245 = arith.constant 0 : index
      %get3A_2246 = tpu.vector_load %arg16[%get3A_2244, %get3A_2245] {strides = array<i32>} : memref<24x128xf32, #tpu.memory_space<vmem>>, vector<1x16xf32>,
      %get3A_2247 = vector.shape_cast %get3A_2246 : vector<1x16xf32> to vector<16xf32>
      %add3A_2248 = arith.addf %get3A_2242, %get3A_2247 : vector<16xf32>
      %get3A_2249 = arith.constant 12 : i32
      %get3A_2250 = arith.index_cast %get3A_2249 : i32 to index
      %get3A_2251 = arith.constant 0 : index
      %get3A_2252 = tpu.vector_load %arg17[%get3A_2250, %get3A_2251] {strides = array<i32>} : memref<24x128xf32, #tpu.memory_space<vmem>>, vector<1x16xf32>,
      %get3A_2253 = vector.shape_cast %get3A_2252 : vector<1x16xf32> to vector<16xf32>
      %add3A_2254 = arith.addf %add3A_2248, %get3A_2253 : vector<16xf32>
      %swap3A_2255 = arith.constant 12 : i32
      %swap3A_2256 = arith.index_cast %swap3A_2255 : i32 to index
      %swap3A_2257 = arith.constant 0 : index
      %swap3A_2258 = tpu.vector_load %arg19[%swap3A_2256, %swap3A_2257] {strides = array<i32>} : memref<20x128xf32, #tpu.memory_space<vmem>>, vector<1x16xf32>,
      %swap3A_2259 = vector.shape_cast %swap3A_2258 : vector<1x16xf32> to vector<16xf32>
      %swap3A_2260 = vector.shape_cast %add3A_2254 : vector<16xf32> to vector<1x16xf32>
      tpu.vector_store %arg19[%swap3A_2256, %swap3A_2257], %swap3A_2260 {strides = array<i32>} : memref<20x128xf32, #tpu.memory_space<vmem>>, vector<1x16xf32>,
      %get3A_2261 = arith.constant 12 : i32
      %get3A_2262 = arith.index_cast %get3A_2261 : i32 to index
      %get3A_2263 = arith.constant 16 : index
      %get3A_2264 = tpu.vector_load %arg15[%get3A_2262, %get3A_2263] {strides = array<i32>} : memref<24x128xf32, #tpu.memory_space<vmem>>, vector<1x16xf32>,
      %get3A_2265 = vector.shape_cast %get3A_2264 : vector<1x16xf32> to vector<16xf32>
      %get3A_2266 = arith.constant 12 : i32
      %get3A_2267 = arith.index_cast %get3A_2266 : i32 to index
      %get3A_2268 = arith.constant 16 : index
      %get3A_2269 = tpu.vector_load %arg16[%get3A_2267, %get3A_2268] {strides = array<i32>} : memref<24x128xf32, #tpu.memory_space<vmem>>, vector<1x16xf32>,
      %get3A_2270 = vector.shape_cast %get3A_2269 : vector<1x16xf32> to vector<16xf32>
      %add3A_2271 = arith.addf %get3A_2265, %get3A_2270 : vector<16xf32>
      %get3A_2272 = arith.constant 12 : i32
      %get3A_2273 = arith.index_cast %get3A_2272 : i32 to index
      %get3A_2274 = arith.constant 16 : index
      %get3A_2275 = tpu.vector_load %arg17[%get3A_2273, %get3A_2274] {strides = array<i32>} : memref<24x128xf32, #tpu.memory_space<vmem>>, vector<1x16xf32>,
      %get3A_2276 = vector.shape_cast %get3A_2275 : vector<1x16xf32> to vector<16xf32>
      %add3A_2277 = arith.addf %add3A_2271, %get3A_2276 : vector<16xf32>
      %swap3A_2278 = arith.constant 12 : i32
      %swap3A_2279 = arith.index_cast %swap3A_2278 : i32 to index
      %swap3A_2280 = arith.constant 16 : index
      %swap3A_2281 = tpu.vector_load %arg19[%swap3A_2279, %swap3A_2280] {strides = array<i32>} : memref<20x128xf32, #tpu.memory_space<vmem>>, vector<1x16xf32>,
      %swap3A_2282 = vector.shape_cast %swap3A_2281 : vector<1x16xf32> to vector<16xf32>
      %swap3A_2283 = vector.shape_cast %add3A_2277 : vector<16xf32> to vector<1x16xf32>
      tpu.vector_store %arg19[%swap3A_2279, %swap3A_2280], %swap3A_2283 {strides = array<i32>} : memref<20x128xf32, #tpu.memory_space<vmem>>, vector<1x16xf32>,
      %get3A_2284 = arith.constant 12 : i32
      %get3A_2285 = arith.index_cast %get3A_2284 : i32 to index
      %get3A_2286 = arith.constant 32 : index
      %get3A_2287 = tpu.vector_load %arg15[%get3A_2285, %get3A_2286] {strides = array<i32>} : memref<24x128xf32, #tpu.memory_space<vmem>>, vector<1x16xf32>,
      %get3A_2288 = vector.shape_cast %get3A_2287 : vector<1x16xf32> to vector<16xf32>
      %get3A_2289 = arith.constant 12 : i32
      %get3A_2290 = arith.index_cast %get3A_2289 : i32 to index
      %get3A_2291 = arith.constant 32 : index
      %get3A_2292 = tpu.vector_load %arg16[%get3A_2290, %get3A_2291] {strides = array<i32>} : memref<24x128xf32, #tpu.memory_space<vmem>>, vector<1x16xf32>,
      %get3A_2293 = vector.shape_cast %get3A_2292 : vector<1x16xf32> to vector<16xf32>
      %add3A_2294 = arith.addf %get3A_2288, %get3A_2293 : vector<16xf32>
      %get3A_2295 = arith.constant 12 : i32
      %get3A_2296 = arith.index_cast %get3A_2295 : i32 to index
      %get3A_2297 = arith.constant 32 : index
      %get3A_2298 = tpu.vector_load %arg17[%get3A_2296, %get3A_2297] {strides = array<i32>} : memref<24x128xf32, #tpu.memory_space<vmem>>, vector<1x16xf32>,
      %get3A_2299 = vector.shape_cast %get3A_2298 : vector<1x16xf32> to vector<16xf32>
      %add3A_2300 = arith.addf %add3A_2294, %get3A_2299 : vector<16xf32>
      %swap3A_2301 = arith.constant 12 : i32
      %swap3A_2302 = arith.index_cast %swap3A_2301 : i32 to index
      %swap3A_2303 = arith.constant 32 : index
      %swap3A_2304 = tpu.vector_load %arg19[%swap3A_2302, %swap3A_2303] {strides = array<i32>} : memref<20x128xf32, #tpu.memory_space<vmem>>, vector<1x16xf32>,
      %swap3A_2305 = vector.shape_cast %swap3A_2304 : vector<1x16xf32> to vector<16xf32>
      %swap3A_2306 = vector.shape_cast %add3A_2300 : vector<16xf32> to vector<1x16xf32>
      tpu.vector_store %arg19[%swap3A_2302, %swap3A_2303], %swap3A_2306 {strides = array<i32>} : memref<20x128xf32, #tpu.memory_space<vmem>>, vector<1x16xf32>,
      %get3A_2307 = arith.constant 12 : i32
      %get3A_2308 = arith.index_cast %get3A_2307 : i32 to index
      %get3A_2309 = arith.constant 48 : index
      %get3A_2310 = tpu.vector_load %arg15[%get3A_2308, %get3A_2309] {strides = array<i32>} : memref<24x128xf32, #tpu.memory_space<vmem>>, vector<1x16xf32>,
      %get3A_2311 = vector.shape_cast %get3A_2310 : vector<1x16xf32> to vector<16xf32>
      %get3A_2312 = arith.constant 12 : i32
      %get3A_2313 = arith.index_cast %get3A_2312 : i32 to index
      %get3A_2314 = arith.constant 48 : index
      %get3A_2315 = tpu.vector_load %arg16[%get3A_2313, %get3A_2314] {strides = array<i32>} : memref<24x128xf32, #tpu.memory_space<vmem>>, vector<1x16xf32>,
      %get3A_2316 = vector.shape_cast %get3A_2315 : vector<1x16xf32> to vector<16xf32>
      %add3A_2317 = arith.addf %get3A_2311, %get3A_2316 : vector<16xf32>
      %get3A_2318 = arith.constant 12 : i32
      %get3A_2319 = arith.index_cast %get3A_2318 : i32 to index
      %get3A_2320 = arith.constant 48 : index
      %get3A_2321 = tpu.vector_load %arg17[%get3A_2319, %get3A_2320] {strides = array<i32>} : memref<24x128xf32, #tpu.memory_space<vmem>>, vector<1x16xf32>,
      %get3A_2322 = vector.shape_cast %get3A_2321 : vector<1x16xf32> to vector<16xf32>
      %add3A_2323 = arith.addf %add3A_2317, %get3A_2322 : vector<16xf32>
      %swap3A_2324 = arith.constant 12 : i32
      %swap3A_2325 = arith.index_cast %swap3A_2324 : i32 to index
      %swap3A_2326 = arith.constant 48 : index
      %swap3A_2327 = tpu.vector_load %arg19[%swap3A_2325, %swap3A_2326] {strides = array<i32>} : memref<20x128xf32, #tpu.memory_space<vmem>>, vector<1x16xf32>,
      %swap3A_2328 = vector.shape_cast %swap3A_2327 : vector<1x16xf32> to vector<16xf32>
      %swap3A_2329 = vector.shape_cast %add3A_2323 : vector<16xf32> to vector<1x16xf32>
      tpu.vector_store %arg19[%swap3A_2325, %swap3A_2326], %swap3A_2329 {strides = array<i32>} : memref<20x128xf32, #tpu.memory_space<vmem>>, vector<1x16xf32>,
      %get3A_2330 = arith.constant 12 : i32
      %get3A_2331 = arith.index_cast %get3A_2330 : i32 to index
      %get3A_2332 = arith.constant 64 : index
      %get3A_2333 = tpu.vector_load %arg15[%get3A_2331, %get3A_2332] {strides = array<i32>} : memref<24x128xf32, #tpu.memory_space<vmem>>, vector<1x16xf32>,
      %get3A_2334 = vector.shape_cast %get3A_2333 : vector<1x16xf32> to vector<16xf32>
      %get3A_2335 = arith.constant 12 : i32
      %get3A_2336 = arith.index_cast %get3A_2335 : i32 to index
      %get3A_2337 = arith.constant 64 : index
      %get3A_2338 = tpu.vector_load %arg16[%get3A_2336, %get3A_2337] {strides = array<i32>} : memref<24x128xf32, #tpu.memory_space<vmem>>, vector<1x16xf32>,
      %get3A_2339 = vector.shape_cast %get3A_2338 : vector<1x16xf32> to vector<16xf32>
      %add3A_2340 = arith.addf %get3A_2334, %get3A_2339 : vector<16xf32>
      %get3A_2341 = arith.constant 12 : i32
      %get3A_2342 = arith.index_cast %get3A_2341 : i32 to index
      %get3A_2343 = arith.constant 64 : index
      %get3A_2344 = tpu.vector_load %arg17[%get3A_2342, %get3A_2343] {strides = array<i32>} : memref<24x128xf32, #tpu.memory_space<vmem>>, vector<1x16xf32>,
      %get3A_2345 = vector.shape_cast %get3A_2344 : vector<1x16xf32> to vector<16xf32>
      %add3A_2346 = arith.addf %add3A_2340, %get3A_2345 : vector<16xf32>
      %swap3A_2347 = arith.constant 12 : i32
      %swap3A_2348 = arith.index_cast %swap3A_2347 : i32 to index
      %swap3A_2349 = arith.constant 64 : index
      %swap3A_2350 = tpu.vector_load %arg19[%swap3A_2348, %swap3A_2349] {strides = array<i32>} : memref<20x128xf32, #tpu.memory_space<vmem>>, vector<1x16xf32>,
      %swap3A_2351 = vector.shape_cast %swap3A_2350 : vector<1x16xf32> to vector<16xf32>
      %swap3A_2352 = vector.shape_cast %add3A_2346 : vector<16xf32> to vector<1x16xf32>
      tpu.vector_store %arg19[%swap3A_2348, %swap3A_2349], %swap3A_2352 {strides = array<i32>} : memref<20x128xf32, #tpu.memory_space<vmem>>, vector<1x16xf32>,
      %get3A_2353 = arith.constant 12 : i32
      %get3A_2354 = arith.index_cast %get3A_2353 : i32 to index
      %get3A_2355 = arith.constant 80 : index
      %get3A_2356 = tpu.vector_load %arg15[%get3A_2354, %get3A_2355] {strides = array<i32>} : memref<24x128xf32, #tpu.memory_space<vmem>>, vector<1x16xf32>,
      %get3A_2357 = vector.shape_cast %get3A_2356 : vector<1x16xf32> to vector<16xf32>
      %get3A_2358 = arith.constant 12 : i32
      %get3A_2359 = arith.index_cast %get3A_2358 : i32 to index
      %get3A_2360 = arith.constant 80 : index
      %get3A_2361 = tpu.vector_load %arg16[%get3A_2359, %get3A_2360] {strides = array<i32>} : memref<24x128xf32, #tpu.memory_space<vmem>>, vector<1x16xf32>,
      %get3A_2362 = vector.shape_cast %get3A_2361 : vector<1x16xf32> to vector<16xf32>
      %add3A_2363 = arith.addf %get3A_2357, %get3A_2362 : vector<16xf32>
      %get3A_2364 = arith.constant 12 : i32
      %get3A_2365 = arith.index_cast %get3A_2364 : i32 to index
      %get3A_2366 = arith.constant 80 : index
      %get3A_2367 = tpu.vector_load %arg17[%get3A_2365, %get3A_2366] {strides = array<i32>} : memref<24x128xf32, #tpu.memory_space<vmem>>, vector<1x16xf32>,
      %get3A_2368 = vector.shape_cast %get3A_2367 : vector<1x16xf32> to vector<16xf32>
      %add3A_2369 = arith.addf %add3A_2363, %get3A_2368 : vector<16xf32>
      %swap3A_2370 = arith.constant 12 : i32
      %swap3A_2371 = arith.index_cast %swap3A_2370 : i32 to index
      %swap3A_2372 = arith.constant 80 : index
      %swap3A_2373 = tpu.vector_load %arg19[%swap3A_2371, %swap3A_2372] {strides = array<i32>} : memref<20x128xf32, #tpu.memory_space<vmem>>, vector<1x16xf32>,
      %swap3A_2374 = vector.shape_cast %swap3A_2373 : vector<1x16xf32> to vector<16xf32>
      %swap3A_2375 = vector.shape_cast %add3A_2369 : vector<16xf32> to vector<1x16xf32>
      tpu.vector_store %arg19[%swap3A_2371, %swap3A_2372], %swap3A_2375 {strides = array<i32>} : memref<20x128xf32, #tpu.memory_space<vmem>>, vector<1x16xf32>,
      %get3A_2376 = arith.constant 12 : i32
      %get3A_2377 = arith.index_cast %get3A_2376 : i32 to index
      %get3A_2378 = arith.constant 96 : index
      %get3A_2379 = tpu.vector_load %arg15[%get3A_2377, %get3A_2378] {strides = array<i32>} : memref<24x128xf32, #tpu.memory_space<vmem>>, vector<1x16xf32>,
      %get3A_2380 = vector.shape_cast %get3A_2379 : vector<1x16xf32> to vector<16xf32>
      %get3A_2381 = arith.constant 12 : i32
      %get3A_2382 = arith.index_cast %get3A_2381 : i32 to index
      %get3A_2383 = arith.constant 96 : index
      %get3A_2384 = tpu.vector_load %arg16[%get3A_2382, %get3A_2383] {strides = array<i32>} : memref<24x128xf32, #tpu.memory_space<vmem>>, vector<1x16xf32>,
      %get3A_2385 = vector.shape_cast %get3A_2384 : vector<1x16xf32> to vector<16xf32>
      %add3A_2386 = arith.addf %get3A_2380, %get3A_2385 : vector<16xf32>
      %get3A_2387 = arith.constant 12 : i32
      %get3A_2388 = arith.index_cast %get3A_2387 : i32 to index
      %get3A_2389 = arith.constant 96 : index
      %get3A_2390 = tpu.vector_load %arg17[%get3A_2388, %get3A_2389] {strides = array<i32>} : memref<24x128xf32, #tpu.memory_space<vmem>>, vector<1x16xf32>,
      %get3A_2391 = vector.shape_cast %get3A_2390 : vector<1x16xf32> to vector<16xf32>
      %add3A_2392 = arith.addf %add3A_2386, %get3A_2391 : vector<16xf32>
      %swap3A_2393 = arith.constant 12 : i32
      %swap3A_2394 = arith.index_cast %swap3A_2393 : i32 to index
      %swap3A_2395 = arith.constant 96 : index
      %swap3A_2396 = tpu.vector_load %arg19[%swap3A_2394, %swap3A_2395] {strides = array<i32>} : memref<20x128xf32, #tpu.memory_space<vmem>>, vector<1x16xf32>,
      %swap3A_2397 = vector.shape_cast %swap3A_2396 : vector<1x16xf32> to vector<16xf32>
      %swap3A_2398 = vector.shape_cast %add3A_2392 : vector<16xf32> to vector<1x16xf32>
      tpu.vector_store %arg19[%swap3A_2394, %swap3A_2395], %swap3A_2398 {strides = array<i32>} : memref<20x128xf32, #tpu.memory_space<vmem>>, vector<1x16xf32>,
      %get3A_2399 = arith.constant 12 : i32
      %get3A_2400 = arith.index_cast %get3A_2399 : i32 to index
      %get3A_2401 = arith.constant 112 : index
      %get3A_2402 = tpu.vector_load %arg15[%get3A_2400, %get3A_2401] {strides = array<i32>} : memref<24x128xf32, #tpu.memory_space<vmem>>, vector<1x16xf32>,
      %get3A_2403 = vector.shape_cast %get3A_2402 : vector<1x16xf32> to vector<16xf32>
      %get3A_2404 = arith.constant 12 : i32
      %get3A_2405 = arith.index_cast %get3A_2404 : i32 to index
      %get3A_2406 = arith.constant 112 : index
      %get3A_2407 = tpu.vector_load %arg16[%get3A_2405, %get3A_2406] {strides = array<i32>} : memref<24x128xf32, #tpu.memory_space<vmem>>, vector<1x16xf32>,
      %get3A_2408 = vector.shape_cast %get3A_2407 : vector<1x16xf32> to vector<16xf32>
      %add3A_2409 = arith.addf %get3A_2403, %get3A_2408 : vector<16xf32>
      %get3A_2410 = arith.constant 12 : i32
      %get3A_2411 = arith.index_cast %get3A_2410 : i32 to index
      %get3A_2412 = arith.constant 112 : index
      %get3A_2413 = tpu.vector_load %arg17[%get3A_2411, %get3A_2412] {strides = array<i32>} : memref<24x128xf32, #tpu.memory_space<vmem>>, vector<1x16xf32>,
      %get3A_2414 = vector.shape_cast %get3A_2413 : vector<1x16xf32> to vector<16xf32>
      %add3A_2415 = arith.addf %add3A_2409, %get3A_2414 : vector<16xf32>
      %swap3A_2416 = arith.constant 12 : i32
      %swap3A_2417 = arith.index_cast %swap3A_2416 : i32 to index
      %swap3A_2418 = arith.constant 112 : index
      %swap3A_2419 = tpu.vector_load %arg19[%swap3A_2417, %swap3A_2418] {strides = array<i32>} : memref<20x128xf32, #tpu.memory_space<vmem>>, vector<1x16xf32>,
      %swap3A_2420 = vector.shape_cast %swap3A_2419 : vector<1x16xf32> to vector<16xf32>
      %swap3A_2421 = vector.shape_cast %add3A_2415 : vector<16xf32> to vector<1x16xf32>
      tpu.vector_store %arg19[%swap3A_2417, %swap3A_2418], %swap3A_2421 {strides = array<i32>} : memref<20x128xf32, #tpu.memory_space<vmem>>, vector<1x16xf32>,
      %get3A_2422 = arith.constant 13 : i32
      %get3A_2423 = arith.index_cast %get3A_2422 : i32 to index
      %get3A_2424 = arith.constant 0 : index
      %get3A_2425 = tpu.vector_load %arg15[%get3A_2423, %get3A_2424] {strides = array<i32>} : memref<24x128xf32, #tpu.memory_space<vmem>>, vector<1x16xf32>,
      %get3A_2426 = vector.shape_cast %get3A_2425 : vector<1x16xf32> to vector<16xf32>
      %get3A_2427 = arith.constant 13 : i32
      %get3A_2428 = arith.index_cast %get3A_2427 : i32 to index
      %get3A_2429 = arith.constant 0 : index
      %get3A_2430 = tpu.vector_load %arg16[%get3A_2428, %get3A_2429] {strides = array<i32>} : memref<24x128xf32, #tpu.memory_space<vmem>>, vector<1x16xf32>,
      %get3A_2431 = vector.shape_cast %get3A_2430 : vector<1x16xf32> to vector<16xf32>
      %add3A_2432 = arith.addf %get3A_2426, %get3A_2431 : vector<16xf32>
      %get3A_2433 = arith.constant 13 : i32
      %get3A_2434 = arith.index_cast %get3A_2433 : i32 to index
      %get3A_2435 = arith.constant 0 : index
      %get3A_2436 = tpu.vector_load %arg17[%get3A_2434, %get3A_2435] {strides = array<i32>} : memref<24x128xf32, #tpu.memory_space<vmem>>, vector<1x16xf32>,
      %get3A_2437 = vector.shape_cast %get3A_2436 : vector<1x16xf32> to vector<16xf32>
      %add3A_2438 = arith.addf %add3A_2432, %get3A_2437 : vector<16xf32>
      %swap3A_2439 = arith.constant 13 : i32
      %swap3A_2440 = arith.index_cast %swap3A_2439 : i32 to index
      %swap3A_2441 = arith.constant 0 : index
      %swap3A_2442 = tpu.vector_load %arg19[%swap3A_2440, %swap3A_2441] {strides = array<i32>} : memref<20x128xf32, #tpu.memory_space<vmem>>, vector<1x16xf32>,
      %swap3A_2443 = vector.shape_cast %swap3A_2442 : vector<1x16xf32> to vector<16xf32>
      %swap3A_2444 = vector.shape_cast %add3A_2438 : vector<16xf32> to vector<1x16xf32>
      tpu.vector_store %arg19[%swap3A_2440, %swap3A_2441], %swap3A_2444 {strides = array<i32>} : memref<20x128xf32, #tpu.memory_space<vmem>>, vector<1x16xf32>,
      %get3A_2445 = arith.constant 13 : i32
      %get3A_2446 = arith.index_cast %get3A_2445 : i32 to index
      %get3A_2447 = arith.constant 16 : index
      %get3A_2448 = tpu.vector_load %arg15[%get3A_2446, %get3A_2447] {strides = array<i32>} : memref<24x128xf32, #tpu.memory_space<vmem>>, vector<1x16xf32>,
      %get3A_2449 = vector.shape_cast %get3A_2448 : vector<1x16xf32> to vector<16xf32>
      %get3A_2450 = arith.constant 13 : i32
      %get3A_2451 = arith.index_cast %get3A_2450 : i32 to index
      %get3A_2452 = arith.constant 16 : index
      %get3A_2453 = tpu.vector_load %arg16[%get3A_2451, %get3A_2452] {strides = array<i32>} : memref<24x128xf32, #tpu.memory_space<vmem>>, vector<1x16xf32>,
      %get3A_2454 = vector.shape_cast %get3A_2453 : vector<1x16xf32> to vector<16xf32>
      %add3A_2455 = arith.addf %get3A_2449, %get3A_2454 : vector<16xf32>
      %get3A_2456 = arith.constant 13 : i32
      %get3A_2457 = arith.index_cast %get3A_2456 : i32 to index
      %get3A_2458 = arith.constant 16 : index
      %get3A_2459 = tpu.vector_load %arg17[%get3A_2457, %get3A_2458] {strides = array<i32>} : memref<24x128xf32, #tpu.memory_space<vmem>>, vector<1x16xf32>,
      %get3A_2460 = vector.shape_cast %get3A_2459 : vector<1x16xf32> to vector<16xf32>
      %add3A_2461 = arith.addf %add3A_2455, %get3A_2460 : vector<16xf32>
      %swap3A_2462 = arith.constant 13 : i32
      %swap3A_2463 = arith.index_cast %swap3A_2462 : i32 to index
      %swap3A_2464 = arith.constant 16 : index
      %swap3A_2465 = tpu.vector_load %arg19[%swap3A_2463, %swap3A_2464] {strides = array<i32>} : memref<20x128xf32, #tpu.memory_space<vmem>>, vector<1x16xf32>,
      %swap3A_2466 = vector.shape_cast %swap3A_2465 : vector<1x16xf32> to vector<16xf32>
      %swap3A_2467 = vector.shape_cast %add3A_2461 : vector<16xf32> to vector<1x16xf32>
      tpu.vector_store %arg19[%swap3A_2463, %swap3A_2464], %swap3A_2467 {strides = array<i32>} : memref<20x128xf32, #tpu.memory_space<vmem>>, vector<1x16xf32>,
      %get3A_2468 = arith.constant 13 : i32
      %get3A_2469 = arith.index_cast %get3A_2468 : i32 to index
      %get3A_2470 = arith.constant 32 : index
      %get3A_2471 = tpu.vector_load %arg15[%get3A_2469, %get3A_2470] {strides = array<i32>} : memref<24x128xf32, #tpu.memory_space<vmem>>, vector<1x16xf32>,
      %get3A_2472 = vector.shape_cast %get3A_2471 : vector<1x16xf32> to vector<16xf32>
      %get3A_2473 = arith.constant 13 : i32
      %get3A_2474 = arith.index_cast %get3A_2473 : i32 to index
      %get3A_2475 = arith.constant 32 : index
      %get3A_2476 = tpu.vector_load %arg16[%get3A_2474, %get3A_2475] {strides = array<i32>} : memref<24x128xf32, #tpu.memory_space<vmem>>, vector<1x16xf32>,
      %get3A_2477 = vector.shape_cast %get3A_2476 : vector<1x16xf32> to vector<16xf32>
      %add3A_2478 = arith.addf %get3A_2472, %get3A_2477 : vector<16xf32>
      %get3A_2479 = arith.constant 13 : i32
      %get3A_2480 = arith.index_cast %get3A_2479 : i32 to index
      %get3A_2481 = arith.constant 32 : index
      %get3A_2482 = tpu.vector_load %arg17[%get3A_2480, %get3A_2481] {strides = array<i32>} : memref<24x128xf32, #tpu.memory_space<vmem>>, vector<1x16xf32>,
      %get3A_2483 = vector.shape_cast %get3A_2482 : vector<1x16xf32> to vector<16xf32>
      %add3A_2484 = arith.addf %add3A_2478, %get3A_2483 : vector<16xf32>
      %swap3A_2485 = arith.constant 13 : i32
      %swap3A_2486 = arith.index_cast %swap3A_2485 : i32 to index
      %swap3A_2487 = arith.constant 32 : index
      %swap3A_2488 = tpu.vector_load %arg19[%swap3A_2486, %swap3A_2487] {strides = array<i32>} : memref<20x128xf32, #tpu.memory_space<vmem>>, vector<1x16xf32>,
      %swap3A_2489 = vector.shape_cast %swap3A_2488 : vector<1x16xf32> to vector<16xf32>
      %swap3A_2490 = vector.shape_cast %add3A_2484 : vector<16xf32> to vector<1x16xf32>
      tpu.vector_store %arg19[%swap3A_2486, %swap3A_2487], %swap3A_2490 {strides = array<i32>} : memref<20x128xf32, #tpu.memory_space<vmem>>, vector<1x16xf32>,
      %get3A_2491 = arith.constant 13 : i32
      %get3A_2492 = arith.index_cast %get3A_2491 : i32 to index
      %get3A_2493 = arith.constant 48 : index
      %get3A_2494 = tpu.vector_load %arg15[%get3A_2492, %get3A_2493] {strides = array<i32>} : memref<24x128xf32, #tpu.memory_space<vmem>>, vector<1x16xf32>,
      %get3A_2495 = vector.shape_cast %get3A_2494 : vector<1x16xf32> to vector<16xf32>
      %get3A_2496 = arith.constant 13 : i32
      %get3A_2497 = arith.index_cast %get3A_2496 : i32 to index
      %get3A_2498 = arith.constant 48 : index
      %get3A_2499 = tpu.vector_load %arg16[%get3A_2497, %get3A_2498] {strides = array<i32>} : memref<24x128xf32, #tpu.memory_space<vmem>>, vector<1x16xf32>,
      %get3A_2500 = vector.shape_cast %get3A_2499 : vector<1x16xf32> to vector<16xf32>
      %add3A_2501 = arith.addf %get3A_2495, %get3A_2500 : vector<16xf32>
      %get3A_2502 = arith.constant 13 : i32
      %get3A_2503 = arith.index_cast %get3A_2502 : i32 to index
      %get3A_2504 = arith.constant 48 : index
      %get3A_2505 = tpu.vector_load %arg17[%get3A_2503, %get3A_2504] {strides = array<i32>} : memref<24x128xf32, #tpu.memory_space<vmem>>, vector<1x16xf32>,
      %get3A_2506 = vector.shape_cast %get3A_2505 : vector<1x16xf32> to vector<16xf32>
      %add3A_2507 = arith.addf %add3A_2501, %get3A_2506 : vector<16xf32>
      %swap3A_2508 = arith.constant 13 : i32
      %swap3A_2509 = arith.index_cast %swap3A_2508 : i32 to index
      %swap3A_2510 = arith.constant 48 : index
      %swap3A_2511 = tpu.vector_load %arg19[%swap3A_2509, %swap3A_2510] {strides = array<i32>} : memref<20x128xf32, #tpu.memory_space<vmem>>, vector<1x16xf32>,
      %swap3A_2512 = vector.shape_cast %swap3A_2511 : vector<1x16xf32> to vector<16xf32>
      %swap3A_2513 = vector.shape_cast %add3A_2507 : vector<16xf32> to vector<1x16xf32>
      tpu.vector_store %arg19[%swap3A_2509, %swap3A_2510], %swap3A_2513 {strides = array<i32>} : memref<20x128xf32, #tpu.memory_space<vmem>>, vector<1x16xf32>,
      %get3A_2514 = arith.constant 13 : i32
      %get3A_2515 = arith.index_cast %get3A_2514 : i32 to index
      %get3A_2516 = arith.constant 64 : index
      %get3A_2517 = tpu.vector_load %arg15[%get3A_2515, %get3A_2516] {strides = array<i32>} : memref<24x128xf32, #tpu.memory_space<vmem>>, vector<1x16xf32>,
      %get3A_2518 = vector.shape_cast %get3A_2517 : vector<1x16xf32> to vector<16xf32>
      %get3A_2519 = arith.constant 13 : i32
      %get3A_2520 = arith.index_cast %get3A_2519 : i32 to index
      %get3A_2521 = arith.constant 64 : index
      %get3A_2522 = tpu.vector_load %arg16[%get3A_2520, %get3A_2521] {strides = array<i32>} : memref<24x128xf32, #tpu.memory_space<vmem>>, vector<1x16xf32>,
      %get3A_2523 = vector.shape_cast %get3A_2522 : vector<1x16xf32> to vector<16xf32>
      %add3A_2524 = arith.addf %get3A_2518, %get3A_2523 : vector<16xf32>
      %get3A_2525 = arith.constant 13 : i32
      %get3A_2526 = arith.index_cast %get3A_2525 : i32 to index
      %get3A_2527 = arith.constant 64 : index
      %get3A_2528 = tpu.vector_load %arg17[%get3A_2526, %get3A_2527] {strides = array<i32>} : memref<24x128xf32, #tpu.memory_space<vmem>>, vector<1x16xf32>,
      %get3A_2529 = vector.shape_cast %get3A_2528 : vector<1x16xf32> to vector<16xf32>
      %add3A_2530 = arith.addf %add3A_2524, %get3A_2529 : vector<16xf32>
      %swap3A_2531 = arith.constant 13 : i32
      %swap3A_2532 = arith.index_cast %swap3A_2531 : i32 to index
      %swap3A_2533 = arith.constant 64 : index
      %swap3A_2534 = tpu.vector_load %arg19[%swap3A_2532, %swap3A_2533] {strides = array<i32>} : memref<20x128xf32, #tpu.memory_space<vmem>>, vector<1x16xf32>,
      %swap3A_2535 = vector.shape_cast %swap3A_2534 : vector<1x16xf32> to vector<16xf32>
      %swap3A_2536 = vector.shape_cast %add3A_2530 : vector<16xf32> to vector<1x16xf32>
      tpu.vector_store %arg19[%swap3A_2532, %swap3A_2533], %swap3A_2536 {strides = array<i32>} : memref<20x128xf32, #tpu.memory_space<vmem>>, vector<1x16xf32>,
      %get3A_2537 = arith.constant 13 : i32
      %get3A_2538 = arith.index_cast %get3A_2537 : i32 to index
      %get3A_2539 = arith.constant 80 : index
      %get3A_2540 = tpu.vector_load %arg15[%get3A_2538, %get3A_2539] {strides = array<i32>} : memref<24x128xf32, #tpu.memory_space<vmem>>, vector<1x16xf32>,
      %get3A_2541 = vector.shape_cast %get3A_2540 : vector<1x16xf32> to vector<16xf32>
      %get3A_2542 = arith.constant 13 : i32
      %get3A_2543 = arith.index_cast %get3A_2542 : i32 to index
      %get3A_2544 = arith.constant 80 : index
      %get3A_2545 = tpu.vector_load %arg16[%get3A_2543, %get3A_2544] {strides = array<i32>} : memref<24x128xf32, #tpu.memory_space<vmem>>, vector<1x16xf32>,
      %get3A_2546 = vector.shape_cast %get3A_2545 : vector<1x16xf32> to vector<16xf32>
      %add3A_2547 = arith.addf %get3A_2541, %get3A_2546 : vector<16xf32>
      %get3A_2548 = arith.constant 13 : i32
      %get3A_2549 = arith.index_cast %get3A_2548 : i32 to index
      %get3A_2550 = arith.constant 80 : index
      %get3A_2551 = tpu.vector_load %arg17[%get3A_2549, %get3A_2550] {strides = array<i32>} : memref<24x128xf32, #tpu.memory_space<vmem>>, vector<1x16xf32>,
      %get3A_2552 = vector.shape_cast %get3A_2551 : vector<1x16xf32> to vector<16xf32>
      %add3A_2553 = arith.addf %add3A_2547, %get3A_2552 : vector<16xf32>
      %swap3A_2554 = arith.constant 13 : i32
      %swap3A_2555 = arith.index_cast %swap3A_2554 : i32 to index
      %swap3A_2556 = arith.constant 80 : index
      %swap3A_2557 = tpu.vector_load %arg19[%swap3A_2555, %swap3A_2556] {strides = array<i32>} : memref<20x128xf32, #tpu.memory_space<vmem>>, vector<1x16xf32>,
      %swap3A_2558 = vector.shape_cast %swap3A_2557 : vector<1x16xf32> to vector<16xf32>
      %swap3A_2559 = vector.shape_cast %add3A_2553 : vector<16xf32> to vector<1x16xf32>
      tpu.vector_store %arg19[%swap3A_2555, %swap3A_2556], %swap3A_2559 {strides = array<i32>} : memref<20x128xf32, #tpu.memory_space<vmem>>, vector<1x16xf32>,
      %get3A_2560 = arith.constant 13 : i32
      %get3A_2561 = arith.index_cast %get3A_2560 : i32 to index
      %get3A_2562 = arith.constant 96 : index
      %get3A_2563 = tpu.vector_load %arg15[%get3A_2561, %get3A_2562] {strides = array<i32>} : memref<24x128xf32, #tpu.memory_space<vmem>>, vector<1x16xf32>,
      %get3A_2564 = vector.shape_cast %get3A_2563 : vector<1x16xf32> to vector<16xf32>
      %get3A_2565 = arith.constant 13 : i32
      %get3A_2566 = arith.index_cast %get3A_2565 : i32 to index
      %get3A_2567 = arith.constant 96 : index
      %get3A_2568 = tpu.vector_load %arg16[%get3A_2566, %get3A_2567] {strides = array<i32>} : memref<24x128xf32, #tpu.memory_space<vmem>>, vector<1x16xf32>,
      %get3A_2569 = vector.shape_cast %get3A_2568 : vector<1x16xf32> to vector<16xf32>
      %add3A_2570 = arith.addf %get3A_2564, %get3A_2569 : vector<16xf32>
      %get3A_2571 = arith.constant 13 : i32
      %get3A_2572 = arith.index_cast %get3A_2571 : i32 to index
      %get3A_2573 = arith.constant 96 : index
      %get3A_2574 = tpu.vector_load %arg17[%get3A_2572, %get3A_2573] {strides = array<i32>} : memref<24x128xf32, #tpu.memory_space<vmem>>, vector<1x16xf32>,
      %get3A_2575 = vector.shape_cast %get3A_2574 : vector<1x16xf32> to vector<16xf32>
      %add3A_2576 = arith.addf %add3A_2570, %get3A_2575 : vector<16xf32>
      %swap3A_2577 = arith.constant 13 : i32
      %swap3A_2578 = arith.index_cast %swap3A_2577 : i32 to index
      %swap3A_2579 = arith.constant 96 : index
      %swap3A_2580 = tpu.vector_load %arg19[%swap3A_2578, %swap3A_2579] {strides = array<i32>} : memref<20x128xf32, #tpu.memory_space<vmem>>, vector<1x16xf32>,
      %swap3A_2581 = vector.shape_cast %swap3A_2580 : vector<1x16xf32> to vector<16xf32>
      %swap3A_2582 = vector.shape_cast %add3A_2576 : vector<16xf32> to vector<1x16xf32>
      tpu.vector_store %arg19[%swap3A_2578, %swap3A_2579], %swap3A_2582 {strides = array<i32>} : memref<20x128xf32, #tpu.memory_space<vmem>>, vector<1x16xf32>,
      %get3A_2583 = arith.constant 13 : i32
      %get3A_2584 = arith.index_cast %get3A_2583 : i32 to index
      %get3A_2585 = arith.constant 112 : index
      %get3A_2586 = tpu.vector_load %arg15[%get3A_2584, %get3A_2585] {strides = array<i32>} : memref<24x128xf32, #tpu.memory_space<vmem>>, vector<1x16xf32>,
      %get3A_2587 = vector.shape_cast %get3A_2586 : vector<1x16xf32> to vector<16xf32>
      %get3A_2588 = arith.constant 13 : i32
      %get3A_2589 = arith.index_cast %get3A_2588 : i32 to index
      %get3A_2590 = arith.constant 112 : index
      %get3A_2591 = tpu.vector_load %arg16[%get3A_2589, %get3A_2590] {strides = array<i32>} : memref<24x128xf32, #tpu.memory_space<vmem>>, vector<1x16xf32>,
      %get3A_2592 = vector.shape_cast %get3A_2591 : vector<1x16xf32> to vector<16xf32>
      %add3A_2593 = arith.addf %get3A_2587, %get3A_2592 : vector<16xf32>
      %get3A_2594 = arith.constant 13 : i32
      %get3A_2595 = arith.index_cast %get3A_2594 : i32 to index
      %get3A_2596 = arith.constant 112 : index
      %get3A_2597 = tpu.vector_load %arg17[%get3A_2595, %get3A_2596] {strides = array<i32>} : memref<24x128xf32, #tpu.memory_space<vmem>>, vector<1x16xf32>,
      %get3A_2598 = vector.shape_cast %get3A_2597 : vector<1x16xf32> to vector<16xf32>
      %add3A_2599 = arith.addf %add3A_2593, %get3A_2598 : vector<16xf32>
      %swap3A_2600 = arith.constant 13 : i32
      %swap3A_2601 = arith.index_cast %swap3A_2600 : i32 to index
      %swap3A_2602 = arith.constant 112 : index
      %swap3A_2603 = tpu.vector_load %arg19[%swap3A_2601, %swap3A_2602] {strides = array<i32>} : memref<20x128xf32, #tpu.memory_space<vmem>>, vector<1x16xf32>,
      %swap3A_2604 = vector.shape_cast %swap3A_2603 : vector<1x16xf32> to vector<16xf32>
      %swap3A_2605 = vector.shape_cast %add3A_2599 : vector<16xf32> to vector<1x16xf32>
      tpu.vector_store %arg19[%swap3A_2601, %swap3A_2602], %swap3A_2605 {strides = array<i32>} : memref<20x128xf32, #tpu.memory_space<vmem>>, vector<1x16xf32>,
      %get3A_2606 = arith.constant 14 : i32
      %get3A_2607 = arith.index_cast %get3A_2606 : i32 to index
      %get3A_2608 = arith.constant 0 : index
      %get3A_2609 = tpu.vector_load %arg15[%get3A_2607, %get3A_2608] {strides = array<i32>} : memref<24x128xf32, #tpu.memory_space<vmem>>, vector<1x16xf32>,
      %get3A_2610 = vector.shape_cast %get3A_2609 : vector<1x16xf32> to vector<16xf32>
      %get3A_2611 = arith.constant 14 : i32
      %get3A_2612 = arith.index_cast %get3A_2611 : i32 to index
      %get3A_2613 = arith.constant 0 : index
      %get3A_2614 = tpu.vector_load %arg16[%get3A_2612, %get3A_2613] {strides = array<i32>} : memref<24x128xf32, #tpu.memory_space<vmem>>, vector<1x16xf32>,
      %get3A_2615 = vector.shape_cast %get3A_2614 : vector<1x16xf32> to vector<16xf32>
      %add3A_2616 = arith.addf %get3A_2610, %get3A_2615 : vector<16xf32>
      %get3A_2617 = arith.constant 14 : i32
      %get3A_2618 = arith.index_cast %get3A_2617 : i32 to index
      %get3A_2619 = arith.constant 0 : index
      %get3A_2620 = tpu.vector_load %arg17[%get3A_2618, %get3A_2619] {strides = array<i32>} : memref<24x128xf32, #tpu.memory_space<vmem>>, vector<1x16xf32>,
      %get3A_2621 = vector.shape_cast %get3A_2620 : vector<1x16xf32> to vector<16xf32>
      %add3A_2622 = arith.addf %add3A_2616, %get3A_2621 : vector<16xf32>
      %swap3A_2623 = arith.constant 14 : i32
      %swap3A_2624 = arith.index_cast %swap3A_2623 : i32 to index
      %swap3A_2625 = arith.constant 0 : index
      %swap3A_2626 = tpu.vector_load %arg19[%swap3A_2624, %swap3A_2625] {strides = array<i32>} : memref<20x128xf32, #tpu.memory_space<vmem>>, vector<1x16xf32>,
      %swap3A_2627 = vector.shape_cast %swap3A_2626 : vector<1x16xf32> to vector<16xf32>
      %swap3A_2628 = vector.shape_cast %add3A_2622 : vector<16xf32> to vector<1x16xf32>
      tpu.vector_store %arg19[%swap3A_2624, %swap3A_2625], %swap3A_2628 {strides = array<i32>} : memref<20x128xf32, #tpu.memory_space<vmem>>, vector<1x16xf32>,
      %get3A_2629 = arith.constant 14 : i32
      %get3A_2630 = arith.index_cast %get3A_2629 : i32 to index
      %get3A_2631 = arith.constant 16 : index
      %get3A_2632 = tpu.vector_load %arg15[%get3A_2630, %get3A_2631] {strides = array<i32>} : memref<24x128xf32, #tpu.memory_space<vmem>>, vector<1x16xf32>,
      %get3A_2633 = vector.shape_cast %get3A_2632 : vector<1x16xf32> to vector<16xf32>
      %get3A_2634 = arith.constant 14 : i32
      %get3A_2635 = arith.index_cast %get3A_2634 : i32 to index
      %get3A_2636 = arith.constant 16 : index
      %get3A_2637 = tpu.vector_load %arg16[%get3A_2635, %get3A_2636] {strides = array<i32>} : memref<24x128xf32, #tpu.memory_space<vmem>>, vector<1x16xf32>,
      %get3A_2638 = vector.shape_cast %get3A_2637 : vector<1x16xf32> to vector<16xf32>
      %add3A_2639 = arith.addf %get3A_2633, %get3A_2638 : vector<16xf32>
      %get3A_2640 = arith.constant 14 : i32
      %get3A_2641 = arith.index_cast %get3A_2640 : i32 to index
      %get3A_2642 = arith.constant 16 : index
      %get3A_2643 = tpu.vector_load %arg17[%get3A_2641, %get3A_2642] {strides = array<i32>} : memref<24x128xf32, #tpu.memory_space<vmem>>, vector<1x16xf32>,
      %get3A_2644 = vector.shape_cast %get3A_2643 : vector<1x16xf32> to vector<16xf32>
      %add3A_2645 = arith.addf %add3A_2639, %get3A_2644 : vector<16xf32>
      %swap3A_2646 = arith.constant 14 : i32
      %swap3A_2647 = arith.index_cast %swap3A_2646 : i32 to index
      %swap3A_2648 = arith.constant 16 : index
      %swap3A_2649 = tpu.vector_load %arg19[%swap3A_2647, %swap3A_2648] {strides = array<i32>} : memref<20x128xf32, #tpu.memory_space<vmem>>, vector<1x16xf32>,
      %swap3A_2650 = vector.shape_cast %swap3A_2649 : vector<1x16xf32> to vector<16xf32>
      %swap3A_2651 = vector.shape_cast %add3A_2645 : vector<16xf32> to vector<1x16xf32>
      tpu.vector_store %arg19[%swap3A_2647, %swap3A_2648], %swap3A_2651 {strides = array<i32>} : memref<20x128xf32, #tpu.memory_space<vmem>>, vector<1x16xf32>,
      %get3A_2652 = arith.constant 14 : i32
      %get3A_2653 = arith.index_cast %get3A_2652 : i32 to index
      %get3A_2654 = arith.constant 32 : index
      %get3A_2655 = tpu.vector_load %arg15[%get3A_2653, %get3A_2654] {strides = array<i32>} : memref<24x128xf32, #tpu.memory_space<vmem>>, vector<1x16xf32>,
      %get3A_2656 = vector.shape_cast %get3A_2655 : vector<1x16xf32> to vector<16xf32>
      %get3A_2657 = arith.constant 14 : i32
      %get3A_2658 = arith.index_cast %get3A_2657 : i32 to index
      %get3A_2659 = arith.constant 32 : index
      %get3A_2660 = tpu.vector_load %arg16[%get3A_2658, %get3A_2659] {strides = array<i32>} : memref<24x128xf32, #tpu.memory_space<vmem>>, vector<1x16xf32>,
      %get3A_2661 = vector.shape_cast %get3A_2660 : vector<1x16xf32> to vector<16xf32>
      %add3A_2662 = arith.addf %get3A_2656, %get3A_2661 : vector<16xf32>
      %get3A_2663 = arith.constant 14 : i32
      %get3A_2664 = arith.index_cast %get3A_2663 : i32 to index
      %get3A_2665 = arith.constant 32 : index
      %get3A_2666 = tpu.vector_load %arg17[%get3A_2664, %get3A_2665] {strides = array<i32>} : memref<24x128xf32, #tpu.memory_space<vmem>>, vector<1x16xf32>,
      %get3A_2667 = vector.shape_cast %get3A_2666 : vector<1x16xf32> to vector<16xf32>
      %add3A_2668 = arith.addf %add3A_2662, %get3A_2667 : vector<16xf32>
      %swap3A_2669 = arith.constant 14 : i32
      %swap3A_2670 = arith.index_cast %swap3A_2669 : i32 to index
      %swap3A_2671 = arith.constant 32 : index
      %swap3A_2672 = tpu.vector_load %arg19[%swap3A_2670, %swap3A_2671] {strides = array<i32>} : memref<20x128xf32, #tpu.memory_space<vmem>>, vector<1x16xf32>,
      %swap3A_2673 = vector.shape_cast %swap3A_2672 : vector<1x16xf32> to vector<16xf32>
      %swap3A_2674 = vector.shape_cast %add3A_2668 : vector<16xf32> to vector<1x16xf32>
      tpu.vector_store %arg19[%swap3A_2670, %swap3A_2671], %swap3A_2674 {strides = array<i32>} : memref<20x128xf32, #tpu.memory_space<vmem>>, vector<1x16xf32>,
      %get3A_2675 = arith.constant 14 : i32
      %get3A_2676 = arith.index_cast %get3A_2675 : i32 to index
      %get3A_2677 = arith.constant 48 : index
      %get3A_2678 = tpu.vector_load %arg15[%get3A_2676, %get3A_2677] {strides = array<i32>} : memref<24x128xf32, #tpu.memory_space<vmem>>, vector<1x16xf32>,
      %get3A_2679 = vector.shape_cast %get3A_2678 : vector<1x16xf32> to vector<16xf32>
      %get3A_2680 = arith.constant 14 : i32
      %get3A_2681 = arith.index_cast %get3A_2680 : i32 to index
      %get3A_2682 = arith.constant 48 : index
      %get3A_2683 = tpu.vector_load %arg16[%get3A_2681, %get3A_2682] {strides = array<i32>} : memref<24x128xf32, #tpu.memory_space<vmem>>, vector<1x16xf32>,
      %get3A_2684 = vector.shape_cast %get3A_2683 : vector<1x16xf32> to vector<16xf32>
      %add3A_2685 = arith.addf %get3A_2679, %get3A_2684 : vector<16xf32>
      %get3A_2686 = arith.constant 14 : i32
      %get3A_2687 = arith.index_cast %get3A_2686 : i32 to index
      %get3A_2688 = arith.constant 48 : index
      %get3A_2689 = tpu.vector_load %arg17[%get3A_2687, %get3A_2688] {strides = array<i32>} : memref<24x128xf32, #tpu.memory_space<vmem>>, vector<1x16xf32>,
      %get3A_2690 = vector.shape_cast %get3A_2689 : vector<1x16xf32> to vector<16xf32>
      %add3A_2691 = arith.addf %add3A_2685, %get3A_2690 : vector<16xf32>
      %swap3A_2692 = arith.constant 14 : i32
      %swap3A_2693 = arith.index_cast %swap3A_2692 : i32 to index
      %swap3A_2694 = arith.constant 48 : index
      %swap3A_2695 = tpu.vector_load %arg19[%swap3A_2693, %swap3A_2694] {strides = array<i32>} : memref<20x128xf32, #tpu.memory_space<vmem>>, vector<1x16xf32>,
      %swap3A_2696 = vector.shape_cast %swap3A_2695 : vector<1x16xf32> to vector<16xf32>
      %swap3A_2697 = vector.shape_cast %add3A_2691 : vector<16xf32> to vector<1x16xf32>
      tpu.vector_store %arg19[%swap3A_2693, %swap3A_2694], %swap3A_2697 {strides = array<i32>} : memref<20x128xf32, #tpu.memory_space<vmem>>, vector<1x16xf32>,
      %get3A_2698 = arith.constant 14 : i32
      %get3A_2699 = arith.index_cast %get3A_2698 : i32 to index
      %get3A_2700 = arith.constant 64 : index
      %get3A_2701 = tpu.vector_load %arg15[%get3A_2699, %get3A_2700] {strides = array<i32>} : memref<24x128xf32, #tpu.memory_space<vmem>>, vector<1x16xf32>,
      %get3A_2702 = vector.shape_cast %get3A_2701 : vector<1x16xf32> to vector<16xf32>
      %get3A_2703 = arith.constant 14 : i32
      %get3A_2704 = arith.index_cast %get3A_2703 : i32 to index
      %get3A_2705 = arith.constant 64 : index
      %get3A_2706 = tpu.vector_load %arg16[%get3A_2704, %get3A_2705] {strides = array<i32>} : memref<24x128xf32, #tpu.memory_space<vmem>>, vector<1x16xf32>,
      %get3A_2707 = vector.shape_cast %get3A_2706 : vector<1x16xf32> to vector<16xf32>
      %add3A_2708 = arith.addf %get3A_2702, %get3A_2707 : vector<16xf32>
      %get3A_2709 = arith.constant 14 : i32
      %get3A_2710 = arith.index_cast %get3A_2709 : i32 to index
      %get3A_2711 = arith.constant 64 : index
      %get3A_2712 = tpu.vector_load %arg17[%get3A_2710, %get3A_2711] {strides = array<i32>} : memref<24x128xf32, #tpu.memory_space<vmem>>, vector<1x16xf32>,
      %get3A_2713 = vector.shape_cast %get3A_2712 : vector<1x16xf32> to vector<16xf32>
      %add3A_2714 = arith.addf %add3A_2708, %get3A_2713 : vector<16xf32>
      %swap3A_2715 = arith.constant 14 : i32
      %swap3A_2716 = arith.index_cast %swap3A_2715 : i32 to index
      %swap3A_2717 = arith.constant 64 : index
      %swap3A_2718 = tpu.vector_load %arg19[%swap3A_2716, %swap3A_2717] {strides = array<i32>} : memref<20x128xf32, #tpu.memory_space<vmem>>, vector<1x16xf32>,
      %swap3A_2719 = vector.shape_cast %swap3A_2718 : vector<1x16xf32> to vector<16xf32>
      %swap3A_2720 = vector.shape_cast %add3A_2714 : vector<16xf32> to vector<1x16xf32>
      tpu.vector_store %arg19[%swap3A_2716, %swap3A_2717], %swap3A_2720 {strides = array<i32>} : memref<20x128xf32, #tpu.memory_space<vmem>>, vector<1x16xf32>,
      %get3A_2721 = arith.constant 14 : i32
      %get3A_2722 = arith.index_cast %get3A_2721 : i32 to index
      %get3A_2723 = arith.constant 80 : index
      %get3A_2724 = tpu.vector_load %arg15[%get3A_2722, %get3A_2723] {strides = array<i32>} : memref<24x128xf32, #tpu.memory_space<vmem>>, vector<1x16xf32>,
      %get3A_2725 = vector.shape_cast %get3A_2724 : vector<1x16xf32> to vector<16xf32>
      %get3A_2726 = arith.constant 14 : i32
      %get3A_2727 = arith.index_cast %get3A_2726 : i32 to index
      %get3A_2728 = arith.constant 80 : index
      %get3A_2729 = tpu.vector_load %arg16[%get3A_2727, %get3A_2728] {strides = array<i32>} : memref<24x128xf32, #tpu.memory_space<vmem>>, vector<1x16xf32>,
      %get3A_2730 = vector.shape_cast %get3A_2729 : vector<1x16xf32> to vector<16xf32>
      %add3A_2731 = arith.addf %get3A_2725, %get3A_2730 : vector<16xf32>
      %get3A_2732 = arith.constant 14 : i32
      %get3A_2733 = arith.index_cast %get3A_2732 : i32 to index
      %get3A_2734 = arith.constant 80 : index
      %get3A_2735 = tpu.vector_load %arg17[%get3A_2733, %get3A_2734] {strides = array<i32>} : memref<24x128xf32, #tpu.memory_space<vmem>>, vector<1x16xf32>,
      %get3A_2736 = vector.shape_cast %get3A_2735 : vector<1x16xf32> to vector<16xf32>
      %add3A_2737 = arith.addf %add3A_2731, %get3A_2736 : vector<16xf32>
      %swap3A_2738 = arith.constant 14 : i32
      %swap3A_2739 = arith.index_cast %swap3A_2738 : i32 to index
      %swap3A_2740 = arith.constant 80 : index
      %swap3A_2741 = tpu.vector_load %arg19[%swap3A_2739, %swap3A_2740] {strides = array<i32>} : memref<20x128xf32, #tpu.memory_space<vmem>>, vector<1x16xf32>,
      %swap3A_2742 = vector.shape_cast %swap3A_2741 : vector<1x16xf32> to vector<16xf32>
      %swap3A_2743 = vector.shape_cast %add3A_2737 : vector<16xf32> to vector<1x16xf32>
      tpu.vector_store %arg19[%swap3A_2739, %swap3A_2740], %swap3A_2743 {strides = array<i32>} : memref<20x128xf32, #tpu.memory_space<vmem>>, vector<1x16xf32>,
      %get3A_2744 = arith.constant 14 : i32
      %get3A_2745 = arith.index_cast %get3A_2744 : i32 to index
      %get3A_2746 = arith.constant 96 : index
      %get3A_2747 = tpu.vector_load %arg15[%get3A_2745, %get3A_2746] {strides = array<i32>} : memref<24x128xf32, #tpu.memory_space<vmem>>, vector<1x16xf32>,
      %get3A_2748 = vector.shape_cast %get3A_2747 : vector<1x16xf32> to vector<16xf32>
      %get3A_2749 = arith.constant 14 : i32
      %get3A_2750 = arith.index_cast %get3A_2749 : i32 to index
      %get3A_2751 = arith.constant 96 : index
      %get3A_2752 = tpu.vector_load %arg16[%get3A_2750, %get3A_2751] {strides = array<i32>} : memref<24x128xf32, #tpu.memory_space<vmem>>, vector<1x16xf32>,
      %get3A_2753 = vector.shape_cast %get3A_2752 : vector<1x16xf32> to vector<16xf32>
      %add3A_2754 = arith.addf %get3A_2748, %get3A_2753 : vector<16xf32>
      %get3A_2755 = arith.constant 14 : i32
      %get3A_2756 = arith.index_cast %get3A_2755 : i32 to index
      %get3A_2757 = arith.constant 96 : index
      %get3A_2758 = tpu.vector_load %arg17[%get3A_2756, %get3A_2757] {strides = array<i32>} : memref<24x128xf32, #tpu.memory_space<vmem>>, vector<1x16xf32>,
      %get3A_2759 = vector.shape_cast %get3A_2758 : vector<1x16xf32> to vector<16xf32>
      %add3A_2760 = arith.addf %add3A_2754, %get3A_2759 : vector<16xf32>
      %swap3A_2761 = arith.constant 14 : i32
      %swap3A_2762 = arith.index_cast %swap3A_2761 : i32 to index
      %swap3A_2763 = arith.constant 96 : index
      %swap3A_2764 = tpu.vector_load %arg19[%swap3A_2762, %swap3A_2763] {strides = array<i32>} : memref<20x128xf32, #tpu.memory_space<vmem>>, vector<1x16xf32>,
      %swap3A_2765 = vector.shape_cast %swap3A_2764 : vector<1x16xf32> to vector<16xf32>
      %swap3A_2766 = vector.shape_cast %add3A_2760 : vector<16xf32> to vector<1x16xf32>
      tpu.vector_store %arg19[%swap3A_2762, %swap3A_2763], %swap3A_2766 {strides = array<i32>} : memref<20x128xf32, #tpu.memory_space<vmem>>, vector<1x16xf32>,
      %get3A_2767 = arith.constant 14 : i32
      %get3A_2768 = arith.index_cast %get3A_2767 : i32 to index
      %get3A_2769 = arith.constant 112 : index
      %get3A_2770 = tpu.vector_load %arg15[%get3A_2768, %get3A_2769] {strides = array<i32>} : memref<24x128xf32, #tpu.memory_space<vmem>>, vector<1x16xf32>,
      %get3A_2771 = vector.shape_cast %get3A_2770 : vector<1x16xf32> to vector<16xf32>
      %get3A_2772 = arith.constant 14 : i32
      %get3A_2773 = arith.index_cast %get3A_2772 : i32 to index
      %get3A_2774 = arith.constant 112 : index
      %get3A_2775 = tpu.vector_load %arg16[%get3A_2773, %get3A_2774] {strides = array<i32>} : memref<24x128xf32, #tpu.memory_space<vmem>>, vector<1x16xf32>,
      %get3A_2776 = vector.shape_cast %get3A_2775 : vector<1x16xf32> to vector<16xf32>
      %add3A_2777 = arith.addf %get3A_2771, %get3A_2776 : vector<16xf32>
      %get3A_2778 = arith.constant 14 : i32
      %get3A_2779 = arith.index_cast %get3A_2778 : i32 to index
      %get3A_2780 = arith.constant 112 : index
      %get3A_2781 = tpu.vector_load %arg17[%get3A_2779, %get3A_2780] {strides = array<i32>} : memref<24x128xf32, #tpu.memory_space<vmem>>, vector<1x16xf32>,
      %get3A_2782 = vector.shape_cast %get3A_2781 : vector<1x16xf32> to vector<16xf32>
      %add3A_2783 = arith.addf %add3A_2777, %get3A_2782 : vector<16xf32>
      %swap3A_2784 = arith.constant 14 : i32
      %swap3A_2785 = arith.index_cast %swap3A_2784 : i32 to index
      %swap3A_2786 = arith.constant 112 : index
      %swap3A_2787 = tpu.vector_load %arg19[%swap3A_2785, %swap3A_2786] {strides = array<i32>} : memref<20x128xf32, #tpu.memory_space<vmem>>, vector<1x16xf32>,
      %swap3A_2788 = vector.shape_cast %swap3A_2787 : vector<1x16xf32> to vector<16xf32>
      %swap3A_2789 = vector.shape_cast %add3A_2783 : vector<16xf32> to vector<1x16xf32>
      tpu.vector_store %arg19[%swap3A_2785, %swap3A_2786], %swap3A_2789 {strides = array<i32>} : memref<20x128xf32, #tpu.memory_space<vmem>>, vector<1x16xf32>,
      %get3A_2790 = arith.constant 15 : i32
      %get3A_2791 = arith.index_cast %get3A_2790 : i32 to index
      %get3A_2792 = arith.constant 0 : index
      %get3A_2793 = tpu.vector_load %arg15[%get3A_2791, %get3A_2792] {strides = array<i32>} : memref<24x128xf32, #tpu.memory_space<vmem>>, vector<1x16xf32>,
      %get3A_2794 = vector.shape_cast %get3A_2793 : vector<1x16xf32> to vector<16xf32>
      %get3A_2795 = arith.constant 15 : i32
      %get3A_2796 = arith.index_cast %get3A_2795 : i32 to index
      %get3A_2797 = arith.constant 0 : index
      %get3A_2798 = tpu.vector_load %arg16[%get3A_2796, %get3A_2797] {strides = array<i32>} : memref<24x128xf32, #tpu.memory_space<vmem>>, vector<1x16xf32>,
      %get3A_2799 = vector.shape_cast %get3A_2798 : vector<1x16xf32> to vector<16xf32>
      %add3A_2800 = arith.addf %get3A_2794, %get3A_2799 : vector<16xf32>
      %get3A_2801 = arith.constant 15 : i32
      %get3A_2802 = arith.index_cast %get3A_2801 : i32 to index
      %get3A_2803 = arith.constant 0 : index
      %get3A_2804 = tpu.vector_load %arg17[%get3A_2802, %get3A_2803] {strides = array<i32>} : memref<24x128xf32, #tpu.memory_space<vmem>>, vector<1x16xf32>,
      %get3A_2805 = vector.shape_cast %get3A_2804 : vector<1x16xf32> to vector<16xf32>
      %add3A_2806 = arith.addf %add3A_2800, %get3A_2805 : vector<16xf32>
      %swap3A_2807 = arith.constant 15 : i32
      %swap3A_2808 = arith.index_cast %swap3A_2807 : i32 to index
      %swap3A_2809 = arith.constant 0 : index
      %swap3A_2810 = tpu.vector_load %arg19[%swap3A_2808, %swap3A_2809] {strides = array<i32>} : memref<20x128xf32, #tpu.memory_space<vmem>>, vector<1x16xf32>,
      %swap3A_2811 = vector.shape_cast %swap3A_2810 : vector<1x16xf32> to vector<16xf32>
      %swap3A_2812 = vector.shape_cast %add3A_2806 : vector<16xf32> to vector<1x16xf32>
      tpu.vector_store %arg19[%swap3A_2808, %swap3A_2809], %swap3A_2812 {strides = array<i32>} : memref<20x128xf32, #tpu.memory_space<vmem>>, vector<1x16xf32>,
      %get3A_2813 = arith.constant 15 : i32
      %get3A_2814 = arith.index_cast %get3A_2813 : i32 to index
      %get3A_2815 = arith.constant 16 : index
      %get3A_2816 = tpu.vector_load %arg15[%get3A_2814, %get3A_2815] {strides = array<i32>} : memref<24x128xf32, #tpu.memory_space<vmem>>, vector<1x16xf32>,
      %get3A_2817 = vector.shape_cast %get3A_2816 : vector<1x16xf32> to vector<16xf32>
      %get3A_2818 = arith.constant 15 : i32
      %get3A_2819 = arith.index_cast %get3A_2818 : i32 to index
      %get3A_2820 = arith.constant 16 : index
      %get3A_2821 = tpu.vector_load %arg16[%get3A_2819, %get3A_2820] {strides = array<i32>} : memref<24x128xf32, #tpu.memory_space<vmem>>, vector<1x16xf32>,
      %get3A_2822 = vector.shape_cast %get3A_2821 : vector<1x16xf32> to vector<16xf32>
      %add3A_2823 = arith.addf %get3A_2817, %get3A_2822 : vector<16xf32>
      %get3A_2824 = arith.constant 15 : i32
      %get3A_2825 = arith.index_cast %get3A_2824 : i32 to index
      %get3A_2826 = arith.constant 16 : index
      %get3A_2827 = tpu.vector_load %arg17[%get3A_2825, %get3A_2826] {strides = array<i32>} : memref<24x128xf32, #tpu.memory_space<vmem>>, vector<1x16xf32>,
      %get3A_2828 = vector.shape_cast %get3A_2827 : vector<1x16xf32> to vector<16xf32>
      %add3A_2829 = arith.addf %add3A_2823, %get3A_2828 : vector<16xf32>
      %swap3A_2830 = arith.constant 15 : i32
      %swap3A_2831 = arith.index_cast %swap3A_2830 : i32 to index
      %swap3A_2832 = arith.constant 16 : index
      %swap3A_2833 = tpu.vector_load %arg19[%swap3A_2831, %swap3A_2832] {strides = array<i32>} : memref<20x128xf32, #tpu.memory_space<vmem>>, vector<1x16xf32>,
      %swap3A_2834 = vector.shape_cast %swap3A_2833 : vector<1x16xf32> to vector<16xf32>
      %swap3A_2835 = vector.shape_cast %add3A_2829 : vector<16xf32> to vector<1x16xf32>
      tpu.vector_store %arg19[%swap3A_2831, %swap3A_2832], %swap3A_2835 {strides = array<i32>} : memref<20x128xf32, #tpu.memory_space<vmem>>, vector<1x16xf32>,
      %get3A_2836 = arith.constant 15 : i32
      %get3A_2837 = arith.index_cast %get3A_2836 : i32 to index
      %get3A_2838 = arith.constant 32 : index
      %get3A_2839 = tpu.vector_load %arg15[%get3A_2837, %get3A_2838] {strides = array<i32>} : memref<24x128xf32, #tpu.memory_space<vmem>>, vector<1x16xf32>,
      %get3A_2840 = vector.shape_cast %get3A_2839 : vector<1x16xf32> to vector<16xf32>
      %get3A_2841 = arith.constant 15 : i32
      %get3A_2842 = arith.index_cast %get3A_2841 : i32 to index
      %get3A_2843 = arith.constant 32 : index
      %get3A_2844 = tpu.vector_load %arg16[%get3A_2842, %get3A_2843] {strides = array<i32>} : memref<24x128xf32, #tpu.memory_space<vmem>>, vector<1x16xf32>,
      %get3A_2845 = vector.shape_cast %get3A_2844 : vector<1x16xf32> to vector<16xf32>
      %add3A_2846 = arith.addf %get3A_2840, %get3A_2845 : vector<16xf32>
      %get3A_2847 = arith.constant 15 : i32
      %get3A_2848 = arith.index_cast %get3A_2847 : i32 to index
      %get3A_2849 = arith.constant 32 : index
      %get3A_2850 = tpu.vector_load %arg17[%get3A_2848, %get3A_2849] {strides = array<i32>} : memref<24x128xf32, #tpu.memory_space<vmem>>, vector<1x16xf32>,
      %get3A_2851 = vector.shape_cast %get3A_2850 : vector<1x16xf32> to vector<16xf32>
      %add3A_2852 = arith.addf %add3A_2846, %get3A_2851 : vector<16xf32>
      %swap3A_2853 = arith.constant 15 : i32
      %swap3A_2854 = arith.index_cast %swap3A_2853 : i32 to index
      %swap3A_2855 = arith.constant 32 : index
      %swap3A_2856 = tpu.vector_load %arg19[%swap3A_2854, %swap3A_2855] {strides = array<i32>} : memref<20x128xf32, #tpu.memory_space<vmem>>, vector<1x16xf32>,
      %swap3A_2857 = vector.shape_cast %swap3A_2856 : vector<1x16xf32> to vector<16xf32>
      %swap3A_2858 = vector.shape_cast %add3A_2852 : vector<16xf32> to vector<1x16xf32>
      tpu.vector_store %arg19[%swap3A_2854, %swap3A_2855], %swap3A_2858 {strides = array<i32>} : memref<20x128xf32, #tpu.memory_space<vmem>>, vector<1x16xf32>,
      %get3A_2859 = arith.constant 15 : i32
      %get3A_2860 = arith.index_cast %get3A_2859 : i32 to index
      %get3A_2861 = arith.constant 48 : index
      %get3A_2862 = tpu.vector_load %arg15[%get3A_2860, %get3A_2861] {strides = array<i32>} : memref<24x128xf32, #tpu.memory_space<vmem>>, vector<1x16xf32>,
      %get3A_2863 = vector.shape_cast %get3A_2862 : vector<1x16xf32> to vector<16xf32>
      %get3A_2864 = arith.constant 15 : i32
      %get3A_2865 = arith.index_cast %get3A_2864 : i32 to index
      %get3A_2866 = arith.constant 48 : index
      %get3A_2867 = tpu.vector_load %arg16[%get3A_2865, %get3A_2866] {strides = array<i32>} : memref<24x128xf32, #tpu.memory_space<vmem>>, vector<1x16xf32>,
      %get3A_2868 = vector.shape_cast %get3A_2867 : vector<1x16xf32> to vector<16xf32>
      %add3A_2869 = arith.addf %get3A_2863, %get3A_2868 : vector<16xf32>
      %get3A_2870 = arith.constant 15 : i32
      %get3A_2871 = arith.index_cast %get3A_2870 : i32 to index
      %get3A_2872 = arith.constant 48 : index
      %get3A_2873 = tpu.vector_load %arg17[%get3A_2871, %get3A_2872] {strides = array<i32>} : memref<24x128xf32, #tpu.memory_space<vmem>>, vector<1x16xf32>,
      %get3A_2874 = vector.shape_cast %get3A_2873 : vector<1x16xf32> to vector<16xf32>
      %add3A_2875 = arith.addf %add3A_2869, %get3A_2874 : vector<16xf32>
      %swap3A_2876 = arith.constant 15 : i32
      %swap3A_2877 = arith.index_cast %swap3A_2876 : i32 to index
      %swap3A_2878 = arith.constant 48 : index
      %swap3A_2879 = tpu.vector_load %arg19[%swap3A_2877, %swap3A_2878] {strides = array<i32>} : memref<20x128xf32, #tpu.memory_space<vmem>>, vector<1x16xf32>,
      %swap3A_2880 = vector.shape_cast %swap3A_2879 : vector<1x16xf32> to vector<16xf32>
      %swap3A_2881 = vector.shape_cast %add3A_2875 : vector<16xf32> to vector<1x16xf32>
      tpu.vector_store %arg19[%swap3A_2877, %swap3A_2878], %swap3A_2881 {strides = array<i32>} : memref<20x128xf32, #tpu.memory_space<vmem>>, vector<1x16xf32>,
      %get3A_2882 = arith.constant 15 : i32
      %get3A_2883 = arith.index_cast %get3A_2882 : i32 to index
      %get3A_2884 = arith.constant 64 : index
      %get3A_2885 = tpu.vector_load %arg15[%get3A_2883, %get3A_2884] {strides = array<i32>} : memref<24x128xf32, #tpu.memory_space<vmem>>, vector<1x16xf32>,
      %get3A_2886 = vector.shape_cast %get3A_2885 : vector<1x16xf32> to vector<16xf32>
      %get3A_2887 = arith.constant 15 : i32
      %get3A_2888 = arith.index_cast %get3A_2887 : i32 to index
      %get3A_2889 = arith.constant 64 : index
      %get3A_2890 = tpu.vector_load %arg16[%get3A_2888, %get3A_2889] {strides = array<i32>} : memref<24x128xf32, #tpu.memory_space<vmem>>, vector<1x16xf32>,
      %get3A_2891 = vector.shape_cast %get3A_2890 : vector<1x16xf32> to vector<16xf32>
      %add3A_2892 = arith.addf %get3A_2886, %get3A_2891 : vector<16xf32>
      %get3A_2893 = arith.constant 15 : i32
      %get3A_2894 = arith.index_cast %get3A_2893 : i32 to index
      %get3A_2895 = arith.constant 64 : index
      %get3A_2896 = tpu.vector_load %arg17[%get3A_2894, %get3A_2895] {strides = array<i32>} : memref<24x128xf32, #tpu.memory_space<vmem>>, vector<1x16xf32>,
      %get3A_2897 = vector.shape_cast %get3A_2896 : vector<1x16xf32> to vector<16xf32>
      %add3A_2898 = arith.addf %add3A_2892, %get3A_2897 : vector<16xf32>
      %swap3A_2899 = arith.constant 15 : i32
      %swap3A_2900 = arith.index_cast %swap3A_2899 : i32 to index
      %swap3A_2901 = arith.constant 64 : index
      %swap3A_2902 = tpu.vector_load %arg19[%swap3A_2900, %swap3A_2901] {strides = array<i32>} : memref<20x128xf32, #tpu.memory_space<vmem>>, vector<1x16xf32>,
      %swap3A_2903 = vector.shape_cast %swap3A_2902 : vector<1x16xf32> to vector<16xf32>
      %swap3A_2904 = vector.shape_cast %add3A_2898 : vector<16xf32> to vector<1x16xf32>
      tpu.vector_store %arg19[%swap3A_2900, %swap3A_2901], %swap3A_2904 {strides = array<i32>} : memref<20x128xf32, #tpu.memory_space<vmem>>, vector<1x16xf32>,
      %get3A_2905 = arith.constant 15 : i32
      %get3A_2906 = arith.index_cast %get3A_2905 : i32 to index
      %get3A_2907 = arith.constant 80 : index
      %get3A_2908 = tpu.vector_load %arg15[%get3A_2906, %get3A_2907] {strides = array<i32>} : memref<24x128xf32, #tpu.memory_space<vmem>>, vector<1x16xf32>,
      %get3A_2909 = vector.shape_cast %get3A_2908 : vector<1x16xf32> to vector<16xf32>
      %get3A_2910 = arith.constant 15 : i32
      %get3A_2911 = arith.index_cast %get3A_2910 : i32 to index
      %get3A_2912 = arith.constant 80 : index
      %get3A_2913 = tpu.vector_load %arg16[%get3A_2911, %get3A_2912] {strides = array<i32>} : memref<24x128xf32, #tpu.memory_space<vmem>>, vector<1x16xf32>,
      %get3A_2914 = vector.shape_cast %get3A_2913 : vector<1x16xf32> to vector<16xf32>
      %add3A_2915 = arith.addf %get3A_2909, %get3A_2914 : vector<16xf32>
      %get3A_2916 = arith.constant 15 : i32
      %get3A_2917 = arith.index_cast %get3A_2916 : i32 to index
      %get3A_2918 = arith.constant 80 : index
      %get3A_2919 = tpu.vector_load %arg17[%get3A_2917, %get3A_2918] {strides = array<i32>} : memref<24x128xf32, #tpu.memory_space<vmem>>, vector<1x16xf32>,
      %get3A_2920 = vector.shape_cast %get3A_2919 : vector<1x16xf32> to vector<16xf32>
      %add3A_2921 = arith.addf %add3A_2915, %get3A_2920 : vector<16xf32>
      %swap3A_2922 = arith.constant 15 : i32
      %swap3A_2923 = arith.index_cast %swap3A_2922 : i32 to index
      %swap3A_2924 = arith.constant 80 : index
      %swap3A_2925 = tpu.vector_load %arg19[%swap3A_2923, %swap3A_2924] {strides = array<i32>} : memref<20x128xf32, #tpu.memory_space<vmem>>, vector<1x16xf32>,
      %swap3A_2926 = vector.shape_cast %swap3A_2925 : vector<1x16xf32> to vector<16xf32>
      %swap3A_2927 = vector.shape_cast %add3A_2921 : vector<16xf32> to vector<1x16xf32>
      tpu.vector_store %arg19[%swap3A_2923, %swap3A_2924], %swap3A_2927 {strides = array<i32>} : memref<20x128xf32, #tpu.memory_space<vmem>>, vector<1x16xf32>,
      %get3A_2928 = arith.constant 15 : i32
      %get3A_2929 = arith.index_cast %get3A_2928 : i32 to index
      %get3A_2930 = arith.constant 96 : index
      %get3A_2931 = tpu.vector_load %arg15[%get3A_2929, %get3A_2930] {strides = array<i32>} : memref<24x128xf32, #tpu.memory_space<vmem>>, vector<1x16xf32>,
      %get3A_2932 = vector.shape_cast %get3A_2931 : vector<1x16xf32> to vector<16xf32>
      %get3A_2933 = arith.constant 15 : i32
      %get3A_2934 = arith.index_cast %get3A_2933 : i32 to index
      %get3A_2935 = arith.constant 96 : index
      %get3A_2936 = tpu.vector_load %arg16[%get3A_2934, %get3A_2935] {strides = array<i32>} : memref<24x128xf32, #tpu.memory_space<vmem>>, vector<1x16xf32>,
      %get3A_2937 = vector.shape_cast %get3A_2936 : vector<1x16xf32> to vector<16xf32>
      %add3A_2938 = arith.addf %get3A_2932, %get3A_2937 : vector<16xf32>
      %get3A_2939 = arith.constant 15 : i32
      %get3A_2940 = arith.index_cast %get3A_2939 : i32 to index
      %get3A_2941 = arith.constant 96 : index
      %get3A_2942 = tpu.vector_load %arg17[%get3A_2940, %get3A_2941] {strides = array<i32>} : memref<24x128xf32, #tpu.memory_space<vmem>>, vector<1x16xf32>,
      %get3A_2943 = vector.shape_cast %get3A_2942 : vector<1x16xf32> to vector<16xf32>
      %add3A_2944 = arith.addf %add3A_2938, %get3A_2943 : vector<16xf32>
      %swap3A_2945 = arith.constant 15 : i32
      %swap3A_2946 = arith.index_cast %swap3A_2945 : i32 to index
      %swap3A_2947 = arith.constant 96 : index
      %swap3A_2948 = tpu.vector_load %arg19[%swap3A_2946, %swap3A_2947] {strides = array<i32>} : memref<20x128xf32, #tpu.memory_space<vmem>>, vector<1x16xf32>,
      %swap3A_2949 = vector.shape_cast %swap3A_2948 : vector<1x16xf32> to vector<16xf32>
      %swap3A_2950 = vector.shape_cast %add3A_2944 : vector<16xf32> to vector<1x16xf32>
      tpu.vector_store %arg19[%swap3A_2946, %swap3A_2947], %swap3A_2950 {strides = array<i32>} : memref<20x128xf32, #tpu.memory_space<vmem>>, vector<1x16xf32>,
      %get3A_2951 = arith.constant 15 : i32
      %get3A_2952 = arith.index_cast %get3A_2951 : i32 to index
      %get3A_2953 = arith.constant 112 : index
      %get3A_2954 = tpu.vector_load %arg15[%get3A_2952, %get3A_2953] {strides = array<i32>} : memref<24x128xf32, #tpu.memory_space<vmem>>, vector<1x16xf32>,
      %get3A_2955 = vector.shape_cast %get3A_2954 : vector<1x16xf32> to vector<16xf32>
      %get3A_2956 = arith.constant 15 : i32
      %get3A_2957 = arith.index_cast %get3A_2956 : i32 to index
      %get3A_2958 = arith.constant 112 : index
      %get3A_2959 = tpu.vector_load %arg16[%get3A_2957, %get3A_2958] {strides = array<i32>} : memref<24x128xf32, #tpu.memory_space<vmem>>, vector<1x16xf32>,
      %get3A_2960 = vector.shape_cast %get3A_2959 : vector<1x16xf32> to vector<16xf32>
      %add3A_2961 = arith.addf %get3A_2955, %get3A_2960 : vector<16xf32>
      %get3A_2962 = arith.constant 15 : i32
      %get3A_2963 = arith.index_cast %get3A_2962 : i32 to index
      %get3A_2964 = arith.constant 112 : index
      %get3A_2965 = tpu.vector_load %arg17[%get3A_2963, %get3A_2964] {strides = array<i32>} : memref<24x128xf32, #tpu.memory_space<vmem>>, vector<1x16xf32>,
      %get3A_2966 = vector.shape_cast %get3A_2965 : vector<1x16xf32> to vector<16xf32>
      %add3A_2967 = arith.addf %add3A_2961, %get3A_2966 : vector<16xf32>
      %swap3A_2968 = arith.constant 15 : i32
      %swap3A_2969 = arith.index_cast %swap3A_2968 : i32 to index
      %swap3A_2970 = arith.constant 112 : index
      %swap3A_2971 = tpu.vector_load %arg19[%swap3A_2969, %swap3A_2970] {strides = array<i32>} : memref<20x128xf32, #tpu.memory_space<vmem>>, vector<1x16xf32>,
      %swap3A_2972 = vector.shape_cast %swap3A_2971 : vector<1x16xf32> to vector<16xf32>
      %swap3A_2973 = vector.shape_cast %add3A_2967 : vector<16xf32> to vector<1x16xf32>
      tpu.vector_store %arg19[%swap3A_2969, %swap3A_2970], %swap3A_2973 {strides = array<i32>} : memref<20x128xf32, #tpu.memory_space<vmem>>, vector<1x16xf32>,
      %get3A_2974 = arith.constant 16 : i32
      %get3A_2975 = arith.index_cast %get3A_2974 : i32 to index
      %get3A_2976 = arith.constant 0 : index
      %get3A_2977 = tpu.vector_load %arg15[%get3A_2975, %get3A_2976] {strides = array<i32>} : memref<24x128xf32, #tpu.memory_space<vmem>>, vector<1x16xf32>,
      %get3A_2978 = vector.shape_cast %get3A_2977 : vector<1x16xf32> to vector<16xf32>
      %get3A_2979 = arith.constant 16 : i32
      %get3A_2980 = arith.index_cast %get3A_2979 : i32 to index
      %get3A_2981 = arith.constant 0 : index
      %get3A_2982 = tpu.vector_load %arg16[%get3A_2980, %get3A_2981] {strides = array<i32>} : memref<24x128xf32, #tpu.memory_space<vmem>>, vector<1x16xf32>,
      %get3A_2983 = vector.shape_cast %get3A_2982 : vector<1x16xf32> to vector<16xf32>
      %add3A_2984 = arith.addf %get3A_2978, %get3A_2983 : vector<16xf32>
      %get3A_2985 = arith.constant 16 : i32
      %get3A_2986 = arith.index_cast %get3A_2985 : i32 to index
      %get3A_2987 = arith.constant 0 : index
      %get3A_2988 = tpu.vector_load %arg17[%get3A_2986, %get3A_2987] {strides = array<i32>} : memref<24x128xf32, #tpu.memory_space<vmem>>, vector<1x16xf32>,
      %get3A_2989 = vector.shape_cast %get3A_2988 : vector<1x16xf32> to vector<16xf32>
      %add3A_2990 = arith.addf %add3A_2984, %get3A_2989 : vector<16xf32>
      %swap3A_2991 = arith.constant 16 : i32
      %swap3A_2992 = arith.index_cast %swap3A_2991 : i32 to index
      %swap3A_2993 = arith.constant 0 : index
      %swap3A_2994 = tpu.vector_load %arg19[%swap3A_2992, %swap3A_2993] {strides = array<i32>} : memref<20x128xf32, #tpu.memory_space<vmem>>, vector<1x16xf32>,
      %swap3A_2995 = vector.shape_cast %swap3A_2994 : vector<1x16xf32> to vector<16xf32>
      %swap3A_2996 = vector.shape_cast %add3A_2990 : vector<16xf32> to vector<1x16xf32>
      tpu.vector_store %arg19[%swap3A_2992, %swap3A_2993], %swap3A_2996 {strides = array<i32>} : memref<20x128xf32, #tpu.memory_space<vmem>>, vector<1x16xf32>,
      %get3A_2997 = arith.constant 16 : i32
      %get3A_2998 = arith.index_cast %get3A_2997 : i32 to index
      %get3A_2999 = arith.constant 16 : index
      %get3A_3000 = tpu.vector_load %arg15[%get3A_2998, %get3A_2999] {strides = array<i32>} : memref<24x128xf32, #tpu.memory_space<vmem>>, vector<1x16xf32>,
      %get3A_3001 = vector.shape_cast %get3A_3000 : vector<1x16xf32> to vector<16xf32>
      %get3A_3002 = arith.constant 16 : i32
      %get3A_3003 = arith.index_cast %get3A_3002 : i32 to index
      %get3A_3004 = arith.constant 16 : index
      %get3A_3005 = tpu.vector_load %arg16[%get3A_3003, %get3A_3004] {strides = array<i32>} : memref<24x128xf32, #tpu.memory_space<vmem>>, vector<1x16xf32>,
      %get3A_3006 = vector.shape_cast %get3A_3005 : vector<1x16xf32> to vector<16xf32>
      %add3A_3007 = arith.addf %get3A_3001, %get3A_3006 : vector<16xf32>
      %get3A_3008 = arith.constant 16 : i32
      %get3A_3009 = arith.index_cast %get3A_3008 : i32 to index
      %get3A_3010 = arith.constant 16 : index
      %get3A_3011 = tpu.vector_load %arg17[%get3A_3009, %get3A_3010] {strides = array<i32>} : memref<24x128xf32, #tpu.memory_space<vmem>>, vector<1x16xf32>,
      %get3A_3012 = vector.shape_cast %get3A_3011 : vector<1x16xf32> to vector<16xf32>
      %add3A_3013 = arith.addf %add3A_3007, %get3A_3012 : vector<16xf32>
      %swap3A_3014 = arith.constant 16 : i32
      %swap3A_3015 = arith.index_cast %swap3A_3014 : i32 to index
      %swap3A_3016 = arith.constant 16 : index
      %swap3A_3017 = tpu.vector_load %arg19[%swap3A_3015, %swap3A_3016] {strides = array<i32>} : memref<20x128xf32, #tpu.memory_space<vmem>>, vector<1x16xf32>,
      %swap3A_3018 = vector.shape_cast %swap3A_3017 : vector<1x16xf32> to vector<16xf32>
      %swap3A_3019 = vector.shape_cast %add3A_3013 : vector<16xf32> to vector<1x16xf32>
      tpu.vector_store %arg19[%swap3A_3015, %swap3A_3016], %swap3A_3019 {strides = array<i32>} : memref<20x128xf32, #tpu.memory_space<vmem>>, vector<1x16xf32>,
      %get3A_3020 = arith.constant 16 : i32
      %get3A_3021 = arith.index_cast %get3A_3020 : i32 to index
      %get3A_3022 = arith.constant 32 : index
      %get3A_3023 = tpu.vector_load %arg15[%get3A_3021, %get3A_3022] {strides = array<i32>} : memref<24x128xf32, #tpu.memory_space<vmem>>, vector<1x16xf32>,
      %get3A_3024 = vector.shape_cast %get3A_3023 : vector<1x16xf32> to vector<16xf32>
      %get3A_3025 = arith.constant 16 : i32
      %get3A_3026 = arith.index_cast %get3A_3025 : i32 to index
      %get3A_3027 = arith.constant 32 : index
      %get3A_3028 = tpu.vector_load %arg16[%get3A_3026, %get3A_3027] {strides = array<i32>} : memref<24x128xf32, #tpu.memory_space<vmem>>, vector<1x16xf32>,
      %get3A_3029 = vector.shape_cast %get3A_3028 : vector<1x16xf32> to vector<16xf32>
      %add3A_3030 = arith.addf %get3A_3024, %get3A_3029 : vector<16xf32>
      %get3A_3031 = arith.constant 16 : i32
      %get3A_3032 = arith.index_cast %get3A_3031 : i32 to index
      %get3A_3033 = arith.constant 32 : index
      %get3A_3034 = tpu.vector_load %arg17[%get3A_3032, %get3A_3033] {strides = array<i32>} : memref<24x128xf32, #tpu.memory_space<vmem>>, vector<1x16xf32>,
      %get3A_3035 = vector.shape_cast %get3A_3034 : vector<1x16xf32> to vector<16xf32>
      %add3A_3036 = arith.addf %add3A_3030, %get3A_3035 : vector<16xf32>
      %swap3A_3037 = arith.constant 16 : i32
      %swap3A_3038 = arith.index_cast %swap3A_3037 : i32 to index
      %swap3A_3039 = arith.constant 32 : index
      %swap3A_3040 = tpu.vector_load %arg19[%swap3A_3038, %swap3A_3039] {strides = array<i32>} : memref<20x128xf32, #tpu.memory_space<vmem>>, vector<1x16xf32>,
      %swap3A_3041 = vector.shape_cast %swap3A_3040 : vector<1x16xf32> to vector<16xf32>
      %swap3A_3042 = vector.shape_cast %add3A_3036 : vector<16xf32> to vector<1x16xf32>
      tpu.vector_store %arg19[%swap3A_3038, %swap3A_3039], %swap3A_3042 {strides = array<i32>} : memref<20x128xf32, #tpu.memory_space<vmem>>, vector<1x16xf32>,
      %get3A_3043 = arith.constant 16 : i32
      %get3A_3044 = arith.index_cast %get3A_3043 : i32 to index
      %get3A_3045 = arith.constant 48 : index
      %get3A_3046 = tpu.vector_load %arg15[%get3A_3044, %get3A_3045] {strides = array<i32>} : memref<24x128xf32, #tpu.memory_space<vmem>>, vector<1x16xf32>,
      %get3A_3047 = vector.shape_cast %get3A_3046 : vector<1x16xf32> to vector<16xf32>
      %get3A_3048 = arith.constant 16 : i32
      %get3A_3049 = arith.index_cast %get3A_3048 : i32 to index
      %get3A_3050 = arith.constant 48 : index
      %get3A_3051 = tpu.vector_load %arg16[%get3A_3049, %get3A_3050] {strides = array<i32>} : memref<24x128xf32, #tpu.memory_space<vmem>>, vector<1x16xf32>,
      %get3A_3052 = vector.shape_cast %get3A_3051 : vector<1x16xf32> to vector<16xf32>
      %add3A_3053 = arith.addf %get3A_3047, %get3A_3052 : vector<16xf32>
      %get3A_3054 = arith.constant 16 : i32
      %get3A_3055 = arith.index_cast %get3A_3054 : i32 to index
      %get3A_3056 = arith.constant 48 : index
      %get3A_3057 = tpu.vector_load %arg17[%get3A_3055, %get3A_3056] {strides = array<i32>} : memref<24x128xf32, #tpu.memory_space<vmem>>, vector<1x16xf32>,
      %get3A_3058 = vector.shape_cast %get3A_3057 : vector<1x16xf32> to vector<16xf32>
      %add3A_3059 = arith.addf %add3A_3053, %get3A_3058 : vector<16xf32>
      %swap3A_3060 = arith.constant 16 : i32
      %swap3A_3061 = arith.index_cast %swap3A_3060 : i32 to index
      %swap3A_3062 = arith.constant 48 : index
      %swap3A_3063 = tpu.vector_load %arg19[%swap3A_3061, %swap3A_3062] {strides = array<i32>} : memref<20x128xf32, #tpu.memory_space<vmem>>, vector<1x16xf32>,
      %swap3A_3064 = vector.shape_cast %swap3A_3063 : vector<1x16xf32> to vector<16xf32>
      %swap3A_3065 = vector.shape_cast %add3A_3059 : vector<16xf32> to vector<1x16xf32>
      tpu.vector_store %arg19[%swap3A_3061, %swap3A_3062], %swap3A_3065 {strides = array<i32>} : memref<20x128xf32, #tpu.memory_space<vmem>>, vector<1x16xf32>,
      %get3A_3066 = arith.constant 16 : i32
      %get3A_3067 = arith.index_cast %get3A_3066 : i32 to index
      %get3A_3068 = arith.constant 64 : index
      %get3A_3069 = tpu.vector_load %arg15[%get3A_3067, %get3A_3068] {strides = array<i32>} : memref<24x128xf32, #tpu.memory_space<vmem>>, vector<1x16xf32>,
      %get3A_3070 = vector.shape_cast %get3A_3069 : vector<1x16xf32> to vector<16xf32>
      %get3A_3071 = arith.constant 16 : i32
      %get3A_3072 = arith.index_cast %get3A_3071 : i32 to index
      %get3A_3073 = arith.constant 64 : index
      %get3A_3074 = tpu.vector_load %arg16[%get3A_3072, %get3A_3073] {strides = array<i32>} : memref<24x128xf32, #tpu.memory_space<vmem>>, vector<1x16xf32>,
      %get3A_3075 = vector.shape_cast %get3A_3074 : vector<1x16xf32> to vector<16xf32>
      %add3A_3076 = arith.addf %get3A_3070, %get3A_3075 : vector<16xf32>
      %get3A_3077 = arith.constant 16 : i32
      %get3A_3078 = arith.index_cast %get3A_3077 : i32 to index
      %get3A_3079 = arith.constant 64 : index
      %get3A_3080 = tpu.vector_load %arg17[%get3A_3078, %get3A_3079] {strides = array<i32>} : memref<24x128xf32, #tpu.memory_space<vmem>>, vector<1x16xf32>,
      %get3A_3081 = vector.shape_cast %get3A_3080 : vector<1x16xf32> to vector<16xf32>
      %add3A_3082 = arith.addf %add3A_3076, %get3A_3081 : vector<16xf32>
      %swap3A_3083 = arith.constant 16 : i32
      %swap3A_3084 = arith.index_cast %swap3A_3083 : i32 to index
      %swap3A_3085 = arith.constant 64 : index
      %swap3A_3086 = tpu.vector_load %arg19[%swap3A_3084, %swap3A_3085] {strides = array<i32>} : memref<20x128xf32, #tpu.memory_space<vmem>>, vector<1x16xf32>,
      %swap3A_3087 = vector.shape_cast %swap3A_3086 : vector<1x16xf32> to vector<16xf32>
      %swap3A_3088 = vector.shape_cast %add3A_3082 : vector<16xf32> to vector<1x16xf32>
      tpu.vector_store %arg19[%swap3A_3084, %swap3A_3085], %swap3A_3088 {strides = array<i32>} : memref<20x128xf32, #tpu.memory_space<vmem>>, vector<1x16xf32>,
      %get3A_3089 = arith.constant 16 : i32
      %get3A_3090 = arith.index_cast %get3A_3089 : i32 to index
      %get3A_3091 = arith.constant 80 : index
      %get3A_3092 = tpu.vector_load %arg15[%get3A_3090, %get3A_3091] {strides = array<i32>} : memref<24x128xf32, #tpu.memory_space<vmem>>, vector<1x16xf32>,
      %get3A_3093 = vector.shape_cast %get3A_3092 : vector<1x16xf32> to vector<16xf32>
      %get3A_3094 = arith.constant 16 : i32
      %get3A_3095 = arith.index_cast %get3A_3094 : i32 to index
      %get3A_3096 = arith.constant 80 : index
      %get3A_3097 = tpu.vector_load %arg16[%get3A_3095, %get3A_3096] {strides = array<i32>} : memref<24x128xf32, #tpu.memory_space<vmem>>, vector<1x16xf32>,
      %get3A_3098 = vector.shape_cast %get3A_3097 : vector<1x16xf32> to vector<16xf32>
      %add3A_3099 = arith.addf %get3A_3093, %get3A_3098 : vector<16xf32>
      %get3A_3100 = arith.constant 16 : i32
      %get3A_3101 = arith.index_cast %get3A_3100 : i32 to index
      %get3A_3102 = arith.constant 80 : index
      %get3A_3103 = tpu.vector_load %arg17[%get3A_3101, %get3A_3102] {strides = array<i32>} : memref<24x128xf32, #tpu.memory_space<vmem>>, vector<1x16xf32>,
      %get3A_3104 = vector.shape_cast %get3A_3103 : vector<1x16xf32> to vector<16xf32>
      %add3A_3105 = arith.addf %add3A_3099, %get3A_3104 : vector<16xf32>
      %swap3A_3106 = arith.constant 16 : i32
      %swap3A_3107 = arith.index_cast %swap3A_3106 : i32 to index
      %swap3A_3108 = arith.constant 80 : index
      %swap3A_3109 = tpu.vector_load %arg19[%swap3A_3107, %swap3A_3108] {strides = array<i32>} : memref<20x128xf32, #tpu.memory_space<vmem>>, vector<1x16xf32>,
      %swap3A_3110 = vector.shape_cast %swap3A_3109 : vector<1x16xf32> to vector<16xf32>
      %swap3A_3111 = vector.shape_cast %add3A_3105 : vector<16xf32> to vector<1x16xf32>
      tpu.vector_store %arg19[%swap3A_3107, %swap3A_3108], %swap3A_3111 {strides = array<i32>} : memref<20x128xf32, #tpu.memory_space<vmem>>, vector<1x16xf32>,
      %get3A_3112 = arith.constant 16 : i32
      %get3A_3113 = arith.index_cast %get3A_3112 : i32 to index
      %get3A_3114 = arith.constant 96 : index
      %get3A_3115 = tpu.vector_load %arg15[%get3A_3113, %get3A_3114] {strides = array<i32>} : memref<24x128xf32, #tpu.memory_space<vmem>>, vector<1x16xf32>,
      %get3A_3116 = vector.shape_cast %get3A_3115 : vector<1x16xf32> to vector<16xf32>
      %get3A_3117 = arith.constant 16 : i32
      %get3A_3118 = arith.index_cast %get3A_3117 : i32 to index
      %get3A_3119 = arith.constant 96 : index
      %get3A_3120 = tpu.vector_load %arg16[%get3A_3118, %get3A_3119] {strides = array<i32>} : memref<24x128xf32, #tpu.memory_space<vmem>>, vector<1x16xf32>,
      %get3A_3121 = vector.shape_cast %get3A_3120 : vector<1x16xf32> to vector<16xf32>
      %add3A_3122 = arith.addf %get3A_3116, %get3A_3121 : vector<16xf32>
      %get3A_3123 = arith.constant 16 : i32
      %get3A_3124 = arith.index_cast %get3A_3123 : i32 to index
      %get3A_3125 = arith.constant 96 : index
      %get3A_3126 = tpu.vector_load %arg17[%get3A_3124, %get3A_3125] {strides = array<i32>} : memref<24x128xf32, #tpu.memory_space<vmem>>, vector<1x16xf32>,
      %get3A_3127 = vector.shape_cast %get3A_3126 : vector<1x16xf32> to vector<16xf32>
      %add3A_3128 = arith.addf %add3A_3122, %get3A_3127 : vector<16xf32>
      %swap3A_3129 = arith.constant 16 : i32
      %swap3A_3130 = arith.index_cast %swap3A_3129 : i32 to index
      %swap3A_3131 = arith.constant 96 : index
      %swap3A_3132 = tpu.vector_load %arg19[%swap3A_3130, %swap3A_3131] {strides = array<i32>} : memref<20x128xf32, #tpu.memory_space<vmem>>, vector<1x16xf32>,
      %swap3A_3133 = vector.shape_cast %swap3A_3132 : vector<1x16xf32> to vector<16xf32>
      %swap3A_3134 = vector.shape_cast %add3A_3128 : vector<16xf32> to vector<1x16xf32>
      tpu.vector_store %arg19[%swap3A_3130, %swap3A_3131], %swap3A_3134 {strides = array<i32>} : memref<20x128xf32, #tpu.memory_space<vmem>>, vector<1x16xf32>,
      %get3A_3135 = arith.constant 16 : i32
      %get3A_3136 = arith.index_cast %get3A_3135 : i32 to index
      %get3A_3137 = arith.constant 112 : index
      %get3A_3138 = tpu.vector_load %arg15[%get3A_3136, %get3A_3137] {strides = array<i32>} : memref<24x128xf32, #tpu.memory_space<vmem>>, vector<1x16xf32>,
      %get3A_3139 = vector.shape_cast %get3A_3138 : vector<1x16xf32> to vector<16xf32>
      %get3A_3140 = arith.constant 16 : i32
      %get3A_3141 = arith.index_cast %get3A_3140 : i32 to index
      %get3A_3142 = arith.constant 112 : index
      %get3A_3143 = tpu.vector_load %arg16[%get3A_3141, %get3A_3142] {strides = array<i32>} : memref<24x128xf32, #tpu.memory_space<vmem>>, vector<1x16xf32>,
      %get3A_3144 = vector.shape_cast %get3A_3143 : vector<1x16xf32> to vector<16xf32>
      %add3A_3145 = arith.addf %get3A_3139, %get3A_3144 : vector<16xf32>
      %get3A_3146 = arith.constant 16 : i32
      %get3A_3147 = arith.index_cast %get3A_3146 : i32 to index
      %get3A_3148 = arith.constant 112 : index
      %get3A_3149 = tpu.vector_load %arg17[%get3A_3147, %get3A_3148] {strides = array<i32>} : memref<24x128xf32, #tpu.memory_space<vmem>>, vector<1x16xf32>,
      %get3A_3150 = vector.shape_cast %get3A_3149 : vector<1x16xf32> to vector<16xf32>
      %add3A_3151 = arith.addf %add3A_3145, %get3A_3150 : vector<16xf32>
      %swap3A_3152 = arith.constant 16 : i32
      %swap3A_3153 = arith.index_cast %swap3A_3152 : i32 to index
      %swap3A_3154 = arith.constant 112 : index
      %swap3A_3155 = tpu.vector_load %arg19[%swap3A_3153, %swap3A_3154] {strides = array<i32>} : memref<20x128xf32, #tpu.memory_space<vmem>>, vector<1x16xf32>,
      %swap3A_3156 = vector.shape_cast %swap3A_3155 : vector<1x16xf32> to vector<16xf32>
      %swap3A_3157 = vector.shape_cast %add3A_3151 : vector<16xf32> to vector<1x16xf32>
      tpu.vector_store %arg19[%swap3A_3153, %swap3A_3154], %swap3A_3157 {strides = array<i32>} : memref<20x128xf32, #tpu.memory_space<vmem>>, vector<1x16xf32>,
      %get3A_3158 = arith.constant 17 : i32
      %get3A_3159 = arith.index_cast %get3A_3158 : i32 to index
      %get3A_3160 = arith.constant 0 : index
      %get3A_3161 = tpu.vector_load %arg15[%get3A_3159, %get3A_3160] {strides = array<i32>} : memref<24x128xf32, #tpu.memory_space<vmem>>, vector<1x16xf32>,
      %get3A_3162 = vector.shape_cast %get3A_3161 : vector<1x16xf32> to vector<16xf32>
      %get3A_3163 = arith.constant 17 : i32
      %get3A_3164 = arith.index_cast %get3A_3163 : i32 to index
      %get3A_3165 = arith.constant 0 : index
      %get3A_3166 = tpu.vector_load %arg16[%get3A_3164, %get3A_3165] {strides = array<i32>} : memref<24x128xf32, #tpu.memory_space<vmem>>, vector<1x16xf32>,
      %get3A_3167 = vector.shape_cast %get3A_3166 : vector<1x16xf32> to vector<16xf32>
      %add3A_3168 = arith.addf %get3A_3162, %get3A_3167 : vector<16xf32>
      %get3A_3169 = arith.constant 17 : i32
      %get3A_3170 = arith.index_cast %get3A_3169 : i32 to index
      %get3A_3171 = arith.constant 0 : index
      %get3A_3172 = tpu.vector_load %arg17[%get3A_3170, %get3A_3171] {strides = array<i32>} : memref<24x128xf32, #tpu.memory_space<vmem>>, vector<1x16xf32>,
      %get3A_3173 = vector.shape_cast %get3A_3172 : vector<1x16xf32> to vector<16xf32>
      %add3A_3174 = arith.addf %add3A_3168, %get3A_3173 : vector<16xf32>
      %swap3A_3175 = arith.constant 17 : i32
      %swap3A_3176 = arith.index_cast %swap3A_3175 : i32 to index
      %swap3A_3177 = arith.constant 0 : index
      %swap3A_3178 = tpu.vector_load %arg19[%swap3A_3176, %swap3A_3177] {strides = array<i32>} : memref<20x128xf32, #tpu.memory_space<vmem>>, vector<1x16xf32>,
      %swap3A_3179 = vector.shape_cast %swap3A_3178 : vector<1x16xf32> to vector<16xf32>
      %swap3A_3180 = vector.shape_cast %add3A_3174 : vector<16xf32> to vector<1x16xf32>
      tpu.vector_store %arg19[%swap3A_3176, %swap3A_3177], %swap3A_3180 {strides = array<i32>} : memref<20x128xf32, #tpu.memory_space<vmem>>, vector<1x16xf32>,
      %get3A_3181 = arith.constant 17 : i32
      %get3A_3182 = arith.index_cast %get3A_3181 : i32 to index
      %get3A_3183 = arith.constant 16 : index
      %get3A_3184 = tpu.vector_load %arg15[%get3A_3182, %get3A_3183] {strides = array<i32>} : memref<24x128xf32, #tpu.memory_space<vmem>>, vector<1x16xf32>,
      %get3A_3185 = vector.shape_cast %get3A_3184 : vector<1x16xf32> to vector<16xf32>
      %get3A_3186 = arith.constant 17 : i32
      %get3A_3187 = arith.index_cast %get3A_3186 : i32 to index
      %get3A_3188 = arith.constant 16 : index
      %get3A_3189 = tpu.vector_load %arg16[%get3A_3187, %get3A_3188] {strides = array<i32>} : memref<24x128xf32, #tpu.memory_space<vmem>>, vector<1x16xf32>,
      %get3A_3190 = vector.shape_cast %get3A_3189 : vector<1x16xf32> to vector<16xf32>
      %add3A_3191 = arith.addf %get3A_3185, %get3A_3190 : vector<16xf32>
      %get3A_3192 = arith.constant 17 : i32
      %get3A_3193 = arith.index_cast %get3A_3192 : i32 to index
      %get3A_3194 = arith.constant 16 : index
      %get3A_3195 = tpu.vector_load %arg17[%get3A_3193, %get3A_3194] {strides = array<i32>} : memref<24x128xf32, #tpu.memory_space<vmem>>, vector<1x16xf32>,
      %get3A_3196 = vector.shape_cast %get3A_3195 : vector<1x16xf32> to vector<16xf32>
      %add3A_3197 = arith.addf %add3A_3191, %get3A_3196 : vector<16xf32>
      %swap3A_3198 = arith.constant 17 : i32
      %swap3A_3199 = arith.index_cast %swap3A_3198 : i32 to index
      %swap3A_3200 = arith.constant 16 : index
      %swap3A_3201 = tpu.vector_load %arg19[%swap3A_3199, %swap3A_3200] {strides = array<i32>} : memref<20x128xf32, #tpu.memory_space<vmem>>, vector<1x16xf32>,
      %swap3A_3202 = vector.shape_cast %swap3A_3201 : vector<1x16xf32> to vector<16xf32>
      %swap3A_3203 = vector.shape_cast %add3A_3197 : vector<16xf32> to vector<1x16xf32>
      tpu.vector_store %arg19[%swap3A_3199, %swap3A_3200], %swap3A_3203 {strides = array<i32>} : memref<20x128xf32, #tpu.memory_space<vmem>>, vector<1x16xf32>,
      %get3A_3204 = arith.constant 17 : i32
      %get3A_3205 = arith.index_cast %get3A_3204 : i32 to index
      %get3A_3206 = arith.constant 32 : index
      %get3A_3207 = tpu.vector_load %arg15[%get3A_3205, %get3A_3206] {strides = array<i32>} : memref<24x128xf32, #tpu.memory_space<vmem>>, vector<1x16xf32>,
      %get3A_3208 = vector.shape_cast %get3A_3207 : vector<1x16xf32> to vector<16xf32>
      %get3A_3209 = arith.constant 17 : i32
      %get3A_3210 = arith.index_cast %get3A_3209 : i32 to index
      %get3A_3211 = arith.constant 32 : index
      %get3A_3212 = tpu.vector_load %arg16[%get3A_3210, %get3A_3211] {strides = array<i32>} : memref<24x128xf32, #tpu.memory_space<vmem>>, vector<1x16xf32>,
      %get3A_3213 = vector.shape_cast %get3A_3212 : vector<1x16xf32> to vector<16xf32>
      %add3A_3214 = arith.addf %get3A_3208, %get3A_3213 : vector<16xf32>
      %get3A_3215 = arith.constant 17 : i32
      %get3A_3216 = arith.index_cast %get3A_3215 : i32 to index
      %get3A_3217 = arith.constant 32 : index
      %get3A_3218 = tpu.vector_load %arg17[%get3A_3216, %get3A_3217] {strides = array<i32>} : memref<24x128xf32, #tpu.memory_space<vmem>>, vector<1x16xf32>,
      %get3A_3219 = vector.shape_cast %get3A_3218 : vector<1x16xf32> to vector<16xf32>
      %add3A_3220 = arith.addf %add3A_3214, %get3A_3219 : vector<16xf32>
      %swap3A_3221 = arith.constant 17 : i32
      %swap3A_3222 = arith.index_cast %swap3A_3221 : i32 to index
      %swap3A_3223 = arith.constant 32 : index
      %swap3A_3224 = tpu.vector_load %arg19[%swap3A_3222, %swap3A_3223] {strides = array<i32>} : memref<20x128xf32, #tpu.memory_space<vmem>>, vector<1x16xf32>,
      %swap3A_3225 = vector.shape_cast %swap3A_3224 : vector<1x16xf32> to vector<16xf32>
      %swap3A_3226 = vector.shape_cast %add3A_3220 : vector<16xf32> to vector<1x16xf32>
      tpu.vector_store %arg19[%swap3A_3222, %swap3A_3223], %swap3A_3226 {strides = array<i32>} : memref<20x128xf32, #tpu.memory_space<vmem>>, vector<1x16xf32>,
      %get3A_3227 = arith.constant 17 : i32
      %get3A_3228 = arith.index_cast %get3A_3227 : i32 to index
      %get3A_3229 = arith.constant 48 : index
      %get3A_3230 = tpu.vector_load %arg15[%get3A_3228, %get3A_3229] {strides = array<i32>} : memref<24x128xf32, #tpu.memory_space<vmem>>, vector<1x16xf32>,
      %get3A_3231 = vector.shape_cast %get3A_3230 : vector<1x16xf32> to vector<16xf32>
      %get3A_3232 = arith.constant 17 : i32
      %get3A_3233 = arith.index_cast %get3A_3232 : i32 to index
      %get3A_3234 = arith.constant 48 : index
      %get3A_3235 = tpu.vector_load %arg16[%get3A_3233, %get3A_3234] {strides = array<i32>} : memref<24x128xf32, #tpu.memory_space<vmem>>, vector<1x16xf32>,
      %get3A_3236 = vector.shape_cast %get3A_3235 : vector<1x16xf32> to vector<16xf32>
      %add3A_3237 = arith.addf %get3A_3231, %get3A_3236 : vector<16xf32>
      %get3A_3238 = arith.constant 17 : i32
      %get3A_3239 = arith.index_cast %get3A_3238 : i32 to index
      %get3A_3240 = arith.constant 48 : index
      %get3A_3241 = tpu.vector_load %arg17[%get3A_3239, %get3A_3240] {strides = array<i32>} : memref<24x128xf32, #tpu.memory_space<vmem>>, vector<1x16xf32>,
      %get3A_3242 = vector.shape_cast %get3A_3241 : vector<1x16xf32> to vector<16xf32>
      %add3A_3243 = arith.addf %add3A_3237, %get3A_3242 : vector<16xf32>
      %swap3A_3244 = arith.constant 17 : i32
      %swap3A_3245 = arith.index_cast %swap3A_3244 : i32 to index
      %swap3A_3246 = arith.constant 48 : index
      %swap3A_3247 = tpu.vector_load %arg19[%swap3A_3245, %swap3A_3246] {strides = array<i32>} : memref<20x128xf32, #tpu.memory_space<vmem>>, vector<1x16xf32>,
      %swap3A_3248 = vector.shape_cast %swap3A_3247 : vector<1x16xf32> to vector<16xf32>
      %swap3A_3249 = vector.shape_cast %add3A_3243 : vector<16xf32> to vector<1x16xf32>
      tpu.vector_store %arg19[%swap3A_3245, %swap3A_3246], %swap3A_3249 {strides = array<i32>} : memref<20x128xf32, #tpu.memory_space<vmem>>, vector<1x16xf32>,
      %get3A_3250 = arith.constant 17 : i32
      %get3A_3251 = arith.index_cast %get3A_3250 : i32 to index
      %get3A_3252 = arith.constant 64 : index
      %get3A_3253 = tpu.vector_load %arg15[%get3A_3251, %get3A_3252] {strides = array<i32>} : memref<24x128xf32, #tpu.memory_space<vmem>>, vector<1x16xf32>,
      %get3A_3254 = vector.shape_cast %get3A_3253 : vector<1x16xf32> to vector<16xf32>
      %get3A_3255 = arith.constant 17 : i32
      %get3A_3256 = arith.index_cast %get3A_3255 : i32 to index
      %get3A_3257 = arith.constant 64 : index
      %get3A_3258 = tpu.vector_load %arg16[%get3A_3256, %get3A_3257] {strides = array<i32>} : memref<24x128xf32, #tpu.memory_space<vmem>>, vector<1x16xf32>,
      %get3A_3259 = vector.shape_cast %get3A_3258 : vector<1x16xf32> to vector<16xf32>
      %add3A_3260 = arith.addf %get3A_3254, %get3A_3259 : vector<16xf32>
      %get3A_3261 = arith.constant 17 : i32
      %get3A_3262 = arith.index_cast %get3A_3261 : i32 to index
      %get3A_3263 = arith.constant 64 : index
      %get3A_3264 = tpu.vector_load %arg17[%get3A_3262, %get3A_3263] {strides = array<i32>} : memref<24x128xf32, #tpu.memory_space<vmem>>, vector<1x16xf32>,
      %get3A_3265 = vector.shape_cast %get3A_3264 : vector<1x16xf32> to vector<16xf32>
      %add3A_3266 = arith.addf %add3A_3260, %get3A_3265 : vector<16xf32>
      %swap3A_3267 = arith.constant 17 : i32
      %swap3A_3268 = arith.index_cast %swap3A_3267 : i32 to index
      %swap3A_3269 = arith.constant 64 : index
      %swap3A_3270 = tpu.vector_load %arg19[%swap3A_3268, %swap3A_3269] {strides = array<i32>} : memref<20x128xf32, #tpu.memory_space<vmem>>, vector<1x16xf32>,
      %swap3A_3271 = vector.shape_cast %swap3A_3270 : vector<1x16xf32> to vector<16xf32>
      %swap3A_3272 = vector.shape_cast %add3A_3266 : vector<16xf32> to vector<1x16xf32>
      tpu.vector_store %arg19[%swap3A_3268, %swap3A_3269], %swap3A_3272 {strides = array<i32>} : memref<20x128xf32, #tpu.memory_space<vmem>>, vector<1x16xf32>,
      %get3A_3273 = arith.constant 17 : i32
      %get3A_3274 = arith.index_cast %get3A_3273 : i32 to index
      %get3A_3275 = arith.constant 80 : index
      %get3A_3276 = tpu.vector_load %arg15[%get3A_3274, %get3A_3275] {strides = array<i32>} : memref<24x128xf32, #tpu.memory_space<vmem>>, vector<1x16xf32>,
      %get3A_3277 = vector.shape_cast %get3A_3276 : vector<1x16xf32> to vector<16xf32>
      %get3A_3278 = arith.constant 17 : i32
      %get3A_3279 = arith.index_cast %get3A_3278 : i32 to index
      %get3A_3280 = arith.constant 80 : index
      %get3A_3281 = tpu.vector_load %arg16[%get3A_3279, %get3A_3280] {strides = array<i32>} : memref<24x128xf32, #tpu.memory_space<vmem>>, vector<1x16xf32>,
      %get3A_3282 = vector.shape_cast %get3A_3281 : vector<1x16xf32> to vector<16xf32>
      %add3A_3283 = arith.addf %get3A_3277, %get3A_3282 : vector<16xf32>
      %get3A_3284 = arith.constant 17 : i32
      %get3A_3285 = arith.index_cast %get3A_3284 : i32 to index
      %get3A_3286 = arith.constant 80 : index
      %get3A_3287 = tpu.vector_load %arg17[%get3A_3285, %get3A_3286] {strides = array<i32>} : memref<24x128xf32, #tpu.memory_space<vmem>>, vector<1x16xf32>,
      %get3A_3288 = vector.shape_cast %get3A_3287 : vector<1x16xf32> to vector<16xf32>
      %add3A_3289 = arith.addf %add3A_3283, %get3A_3288 : vector<16xf32>
      %swap3A_3290 = arith.constant 17 : i32
      %swap3A_3291 = arith.index_cast %swap3A_3290 : i32 to index
      %swap3A_3292 = arith.constant 80 : index
      %swap3A_3293 = tpu.vector_load %arg19[%swap3A_3291, %swap3A_3292] {strides = array<i32>} : memref<20x128xf32, #tpu.memory_space<vmem>>, vector<1x16xf32>,
      %swap3A_3294 = vector.shape_cast %swap3A_3293 : vector<1x16xf32> to vector<16xf32>
      %swap3A_3295 = vector.shape_cast %add3A_3289 : vector<16xf32> to vector<1x16xf32>
      tpu.vector_store %arg19[%swap3A_3291, %swap3A_3292], %swap3A_3295 {strides = array<i32>} : memref<20x128xf32, #tpu.memory_space<vmem>>, vector<1x16xf32>,
      %get3A_3296 = arith.constant 17 : i32
      %get3A_3297 = arith.index_cast %get3A_3296 : i32 to index
      %get3A_3298 = arith.constant 96 : index
      %get3A_3299 = tpu.vector_load %arg15[%get3A_3297, %get3A_3298] {strides = array<i32>} : memref<24x128xf32, #tpu.memory_space<vmem>>, vector<1x16xf32>,
      %get3A_3300 = vector.shape_cast %get3A_3299 : vector<1x16xf32> to vector<16xf32>
      %get3A_3301 = arith.constant 17 : i32
      %get3A_3302 = arith.index_cast %get3A_3301 : i32 to index
      %get3A_3303 = arith.constant 96 : index
      %get3A_3304 = tpu.vector_load %arg16[%get3A_3302, %get3A_3303] {strides = array<i32>} : memref<24x128xf32, #tpu.memory_space<vmem>>, vector<1x16xf32>,
      %get3A_3305 = vector.shape_cast %get3A_3304 : vector<1x16xf32> to vector<16xf32>
      %add3A_3306 = arith.addf %get3A_3300, %get3A_3305 : vector<16xf32>
      %get3A_3307 = arith.constant 17 : i32
      %get3A_3308 = arith.index_cast %get3A_3307 : i32 to index
      %get3A_3309 = arith.constant 96 : index
      %get3A_3310 = tpu.vector_load %arg17[%get3A_3308, %get3A_3309] {strides = array<i32>} : memref<24x128xf32, #tpu.memory_space<vmem>>, vector<1x16xf32>,
      %get3A_3311 = vector.shape_cast %get3A_3310 : vector<1x16xf32> to vector<16xf32>
      %add3A_3312 = arith.addf %add3A_3306, %get3A_3311 : vector<16xf32>
      %swap3A_3313 = arith.constant 17 : i32
      %swap3A_3314 = arith.index_cast %swap3A_3313 : i32 to index
      %swap3A_3315 = arith.constant 96 : index
      %swap3A_3316 = tpu.vector_load %arg19[%swap3A_3314, %swap3A_3315] {strides = array<i32>} : memref<20x128xf32, #tpu.memory_space<vmem>>, vector<1x16xf32>,
      %swap3A_3317 = vector.shape_cast %swap3A_3316 : vector<1x16xf32> to vector<16xf32>
      %swap3A_3318 = vector.shape_cast %add3A_3312 : vector<16xf32> to vector<1x16xf32>
      tpu.vector_store %arg19[%swap3A_3314, %swap3A_3315], %swap3A_3318 {strides = array<i32>} : memref<20x128xf32, #tpu.memory_space<vmem>>, vector<1x16xf32>,
      %get3A_3319 = arith.constant 17 : i32
      %get3A_3320 = arith.index_cast %get3A_3319 : i32 to index
      %get3A_3321 = arith.constant 112 : index
      %get3A_3322 = tpu.vector_load %arg15[%get3A_3320, %get3A_3321] {strides = array<i32>} : memref<24x128xf32, #tpu.memory_space<vmem>>, vector<1x16xf32>,
      %get3A_3323 = vector.shape_cast %get3A_3322 : vector<1x16xf32> to vector<16xf32>
      %get3A_3324 = arith.constant 17 : i32
      %get3A_3325 = arith.index_cast %get3A_3324 : i32 to index
      %get3A_3326 = arith.constant 112 : index
      %get3A_3327 = tpu.vector_load %arg16[%get3A_3325, %get3A_3326] {strides = array<i32>} : memref<24x128xf32, #tpu.memory_space<vmem>>, vector<1x16xf32>,
      %get3A_3328 = vector.shape_cast %get3A_3327 : vector<1x16xf32> to vector<16xf32>
      %add3A_3329 = arith.addf %get3A_3323, %get3A_3328 : vector<16xf32>
      %get3A_3330 = arith.constant 17 : i32
      %get3A_3331 = arith.index_cast %get3A_3330 : i32 to index
      %get3A_3332 = arith.constant 112 : index
      %get3A_3333 = tpu.vector_load %arg17[%get3A_3331, %get3A_3332] {strides = array<i32>} : memref<24x128xf32, #tpu.memory_space<vmem>>, vector<1x16xf32>,
      %get3A_3334 = vector.shape_cast %get3A_3333 : vector<1x16xf32> to vector<16xf32>
      %add3A_3335 = arith.addf %add3A_3329, %get3A_3334 : vector<16xf32>
      %swap3A_3336 = arith.constant 17 : i32
      %swap3A_3337 = arith.index_cast %swap3A_3336 : i32 to index
      %swap3A_3338 = arith.constant 112 : index
      %swap3A_3339 = tpu.vector_load %arg19[%swap3A_3337, %swap3A_3338] {strides = array<i32>} : memref<20x128xf32, #tpu.memory_space<vmem>>, vector<1x16xf32>,
      %swap3A_3340 = vector.shape_cast %swap3A_3339 : vector<1x16xf32> to vector<16xf32>
      %swap3A_3341 = vector.shape_cast %add3A_3335 : vector<16xf32> to vector<1x16xf32>
      tpu.vector_store %arg19[%swap3A_3337, %swap3A_3338], %swap3A_3341 {strides = array<i32>} : memref<20x128xf32, #tpu.memory_space<vmem>>, vector<1x16xf32>,
      %get3A_3342 = arith.constant 18 : i32
      %get3A_3343 = arith.index_cast %get3A_3342 : i32 to index
      %get3A_3344 = arith.constant 0 : index
      %get3A_3345 = tpu.vector_load %arg15[%get3A_3343, %get3A_3344] {strides = array<i32>} : memref<24x128xf32, #tpu.memory_space<vmem>>, vector<1x16xf32>,
      %get3A_3346 = vector.shape_cast %get3A_3345 : vector<1x16xf32> to vector<16xf32>
      %get3A_3347 = arith.constant 18 : i32
      %get3A_3348 = arith.index_cast %get3A_3347 : i32 to index
      %get3A_3349 = arith.constant 0 : index
      %get3A_3350 = tpu.vector_load %arg16[%get3A_3348, %get3A_3349] {strides = array<i32>} : memref<24x128xf32, #tpu.memory_space<vmem>>, vector<1x16xf32>,
      %get3A_3351 = vector.shape_cast %get3A_3350 : vector<1x16xf32> to vector<16xf32>
      %add3A_3352 = arith.addf %get3A_3346, %get3A_3351 : vector<16xf32>
      %get3A_3353 = arith.constant 18 : i32
      %get3A_3354 = arith.index_cast %get3A_3353 : i32 to index
      %get3A_3355 = arith.constant 0 : index
      %get3A_3356 = tpu.vector_load %arg17[%get3A_3354, %get3A_3355] {strides = array<i32>} : memref<24x128xf32, #tpu.memory_space<vmem>>, vector<1x16xf32>,
      %get3A_3357 = vector.shape_cast %get3A_3356 : vector<1x16xf32> to vector<16xf32>
      %add3A_3358 = arith.addf %add3A_3352, %get3A_3357 : vector<16xf32>
      %swap3A_3359 = arith.constant 18 : i32
      %swap3A_3360 = arith.index_cast %swap3A_3359 : i32 to index
      %swap3A_3361 = arith.constant 0 : index
      %swap3A_3362 = tpu.vector_load %arg19[%swap3A_3360, %swap3A_3361] {strides = array<i32>} : memref<20x128xf32, #tpu.memory_space<vmem>>, vector<1x16xf32>,
      %swap3A_3363 = vector.shape_cast %swap3A_3362 : vector<1x16xf32> to vector<16xf32>
      %swap3A_3364 = vector.shape_cast %add3A_3358 : vector<16xf32> to vector<1x16xf32>
      tpu.vector_store %arg19[%swap3A_3360, %swap3A_3361], %swap3A_3364 {strides = array<i32>} : memref<20x128xf32, #tpu.memory_space<vmem>>, vector<1x16xf32>,
      %get3A_3365 = arith.constant 18 : i32
      %get3A_3366 = arith.index_cast %get3A_3365 : i32 to index
      %get3A_3367 = arith.constant 16 : index
      %get3A_3368 = tpu.vector_load %arg15[%get3A_3366, %get3A_3367] {strides = array<i32>} : memref<24x128xf32, #tpu.memory_space<vmem>>, vector<1x16xf32>,
      %get3A_3369 = vector.shape_cast %get3A_3368 : vector<1x16xf32> to vector<16xf32>
      %get3A_3370 = arith.constant 18 : i32
      %get3A_3371 = arith.index_cast %get3A_3370 : i32 to index
      %get3A_3372 = arith.constant 16 : index
      %get3A_3373 = tpu.vector_load %arg16[%get3A_3371, %get3A_3372] {strides = array<i32>} : memref<24x128xf32, #tpu.memory_space<vmem>>, vector<1x16xf32>,
      %get3A_3374 = vector.shape_cast %get3A_3373 : vector<1x16xf32> to vector<16xf32>
      %add3A_3375 = arith.addf %get3A_3369, %get3A_3374 : vector<16xf32>
      %get3A_3376 = arith.constant 18 : i32
      %get3A_3377 = arith.index_cast %get3A_3376 : i32 to index
      %get3A_3378 = arith.constant 16 : index
      %get3A_3379 = tpu.vector_load %arg17[%get3A_3377, %get3A_3378] {strides = array<i32>} : memref<24x128xf32, #tpu.memory_space<vmem>>, vector<1x16xf32>,
      %get3A_3380 = vector.shape_cast %get3A_3379 : vector<1x16xf32> to vector<16xf32>
      %add3A_3381 = arith.addf %add3A_3375, %get3A_3380 : vector<16xf32>
      %swap3A_3382 = arith.constant 18 : i32
      %swap3A_3383 = arith.index_cast %swap3A_3382 : i32 to index
      %swap3A_3384 = arith.constant 16 : index
      %swap3A_3385 = tpu.vector_load %arg19[%swap3A_3383, %swap3A_3384] {strides = array<i32>} : memref<20x128xf32, #tpu.memory_space<vmem>>, vector<1x16xf32>,
      %swap3A_3386 = vector.shape_cast %swap3A_3385 : vector<1x16xf32> to vector<16xf32>
      %swap3A_3387 = vector.shape_cast %add3A_3381 : vector<16xf32> to vector<1x16xf32>
      tpu.vector_store %arg19[%swap3A_3383, %swap3A_3384], %swap3A_3387 {strides = array<i32>} : memref<20x128xf32, #tpu.memory_space<vmem>>, vector<1x16xf32>,
      %get3A_3388 = arith.constant 18 : i32
      %get3A_3389 = arith.index_cast %get3A_3388 : i32 to index
      %get3A_3390 = arith.constant 32 : index
      %get3A_3391 = tpu.vector_load %arg15[%get3A_3389, %get3A_3390] {strides = array<i32>} : memref<24x128xf32, #tpu.memory_space<vmem>>, vector<1x16xf32>,
      %get3A_3392 = vector.shape_cast %get3A_3391 : vector<1x16xf32> to vector<16xf32>
      %get3A_3393 = arith.constant 18 : i32
      %get3A_3394 = arith.index_cast %get3A_3393 : i32 to index
      %get3A_3395 = arith.constant 32 : index
      %get3A_3396 = tpu.vector_load %arg16[%get3A_3394, %get3A_3395] {strides = array<i32>} : memref<24x128xf32, #tpu.memory_space<vmem>>, vector<1x16xf32>,
      %get3A_3397 = vector.shape_cast %get3A_3396 : vector<1x16xf32> to vector<16xf32>
      %add3A_3398 = arith.addf %get3A_3392, %get3A_3397 : vector<16xf32>
      %get3A_3399 = arith.constant 18 : i32
      %get3A_3400 = arith.index_cast %get3A_3399 : i32 to index
      %get3A_3401 = arith.constant 32 : index
      %get3A_3402 = tpu.vector_load %arg17[%get3A_3400, %get3A_3401] {strides = array<i32>} : memref<24x128xf32, #tpu.memory_space<vmem>>, vector<1x16xf32>,
      %get3A_3403 = vector.shape_cast %get3A_3402 : vector<1x16xf32> to vector<16xf32>
      %add3A_3404 = arith.addf %add3A_3398, %get3A_3403 : vector<16xf32>
      %swap3A_3405 = arith.constant 18 : i32
      %swap3A_3406 = arith.index_cast %swap3A_3405 : i32 to index
      %swap3A_3407 = arith.constant 32 : index
      %swap3A_3408 = tpu.vector_load %arg19[%swap3A_3406, %swap3A_3407] {strides = array<i32>} : memref<20x128xf32, #tpu.memory_space<vmem>>, vector<1x16xf32>,
      %swap3A_3409 = vector.shape_cast %swap3A_3408 : vector<1x16xf32> to vector<16xf32>
      %swap3A_3410 = vector.shape_cast %add3A_3404 : vector<16xf32> to vector<1x16xf32>
      tpu.vector_store %arg19[%swap3A_3406, %swap3A_3407], %swap3A_3410 {strides = array<i32>} : memref<20x128xf32, #tpu.memory_space<vmem>>, vector<1x16xf32>,
      %get3A_3411 = arith.constant 18 : i32
      %get3A_3412 = arith.index_cast %get3A_3411 : i32 to index
      %get3A_3413 = arith.constant 48 : index
      %get3A_3414 = tpu.vector_load %arg15[%get3A_3412, %get3A_3413] {strides = array<i32>} : memref<24x128xf32, #tpu.memory_space<vmem>>, vector<1x16xf32>,
      %get3A_3415 = vector.shape_cast %get3A_3414 : vector<1x16xf32> to vector<16xf32>
      %get3A_3416 = arith.constant 18 : i32
      %get3A_3417 = arith.index_cast %get3A_3416 : i32 to index
      %get3A_3418 = arith.constant 48 : index
      %get3A_3419 = tpu.vector_load %arg16[%get3A_3417, %get3A_3418] {strides = array<i32>} : memref<24x128xf32, #tpu.memory_space<vmem>>, vector<1x16xf32>,
      %get3A_3420 = vector.shape_cast %get3A_3419 : vector<1x16xf32> to vector<16xf32>
      %add3A_3421 = arith.addf %get3A_3415, %get3A_3420 : vector<16xf32>
      %get3A_3422 = arith.constant 18 : i32
      %get3A_3423 = arith.index_cast %get3A_3422 : i32 to index
      %get3A_3424 = arith.constant 48 : index
      %get3A_3425 = tpu.vector_load %arg17[%get3A_3423, %get3A_3424] {strides = array<i32>} : memref<24x128xf32, #tpu.memory_space<vmem>>, vector<1x16xf32>,
      %get3A_3426 = vector.shape_cast %get3A_3425 : vector<1x16xf32> to vector<16xf32>
      %add3A_3427 = arith.addf %add3A_3421, %get3A_3426 : vector<16xf32>
      %swap3A_3428 = arith.constant 18 : i32
      %swap3A_3429 = arith.index_cast %swap3A_3428 : i32 to index
      %swap3A_3430 = arith.constant 48 : index
      %swap3A_3431 = tpu.vector_load %arg19[%swap3A_3429, %swap3A_3430] {strides = array<i32>} : memref<20x128xf32, #tpu.memory_space<vmem>>, vector<1x16xf32>,
      %swap3A_3432 = vector.shape_cast %swap3A_3431 : vector<1x16xf32> to vector<16xf32>
      %swap3A_3433 = vector.shape_cast %add3A_3427 : vector<16xf32> to vector<1x16xf32>
      tpu.vector_store %arg19[%swap3A_3429, %swap3A_3430], %swap3A_3433 {strides = array<i32>} : memref<20x128xf32, #tpu.memory_space<vmem>>, vector<1x16xf32>,
      %get3A_3434 = arith.constant 18 : i32
      %get3A_3435 = arith.index_cast %get3A_3434 : i32 to index
      %get3A_3436 = arith.constant 64 : index
      %get3A_3437 = tpu.vector_load %arg15[%get3A_3435, %get3A_3436] {strides = array<i32>} : memref<24x128xf32, #tpu.memory_space<vmem>>, vector<1x16xf32>,
      %get3A_3438 = vector.shape_cast %get3A_3437 : vector<1x16xf32> to vector<16xf32>
      %get3A_3439 = arith.constant 18 : i32
      %get3A_3440 = arith.index_cast %get3A_3439 : i32 to index
      %get3A_3441 = arith.constant 64 : index
      %get3A_3442 = tpu.vector_load %arg16[%get3A_3440, %get3A_3441] {strides = array<i32>} : memref<24x128xf32, #tpu.memory_space<vmem>>, vector<1x16xf32>,
      %get3A_3443 = vector.shape_cast %get3A_3442 : vector<1x16xf32> to vector<16xf32>
      %add3A_3444 = arith.addf %get3A_3438, %get3A_3443 : vector<16xf32>
      %get3A_3445 = arith.constant 18 : i32
      %get3A_3446 = arith.index_cast %get3A_3445 : i32 to index
      %get3A_3447 = arith.constant 64 : index
      %get3A_3448 = tpu.vector_load %arg17[%get3A_3446, %get3A_3447] {strides = array<i32>} : memref<24x128xf32, #tpu.memory_space<vmem>>, vector<1x16xf32>,
      %get3A_3449 = vector.shape_cast %get3A_3448 : vector<1x16xf32> to vector<16xf32>
      %add3A_3450 = arith.addf %add3A_3444, %get3A_3449 : vector<16xf32>
      %swap3A_3451 = arith.constant 18 : i32
      %swap3A_3452 = arith.index_cast %swap3A_3451 : i32 to index
      %swap3A_3453 = arith.constant 64 : index
      %swap3A_3454 = tpu.vector_load %arg19[%swap3A_3452, %swap3A_3453] {strides = array<i32>} : memref<20x128xf32, #tpu.memory_space<vmem>>, vector<1x16xf32>,
      %swap3A_3455 = vector.shape_cast %swap3A_3454 : vector<1x16xf32> to vector<16xf32>
      %swap3A_3456 = vector.shape_cast %add3A_3450 : vector<16xf32> to vector<1x16xf32>
      tpu.vector_store %arg19[%swap3A_3452, %swap3A_3453], %swap3A_3456 {strides = array<i32>} : memref<20x128xf32, #tpu.memory_space<vmem>>, vector<1x16xf32>,
      %get3A_3457 = arith.constant 18 : i32
      %get3A_3458 = arith.index_cast %get3A_3457 : i32 to index
      %get3A_3459 = arith.constant 80 : index
      %get3A_3460 = tpu.vector_load %arg15[%get3A_3458, %get3A_3459] {strides = array<i32>} : memref<24x128xf32, #tpu.memory_space<vmem>>, vector<1x16xf32>,
      %get3A_3461 = vector.shape_cast %get3A_3460 : vector<1x16xf32> to vector<16xf32>
      %get3A_3462 = arith.constant 18 : i32
      %get3A_3463 = arith.index_cast %get3A_3462 : i32 to index
      %get3A_3464 = arith.constant 80 : index
      %get3A_3465 = tpu.vector_load %arg16[%get3A_3463, %get3A_3464] {strides = array<i32>} : memref<24x128xf32, #tpu.memory_space<vmem>>, vector<1x16xf32>,
      %get3A_3466 = vector.shape_cast %get3A_3465 : vector<1x16xf32> to vector<16xf32>
      %add3A_3467 = arith.addf %get3A_3461, %get3A_3466 : vector<16xf32>
      %get3A_3468 = arith.constant 18 : i32
      %get3A_3469 = arith.index_cast %get3A_3468 : i32 to index
      %get3A_3470 = arith.constant 80 : index
      %get3A_3471 = tpu.vector_load %arg17[%get3A_3469, %get3A_3470] {strides = array<i32>} : memref<24x128xf32, #tpu.memory_space<vmem>>, vector<1x16xf32>,
      %get3A_3472 = vector.shape_cast %get3A_3471 : vector<1x16xf32> to vector<16xf32>
      %add3A_3473 = arith.addf %add3A_3467, %get3A_3472 : vector<16xf32>
      %swap3A_3474 = arith.constant 18 : i32
      %swap3A_3475 = arith.index_cast %swap3A_3474 : i32 to index
      %swap3A_3476 = arith.constant 80 : index
      %swap3A_3477 = tpu.vector_load %arg19[%swap3A_3475, %swap3A_3476] {strides = array<i32>} : memref<20x128xf32, #tpu.memory_space<vmem>>, vector<1x16xf32>,
      %swap3A_3478 = vector.shape_cast %swap3A_3477 : vector<1x16xf32> to vector<16xf32>
      %swap3A_3479 = vector.shape_cast %add3A_3473 : vector<16xf32> to vector<1x16xf32>
      tpu.vector_store %arg19[%swap3A_3475, %swap3A_3476], %swap3A_3479 {strides = array<i32>} : memref<20x128xf32, #tpu.memory_space<vmem>>, vector<1x16xf32>,
      %get3A_3480 = arith.constant 18 : i32
      %get3A_3481 = arith.index_cast %get3A_3480 : i32 to index
      %get3A_3482 = arith.constant 96 : index
      %get3A_3483 = tpu.vector_load %arg15[%get3A_3481, %get3A_3482] {strides = array<i32>} : memref<24x128xf32, #tpu.memory_space<vmem>>, vector<1x16xf32>,
      %get3A_3484 = vector.shape_cast %get3A_3483 : vector<1x16xf32> to vector<16xf32>
      %get3A_3485 = arith.constant 18 : i32
      %get3A_3486 = arith.index_cast %get3A_3485 : i32 to index
      %get3A_3487 = arith.constant 96 : index
      %get3A_3488 = tpu.vector_load %arg16[%get3A_3486, %get3A_3487] {strides = array<i32>} : memref<24x128xf32, #tpu.memory_space<vmem>>, vector<1x16xf32>,
      %get3A_3489 = vector.shape_cast %get3A_3488 : vector<1x16xf32> to vector<16xf32>
      %add3A_3490 = arith.addf %get3A_3484, %get3A_3489 : vector<16xf32>
      %get3A_3491 = arith.constant 18 : i32
      %get3A_3492 = arith.index_cast %get3A_3491 : i32 to index
      %get3A_3493 = arith.constant 96 : index
      %get3A_3494 = tpu.vector_load %arg17[%get3A_3492, %get3A_3493] {strides = array<i32>} : memref<24x128xf32, #tpu.memory_space<vmem>>, vector<1x16xf32>,
      %get3A_3495 = vector.shape_cast %get3A_3494 : vector<1x16xf32> to vector<16xf32>
      %add3A_3496 = arith.addf %add3A_3490, %get3A_3495 : vector<16xf32>
      %swap3A_3497 = arith.constant 18 : i32
      %swap3A_3498 = arith.index_cast %swap3A_3497 : i32 to index
      %swap3A_3499 = arith.constant 96 : index
      %swap3A_3500 = tpu.vector_load %arg19[%swap3A_3498, %swap3A_3499] {strides = array<i32>} : memref<20x128xf32, #tpu.memory_space<vmem>>, vector<1x16xf32>,
      %swap3A_3501 = vector.shape_cast %swap3A_3500 : vector<1x16xf32> to vector<16xf32>
      %swap3A_3502 = vector.shape_cast %add3A_3496 : vector<16xf32> to vector<1x16xf32>
      tpu.vector_store %arg19[%swap3A_3498, %swap3A_3499], %swap3A_3502 {strides = array<i32>} : memref<20x128xf32, #tpu.memory_space<vmem>>, vector<1x16xf32>,
      %get3A_3503 = arith.constant 18 : i32
      %get3A_3504 = arith.index_cast %get3A_3503 : i32 to index
      %get3A_3505 = arith.constant 112 : index
      %get3A_3506 = tpu.vector_load %arg15[%get3A_3504, %get3A_3505] {strides = array<i32>} : memref<24x128xf32, #tpu.memory_space<vmem>>, vector<1x16xf32>,
      %get3A_3507 = vector.shape_cast %get3A_3506 : vector<1x16xf32> to vector<16xf32>
      %get3A_3508 = arith.constant 18 : i32
      %get3A_3509 = arith.index_cast %get3A_3508 : i32 to index
      %get3A_3510 = arith.constant 112 : index
      %get3A_3511 = tpu.vector_load %arg16[%get3A_3509, %get3A_3510] {strides = array<i32>} : memref<24x128xf32, #tpu.memory_space<vmem>>, vector<1x16xf32>,
      %get3A_3512 = vector.shape_cast %get3A_3511 : vector<1x16xf32> to vector<16xf32>
      %add3A_3513 = arith.addf %get3A_3507, %get3A_3512 : vector<16xf32>
      %get3A_3514 = arith.constant 18 : i32
      %get3A_3515 = arith.index_cast %get3A_3514 : i32 to index
      %get3A_3516 = arith.constant 112 : index
      %get3A_3517 = tpu.vector_load %arg17[%get3A_3515, %get3A_3516] {strides = array<i32>} : memref<24x128xf32, #tpu.memory_space<vmem>>, vector<1x16xf32>,
      %get3A_3518 = vector.shape_cast %get3A_3517 : vector<1x16xf32> to vector<16xf32>
      %add3A_3519 = arith.addf %add3A_3513, %get3A_3518 : vector<16xf32>
      %swap3A_3520 = arith.constant 18 : i32
      %swap3A_3521 = arith.index_cast %swap3A_3520 : i32 to index
      %swap3A_3522 = arith.constant 112 : index
      %swap3A_3523 = tpu.vector_load %arg19[%swap3A_3521, %swap3A_3522] {strides = array<i32>} : memref<20x128xf32, #tpu.memory_space<vmem>>, vector<1x16xf32>,
      %swap3A_3524 = vector.shape_cast %swap3A_3523 : vector<1x16xf32> to vector<16xf32>
      %swap3A_3525 = vector.shape_cast %add3A_3519 : vector<16xf32> to vector<1x16xf32>
      tpu.vector_store %arg19[%swap3A_3521, %swap3A_3522], %swap3A_3525 {strides = array<i32>} : memref<20x128xf32, #tpu.memory_space<vmem>>, vector<1x16xf32>,
      %get3A_3526 = arith.constant 19 : i32
      %get3A_3527 = arith.index_cast %get3A_3526 : i32 to index
      %get3A_3528 = arith.constant 0 : index
      %get3A_3529 = tpu.vector_load %arg15[%get3A_3527, %get3A_3528] {strides = array<i32>} : memref<24x128xf32, #tpu.memory_space<vmem>>, vector<1x16xf32>,
      %get3A_3530 = vector.shape_cast %get3A_3529 : vector<1x16xf32> to vector<16xf32>
      %get3A_3531 = arith.constant 19 : i32
      %get3A_3532 = arith.index_cast %get3A_3531 : i32 to index
      %get3A_3533 = arith.constant 0 : index
      %get3A_3534 = tpu.vector_load %arg16[%get3A_3532, %get3A_3533] {strides = array<i32>} : memref<24x128xf32, #tpu.memory_space<vmem>>, vector<1x16xf32>,
      %get3A_3535 = vector.shape_cast %get3A_3534 : vector<1x16xf32> to vector<16xf32>
      %add3A_3536 = arith.addf %get3A_3530, %get3A_3535 : vector<16xf32>
      %get3A_3537 = arith.constant 19 : i32
      %get3A_3538 = arith.index_cast %get3A_3537 : i32 to index
      %get3A_3539 = arith.constant 0 : index
      %get3A_3540 = tpu.vector_load %arg17[%get3A_3538, %get3A_3539] {strides = array<i32>} : memref<24x128xf32, #tpu.memory_space<vmem>>, vector<1x16xf32>,
      %get3A_3541 = vector.shape_cast %get3A_3540 : vector<1x16xf32> to vector<16xf32>
      %add3A_3542 = arith.addf %add3A_3536, %get3A_3541 : vector<16xf32>
      %swap3A_3543 = arith.constant 19 : i32
      %swap3A_3544 = arith.index_cast %swap3A_3543 : i32 to index
      %swap3A_3545 = arith.constant 0 : index
      %swap3A_3546 = tpu.vector_load %arg19[%swap3A_3544, %swap3A_3545] {strides = array<i32>} : memref<20x128xf32, #tpu.memory_space<vmem>>, vector<1x16xf32>,
      %swap3A_3547 = vector.shape_cast %swap3A_3546 : vector<1x16xf32> to vector<16xf32>
      %swap3A_3548 = vector.shape_cast %add3A_3542 : vector<16xf32> to vector<1x16xf32>
      tpu.vector_store %arg19[%swap3A_3544, %swap3A_3545], %swap3A_3548 {strides = array<i32>} : memref<20x128xf32, #tpu.memory_space<vmem>>, vector<1x16xf32>,
      %get3A_3549 = arith.constant 19 : i32
      %get3A_3550 = arith.index_cast %get3A_3549 : i32 to index
      %get3A_3551 = arith.constant 16 : index
      %get3A_3552 = tpu.vector_load %arg15[%get3A_3550, %get3A_3551] {strides = array<i32>} : memref<24x128xf32, #tpu.memory_space<vmem>>, vector<1x16xf32>,
      %get3A_3553 = vector.shape_cast %get3A_3552 : vector<1x16xf32> to vector<16xf32>
      %get3A_3554 = arith.constant 19 : i32
      %get3A_3555 = arith.index_cast %get3A_3554 : i32 to index
      %get3A_3556 = arith.constant 16 : index
      %get3A_3557 = tpu.vector_load %arg16[%get3A_3555, %get3A_3556] {strides = array<i32>} : memref<24x128xf32, #tpu.memory_space<vmem>>, vector<1x16xf32>,
      %get3A_3558 = vector.shape_cast %get3A_3557 : vector<1x16xf32> to vector<16xf32>
      %add3A_3559 = arith.addf %get3A_3553, %get3A_3558 : vector<16xf32>
      %get3A_3560 = arith.constant 19 : i32
      %get3A_3561 = arith.index_cast %get3A_3560 : i32 to index
      %get3A_3562 = arith.constant 16 : index
      %get3A_3563 = tpu.vector_load %arg17[%get3A_3561, %get3A_3562] {strides = array<i32>} : memref<24x128xf32, #tpu.memory_space<vmem>>, vector<1x16xf32>,
      %get3A_3564 = vector.shape_cast %get3A_3563 : vector<1x16xf32> to vector<16xf32>
      %add3A_3565 = arith.addf %add3A_3559, %get3A_3564 : vector<16xf32>
      %swap3A_3566 = arith.constant 19 : i32
      %swap3A_3567 = arith.index_cast %swap3A_3566 : i32 to index
      %swap3A_3568 = arith.constant 16 : index
      %swap3A_3569 = tpu.vector_load %arg19[%swap3A_3567, %swap3A_3568] {strides = array<i32>} : memref<20x128xf32, #tpu.memory_space<vmem>>, vector<1x16xf32>,
      %swap3A_3570 = vector.shape_cast %swap3A_3569 : vector<1x16xf32> to vector<16xf32>
      %swap3A_3571 = vector.shape_cast %add3A_3565 : vector<16xf32> to vector<1x16xf32>
      tpu.vector_store %arg19[%swap3A_3567, %swap3A_3568], %swap3A_3571 {strides = array<i32>} : memref<20x128xf32, #tpu.memory_space<vmem>>, vector<1x16xf32>,
      %get3A_3572 = arith.constant 19 : i32
      %get3A_3573 = arith.index_cast %get3A_3572 : i32 to index
      %get3A_3574 = arith.constant 32 : index
      %get3A_3575 = tpu.vector_load %arg15[%get3A_3573, %get3A_3574] {strides = array<i32>} : memref<24x128xf32, #tpu.memory_space<vmem>>, vector<1x16xf32>,
      %get3A_3576 = vector.shape_cast %get3A_3575 : vector<1x16xf32> to vector<16xf32>
      %get3A_3577 = arith.constant 19 : i32
      %get3A_3578 = arith.index_cast %get3A_3577 : i32 to index
      %get3A_3579 = arith.constant 32 : index
      %get3A_3580 = tpu.vector_load %arg16[%get3A_3578, %get3A_3579] {strides = array<i32>} : memref<24x128xf32, #tpu.memory_space<vmem>>, vector<1x16xf32>,
      %get3A_3581 = vector.shape_cast %get3A_3580 : vector<1x16xf32> to vector<16xf32>
      %add3A_3582 = arith.addf %get3A_3576, %get3A_3581 : vector<16xf32>
      %get3A_3583 = arith.constant 19 : i32
      %get3A_3584 = arith.index_cast %get3A_3583 : i32 to index
      %get3A_3585 = arith.constant 32 : index
      %get3A_3586 = tpu.vector_load %arg17[%get3A_3584, %get3A_3585] {strides = array<i32>} : memref<24x128xf32, #tpu.memory_space<vmem>>, vector<1x16xf32>,
      %get3A_3587 = vector.shape_cast %get3A_3586 : vector<1x16xf32> to vector<16xf32>
      %add3A_3588 = arith.addf %add3A_3582, %get3A_3587 : vector<16xf32>
      %swap3A_3589 = arith.constant 19 : i32
      %swap3A_3590 = arith.index_cast %swap3A_3589 : i32 to index
      %swap3A_3591 = arith.constant 32 : index
      %swap3A_3592 = tpu.vector_load %arg19[%swap3A_3590, %swap3A_3591] {strides = array<i32>} : memref<20x128xf32, #tpu.memory_space<vmem>>, vector<1x16xf32>,
      %swap3A_3593 = vector.shape_cast %swap3A_3592 : vector<1x16xf32> to vector<16xf32>
      %swap3A_3594 = vector.shape_cast %add3A_3588 : vector<16xf32> to vector<1x16xf32>
      tpu.vector_store %arg19[%swap3A_3590, %swap3A_3591], %swap3A_3594 {strides = array<i32>} : memref<20x128xf32, #tpu.memory_space<vmem>>, vector<1x16xf32>,
      %get3A_3595 = arith.constant 19 : i32
      %get3A_3596 = arith.index_cast %get3A_3595 : i32 to index
      %get3A_3597 = arith.constant 48 : index
      %get3A_3598 = tpu.vector_load %arg15[%get3A_3596, %get3A_3597] {strides = array<i32>} : memref<24x128xf32, #tpu.memory_space<vmem>>, vector<1x16xf32>,
      %get3A_3599 = vector.shape_cast %get3A_3598 : vector<1x16xf32> to vector<16xf32>
      %get3A_3600 = arith.constant 19 : i32
      %get3A_3601 = arith.index_cast %get3A_3600 : i32 to index
      %get3A_3602 = arith.constant 48 : index
      %get3A_3603 = tpu.vector_load %arg16[%get3A_3601, %get3A_3602] {strides = array<i32>} : memref<24x128xf32, #tpu.memory_space<vmem>>, vector<1x16xf32>,
      %get3A_3604 = vector.shape_cast %get3A_3603 : vector<1x16xf32> to vector<16xf32>
      %add3A_3605 = arith.addf %get3A_3599, %get3A_3604 : vector<16xf32>
      %get3A_3606 = arith.constant 19 : i32
      %get3A_3607 = arith.index_cast %get3A_3606 : i32 to index
      %get3A_3608 = arith.constant 48 : index
      %get3A_3609 = tpu.vector_load %arg17[%get3A_3607, %get3A_3608] {strides = array<i32>} : memref<24x128xf32, #tpu.memory_space<vmem>>, vector<1x16xf32>,
      %get3A_3610 = vector.shape_cast %get3A_3609 : vector<1x16xf32> to vector<16xf32>
      %add3A_3611 = arith.addf %add3A_3605, %get3A_3610 : vector<16xf32>
      %swap3A_3612 = arith.constant 19 : i32
      %swap3A_3613 = arith.index_cast %swap3A_3612 : i32 to index
      %swap3A_3614 = arith.constant 48 : index
      %swap3A_3615 = tpu.vector_load %arg19[%swap3A_3613, %swap3A_3614] {strides = array<i32>} : memref<20x128xf32, #tpu.memory_space<vmem>>, vector<1x16xf32>,
      %swap3A_3616 = vector.shape_cast %swap3A_3615 : vector<1x16xf32> to vector<16xf32>
      %swap3A_3617 = vector.shape_cast %add3A_3611 : vector<16xf32> to vector<1x16xf32>
      tpu.vector_store %arg19[%swap3A_3613, %swap3A_3614], %swap3A_3617 {strides = array<i32>} : memref<20x128xf32, #tpu.memory_space<vmem>>, vector<1x16xf32>,
      %get3A_3618 = arith.constant 19 : i32
      %get3A_3619 = arith.index_cast %get3A_3618 : i32 to index
      %get3A_3620 = arith.constant 64 : index
      %get3A_3621 = tpu.vector_load %arg15[%get3A_3619, %get3A_3620] {strides = array<i32>} : memref<24x128xf32, #tpu.memory_space<vmem>>, vector<1x16xf32>,
      %get3A_3622 = vector.shape_cast %get3A_3621 : vector<1x16xf32> to vector<16xf32>
      %get3A_3623 = arith.constant 19 : i32
      %get3A_3624 = arith.index_cast %get3A_3623 : i32 to index
      %get3A_3625 = arith.constant 64 : index
      %get3A_3626 = tpu.vector_load %arg16[%get3A_3624, %get3A_3625] {strides = array<i32>} : memref<24x128xf32, #tpu.memory_space<vmem>>, vector<1x16xf32>,
      %get3A_3627 = vector.shape_cast %get3A_3626 : vector<1x16xf32> to vector<16xf32>
      %add3A_3628 = arith.addf %get3A_3622, %get3A_3627 : vector<16xf32>
      %get3A_3629 = arith.constant 19 : i32
      %get3A_3630 = arith.index_cast %get3A_3629 : i32 to index
      %get3A_3631 = arith.constant 64 : index
      %get3A_3632 = tpu.vector_load %arg17[%get3A_3630, %get3A_3631] {strides = array<i32>} : memref<24x128xf32, #tpu.memory_space<vmem>>, vector<1x16xf32>,
      %get3A_3633 = vector.shape_cast %get3A_3632 : vector<1x16xf32> to vector<16xf32>
      %add3A_3634 = arith.addf %add3A_3628, %get3A_3633 : vector<16xf32>
      %swap3A_3635 = arith.constant 19 : i32
      %swap3A_3636 = arith.index_cast %swap3A_3635 : i32 to index
      %swap3A_3637 = arith.constant 64 : index
      %swap3A_3638 = tpu.vector_load %arg19[%swap3A_3636, %swap3A_3637] {strides = array<i32>} : memref<20x128xf32, #tpu.memory_space<vmem>>, vector<1x16xf32>,
      %swap3A_3639 = vector.shape_cast %swap3A_3638 : vector<1x16xf32> to vector<16xf32>
      %swap3A_3640 = vector.shape_cast %add3A_3634 : vector<16xf32> to vector<1x16xf32>
      tpu.vector_store %arg19[%swap3A_3636, %swap3A_3637], %swap3A_3640 {strides = array<i32>} : memref<20x128xf32, #tpu.memory_space<vmem>>, vector<1x16xf32>,
      %get3A_3641 = arith.constant 19 : i32
      %get3A_3642 = arith.index_cast %get3A_3641 : i32 to index
      %get3A_3643 = arith.constant 80 : index
      %get3A_3644 = tpu.vector_load %arg15[%get3A_3642, %get3A_3643] {strides = array<i32>} : memref<24x128xf32, #tpu.memory_space<vmem>>, vector<1x16xf32>,
      %get3A_3645 = vector.shape_cast %get3A_3644 : vector<1x16xf32> to vector<16xf32>
      %get3A_3646 = arith.constant 19 : i32
      %get3A_3647 = arith.index_cast %get3A_3646 : i32 to index
      %get3A_3648 = arith.constant 80 : index
      %get3A_3649 = tpu.vector_load %arg16[%get3A_3647, %get3A_3648] {strides = array<i32>} : memref<24x128xf32, #tpu.memory_space<vmem>>, vector<1x16xf32>,
      %get3A_3650 = vector.shape_cast %get3A_3649 : vector<1x16xf32> to vector<16xf32>
      %add3A_3651 = arith.addf %get3A_3645, %get3A_3650 : vector<16xf32>
      %get3A_3652 = arith.constant 19 : i32
      %get3A_3653 = arith.index_cast %get3A_3652 : i32 to index
      %get3A_3654 = arith.constant 80 : index
      %get3A_3655 = tpu.vector_load %arg17[%get3A_3653, %get3A_3654] {strides = array<i32>} : memref<24x128xf32, #tpu.memory_space<vmem>>, vector<1x16xf32>,
      %get3A_3656 = vector.shape_cast %get3A_3655 : vector<1x16xf32> to vector<16xf32>
      %add3A_3657 = arith.addf %add3A_3651, %get3A_3656 : vector<16xf32>
      %swap3A_3658 = arith.constant 19 : i32
      %swap3A_3659 = arith.index_cast %swap3A_3658 : i32 to index
      %swap3A_3660 = arith.constant 80 : index
      %swap3A_3661 = tpu.vector_load %arg19[%swap3A_3659, %swap3A_3660] {strides = array<i32>} : memref<20x128xf32, #tpu.memory_space<vmem>>, vector<1x16xf32>,
      %swap3A_3662 = vector.shape_cast %swap3A_3661 : vector<1x16xf32> to vector<16xf32>
      %swap3A_3663 = vector.shape_cast %add3A_3657 : vector<16xf32> to vector<1x16xf32>
      tpu.vector_store %arg19[%swap3A_3659, %swap3A_3660], %swap3A_3663 {strides = array<i32>} : memref<20x128xf32, #tpu.memory_space<vmem>>, vector<1x16xf32>,
      %get3A_3664 = arith.constant 19 : i32
      %get3A_3665 = arith.index_cast %get3A_3664 : i32 to index
      %get3A_3666 = arith.constant 96 : index
      %get3A_3667 = tpu.vector_load %arg15[%get3A_3665, %get3A_3666] {strides = array<i32>} : memref<24x128xf32, #tpu.memory_space<vmem>>, vector<1x16xf32>,
      %get3A_3668 = vector.shape_cast %get3A_3667 : vector<1x16xf32> to vector<16xf32>
      %get3A_3669 = arith.constant 19 : i32
      %get3A_3670 = arith.index_cast %get3A_3669 : i32 to index
      %get3A_3671 = arith.constant 96 : index
      %get3A_3672 = tpu.vector_load %arg16[%get3A_3670, %get3A_3671] {strides = array<i32>} : memref<24x128xf32, #tpu.memory_space<vmem>>, vector<1x16xf32>,
      %get3A_3673 = vector.shape_cast %get3A_3672 : vector<1x16xf32> to vector<16xf32>
      %add3A_3674 = arith.addf %get3A_3668, %get3A_3673 : vector<16xf32>
      %get3A_3675 = arith.constant 19 : i32
      %get3A_3676 = arith.index_cast %get3A_3675 : i32 to index
      %get3A_3677 = arith.constant 96 : index
      %get3A_3678 = tpu.vector_load %arg17[%get3A_3676, %get3A_3677] {strides = array<i32>} : memref<24x128xf32, #tpu.memory_space<vmem>>, vector<1x16xf32>,
      %get3A_3679 = vector.shape_cast %get3A_3678 : vector<1x16xf32> to vector<16xf32>
      %add3A_3680 = arith.addf %add3A_3674, %get3A_3679 : vector<16xf32>
      %swap3A_3681 = arith.constant 19 : i32
      %swap3A_3682 = arith.index_cast %swap3A_3681 : i32 to index
      %swap3A_3683 = arith.constant 96 : index
      %swap3A_3684 = tpu.vector_load %arg19[%swap3A_3682, %swap3A_3683] {strides = array<i32>} : memref<20x128xf32, #tpu.memory_space<vmem>>, vector<1x16xf32>,
      %swap3A_3685 = vector.shape_cast %swap3A_3684 : vector<1x16xf32> to vector<16xf32>
      %swap3A_3686 = vector.shape_cast %add3A_3680 : vector<16xf32> to vector<1x16xf32>
      tpu.vector_store %arg19[%swap3A_3682, %swap3A_3683], %swap3A_3686 {strides = array<i32>} : memref<20x128xf32, #tpu.memory_space<vmem>>, vector<1x16xf32>,
      %get3A_3687 = arith.constant 19 : i32
      %get3A_3688 = arith.index_cast %get3A_3687 : i32 to index
      %get3A_3689 = arith.constant 112 : index
      %get3A_3690 = tpu.vector_load %arg15[%get3A_3688, %get3A_3689] {strides = array<i32>} : memref<24x128xf32, #tpu.memory_space<vmem>>, vector<1x16xf32>,
      %get3A_3691 = vector.shape_cast %get3A_3690 : vector<1x16xf32> to vector<16xf32>
      %get3A_3692 = arith.constant 19 : i32
      %get3A_3693 = arith.index_cast %get3A_3692 : i32 to index
      %get3A_3694 = arith.constant 112 : index
      %get3A_3695 = tpu.vector_load %arg16[%get3A_3693, %get3A_3694] {strides = array<i32>} : memref<24x128xf32, #tpu.memory_space<vmem>>, vector<1x16xf32>,
      %get3A_3696 = vector.shape_cast %get3A_3695 : vector<1x16xf32> to vector<16xf32>
      %add3A_3697 = arith.addf %get3A_3691, %get3A_3696 : vector<16xf32>
      %get3A_3698 = arith.constant 19 : i32
      %get3A_3699 = arith.index_cast %get3A_3698 : i32 to index
      %get3A_3700 = arith.constant 112 : index
      %get3A_3701 = tpu.vector_load %arg17[%get3A_3699, %get3A_3700] {strides = array<i32>} : memref<24x128xf32, #tpu.memory_space<vmem>>, vector<1x16xf32>,
      %get3A_3702 = vector.shape_cast %get3A_3701 : vector<1x16xf32> to vector<16xf32>
      %add3A_3703 = arith.addf %add3A_3697, %get3A_3702 : vector<16xf32>
      %swap3A_3704 = arith.constant 19 : i32
      %swap3A_3705 = arith.index_cast %swap3A_3704 : i32 to index
      %swap3A_3706 = arith.constant 112 : index
      %swap3A_3707 = tpu.vector_load %arg19[%swap3A_3705, %swap3A_3706] {strides = array<i32>} : memref<20x128xf32, #tpu.memory_space<vmem>>, vector<1x16xf32>,
      %swap3A_3708 = vector.shape_cast %swap3A_3707 : vector<1x16xf32> to vector<16xf32>
      %swap3A_3709 = vector.shape_cast %add3A_3703 : vector<16xf32> to vector<1x16xf32>
      tpu.vector_store %arg19[%swap3A_3705, %swap3A_3706], %swap3A_3709 {strides = array<i32>} : memref<20x128xf32, #tpu.memory_space<vmem>>, vector<1x16xf32>,
      %scan3A_3710 = arith.constant 0 : i32
      %scan3A_3711 = arith.constant 0 : i32
      %scan3A_3712 = arith.constant 20 : i32
      %scan3A_3713 = arith.addi %scan3A_3711, %scan3A_3712 : i32
      %scan3A_3714 = arith.constant 1 : i32
      scf.for %scan3A_3716 = %scan3A_3711 to %scan3A_3713 step %scan3A_3714  : i32 {
        %scan3A_3717 = arith.constant 0 : i32
        %scan3A_3718 = arith.constant 23 : i32
        %scan3A_3719 = arith.addi %scan3A_3717, %scan3A_3718 : i32
        %scan3A_3720 = arith.constant 1 : i32
        scf.for %scan3A_3722 = %scan3A_3717 to %scan3A_3719 step %scan3A_3720  : i32 {
          %mul3A_3723 = arith.constant 23 : i32
          %mul3A_3724 = arith.muli %scan3A_3716, %mul3A_3723 : i32
          %add3A_3725 = arith.addi %mul3A_3724, %scan3A_3722 : i32
          %get3A_3726 = arith.index_cast %scan3A_3716 : i32 to index
          %get3A_3727 = arith.constant 0 : index
          %get3A_3728 = tpu.vector_load %arg15[%get3A_3726, %get3A_3727] {strides = array<i32>} : memref<24x128xf32, #tpu.memory_space<vmem>>, vector<1x16xf32>,
          %get3A_3729 = vector.shape_cast %get3A_3728 : vector<1x16xf32> to vector<16xf32>
          %get3A_3730 = arith.index_cast %scan3A_3716 : i32 to index
          %get3A_3731 = arith.constant 0 : index
          %get3A_3732 = tpu.vector_load %arg16[%get3A_3730, %get3A_3731] {strides = array<i32>} : memref<24x128xf32, #tpu.memory_space<vmem>>, vector<1x16xf32>,
          %get3A_3733 = vector.shape_cast %get3A_3732 : vector<1x16xf32> to vector<16xf32>
          %add3A_3734 = arith.addf %get3A_3729, %get3A_3733 : vector<16xf32>
          %get3A_3735 = arith.index_cast %scan3A_3722 : i32 to index
          %get3A_3736 = arith.constant 0 : index
          %get3A_3737 = tpu.vector_load %arg18[%get3A_3735, %get3A_3736] {strides = array<i32>} : memref<24x128xf32, #tpu.memory_space<vmem>>, vector<1x16xf32>,
          %get3A_3738 = vector.shape_cast %get3A_3737 : vector<1x16xf32> to vector<16xf32>
          %add3A_3739 = arith.addf %add3A_3734, %get3A_3738 : vector<16xf32>
          %swap3A_3740 = arith.index_cast %add3A_3725 : i32 to index
          %swap3A_3741 = arith.constant 0 : index
          %swap3A_3742 = tpu.vector_load %arg20[%swap3A_3740, %swap3A_3741] {strides = array<i32>} : memref<460x128xf32, #tpu.memory_space<vmem>>, vector<1x16xf32>,
          %swap3A_3743 = vector.shape_cast %swap3A_3742 : vector<1x16xf32> to vector<16xf32>
          %swap3A_3744 = vector.shape_cast %add3A_3739 : vector<16xf32> to vector<1x16xf32>
          tpu.vector_store %arg20[%swap3A_3740, %swap3A_3741], %swap3A_3744 {strides = array<i32>} : memref<460x128xf32, #tpu.memory_space<vmem>>, vector<1x16xf32>,
          %get3A_3745 = arith.index_cast %scan3A_3716 : i32 to index
          %get3A_3746 = arith.constant 16 : index
          %get3A_3747 = tpu.vector_load %arg15[%get3A_3745, %get3A_3746] {strides = array<i32>} : memref<24x128xf32, #tpu.memory_space<vmem>>, vector<1x16xf32>,
          %get3A_3748 = vector.shape_cast %get3A_3747 : vector<1x16xf32> to vector<16xf32>
          %get3A_3749 = arith.index_cast %scan3A_3716 : i32 to index
          %get3A_3750 = arith.constant 16 : index
          %get3A_3751 = tpu.vector_load %arg16[%get3A_3749, %get3A_3750] {strides = array<i32>} : memref<24x128xf32, #tpu.memory_space<vmem>>, vector<1x16xf32>,
          %get3A_3752 = vector.shape_cast %get3A_3751 : vector<1x16xf32> to vector<16xf32>
          %add3A_3753 = arith.addf %get3A_3748, %get3A_3752 : vector<16xf32>
          %get3A_3754 = arith.index_cast %scan3A_3722 : i32 to index
          %get3A_3755 = arith.constant 16 : index
          %get3A_3756 = tpu.vector_load %arg18[%get3A_3754, %get3A_3755] {strides = array<i32>} : memref<24x128xf32, #tpu.memory_space<vmem>>, vector<1x16xf32>,
          %get3A_3757 = vector.shape_cast %get3A_3756 : vector<1x16xf32> to vector<16xf32>
          %add3A_3758 = arith.addf %add3A_3753, %get3A_3757 : vector<16xf32>
          %swap3A_3759 = arith.index_cast %add3A_3725 : i32 to index
          %swap3A_3760 = arith.constant 16 : index
          %swap3A_3761 = tpu.vector_load %arg20[%swap3A_3759, %swap3A_3760] {strides = array<i32>} : memref<460x128xf32, #tpu.memory_space<vmem>>, vector<1x16xf32>,
          %swap3A_3762 = vector.shape_cast %swap3A_3761 : vector<1x16xf32> to vector<16xf32>
          %swap3A_3763 = vector.shape_cast %add3A_3758 : vector<16xf32> to vector<1x16xf32>
          tpu.vector_store %arg20[%swap3A_3759, %swap3A_3760], %swap3A_3763 {strides = array<i32>} : memref<460x128xf32, #tpu.memory_space<vmem>>, vector<1x16xf32>,
          %get3A_3764 = arith.index_cast %scan3A_3716 : i32 to index
          %get3A_3765 = arith.constant 32 : index
          %get3A_3766 = tpu.vector_load %arg15[%get3A_3764, %get3A_3765] {strides = array<i32>} : memref<24x128xf32, #tpu.memory_space<vmem>>, vector<1x16xf32>,
          %get3A_3767 = vector.shape_cast %get3A_3766 : vector<1x16xf32> to vector<16xf32>
          %get3A_3768 = arith.index_cast %scan3A_3716 : i32 to index
          %get3A_3769 = arith.constant 32 : index
          %get3A_3770 = tpu.vector_load %arg16[%get3A_3768, %get3A_3769] {strides = array<i32>} : memref<24x128xf32, #tpu.memory_space<vmem>>, vector<1x16xf32>,
          %get3A_3771 = vector.shape_cast %get3A_3770 : vector<1x16xf32> to vector<16xf32>
          %add3A_3772 = arith.addf %get3A_3767, %get3A_3771 : vector<16xf32>
          %get3A_3773 = arith.index_cast %scan3A_3722 : i32 to index
          %get3A_3774 = arith.constant 32 : index
          %get3A_3775 = tpu.vector_load %arg18[%get3A_3773, %get3A_3774] {strides = array<i32>} : memref<24x128xf32, #tpu.memory_space<vmem>>, vector<1x16xf32>,
          %get3A_3776 = vector.shape_cast %get3A_3775 : vector<1x16xf32> to vector<16xf32>
          %add3A_3777 = arith.addf %add3A_3772, %get3A_3776 : vector<16xf32>
          %swap3A_3778 = arith.index_cast %add3A_3725 : i32 to index
          %swap3A_3779 = arith.constant 32 : index
          %swap3A_3780 = tpu.vector_load %arg20[%swap3A_3778, %swap3A_3779] {strides = array<i32>} : memref<460x128xf32, #tpu.memory_space<vmem>>, vector<1x16xf32>,
          %swap3A_3781 = vector.shape_cast %swap3A_3780 : vector<1x16xf32> to vector<16xf32>
          %swap3A_3782 = vector.shape_cast %add3A_3777 : vector<16xf32> to vector<1x16xf32>
          tpu.vector_store %arg20[%swap3A_3778, %swap3A_3779], %swap3A_3782 {strides = array<i32>} : memref<460x128xf32, #tpu.memory_space<vmem>>, vector<1x16xf32>,
          %get3A_3783 = arith.index_cast %scan3A_3716 : i32 to index
          %get3A_3784 = arith.constant 48 : index
          %get3A_3785 = tpu.vector_load %arg15[%get3A_3783, %get3A_3784] {strides = array<i32>} : memref<24x128xf32, #tpu.memory_space<vmem>>, vector<1x16xf32>,
          %get3A_3786 = vector.shape_cast %get3A_3785 : vector<1x16xf32> to vector<16xf32>
          %get3A_3787 = arith.index_cast %scan3A_3716 : i32 to index
          %get3A_3788 = arith.constant 48 : index
          %get3A_3789 = tpu.vector_load %arg16[%get3A_3787, %get3A_3788] {strides = array<i32>} : memref<24x128xf32, #tpu.memory_space<vmem>>, vector<1x16xf32>,
          %get3A_3790 = vector.shape_cast %get3A_3789 : vector<1x16xf32> to vector<16xf32>
          %add3A_3791 = arith.addf %get3A_3786, %get3A_3790 : vector<16xf32>
          %get3A_3792 = arith.index_cast %scan3A_3722 : i32 to index
          %get3A_3793 = arith.constant 48 : index
          %get3A_3794 = tpu.vector_load %arg18[%get3A_3792, %get3A_3793] {strides = array<i32>} : memref<24x128xf32, #tpu.memory_space<vmem>>, vector<1x16xf32>,
          %get3A_3795 = vector.shape_cast %get3A_3794 : vector<1x16xf32> to vector<16xf32>
          %add3A_3796 = arith.addf %add3A_3791, %get3A_3795 : vector<16xf32>
          %swap3A_3797 = arith.index_cast %add3A_3725 : i32 to index
          %swap3A_3798 = arith.constant 48 : index
          %swap3A_3799 = tpu.vector_load %arg20[%swap3A_3797, %swap3A_3798] {strides = array<i32>} : memref<460x128xf32, #tpu.memory_space<vmem>>, vector<1x16xf32>,
          %swap3A_3800 = vector.shape_cast %swap3A_3799 : vector<1x16xf32> to vector<16xf32>
          %swap3A_3801 = vector.shape_cast %add3A_3796 : vector<16xf32> to vector<1x16xf32>
          tpu.vector_store %arg20[%swap3A_3797, %swap3A_3798], %swap3A_3801 {strides = array<i32>} : memref<460x128xf32, #tpu.memory_space<vmem>>, vector<1x16xf32>,
          %get3A_3802 = arith.index_cast %scan3A_3716 : i32 to index
          %get3A_3803 = arith.constant 64 : index
          %get3A_3804 = tpu.vector_load %arg15[%get3A_3802, %get3A_3803] {strides = array<i32>} : memref<24x128xf32, #tpu.memory_space<vmem>>, vector<1x16xf32>,
          %get3A_3805 = vector.shape_cast %get3A_3804 : vector<1x16xf32> to vector<16xf32>
          %get3A_3806 = arith.index_cast %scan3A_3716 : i32 to index
          %get3A_3807 = arith.constant 64 : index
          %get3A_3808 = tpu.vector_load %arg16[%get3A_3806, %get3A_3807] {strides = array<i32>} : memref<24x128xf32, #tpu.memory_space<vmem>>, vector<1x16xf32>,
          %get3A_3809 = vector.shape_cast %get3A_3808 : vector<1x16xf32> to vector<16xf32>
          %add3A_3810 = arith.addf %get3A_3805, %get3A_3809 : vector<16xf32>
          %get3A_3811 = arith.index_cast %scan3A_3722 : i32 to index
          %get3A_3812 = arith.constant 64 : index
          %get3A_3813 = tpu.vector_load %arg18[%get3A_3811, %get3A_3812] {strides = array<i32>} : memref<24x128xf32, #tpu.memory_space<vmem>>, vector<1x16xf32>,
          %get3A_3814 = vector.shape_cast %get3A_3813 : vector<1x16xf32> to vector<16xf32>
          %add3A_3815 = arith.addf %add3A_3810, %get3A_3814 : vector<16xf32>
          %swap3A_3816 = arith.index_cast %add3A_3725 : i32 to index
          %swap3A_3817 = arith.constant 64 : index
          %swap3A_3818 = tpu.vector_load %arg20[%swap3A_3816, %swap3A_3817] {strides = array<i32>} : memref<460x128xf32, #tpu.memory_space<vmem>>, vector<1x16xf32>,
          %swap3A_3819 = vector.shape_cast %swap3A_3818 : vector<1x16xf32> to vector<16xf32>
          %swap3A_3820 = vector.shape_cast %add3A_3815 : vector<16xf32> to vector<1x16xf32>
          tpu.vector_store %arg20[%swap3A_3816, %swap3A_3817], %swap3A_3820 {strides = array<i32>} : memref<460x128xf32, #tpu.memory_space<vmem>>, vector<1x16xf32>,
          %get3A_3821 = arith.index_cast %scan3A_3716 : i32 to index
          %get3A_3822 = arith.constant 80 : index
          %get3A_3823 = tpu.vector_load %arg15[%get3A_3821, %get3A_3822] {strides = array<i32>} : memref<24x128xf32, #tpu.memory_space<vmem>>, vector<1x16xf32>,
          %get3A_3824 = vector.shape_cast %get3A_3823 : vector<1x16xf32> to vector<16xf32>
          %get3A_3825 = arith.index_cast %scan3A_3716 : i32 to index
          %get3A_3826 = arith.constant 80 : index
          %get3A_3827 = tpu.vector_load %arg16[%get3A_3825, %get3A_3826] {strides = array<i32>} : memref<24x128xf32, #tpu.memory_space<vmem>>, vector<1x16xf32>,
          %get3A_3828 = vector.shape_cast %get3A_3827 : vector<1x16xf32> to vector<16xf32>
          %add3A_3829 = arith.addf %get3A_3824, %get3A_3828 : vector<16xf32>
          %get3A_3830 = arith.index_cast %scan3A_3722 : i32 to index
          %get3A_3831 = arith.constant 80 : index
          %get3A_3832 = tpu.vector_load %arg18[%get3A_3830, %get3A_3831] {strides = array<i32>} : memref<24x128xf32, #tpu.memory_space<vmem>>, vector<1x16xf32>,
          %get3A_3833 = vector.shape_cast %get3A_3832 : vector<1x16xf32> to vector<16xf32>
          %add3A_3834 = arith.addf %add3A_3829, %get3A_3833 : vector<16xf32>
          %swap3A_3835 = arith.index_cast %add3A_3725 : i32 to index
          %swap3A_3836 = arith.constant 80 : index
          %swap3A_3837 = tpu.vector_load %arg20[%swap3A_3835, %swap3A_3836] {strides = array<i32>} : memref<460x128xf32, #tpu.memory_space<vmem>>, vector<1x16xf32>,
          %swap3A_3838 = vector.shape_cast %swap3A_3837 : vector<1x16xf32> to vector<16xf32>
          %swap3A_3839 = vector.shape_cast %add3A_3834 : vector<16xf32> to vector<1x16xf32>
          tpu.vector_store %arg20[%swap3A_3835, %swap3A_3836], %swap3A_3839 {strides = array<i32>} : memref<460x128xf32, #tpu.memory_space<vmem>>, vector<1x16xf32>,
          %get3A_3840 = arith.index_cast %scan3A_3716 : i32 to index
          %get3A_3841 = arith.constant 96 : index
          %get3A_3842 = tpu.vector_load %arg15[%get3A_3840, %get3A_3841] {strides = array<i32>} : memref<24x128xf32, #tpu.memory_space<vmem>>, vector<1x16xf32>,
          %get3A_3843 = vector.shape_cast %get3A_3842 : vector<1x16xf32> to vector<16xf32>
          %get3A_3844 = arith.index_cast %scan3A_3716 : i32 to index
          %get3A_3845 = arith.constant 96 : index
          %get3A_3846 = tpu.vector_load %arg16[%get3A_3844, %get3A_3845] {strides = array<i32>} : memref<24x128xf32, #tpu.memory_space<vmem>>, vector<1x16xf32>,
          %get3A_3847 = vector.shape_cast %get3A_3846 : vector<1x16xf32> to vector<16xf32>
          %add3A_3848 = arith.addf %get3A_3843, %get3A_3847 : vector<16xf32>
          %get3A_3849 = arith.index_cast %scan3A_3722 : i32 to index
          %get3A_3850 = arith.constant 96 : index
          %get3A_3851 = tpu.vector_load %arg18[%get3A_3849, %get3A_3850] {strides = array<i32>} : memref<24x128xf32, #tpu.memory_space<vmem>>, vector<1x16xf32>,
          %get3A_3852 = vector.shape_cast %get3A_3851 : vector<1x16xf32> to vector<16xf32>
          %add3A_3853 = arith.addf %add3A_3848, %get3A_3852 : vector<16xf32>
          %swap3A_3854 = arith.index_cast %add3A_3725 : i32 to index
          %swap3A_3855 = arith.constant 96 : index
          %swap3A_3856 = tpu.vector_load %arg20[%swap3A_3854, %swap3A_3855] {strides = array<i32>} : memref<460x128xf32, #tpu.memory_space<vmem>>, vector<1x16xf32>,
          %swap3A_3857 = vector.shape_cast %swap3A_3856 : vector<1x16xf32> to vector<16xf32>
          %swap3A_3858 = vector.shape_cast %add3A_3853 : vector<16xf32> to vector<1x16xf32>
          tpu.vector_store %arg20[%swap3A_3854, %swap3A_3855], %swap3A_3858 {strides = array<i32>} : memref<460x128xf32, #tpu.memory_space<vmem>>, vector<1x16xf32>,
          %get3A_3859 = arith.index_cast %scan3A_3716 : i32 to index
          %get3A_3860 = arith.constant 112 : index
          %get3A_3861 = tpu.vector_load %arg15[%get3A_3859, %get3A_3860] {strides = array<i32>} : memref<24x128xf32, #tpu.memory_space<vmem>>, vector<1x16xf32>,
          %get3A_3862 = vector.shape_cast %get3A_3861 : vector<1x16xf32> to vector<16xf32>
          %get3A_3863 = arith.index_cast %scan3A_3716 : i32 to index
          %get3A_3864 = arith.constant 112 : index
          %get3A_3865 = tpu.vector_load %arg16[%get3A_3863, %get3A_3864] {strides = array<i32>} : memref<24x128xf32, #tpu.memory_space<vmem>>, vector<1x16xf32>,
          %get3A_3866 = vector.shape_cast %get3A_3865 : vector<1x16xf32> to vector<16xf32>
          %add3A_3867 = arith.addf %get3A_3862, %get3A_3866 : vector<16xf32>
          %get3A_3868 = arith.index_cast %scan3A_3722 : i32 to index
          %get3A_3869 = arith.constant 112 : index
          %get3A_3870 = tpu.vector_load %arg18[%get3A_3868, %get3A_3869] {strides = array<i32>} : memref<24x128xf32, #tpu.memory_space<vmem>>, vector<1x16xf32>,
          %get3A_3871 = vector.shape_cast %get3A_3870 : vector<1x16xf32> to vector<16xf32>
          %add3A_3872 = arith.addf %add3A_3867, %get3A_3871 : vector<16xf32>
          %swap3A_3873 = arith.index_cast %add3A_3725 : i32 to index
          %swap3A_3874 = arith.constant 112 : index
          %swap3A_3875 = tpu.vector_load %arg20[%swap3A_3873, %swap3A_3874] {strides = array<i32>} : memref<460x128xf32, #tpu.memory_space<vmem>>, vector<1x16xf32>,
          %swap3A_3876 = vector.shape_cast %swap3A_3875 : vector<1x16xf32> to vector<16xf32>
          %swap3A_3877 = vector.shape_cast %add3A_3872 : vector<16xf32> to vector<1x16xf32>
          tpu.vector_store %arg20[%swap3A_3873, %swap3A_3874], %swap3A_3877 {strides = array<i32>} : memref<460x128xf32, #tpu.memory_space<vmem>>, vector<1x16xf32>,
        }
        %scan3A_3721 = arith.constant 23 : i32
      }
      %scan3A_3715 = arith.constant 20 : i32
      "tpu.region"() ({
        %run_scoped3A = tpu.sem_alloc : memref<!tpu.dma_semaphore, #tpu.memory_space<semaphore_mem>>
        %dma_start3A_3716 = arith.constant 0 : i32
        %dma_start3A_3717 = arith.constant 0 : i32
        %dma_start3A_3718 = tpu.memref_slice %arg9[%add3A_9, %dma_start3A_3716, %dma_start3A_3717] : memref<1024x20x128xf32, #tpu.memory_space<hbm>> -> memref<1x20x128xf32, #tpu.memory_space<hbm>>
        %dma_start3A_3719 = tpu.memref_squeeze %dma_start3A_3718 : memref<1x20x128xf32, #tpu.memory_space<hbm>> -> memref<20x128xf32, #tpu.memory_space<hbm>>
        %dma_start3A_3720 = arith.constant 0 : i32
        %dma_start3A_3721 = arith.constant 0 : i32
        %dma_start3A_3722 = tpu.memref_slice %arg9[%add3A_9, %dma_start3A_3720, %dma_start3A_3721] : memref<1024x20x128xf32, #tpu.memory_space<hbm>> -> memref<1x20x128xf32, #tpu.memory_space<hbm>>
        %dma_start3A_3723 = tpu.memref_squeeze %dma_start3A_3722 : memref<1x20x128xf32, #tpu.memory_space<hbm>> -> memref<20x128xf32, #tpu.memory_space<hbm>>
        tpu.enqueue_dma source(%arg19 : memref<20x128xf32, #tpu.memory_space<vmem>>) target(%dma_start3A_3723 : memref<20x128xf32, #tpu.memory_space<hbm>>) target_semaphore(%run_scoped3A : memref<!tpu.dma_semaphore, #tpu.memory_space<semaphore_mem>>)
        %dma_wait3A_3724 = arith.constant 0 : i32
        %dma_wait3A_3725 = arith.constant 0 : i32
        %dma_wait3A_3726 = tpu.memref_slice %arg9[%add3A_9, %dma_wait3A_3724, %dma_wait3A_3725] : memref<1024x20x128xf32, #tpu.memory_space<hbm>> -> memref<1x20x128xf32, #tpu.memory_space<hbm>>
        %dma_wait3A_3727 = tpu.memref_squeeze %dma_wait3A_3726 : memref<1x20x128xf32, #tpu.memory_space<hbm>> -> memref<20x128xf32, #tpu.memory_space<hbm>>
        %dma_wait3A_3728 = arith.constant 0 : i32
        %dma_wait3A_3729 = arith.constant 0 : i32
        %dma_wait3A_3730 = tpu.memref_slice %arg9[%add3A_9, %dma_wait3A_3728, %dma_wait3A_3729] : memref<1024x20x128xf32, #tpu.memory_space<hbm>> -> memref<1x20x128xf32, #tpu.memory_space<hbm>>
        %dma_wait3A_3731 = tpu.memref_squeeze %dma_wait3A_3730 : memref<1x20x128xf32, #tpu.memory_space<hbm>> -> memref<20x128xf32, #tpu.memory_space<hbm>>
        tpu.wait_dma2 semaphore(%run_scoped3A : memref<!tpu.dma_semaphore, #tpu.memory_space<semaphore_mem>>) src(%arg19 : memref<20x128xf32, #tpu.memory_space<vmem>>) dst(%dma_wait3A_3731 : memref<20x128xf32, #tpu.memory_space<hbm>>)
        tpu.yield
      }) : () -> ()
      "tpu.region"() ({
        %run_scoped3A = tpu.sem_alloc : memref<!tpu.dma_semaphore, #tpu.memory_space<semaphore_mem>>
        %dma_start3A_3716 = arith.constant 0 : i32
        %dma_start3A_3717 = arith.constant 0 : i32
        %dma_start3A_3718 = tpu.memref_slice %arg10[%add3A_9, %dma_start3A_3716, %dma_start3A_3717] : memref<1024x460x128xf32, #tpu.memory_space<hbm>> -> memref<1x460x128xf32, #tpu.memory_space<hbm>>
        %dma_start3A_3719 = tpu.memref_squeeze %dma_start3A_3718 : memref<1x460x128xf32, #tpu.memory_space<hbm>> -> memref<460x128xf32, #tpu.memory_space<hbm>>
        %dma_start3A_3720 = arith.constant 0 : i32
        %dma_start3A_3721 = arith.constant 0 : i32
        %dma_start3A_3722 = tpu.memref_slice %arg10[%add3A_9, %dma_start3A_3720, %dma_start3A_3721] : memref<1024x460x128xf32, #tpu.memory_space<hbm>> -> memref<1x460x128xf32, #tpu.memory_space<hbm>>
        %dma_start3A_3723 = tpu.memref_squeeze %dma_start3A_3722 : memref<1x460x128xf32, #tpu.memory_space<hbm>> -> memref<460x128xf32, #tpu.memory_space<hbm>>
        tpu.enqueue_dma source(%arg20 : memref<460x128xf32, #tpu.memory_space<vmem>>) target(%dma_start3A_3723 : memref<460x128xf32, #tpu.memory_space<hbm>>) target_semaphore(%run_scoped3A : memref<!tpu.dma_semaphore, #tpu.memory_space<semaphore_mem>>)
        %dma_wait3A_3724 = arith.constant 0 : i32
        %dma_wait3A_3725 = arith.constant 0 : i32
        %dma_wait3A_3726 = tpu.memref_slice %arg10[%add3A_9, %dma_wait3A_3724, %dma_wait3A_3725] : memref<1024x460x128xf32, #tpu.memory_space<hbm>> -> memref<1x460x128xf32, #tpu.memory_space<hbm>>
        %dma_wait3A_3727 = tpu.memref_squeeze %dma_wait3A_3726 : memref<1x460x128xf32, #tpu.memory_space<hbm>> -> memref<460x128xf32, #tpu.memory_space<hbm>>
        %dma_wait3A_3728 = arith.constant 0 : i32
        %dma_wait3A_3729 = arith.constant 0 : i32
        %dma_wait3A_3730 = tpu.memref_slice %arg10[%add3A_9, %dma_wait3A_3728, %dma_wait3A_3729] : memref<1024x460x128xf32, #tpu.memory_space<hbm>> -> memref<1x460x128xf32, #tpu.memory_space<hbm>>
        %dma_wait3A_3731 = tpu.memref_squeeze %dma_wait3A_3730 : memref<1x460x128xf32, #tpu.memory_space<hbm>> -> memref<460x128xf32, #tpu.memory_space<hbm>>
        tpu.wait_dma2 semaphore(%run_scoped3A : memref<!tpu.dma_semaphore, #tpu.memory_space<semaphore_mem>>) src(%arg20 : memref<460x128xf32, #tpu.memory_space<vmem>>) dst(%dma_wait3A_3731 : memref<460x128xf32, #tpu.memory_space<hbm>>)
        tpu.yield
      }) : () -> ()
    }
    %scan3A_5 = arith.constant 32 : i32
    return
  }
}

module attributes {stable_mosaic.version = 14 : i64} {
  func.func @_tc_body(%arg0: i32, %arg1: memref<8x20xf32, #tpu.memory_space<vmem>>, %arg2: memref<8x460xf32, #tpu.memory_space<vmem>>, %arg3: memref<8x460xf32, #tpu.memory_space<vmem>>, %arg4: memref<1x128xf32, #tpu.memory_space<vmem>>, %arg5: memref<8x20x4x32xf32, #tpu.memory_space<vmem>>, %arg6: memref<8x460x4x32xf32, #tpu.memory_space<vmem>>) attributes {dimension_semantics = [#tpu.dimension_semantics<arbitrary>], iteration_bounds = array<i64: 128>, scalar_prefetch = 0 : i64, scratch_operands = 0 : i64, tpu.core_type = #tpu.core_type<tc>, window_params = [{transform_indices = @transform_0, window_bounds = array<i64: 8, 20>}, {transform_indices = @transform_1, window_bounds = array<i64: 8, 460>}, {transform_indices = @transform_2, window_bounds = array<i64: 8, 460>}, {pipeline_mode = #tpu.pipeline_mode<synchronous>, transform_indices = @transform_3, window_bounds = array<i64: 1, 128>}, {transform_indices = @transform_4, window_bounds = array<i64: 8, 20, 4, 32>}, {transform_indices = @transform_5, window_bounds = array<i64: 8, 460, 4, 32>}]} {
    %get3A = arith.constant 0 : index
    %get3A_0 = arith.constant 0 : index
    %get3A_1 = vector.load %arg4[%get3A, %get3A_0] : memref<1x128xf32, #tpu.memory_space<vmem>>, vector<1x128xf32>
    %broadcast_in_dim3A = vector.shape_cast %get3A_1 : vector<1x128xf32> to vector<1x1x128xf32>
    %iota3A = tpu.iota {dimensions = array<i32: 2>} : vector<1x1x128xi32>
    %jit3A = arith.constant 32 : i32
    %eq3A = arith.constant 0 : i32
    %eq3A_2 = arith.cmpi eq, %jit3A, %eq3A : i32
    %jit3A_3 = arith.constant 1 : i32
    %select_n3A = arith.select %eq3A_2, %jit3A_3, %jit3A : i32
    %rem3A = vector.broadcast %select_n3A : i32 to vector<1x1x128xi32>
    %rem3A_4 = arith.remsi %iota3A, %rem3A : vector<1x1x128xi32>
    %ne3A = arith.constant 0 : i32
    %ne3A_5 = vector.broadcast %ne3A : i32 to vector<1x1x128xi32>
    %ne3A_6 = arith.cmpi ne, %rem3A_4, %ne3A_5 : vector<1x1x128xi32>
    %lt3A = arith.constant 0 : i32
    %lt3A_7 = vector.broadcast %lt3A : i32 to vector<1x1x128xi32>
    %lt3A_8 = arith.cmpi slt, %rem3A_4, %lt3A_7 : vector<1x1x128xi32>
    %lt3A_9 = arith.constant 0 : i32
    %lt3A_10 = arith.cmpi slt, %select_n3A, %lt3A_9 : i32
    %ne3A_11 = vector.broadcast %lt3A_10 : i1 to vector<1x1x128xi1>
    %ne3A_12 = vector.broadcast %ne3A_11 : vector<1x1x128xi1> to vector<1x1x128xi1>
    %ne3A_13 = arith.xori %lt3A_8, %ne3A_12 : vector<1x1x128xi1>
    %and3A = arith.andi %ne3A_13, %ne3A_6 : vector<1x1x128xi1>
    %add3A = vector.broadcast %select_n3A : i32 to vector<1x1x128xi32>
    %add3A_14 = arith.addi %rem3A_4, %add3A : vector<1x1x128xi32>
    %select_n3A_15 = arith.select %and3A, %add3A_14, %rem3A_4 : vector<1x1x128xi1>, vector<1x1x128xi32>
    %lt3A_16 = arith.constant 16 : i32
    %lt3A_17 = vector.broadcast %lt3A_16 : i32 to vector<1x1x128xi32>
    %lt3A_18 = arith.cmpi slt, %select_n3A_15, %lt3A_17 : vector<1x1x128xi32>
    %get3A_19 = arith.constant 0 : index
    %get3A_20 = arith.constant 0 : index
    %get3A_21 = vector.load %arg1[%get3A_19, %get3A_20] : memref<8x20xf32, #tpu.memory_space<vmem>>, vector<8x20xf32>
    %broadcast_in_dim3A_22 = vector.shape_cast %get3A_21 : vector<8x20xf32> to vector<8x20x1xf32>
    %mul3A = vector.broadcast %broadcast_in_dim3A_22 : vector<8x20x1xf32> to vector<8x20x128xf32>
    %mul3A_23 = vector.broadcast %broadcast_in_dim3A : vector<1x1x128xf32> to vector<8x20x128xf32>
    %mul3A_24 = arith.mulf %mul3A, %mul3A_23 : vector<8x20x128xf32>
    %sin3A = math.sin %mul3A_24 : vector<8x20x128xf32>
    %cos3A = math.cos %mul3A_24 : vector<8x20x128xf32>
    %broadcast_in_dim3A_25 = vector.shape_cast %lt3A_18 : vector<1x1x128xi1> to vector<1x1x128xi1>
    %broadcast_in_dim3A_26 = vector.broadcast %broadcast_in_dim3A_25 : vector<1x1x128xi1> to vector<8x20x128xi1>
    %select_n3A_27 = arith.select %broadcast_in_dim3A_26, %sin3A, %cos3A : vector<8x20x128xi1>, vector<8x20x128xf32>
    %slice3A = vector.extract_strided_slice %select_n3A_27 {offsets = [0, 0, 0], sizes = [8, 20, 32], strides = [1, 1, 1]} : vector<8x20x128xf32> to vector<8x20x32xf32>
    %broadcast_in_dim3A_28 = vector.shape_cast %slice3A : vector<8x20x32xf32> to vector<8x20x1x32xf32>
    %broadcast_in_dim3A_29 = vector.broadcast %broadcast_in_dim3A_28 : vector<8x20x1x32xf32> to vector<8x20x2x32xf32>
    %slice3A_30 = vector.extract_strided_slice %select_n3A_27 {offsets = [0, 0, 64], sizes = [8, 20, 32], strides = [1, 1, 1]} : vector<8x20x128xf32> to vector<8x20x32xf32>
    %broadcast_in_dim3A_31 = vector.shape_cast %slice3A_30 : vector<8x20x32xf32> to vector<8x20x1x32xf32>
    %broadcast_in_dim3A_32 = vector.broadcast %broadcast_in_dim3A_31 : vector<8x20x1x32xf32> to vector<8x20x2x32xf32>
    %concatenate3A = tpu.concatenate %broadcast_in_dim3A_29, %broadcast_in_dim3A_32 in 2 : vector<8x20x2x32xf32>, vector<8x20x2x32xf32> -> vector<8x20x4x32xf32>
    %swap3A = arith.constant 0 : index
    %swap3A_33 = arith.constant 0 : index
    %swap3A_34 = arith.constant 0 : index
    %swap3A_35 = arith.constant 0 : index
    %swap3A_36 = vector.load %arg5[%swap3A, %swap3A_33, %swap3A_34, %swap3A_35] : memref<8x20x4x32xf32, #tpu.memory_space<vmem>>, vector<8x20x4x32xf32>
    tpu.vector_store %arg5[%swap3A, %swap3A_33, %swap3A_34, %swap3A_35], %concatenate3A {strides = array<i32>} : memref<8x20x4x32xf32, #tpu.memory_space<vmem>>, vector<8x20x4x32xf32>,
    %get3A_37 = arith.constant 0 : index
    %get3A_38 = arith.constant 0 : index
    %get3A_39 = vector.load %arg2[%get3A_37, %get3A_38] : memref<8x460xf32, #tpu.memory_space<vmem>>, vector<8x460xf32>
    %get3A_40 = arith.constant 0 : index
    %get3A_41 = arith.constant 0 : index
    %get3A_42 = vector.load %arg3[%get3A_40, %get3A_41] : memref<8x460xf32, #tpu.memory_space<vmem>>, vector<8x460xf32>
    %add3A_43 = arith.addf %get3A_39, %get3A_42 : vector<8x460xf32>
    %broadcast_in_dim3A_44 = vector.shape_cast %add3A_43 : vector<8x460xf32> to vector<8x460x1xf32>
    %slice3A_45 = vector.extract_strided_slice %broadcast_in_dim3A_44 {offsets = [0, 0, 0], sizes = [8, 96, 1], strides = [1, 1, 1]} : vector<8x460x1xf32> to vector<8x96x1xf32>
    %mul3A_46 = vector.broadcast %slice3A_45 : vector<8x96x1xf32> to vector<8x96x128xf32>
    %mul3A_47 = vector.broadcast %broadcast_in_dim3A : vector<1x1x128xf32> to vector<8x96x128xf32>
    %mul3A_48 = arith.mulf %mul3A_46, %mul3A_47 : vector<8x96x128xf32>
    %sin3A_49 = math.sin %mul3A_48 : vector<8x96x128xf32>
    %cos3A_50 = math.cos %mul3A_48 : vector<8x96x128xf32>
    %broadcast_in_dim3A_51 = vector.shape_cast %lt3A_18 : vector<1x1x128xi1> to vector<1x1x128xi1>
    %broadcast_in_dim3A_52 = vector.broadcast %broadcast_in_dim3A_51 : vector<1x1x128xi1> to vector<8x96x128xi1>
    %select_n3A_53 = arith.select %broadcast_in_dim3A_52, %sin3A_49, %cos3A_50 : vector<8x96x128xi1>, vector<8x96x128xf32>
    %slice3A_54 = vector.extract_strided_slice %select_n3A_53 {offsets = [0, 0, 0], sizes = [8, 96, 32], strides = [1, 1, 1]} : vector<8x96x128xf32> to vector<8x96x32xf32>
    %broadcast_in_dim3A_55 = vector.shape_cast %slice3A_54 : vector<8x96x32xf32> to vector<8x96x1x32xf32>
    %broadcast_in_dim3A_56 = vector.broadcast %broadcast_in_dim3A_55 : vector<8x96x1x32xf32> to vector<8x96x2x32xf32>
    %slice3A_57 = vector.extract_strided_slice %select_n3A_53 {offsets = [0, 0, 64], sizes = [8, 96, 32], strides = [1, 1, 1]} : vector<8x96x128xf32> to vector<8x96x32xf32>
    %broadcast_in_dim3A_58 = vector.shape_cast %slice3A_57 : vector<8x96x32xf32> to vector<8x96x1x32xf32>
    %broadcast_in_dim3A_59 = vector.broadcast %broadcast_in_dim3A_58 : vector<8x96x1x32xf32> to vector<8x96x2x32xf32>
    %concatenate3A_60 = tpu.concatenate %broadcast_in_dim3A_56, %broadcast_in_dim3A_59 in 2 : vector<8x96x2x32xf32>, vector<8x96x2x32xf32> -> vector<8x96x4x32xf32>
    %swap3A_61 = arith.constant 0 : index
    %swap3A_62 = arith.constant 0 : index
    %swap3A_63 = arith.constant 0 : index
    %swap3A_64 = arith.constant 0 : index
    %swap3A_65 = vector.load %arg6[%swap3A_61, %swap3A_62, %swap3A_63, %swap3A_64] : memref<8x460x4x32xf32, #tpu.memory_space<vmem>>, vector<8x96x4x32xf32>
    tpu.vector_store %arg6[%swap3A_61, %swap3A_62, %swap3A_63, %swap3A_64], %concatenate3A_60 {strides = array<i32>} : memref<8x460x4x32xf32, #tpu.memory_space<vmem>>, vector<8x96x4x32xf32>,
    %slice3A_66 = vector.extract_strided_slice %broadcast_in_dim3A_44 {offsets = [0, 96, 0], sizes = [8, 96, 1], strides = [1, 1, 1]} : vector<8x460x1xf32> to vector<8x96x1xf32>
    %mul3A_67 = vector.broadcast %slice3A_66 : vector<8x96x1xf32> to vector<8x96x128xf32>
    %mul3A_68 = vector.broadcast %broadcast_in_dim3A : vector<1x1x128xf32> to vector<8x96x128xf32>
    %mul3A_69 = arith.mulf %mul3A_67, %mul3A_68 : vector<8x96x128xf32>
    %sin3A_70 = math.sin %mul3A_69 : vector<8x96x128xf32>
    %cos3A_71 = math.cos %mul3A_69 : vector<8x96x128xf32>
    %broadcast_in_dim3A_72 = vector.shape_cast %lt3A_18 : vector<1x1x128xi1> to vector<1x1x128xi1>
    %broadcast_in_dim3A_73 = vector.broadcast %broadcast_in_dim3A_72 : vector<1x1x128xi1> to vector<8x96x128xi1>
    %select_n3A_74 = arith.select %broadcast_in_dim3A_73, %sin3A_70, %cos3A_71 : vector<8x96x128xi1>, vector<8x96x128xf32>
    %slice3A_75 = vector.extract_strided_slice %select_n3A_74 {offsets = [0, 0, 0], sizes = [8, 96, 32], strides = [1, 1, 1]} : vector<8x96x128xf32> to vector<8x96x32xf32>
    %broadcast_in_dim3A_76 = vector.shape_cast %slice3A_75 : vector<8x96x32xf32> to vector<8x96x1x32xf32>
    %broadcast_in_dim3A_77 = vector.broadcast %broadcast_in_dim3A_76 : vector<8x96x1x32xf32> to vector<8x96x2x32xf32>
    %slice3A_78 = vector.extract_strided_slice %select_n3A_74 {offsets = [0, 0, 64], sizes = [8, 96, 32], strides = [1, 1, 1]} : vector<8x96x128xf32> to vector<8x96x32xf32>
    %broadcast_in_dim3A_79 = vector.shape_cast %slice3A_78 : vector<8x96x32xf32> to vector<8x96x1x32xf32>
    %broadcast_in_dim3A_80 = vector.broadcast %broadcast_in_dim3A_79 : vector<8x96x1x32xf32> to vector<8x96x2x32xf32>
    %concatenate3A_81 = tpu.concatenate %broadcast_in_dim3A_77, %broadcast_in_dim3A_80 in 2 : vector<8x96x2x32xf32>, vector<8x96x2x32xf32> -> vector<8x96x4x32xf32>
    %swap3A_82 = arith.constant 0 : index
    %swap3A_83 = arith.constant 96 : index
    %swap3A_84 = arith.constant 0 : index
    %swap3A_85 = arith.constant 0 : index
    %swap3A_86 = vector.load %arg6[%swap3A_82, %swap3A_83, %swap3A_84, %swap3A_85] : memref<8x460x4x32xf32, #tpu.memory_space<vmem>>, vector<8x96x4x32xf32>
    tpu.vector_store %arg6[%swap3A_82, %swap3A_83, %swap3A_84, %swap3A_85], %concatenate3A_81 {strides = array<i32>} : memref<8x460x4x32xf32, #tpu.memory_space<vmem>>, vector<8x96x4x32xf32>,
    %slice3A_87 = vector.extract_strided_slice %broadcast_in_dim3A_44 {offsets = [0, 192, 0], sizes = [8, 96, 1], strides = [1, 1, 1]} : vector<8x460x1xf32> to vector<8x96x1xf32>
    %mul3A_88 = vector.broadcast %slice3A_87 : vector<8x96x1xf32> to vector<8x96x128xf32>
    %mul3A_89 = vector.broadcast %broadcast_in_dim3A : vector<1x1x128xf32> to vector<8x96x128xf32>
    %mul3A_90 = arith.mulf %mul3A_88, %mul3A_89 : vector<8x96x128xf32>
    %sin3A_91 = math.sin %mul3A_90 : vector<8x96x128xf32>
    %cos3A_92 = math.cos %mul3A_90 : vector<8x96x128xf32>
    %broadcast_in_dim3A_93 = vector.shape_cast %lt3A_18 : vector<1x1x128xi1> to vector<1x1x128xi1>
    %broadcast_in_dim3A_94 = vector.broadcast %broadcast_in_dim3A_93 : vector<1x1x128xi1> to vector<8x96x128xi1>
    %select_n3A_95 = arith.select %broadcast_in_dim3A_94, %sin3A_91, %cos3A_92 : vector<8x96x128xi1>, vector<8x96x128xf32>
    %slice3A_96 = vector.extract_strided_slice %select_n3A_95 {offsets = [0, 0, 0], sizes = [8, 96, 32], strides = [1, 1, 1]} : vector<8x96x128xf32> to vector<8x96x32xf32>
    %broadcast_in_dim3A_97 = vector.shape_cast %slice3A_96 : vector<8x96x32xf32> to vector<8x96x1x32xf32>
    %broadcast_in_dim3A_98 = vector.broadcast %broadcast_in_dim3A_97 : vector<8x96x1x32xf32> to vector<8x96x2x32xf32>
    %slice3A_99 = vector.extract_strided_slice %select_n3A_95 {offsets = [0, 0, 64], sizes = [8, 96, 32], strides = [1, 1, 1]} : vector<8x96x128xf32> to vector<8x96x32xf32>
    %broadcast_in_dim3A_100 = vector.shape_cast %slice3A_99 : vector<8x96x32xf32> to vector<8x96x1x32xf32>
    %broadcast_in_dim3A_101 = vector.broadcast %broadcast_in_dim3A_100 : vector<8x96x1x32xf32> to vector<8x96x2x32xf32>
    %concatenate3A_102 = tpu.concatenate %broadcast_in_dim3A_98, %broadcast_in_dim3A_101 in 2 : vector<8x96x2x32xf32>, vector<8x96x2x32xf32> -> vector<8x96x4x32xf32>
    %swap3A_103 = arith.constant 0 : index
    %swap3A_104 = arith.constant 192 : index
    %swap3A_105 = arith.constant 0 : index
    %swap3A_106 = arith.constant 0 : index
    %swap3A_107 = vector.load %arg6[%swap3A_103, %swap3A_104, %swap3A_105, %swap3A_106] : memref<8x460x4x32xf32, #tpu.memory_space<vmem>>, vector<8x96x4x32xf32>
    tpu.vector_store %arg6[%swap3A_103, %swap3A_104, %swap3A_105, %swap3A_106], %concatenate3A_102 {strides = array<i32>} : memref<8x460x4x32xf32, #tpu.memory_space<vmem>>, vector<8x96x4x32xf32>,
    %slice3A_108 = vector.extract_strided_slice %broadcast_in_dim3A_44 {offsets = [0, 288, 0], sizes = [8, 96, 1], strides = [1, 1, 1]} : vector<8x460x1xf32> to vector<8x96x1xf32>
    %mul3A_109 = vector.broadcast %slice3A_108 : vector<8x96x1xf32> to vector<8x96x128xf32>
    %mul3A_110 = vector.broadcast %broadcast_in_dim3A : vector<1x1x128xf32> to vector<8x96x128xf32>
    %mul3A_111 = arith.mulf %mul3A_109, %mul3A_110 : vector<8x96x128xf32>
    %sin3A_112 = math.sin %mul3A_111 : vector<8x96x128xf32>
    %cos3A_113 = math.cos %mul3A_111 : vector<8x96x128xf32>
    %broadcast_in_dim3A_114 = vector.shape_cast %lt3A_18 : vector<1x1x128xi1> to vector<1x1x128xi1>
    %broadcast_in_dim3A_115 = vector.broadcast %broadcast_in_dim3A_114 : vector<1x1x128xi1> to vector<8x96x128xi1>
    %select_n3A_116 = arith.select %broadcast_in_dim3A_115, %sin3A_112, %cos3A_113 : vector<8x96x128xi1>, vector<8x96x128xf32>
    %slice3A_117 = vector.extract_strided_slice %select_n3A_116 {offsets = [0, 0, 0], sizes = [8, 96, 32], strides = [1, 1, 1]} : vector<8x96x128xf32> to vector<8x96x32xf32>
    %broadcast_in_dim3A_118 = vector.shape_cast %slice3A_117 : vector<8x96x32xf32> to vector<8x96x1x32xf32>
    %broadcast_in_dim3A_119 = vector.broadcast %broadcast_in_dim3A_118 : vector<8x96x1x32xf32> to vector<8x96x2x32xf32>
    %slice3A_120 = vector.extract_strided_slice %select_n3A_116 {offsets = [0, 0, 64], sizes = [8, 96, 32], strides = [1, 1, 1]} : vector<8x96x128xf32> to vector<8x96x32xf32>
    %broadcast_in_dim3A_121 = vector.shape_cast %slice3A_120 : vector<8x96x32xf32> to vector<8x96x1x32xf32>
    %broadcast_in_dim3A_122 = vector.broadcast %broadcast_in_dim3A_121 : vector<8x96x1x32xf32> to vector<8x96x2x32xf32>
    %concatenate3A_123 = tpu.concatenate %broadcast_in_dim3A_119, %broadcast_in_dim3A_122 in 2 : vector<8x96x2x32xf32>, vector<8x96x2x32xf32> -> vector<8x96x4x32xf32>
    %swap3A_124 = arith.constant 0 : index
    %swap3A_125 = arith.constant 288 : index
    %swap3A_126 = arith.constant 0 : index
    %swap3A_127 = arith.constant 0 : index
    %swap3A_128 = vector.load %arg6[%swap3A_124, %swap3A_125, %swap3A_126, %swap3A_127] : memref<8x460x4x32xf32, #tpu.memory_space<vmem>>, vector<8x96x4x32xf32>
    tpu.vector_store %arg6[%swap3A_124, %swap3A_125, %swap3A_126, %swap3A_127], %concatenate3A_123 {strides = array<i32>} : memref<8x460x4x32xf32, #tpu.memory_space<vmem>>, vector<8x96x4x32xf32>,
    %slice3A_129 = vector.extract_strided_slice %broadcast_in_dim3A_44 {offsets = [0, 384, 0], sizes = [8, 76, 1], strides = [1, 1, 1]} : vector<8x460x1xf32> to vector<8x76x1xf32>
    %mul3A_130 = vector.broadcast %slice3A_129 : vector<8x76x1xf32> to vector<8x76x128xf32>
    %mul3A_131 = vector.broadcast %broadcast_in_dim3A : vector<1x1x128xf32> to vector<8x76x128xf32>
    %mul3A_132 = arith.mulf %mul3A_130, %mul3A_131 : vector<8x76x128xf32>
    %sin3A_133 = math.sin %mul3A_132 : vector<8x76x128xf32>
    %cos3A_134 = math.cos %mul3A_132 : vector<8x76x128xf32>
    %broadcast_in_dim3A_135 = vector.shape_cast %lt3A_18 : vector<1x1x128xi1> to vector<1x1x128xi1>
    %broadcast_in_dim3A_136 = vector.broadcast %broadcast_in_dim3A_135 : vector<1x1x128xi1> to vector<8x76x128xi1>
    %select_n3A_137 = arith.select %broadcast_in_dim3A_136, %sin3A_133, %cos3A_134 : vector<8x76x128xi1>, vector<8x76x128xf32>
    %slice3A_138 = vector.extract_strided_slice %select_n3A_137 {offsets = [0, 0, 0], sizes = [8, 76, 32], strides = [1, 1, 1]} : vector<8x76x128xf32> to vector<8x76x32xf32>
    %broadcast_in_dim3A_139 = vector.shape_cast %slice3A_138 : vector<8x76x32xf32> to vector<8x76x1x32xf32>
    %broadcast_in_dim3A_140 = vector.broadcast %broadcast_in_dim3A_139 : vector<8x76x1x32xf32> to vector<8x76x2x32xf32>
    %slice3A_141 = vector.extract_strided_slice %select_n3A_137 {offsets = [0, 0, 64], sizes = [8, 76, 32], strides = [1, 1, 1]} : vector<8x76x128xf32> to vector<8x76x32xf32>
    %broadcast_in_dim3A_142 = vector.shape_cast %slice3A_141 : vector<8x76x32xf32> to vector<8x76x1x32xf32>
    %broadcast_in_dim3A_143 = vector.broadcast %broadcast_in_dim3A_142 : vector<8x76x1x32xf32> to vector<8x76x2x32xf32>
    %concatenate3A_144 = tpu.concatenate %broadcast_in_dim3A_140, %broadcast_in_dim3A_143 in 2 : vector<8x76x2x32xf32>, vector<8x76x2x32xf32> -> vector<8x76x4x32xf32>
    %swap3A_145 = arith.constant 0 : index
    %swap3A_146 = arith.constant 384 : index
    %swap3A_147 = arith.constant 0 : index
    %swap3A_148 = arith.constant 0 : index
    %swap3A_149 = vector.load %arg6[%swap3A_145, %swap3A_146, %swap3A_147, %swap3A_148] : memref<8x460x4x32xf32, #tpu.memory_space<vmem>>, vector<8x76x4x32xf32>
    tpu.vector_store %arg6[%swap3A_145, %swap3A_146, %swap3A_147, %swap3A_148], %concatenate3A_144 {strides = array<i32>} : memref<8x460x4x32xf32, #tpu.memory_space<vmem>>, vector<8x76x4x32xf32>,
    return
  }
  func.func @transform_0(%arg0: i32) -> (i32, i32) {
    %c0_i32 = arith.constant 0 : i32
    %c0_i32_0 = arith.constant 0 : i32
    return %arg0, %c0_i32 : i32, i32
  }
  func.func @transform_1(%arg0: i32) -> (i32, i32) {
    %c0_i32 = arith.constant 0 : i32
    %c0_i32_0 = arith.constant 0 : i32
    return %arg0, %c0_i32 : i32, i32
  }
  func.func @transform_2(%arg0: i32) -> (i32, i32) {
    %c0_i32 = arith.constant 0 : i32
    %c0_i32_0 = arith.constant 0 : i32
    return %arg0, %c0_i32 : i32, i32
  }
  func.func @transform_3(%arg0: i32) -> (i32, i32) {
    %c0_i32 = arith.constant 0 : i32
    %c0_i32_0 = arith.constant 0 : i32
    %c0_i32_1 = arith.constant 0 : i32
    return %c0_i32, %c0_i32_0 : i32, i32
  }
  func.func @transform_4(%arg0: i32) -> (i32, i32, i32, i32) {
    %c0_i32 = arith.constant 0 : i32
    %c0_i32_0 = arith.constant 0 : i32
    %c0_i32_1 = arith.constant 0 : i32
    %c0_i32_2 = arith.constant 0 : i32
    return %arg0, %c0_i32, %c0_i32_0, %c0_i32_1 : i32, i32, i32, i32
  }
  func.func @transform_5(%arg0: i32) -> (i32, i32, i32, i32) {
    %c0_i32 = arith.constant 0 : i32
    %c0_i32_0 = arith.constant 0 : i32
    %c0_i32_1 = arith.constant 0 : i32
    %c0_i32_2 = arith.constant 0 : i32
    return %arg0, %c0_i32, %c0_i32_0, %c0_i32_1 : i32, i32, i32, i32
  }
}

</mosaic_0001>

<sc_bundles>
// kernel: _run.4.cloned.1.call-start
scs
__scs_entry_jumppad:
0x0: {  	(pc) =	sbr.rel $0x88, $3  }
0x1: {  	(tag) =	ssettag $0x0;
	lr =	simm.s32 $0x1  }
0x2: {  	[smem:$0x3F96] =	sst lr;
	_ =	strace $0xD0000000  }
0x3: {  	_ = 	snop  }
0x4: {  	_ = 	snop  }
0x5: {  	_ = 	snop  }
0x6: {  	_ = 	snop  }
0x7: {  	_ = 	snop  }
__scs_overlays_trampoline_lowered:
0x8: {  	[smem:$0x3FA5] =	sst s0  }
0x9: {  	[smem:$0x3FA6] =	sst s1  }
0xa: {  	[smem:$0x3FA7] =	sst s2  }
0xb: {  	[smem:$0x3FA8] =	sst s3  }
0xc: {  	[smem:$0x3FA9] =	sst s4  }
0xd: {  	[smem:$0x3FAA] =	sst s5  }
0xe: {  	[smem:$0x3FAB] =	sst s6  }
0xf: {  	[smem:$0x3FAC] =	sst s7  }
0x10: {  	[smem:$0x3FAD] =	sst s8  }
0x11: {  	[smem:$0x3FAE] =	sst s9;
	s0 =	simm.s32 @!p0 $0x0  }
0x12: {  	s1 =	sld [smem:$0x3F94];
	s0 =	simm.s32 @p0 $0x1  }
0x13: {  	[smem:$0x3FAF] =	sst s0;
	s0 =	simm.s32 @!p1 $0x0  }
0x14: {  	s2 =	sld [smem:$0x3F93];
	s0 =	simm.s32 @p1 $0x1  }
0x15: {  	[smem:$0x3FB0] =	sst s0;
	s0 =	simm.s32 @!p2 $0x0  }
0x16: {  	s3 =	sld [smem:$0x3FDB];
	s0 =	simm.s32 @p2 $0x1  }
0x17: {  	s4 =	simm.s32 $0x1BF5;
	[smem:$0x3FB2] =	sst s0  }
0x18: {  	s0 =	sld [smem:$0x3F95];
	_ =	swait.ge [sflag:s4], $0x0  }
0x19: {  	s7 =	sld [smem:$0x3F96]  }
0x1a: {  	s8 =	sadd.s32 $0xFFFFE003, lr  }
0x1b: {  	s9 =	sadd.s32 $0xFFFFFEF7, lr;
	s5 =	simm.s32 $0xFFFFFFFF;
	p2 =	slt.u32 s8, $0xFFFFF086  }
0x1c: {  	p1 =	slt.u32 s9, $0xF7A;
	s5 =	simm.s32 @!p2 $0x0  }
0x1d: {  	s5 =	simm.s32 @p1 $0x1;
	p0 =	seq.s32 s7, s2  }
0x1e: {  	s7 =	smul.u32 @!p0 $0xF7A, s2;
	p2 =	seq.s32 @!p0 s5, $0x0  }
0x1f: {  	s9 =	smul.u32 $0xF7A, s1;
	s8 =	simm.s32 @!p0 $0x1BF5;
	p2 =	por !p2, p0  }
0x20: {  	[sflag:s8] =	ssyncset.s32 @!p0 $0xFFFFF086;
	s6 =	sadd.s32 @!p0 s3, s7;
	s7 =	simm.s32 @!p0 $0x108  }
0x21: {  	s3 =	sadd.s32 s3, s9;
	s6 =	sadd.s32 @!p0 $0x88, s6;
	s7 =	simm.s32 @p2 $0x1082  }
0x22: {  	[simem:s7], [sflag:s8] =	dma.local @!p0 [hbm:s6], $0xF7A  }
0x23: {  	s9 =	sor.u32 $0xD0000000, s2;
	s6 =	simm.s32 $0x108;
	_ =	swait.ge @!p0 [sflag:s8], $0x0  }
0x24: {  	s3 =	sadd.s32 $0x88, s3;
	s6 =	simm.s32 @!p1 $0x1082;
	[sflag:s4] =	ssyncset.s32 $0xFFFFF086  }
0x25: {  	[simem:s6], [sflag:s4] =	dma.local [hbm:s3], $0xF7A  }
0x26: {  	[smem:$0x3F96] =	sst s1;
	(tag) =	ssettag s2;
	_ =	strace s9  }
0x27: {  	s1 =	sld [smem:$0x3FA6]  }
0x28: {  	s2 =	sld [smem:$0x3FA7]  }
0x29: {  	s4 =	sld [smem:$0x3FA9]  }
0x2a: {  	p0 =	seq.s32 s5, $0x0;
	s5 =	sld [smem:$0x3FAA]  }
0x2b: {  	s6 =	sld [smem:$0x3FAB]  }
0x2c: {  	s7 =	sld [smem:$0x3FAC]  }
0x2d: {  	s3 =	simm.s32 $0x108;
	s8 =	sld [smem:$0x3FAD]  }
0x2e: {  	s3 =	simm.s32 @!p0 $0x1082;
	s9 =	sld [smem:$0x3FAE]  }
0x2f: {  	lr =	sadd.s32 s0, s3;
	s0 =	sld [smem:$0x3FA5]  }
0x30: {  	s3 =	sld [smem:$0x3FA8]  }
0x31: {  	[smem:$0x3FB1] =	sst s10  }
0x32: {  	s10 =	sld [smem:$0x3FAF];
	_ =	sdelay $0x3  }
0x33: {  	p0 =	seq.s32 s10, $0x1;
	s10 =	sld [smem:$0x3FB1];
	_ =	sdelay $0x3  }
0x34: {  	[smem:$0x3FB1] =	sst s10  }
0x35: {  	s10 =	sld [smem:$0x3FB0];
	_ =	sdelay $0x3  }
0x36: {  	p1 =	seq.s32 s10, $0x1;
	s10 =	sld [smem:$0x3FB1];
	_ =	sdelay $0x3  }
0x37: {  	[smem:$0x3FB1] =	sst s10  }
0x38: {  	s10 =	sld [smem:$0x3FB2]  }
0x39: {  	_ = 	snop;
	(pc) =	sbr.ind lr, $3  }
0x3a: {  	_ = 	snop  }
0x3b: {  	_ = 	snop  }
0x3c: {  	p2 =	seq.s32 s10, $0x1;
	s10 =	sld [smem:$0x3FB1]  }
0x3d: {  	_ =	shalt  }
0x3e: {  	_ =	shalt  }
0x3f: {  	_ =	shalt  }
0x40: {  	_ =	shalt  }
0x41: {  	_ =	shalt  }
0x42: {  	_ =	shalt  }
0x43: {  	_ =	shalt  }
0x44: {  	_ =	shalt  }
0x45: {  	_ =	shalt  }
0x46: {  	_ =	shalt  }
0x47: {  	_ =	shalt  }
0x48: {  	_ =	shalt  }
0x49: {  	_ =	shalt  }
0x4a: {  	_ =	shalt  }
0x4b: {  	_ =	shalt  }
0x4c: {  	_ =	shalt  }
0x4d: {  	_ =	shalt  }
0x4e: {  	_ =	shalt  }
0x4f: {  	_ =	shalt  }
0x50: {  	_ =	shalt  }
0x51: {  	_ =	shalt  }
0x52: {  	_ =	shalt  }
0x53: {  	_ =	shalt  }
0x54: {  	_ =	shalt  }
0x55: {  	_ =	shalt  }
0x56: {  	_ =	shalt  }
0x57: {  	_ =	shalt  }
0x58: {  	_ =	shalt  }
0x59: {  	_ =	shalt  }
0x5a: {  	_ =	shalt  }
0x5b: {  	_ =	shalt  }
0x5c: {  	_ =	shalt  }
0x5d: {  	_ =	shalt  }
0x5e: {  	_ =	shalt  }
0x5f: {  	_ =	shalt  }
0x60: {  	_ =	shalt  }
0x61: {  	_ =	shalt  }
0x62: {  	_ =	shalt  }
0x63: {  	_ =	shalt  }
0x64: {  	_ =	shalt  }
0x65: {  	_ =	shalt  }
0x66: {  	_ =	shalt  }
0x67: {  	_ =	shalt  }
0x68: {  	_ =	shalt  }
0x69: {  	_ =	shalt  }
0x6a: {  	_ =	shalt  }
0x6b: {  	_ =	shalt  }
0x6c: {  	_ =	shalt  }
0x6d: {  	_ =	shalt  }
0x6e: {  	_ =	shalt  }
0x6f: {  	_ =	shalt  }
0x70: {  	_ =	shalt  }
0x71: {  	_ =	shalt  }
0x72: {  	_ =	shalt  }
0x73: {  	_ =	shalt  }
0x74: {  	_ =	shalt  }
0x75: {  	_ =	shalt  }
0x76: {  	_ =	shalt  }
0x77: {  	_ =	shalt  }
0x78: {  	_ =	shalt  }
0x79: {  	_ =	shalt  }
0x7a: {  	_ =	shalt  }
0x7b: {  	_ =	shalt  }
0x7c: {  	_ =	shalt  }
0x7d: {  	_ =	shalt  }
0x7e: {  	_ =	shalt  }
0x7f: {  	_ =	shalt  }
0x80: {  	_ =	shalt  }
0x81: {  	_ =	shalt  }
0x82: {  	_ =	shalt  }
0x83: {  	_ =	shalt  }
0x84: {  	_ =	shalt  }
0x85: {  	_ =	shalt  }
0x86: {  	_ =	shalt  }
0x87: {  	_ =	shalt  }
.Lfunc_end0:
.L_simem_size_0:
called_computation_lowered:
.L_overlay_start_0:
0x88: {  	s2 =	sld [smem:$0x3FD9]  }
0x89: {  	s3 =	sld [smem:$0x3FFE];
	_ =	sdelay $0x1  }
0x8a: {  	s1 =	srdreg.scid  }
0x8b: {  	s0 =	sand.u32 $0x1, s1  }
0x8c: {  	s14 =	sshll.u32 s0, $0xA;
	s2 =	sadd.s32 s3, s2  }
0x8d: {  	s2 =	sadd.s32 s2, s14  }
0x8e: {  	[smem:$0x3FBD] =	sst s2  }
0x8f: {  	_ = 	snop  }
0x90: {  	s2 =	sld [smem:$0x3FD0]  }
0x91: {  	s15 =	sld [smem:$0x3FC2]  }
0x92: {  	s4 =	sld [smem:$0x3FC1]  }
0x93: {  	s6 =	simm.s32 $0xA;
	s7 =	simm.s32 $0x10;
	s5 =	sld [smem:$0x3FC0]  }
0x94: {  	[smem:s7], [sflag:s6] =	dma.local [hbm:s2], $0x1  }
0x95: {  	_ =	swait.eq [sflag:s6], $0x1  }
0x96: {  	[sflag:s6] =	ssyncset.done $0x0  }
0x97: {  	[sflag:s6] =	ssyncadd.s32 $0xFFFFFFFF  }
0x98: {  	s16 =	sld [smem:$0x10];
	(tm) =	ssettm $0x1  }
0x99: {  	s17 =	sld [smem:$0x3FFB];
	_ =	sdelay $0x3  }
0x9a: {  	_ =	strace s17  }
0x9b: {  	s6 =	sld [smem:$0x3FFC];
	_ =	sdelay $0x3  }
0x9c: {  	_ =	strace s6  }
0x9d: {  	s6 =	sld [smem:$0x3FFD];
	_ =	sdelay $0x3  }
0x9e: {  	_ =	strace s6  }
0x9f: {  	_ =	strace $0x8FFFFFFF  }
0xa0: {  	s18 =	sld [smem:$0x3FDB];
	_ =	sdelay $0x1  }
0xa1: {  	s19 =	simm.s32 $_scs_section_size  }
0xa2: {  	s8 =	simm.s32 $_size__tile_overlayer_lowered;
	s9 =	simm.s32 $_tile_overlayer_lowered  }
0xa3: {  	s22 =	simm.s32 $0x1BFF;
	s21 =	sshll.u32 s9, $0x1;
	s6 =	sadd.s32 s19, s18  }
0xa4: {  	s10 =	simm.s32 $0x0;
	s20 =	sshll.u32 s8, $0x1;
	s8 =	sadd.s32 s21, s6  }
0xa5: {  	[timem:s10], [sflag:s22] =	dma.local [hbm:s8], s20  }
0xa6: {  	_ =	swait.ge [sflag:s22], s20  }
0xa7: {  	s7 =	ssub.s32 $0x0, s20;
	[sflag:s22] =	ssyncset.done $0x0  }
0xa8: {  	[sflag:s22] =	ssyncadd.s32 s7;
	_ =	sdelay $0x1  }
0xa9: {  	s23 =	simm.s32 $0x1B8B  }
0xaa: {  	_ =	swait.ge [sflag:s23], $0x1  }
0xab: {  	[sflag:s23] =	ssyncset.done $0x0  }
0xac: {  	s25 =	simm.s32 $0x1B8E;
	s24 =	sld [smem:$0x3FFE];
	[sflag:s23] =	ssyncadd.s32 $0xFFFFFFFF  }
0xad: {  	s26 =	simm.s32 $execute0_lowered;
	[smem:$0x3FD2] =	sst s25  }
0xae: {  	s8 =	sshll.u32 s26, $0x1;
	_ =	strace $0x80000046;
	[dreg:$0x1] =	wrdreg $0xFFFFFFFF  }
0xaf: {  	s28 =	simm.s32 $_size_execute0_lowered;
	s6 =	sadd.s32 s6, s8;
	[dreg:$0x0] =	wrdreg $0x0  }
0xb0: {  	s8 =	sshll.u32 s28, $0x1;
	[dreg:$0x2] =	wrdreg s6  }
0xb1: {  	[dreg:$0x3] =	wrdreg s8  }
0xb2: {  	[dreg:$0x4] =	wrdreg $0xC0  }
0xb3: {  	_ =	task [dreg:s10], $0x5FFFF  }
0xb4: {  	[dreg:$0x1] =	wrdreg $0xFFFFFFFF  }
0xb5: {  	[dreg:$0x0] =	wrdreg $0x60  }
0xb6: {  	[dreg:$0x2] =	wrdreg s16  }
0xb7: {  	[dreg:$0x3] =	wrdreg s24  }
0xb8: {  	[dreg:$0x4] =	wrdreg s15  }
0xb9: {  	[dreg:$0x5] =	wrdreg s4  }
0xba: {  	[dreg:$0x6] =	wrdreg s5  }
0xbb: {  	[dreg:$0x7] =	wrdreg $0x9  }
0xbc: {  	_ =	task.clear_ibuf [dreg:s10], $0x8FFFF;
	_ =	strace $0x90000046  }
0xbd: {  	s29 =	simm.s32 $0x9;
	_ =	strace $0x80000048  }
0xbe: {  	_ =	swait.ge [sflag:s29], $0x1  }
0xbf: {  	[sflag:s29] =	ssyncadd.s32 $0xFFFFFFFF  }
0xc0: {  	_ =	strace $0x90000048  }
0xc1: {  	_ =	sfence  }
0xc2: {  	s30 =	sld [smem:$0x0];
	_ =	sdelay $0x2  }
0xc3: {  	s31 =	sshll.u32 s1, $0xD;
	s1 =	sshrl.u32 s1, $0x2  }
0xc4: {  	s3 =	sand.u32 $0x4000, s31;
	s1 =	sadd.s32 s1, s30  }
0xc5: {  	s0 =	sor.u32 s3, s0;
	s1 =	sshll.u32 s1, $0x11  }
0xc6: {  	s0 =	sor.u32 s1, s0  }
0xc7: {  	s0 =	sadd.s32 $0x8F2B, s0  }
0xc8: {  	[sflag:s0] =	ssyncadd.remote.s32 $0x1  }
0xc9: {  	_ =	sfence.sel $0xFFFF  }
0xca: {  	[dreg:$0x0] =	wrdreg $0xFFFFFFFF;
	(pc) =	sbr.abs _section_cstart, $3  }
0xcb: {  	[dreg:$0x1] =	wrdreg $0xFFFFFFFF  }
0xcc: {  	_ =	task.clear_ibuf [dreg:s10], $0x2FFFF;
	_ =	strace $0x9FFFFFFF  }
0xcd: {  	(tm) =	ssettm $0x7FFFFFFF  }
tec
execute0_lowered:
.L_overlay_start_1:
0x0: {  	(tag) =	ssettag $0x1  }
0x1: {  	s1 =	rddreg [dreg:$0x0]  }
0x2: {  	s0 =	rddreg [dreg:$0x1]  }
0x3: {  	s2 =	rddreg [dreg:$0x2]  }
0x4: {  	s3 =	rddreg [dreg:$0x3]  }
0x5: {  	s4 =	rddreg [dreg:$0x4];
	s5 =	simm.s32 $0x0;
	s8 =	srdreg.scid  }
0x6: {  	s13 =	stileid.u32;
	s14 =	simm.s32 $0x2;
	s15 =	simm.s32 $0x80  }
0x7: {  	s16 =	simm.s32 $0x100;
	s17 =	simm.s32 $0x180;
	s18 =	simm.s32 $0x18  }
0x8: {  	s19 =	simm.s32 $0x200;
	s20 =	simm.s32 $0x1;
	s21 =	simm.s32 $0xE00  }
0x9: {  	s22 =	simm.s32 $0x1A00;
	s23 =	simm.s32 $0x2600;
	s24 =	simm.s32 $0x3200  }
0xa: {  	s25 =	simm.s32 $0x3E00;
	[smem:$0x7FF] =	sst s5;
	s8 =	sand.u32 $0x1, s8  }
0xb: {  	s6 =	sadd.s32 $0x1200, s0;
	s7 =	sadd.s32 $0x5200, s0;
	s12 =	ssub.s32 $0x2, s8  }
0xc: {  	s9 =	sadd.s32 $0x9200, s0;
	s10 =	sadd.s32 $0x74D200, s0;
	s30 =	sshrl.u32 s12, $0x1  }
0xd: {  	s11 =	sadd.s32 $0xD200, s0;
	s31 =	sshll.u32 s13, $0x6;
	s0 =	ssub.s32 s12, s30  }
0xe: {  	_ =	strace $0x80000047;
	s8 =	sshll.u32 s8, $0x5;
	s0 =	smax.u32 s0, $0x1  }
0xf: {  	s12 =	sor.u32 s8, s31;
	s8 =	simm.s32 $0x0;
	[dreg:$0x6] =	wrdreg s0  }
.LBB2_1:
0x10: {  	[dreg:$0x7] =	wrdreg s8;
	s28 =	simm.s32 $0x0  }
.LBB2_2:
0x11: {  	s29 =	sadd.s32 s12, s28  }
0x12: {  	s8 =	sshll.u32 s28, $0x4;
	s0 =	sshll.u32 s29, $0x4  }
0x13: {  	s8 =	sand.u32 $0x70, s8;
	s0 =	sand.u32 $0x3F80, s0  }
0x14: {  	s0 =	sor.u32 s8, s0  }
0x15: {  	s30 =	simm.s32 $0x0;
	s8 =	sadd.s32 s1, s0  }
0x16: {  	[tilespmem:s30], [sflag:$0x2] =	stream.linear.gather [hbm4b:s8+s30], $0x80, $0x38;
	[tilespmem:$0x12600] =	vst v63  }
0x17: {  	_ =	swait.ge [sflag:s14], $0x80  }
0x18: {  	[sflag:s14] =	ssyncset.done $0x0  }
0x19: {  	s13 =	sadd.s32 s6, s0;
	[sflag:s14] =	ssyncadd.s32 $0xFFFFFF80  }
0x1a: {  	[tilespmem:s15], [sflag:$0x2] =	stream.linear.gather [hbm4b:s13+s30], $0x80, $0x38;
	[tilespmem:$0x12600] =	vst v63  }
0x1b: {  	_ =	swait.ge [sflag:s14], $0x80  }
0x1c: {  	[sflag:s14] =	ssyncset.done $0x0  }
0x1d: {  	s26 =	sadd.s32 s7, s0;
	[sflag:s14] =	ssyncadd.s32 $0xFFFFFF80  }
0x1e: {  	[tilespmem:s16], [sflag:$0x2] =	stream.linear.gather [hbm4b:s26+s30], $0x80, $0x38;
	[tilespmem:$0x12600] =	vst v63  }
0x1f: {  	_ =	swait.ge [sflag:s14], $0x80  }
0x20: {  	[sflag:s14] =	ssyncset.done $0x0  }
0x21: {  	s0 =	sadd.s32 s9, s0;
	[sflag:s14] =	ssyncadd.s32 $0xFFFFFF80  }
0x22: {  	[tilespmem:s17], [sflag:$0x2] =	stream.linear.gather [hbm4b:s0+s30], $0x80, $0x38;
	[tilespmem:$0x12600] =	vst v63  }
0x23: {  	_ =	swait.ge [sflag:s14], $0x80  }
0x24: {  	[sflag:s14] =	ssyncset.done $0x0  }
0x25: {  	[sflag:s14] =	ssyncadd.s32 $0xFFFFFF80  }
0x26: {  	[tilespmem:s19], [sflag:$0x1] =	stream.indirect.gather [hbm4b:s3+s18], $0x80, s15, s18, $0xb8;
	[tilespmem:$0x12600] =	vst v63  }
0x27: {  	_ =	swait.ge [sflag:s20], $0xC00  }
0x28: {  	[sflag:s20] =	ssyncset.done $0x0  }
0x29: {  	[sflag:s20] =	ssyncadd.s32 $0xFFFFF400  }
0x2a: {  	[tilespmem:s21], [sflag:$0x1] =	stream.indirect.gather [hbm4b:s4+s18], $0x80, s16, s18, $0xb8;
	[tilespmem:$0x12600] =	vst v63  }
0x2b: {  	_ =	swait.ge [sflag:s20], $0xC00  }
0x2c: {  	[sflag:s20] =	ssyncset.done $0x0  }
0x2d: {  	[sflag:s20] =	ssyncadd.s32 $0xFFFFF400  }
0x2e: {  	[tilespmem:s22], [sflag:$0x1] =	stream.indirect.gather [hbm4b:s2+s18], $0x80, s30, s18, $0xb8;
	[tilespmem:$0x12600] =	vst v63  }
0x2f: {  	_ =	swait.ge [sflag:s20], $0xC00  }
0x30: {  	[sflag:s20] =	ssyncset.done $0x0  }
0x31: {  	[sflag:s20] =	ssyncadd.s32 $0xFFFFF400  }
0x32: {  	[tilespmem:s23], [sflag:$0x1] =	stream.indirect.gather [hbm4b:s2+s18], $0x80, s17, s18, $0xb8;
	[tilespmem:$0x12600] =	vst v63  }
0x33: {  	_ =	swait.ge [sflag:s20], $0xC00  }
0x34: {  	[sflag:s20] =	ssyncset.done $0x0  }
0x35: {  	[sflag:s20] =	ssyncadd.s32 $0xFFFFF400  }
0x36: {  	v0 =	vld [tilespmem:$0x200]  }
0x37: {  	v1 =	vld [tilespmem:$0xE00]  }
0x38: {  	v2 =	vld [tilespmem:$0x1A00]  }
0x39: {  	v3 =	vld [tilespmem:$0x210]  }
0x3a: {  	v4 =	vld [tilespmem:$0xE10]  }
0x3b: {  	v5 =	vld [tilespmem:$0x1A10]  }
0x3c: {  	v6 =	vld [tilespmem:$0x220]  }
0x3d: {  	v7 =	vld [tilespmem:$0xE20]  }
0x3e: {  	v8 =	vld [tilespmem:$0x1A20]  }
0x3f: {  	v9 =	vld [tilespmem:$0x230]  }
0x40: {  	v10 =	vld [tilespmem:$0xE30]  }
0x41: {  	v11 =	vld [tilespmem:$0x1A30]  }
0x42: {  	v12 =	vld [tilespmem:$0x240]  }
0x43: {  	v13 =	vld [tilespmem:$0xE40]  }
0x44: {  	v14 =	vld [tilespmem:$0x1A40]  }
0x45: {  	v15 =	vld [tilespmem:$0x250]  }
0x46: {  	v16 =	vld [tilespmem:$0xE50]  }
0x47: {  	v17 =	vld [tilespmem:$0x1A50]  }
0x48: {  	v18 =	vld [tilespmem:$0x260]  }
0x49: {  	v19 =	vld [tilespmem:$0xE60]  }
0x4a: {  	v20 =	vld [tilespmem:$0x1A60]  }
0x4b: {  	v21 =	vld [tilespmem:$0x270]  }
0x4c: {  	v22 =	vld [tilespmem:$0xE70]  }
0x4d: {  	v23 =	vld [tilespmem:$0x1A70]  }
0x4e: {  	v24 =	vld [tilespmem:$0x280]  }
0x4f: {  	v25 =	vld [tilespmem:$0xE80]  }
0x50: {  	v26 =	vld [tilespmem:$0x1A80]  }
0x51: {  	v27 =	vld [tilespmem:$0x290]  }
0x52: {  	v28 =	vld [tilespmem:$0xE90]  }
0x53: {  	v29 =	vld [tilespmem:$0x1A90]  }
0x54: {  	v30 =	vld [tilespmem:$0x2A0]  }
0x55: {  	v31 =	vld [tilespmem:$0xEA0]  }
0x56: {  	v32 =	vld [tilespmem:$0x1AA0]  }
0x57: {  	v33 =	vld [tilespmem:$0x2B0]  }
0x58: {  	v34 =	vld [tilespmem:$0xEB0]  }
0x59: {  	v35 =	vld [tilespmem:$0x1AB0]  }
0x5a: {  	v36 =	vld [tilespmem:$0x2C0]  }
0x5b: {  	v37 =	vld [tilespmem:$0xEC0]  }
0x5c: {  	v38 =	vld [tilespmem:$0x1AC0]  }
0x5d: {  	v39 =	vld [tilespmem:$0x2D0]  }
0x5e: {  	v40 =	vld [tilespmem:$0xED0]  }
0x5f: {  	v41 =	vld [tilespmem:$0x1AD0]  }
0x60: {  	v42 =	vld [tilespmem:$0x2E0]  }
0x61: {  	v43 =	vld [tilespmem:$0xEE0]  }
0x62: {  	v44 =	vld [tilespmem:$0x1AE0]  }
0x63: {  	v45 =	vld [tilespmem:$0x2F0]  }
0x64: {  	v46 =	vld [tilespmem:$0xEF0]  }
0x65: {  	v47 =	vld [tilespmem:$0x1AF0]  }
0x66: {  	v48 =	vld [tilespmem:$0x300]  }
0x67: {  	v49 =	vld [tilespmem:$0xF00]  }
0x68: {  	v53 =	vld [tilespmem:$0x1B00]  }
0x69: {  	v51 =	vld [tilespmem:$0x310]  }
0x6a: {  	v52 =	vld [tilespmem:$0xF10]  }
0x6b: {  	v62 =	vld [tilespmem:$0x1B10]  }
0x6c: {  	v54 =	vld [tilespmem:$0x320]  }
0x6d: {  	v55 =	vld [tilespmem:$0xF20]  }
0x6e: {  	v50 =	vld [tilespmem:$0x1B20]  }
0x6f: {  	v57 =	vld [tilespmem:$0x330]  }
0x70: {  	v58 =	vld [tilespmem:$0xF30]  }
0x71: {  	v61 =	vld [tilespmem:$0x1B30]  }
0x72: {  	v63 =	vld [tilespmem:$0x1B40]  }
0x73: {  	v60 =	vld [tilespmem:$0x340]  }
0x74: {  	v56 =	vld [tilespmem:$0x1B50]  }
0x75: {  	v59 =	vld [tilespmem:$0x1B60]  }
0x76: {  	[tilespmem:$0x1F1A0] =	vst v61;
	v61 =	vld [tilespmem:$0xF40]  }
0x77: {  	[tilespmem:$0x1F1B0] =	vst v63;
	v63 =	vld [tilespmem:$0x350]  }
0x78: {  	[tilespmem:$0x1F190] =	vst v50;
	v50 =	vld [tilespmem:$0xF50]  }
0x79: {  	[tilespmem:$0x1F1D0] =	vst v56;
	v56 =	vld [tilespmem:$0x360]  }
0x7a: {  	[tilespmem:$0x1F200] =	vst v59;
	v59 =	vld [tilespmem:$0x370];
	v0 =	vadd.f32 v1, v0  }
0x7b: {  	v1 =	vld [tilespmem:$0xF80]  }
0x7c: {  	v3 =	vadd.f32 v4, v3;
	v4 =	vld [tilespmem:$0x1B80];
	v0 =	vadd.f32 v2, v0  }
0x7d: {  	v2 =	vadd.f32 v7, v6;
	v6 =	vld [tilespmem:$0x390]  }
0x7e: {  	v3 =	vadd.f32 v5, v3;
	v7 =	vld [tilespmem:$0xF90];
	[tilespmem:$0x3200] =	vst v0  }
0x7f: {  	v5 =	vadd.f32 v10, v9;
	[tilespmem:$0x1F1E0] =	vst v59;
	v59 =	vld [tilespmem:$0xF70]  }
0x80: {  	v9 =	vld [tilespmem:$0x3A0];
	v0 =	vadd.f32 v8, v2;
	[tilespmem:$0x3210] =	vst v3  }
0x81: {  	v10 =	vld [tilespmem:$0xFA0];
	v2 =	vadd.f32 v13, v12;
	v12 =	vadd.f32 v11, v5;
	[tilespmem:$0x1F1C0] =	vst v56  }
0x82: {  	v8 =	vld [tilespmem:$0x1B90];
	v13 =	vadd.f32 v16, v15;
	v16 =	vadd.f32 v19, v18;
	[tilespmem:$0x3220] =	vst v0  }
0x83: {  	v19 =	vadd.f32 v22, v21;
	v11 =	vld [tilespmem:$0x1BA0];
	v15 =	vadd.f32 v14, v2;
	[tilespmem:$0x3230] =	vst v12  }
0x84: {  	v22 =	vadd.f32 v25, v24;
	v18 =	vadd.f32 v17, v13;
	[tilespmem:$0x1F1F0] =	vst v59;
	v59 =	vld [tilespmem:$0x1B70]  }
0x85: {  	v24 =	vadd.f32 v28, v27;
	v56 =	vld [tilespmem:$0xF60];
	v21 =	vadd.f32 v20, v16;
	[tilespmem:$0x3240] =	vst v15  }
0x86: {  	v28 =	vadd.f32 v34, v33;
	v12 =	vld [tilespmem:$0x3B0];
	v23 =	vadd.f32 v23, v19;
	[tilespmem:$0x3250] =	vst v18  }
0x87: {  	v13 =	vld [tilespmem:$0xFB0];
	v25 =	vadd.f32 v26, v22;
	v26 =	vadd.f32 v31, v30;
	[tilespmem:$0x3260] =	vst v21  }
0x88: {  	v14 =	vld [tilespmem:$0x1BB0];
	v27 =	vadd.f32 v29, v24;
	v30 =	vadd.f32 v37, v36;
	[tilespmem:$0x3270] =	vst v23  }
0x89: {  	v15 =	vld [tilespmem:$0x3C0];
	v29 =	vadd.f32 v32, v26;
	v32 =	vadd.f32 v40, v39;
	[tilespmem:$0x1F210] =	vst v59  }
0x8a: {  	v33 =	vadd.f32 v38, v30;
	v38 =	vadd.f32 v49, v48;
	v59 =	vld [tilespmem:$0x380];
	[tilespmem:$0x3280] =	vst v25  }
0x8b: {  	v31 =	vadd.f32 v35, v28;
	v36 =	vadd.f32 v46, v45;
	v46 =	vld [tilespmem:$0x1F190]  }
0x8c: {  	v35 =	vadd.f32 v41, v32;
	v41 =	vadd.f32 v53, v38;
	v53 =	vld [tilespmem:$0x1F1B0]  }
0x8d: {  	v34 =	vadd.f32 v43, v42;
	v42 =	vadd.f32 v55, v54;
	v54 =	vld [tilespmem:$0x1F1C0];
	_ =	sdelay $0x1  }
0x8e: {  	v39 =	vadd.f32 v47, v36;
	v47 =	vadd.f32 v61, v60;
	v61 =	vld [tilespmem:$0x1F200]  }
0x8f: {  	v0 =	vadd.f32 v46, v42;
	_ =	sdelay $0x1  }
0x90: {  	v2 =	vadd.f32 v56, v54;
	[tilespmem:$0x3320] =	vst v0;
	v0 =	vadd.f32 v53, v47;
	_ =	sdelay $0x1  }
0x91: {  	[tilespmem:$0x3340] =	vst v0;
	v0 =	vadd.f32 v61, v2;
	v61 =	vld [tilespmem:$0x1D90];
	_ =	sdelay $0x4  }
0x92: {  	[tilespmem:$0x1F290] =	vst v61;
	v61 =	vld [tilespmem:$0x5A0];
	_ =	sdelay $0x4  }
0x93: {  	[tilespmem:$0x1F270] =	vst v61;
	v61 =	vld [tilespmem:$0x11A0];
	_ =	sdelay $0x4  }
0x94: {  	[tilespmem:$0x1F280] =	vst v61;
	v61 =	vld [tilespmem:$0x1DA0];
	_ =	sdelay $0x4  }
0x95: {  	[tilespmem:$0x1F2C0] =	vst v61;
	v61 =	vld [tilespmem:$0x5B0];
	_ =	sdelay $0x4  }
0x96: {  	[tilespmem:$0x1F2A0] =	vst v61;
	v61 =	vld [tilespmem:$0x11B0];
	_ =	sdelay $0x4  }
0x97: {  	[tilespmem:$0x1F2B0] =	vst v61;
	v61 =	vld [tilespmem:$0x1DB0];
	_ =	sdelay $0x4  }
0x98: {  	[tilespmem:$0x1F2F0] =	vst v61;
	v61 =	vld [tilespmem:$0x5C0];
	_ =	sdelay $0x4  }
0x99: {  	[tilespmem:$0x1F2D0] =	vst v61;
	v61 =	vld [tilespmem:$0x11C0];
	_ =	sdelay $0x4  }
0x9a: {  	[tilespmem:$0x1F2E0] =	vst v61;
	v61 =	vld [tilespmem:$0x1DC0];
	_ =	sdelay $0x4  }
0x9b: {  	[tilespmem:$0x1F320] =	vst v61;
	v61 =	vld [tilespmem:$0x5D0];
	_ =	sdelay $0x4  }
0x9c: {  	[tilespmem:$0x1F300] =	vst v61;
	v61 =	vld [tilespmem:$0x11D0];
	_ =	sdelay $0x4  }
0x9d: {  	[tilespmem:$0x1F310] =	vst v61;
	v61 =	vld [tilespmem:$0x1DD0];
	_ =	sdelay $0x4  }
0x9e: {  	[tilespmem:$0x1F350] =	vst v61;
	v61 =	vld [tilespmem:$0x5E0];
	_ =	sdelay $0x4  }
0x9f: {  	[tilespmem:$0x1F330] =	vst v61;
	v61 =	vld [tilespmem:$0x11E0];
	_ =	sdelay $0x4  }
0xa0: {  	[tilespmem:$0x1F340] =	vst v61;
	v61 =	vld [tilespmem:$0x1DE0];
	_ =	sdelay $0x4  }
0xa1: {  	[tilespmem:$0x1F380] =	vst v61;
	v61 =	vld [tilespmem:$0x5F0];
	_ =	sdelay $0x4  }
0xa2: {  	[tilespmem:$0x1F360] =	vst v61;
	v61 =	vld [tilespmem:$0x11F0];
	_ =	sdelay $0x4  }
0xa3: {  	[tilespmem:$0x1F370] =	vst v61;
	v61 =	vld [tilespmem:$0x1DF0];
	_ =	sdelay $0x4  }
0xa4: {  	[tilespmem:$0x1F3B0] =	vst v61;
	v61 =	vld [tilespmem:$0x600];
	_ =	sdelay $0x4  }
0xa5: {  	[tilespmem:$0x1F390] =	vst v61;
	v61 =	vld [tilespmem:$0x1200];
	_ =	sdelay $0x4  }
0xa6: {  	[tilespmem:$0x1F3A0] =	vst v61;
	v61 =	vld [tilespmem:$0x1E00];
	_ =	sdelay $0x4  }
0xa7: {  	[tilespmem:$0x1F3E0] =	vst v61;
	v61 =	vld [tilespmem:$0x610];
	_ =	sdelay $0x4  }
0xa8: {  	[tilespmem:$0x1F3C0] =	vst v61;
	v61 =	vld [tilespmem:$0x1210];
	_ =	sdelay $0x4  }
0xa9: {  	[tilespmem:$0x1F3D0] =	vst v61;
	v61 =	vld [tilespmem:$0x1E10];
	_ =	sdelay $0x4  }
0xaa: {  	[tilespmem:$0x1F410] =	vst v61;
	v61 =	vld [tilespmem:$0x620];
	_ =	sdelay $0x4  }
0xab: {  	[tilespmem:$0x1F3F0] =	vst v61;
	v61 =	vld [tilespmem:$0x1220];
	_ =	sdelay $0x4  }
0xac: {  	[tilespmem:$0x1F400] =	vst v61;
	v61 =	vld [tilespmem:$0x1E20];
	_ =	sdelay $0x4  }
0xad: {  	[tilespmem:$0x1F440] =	vst v61;
	v61 =	vld [tilespmem:$0x630];
	_ =	sdelay $0x4  }
0xae: {  	[tilespmem:$0x1F420] =	vst v61;
	v61 =	vld [tilespmem:$0x1230];
	_ =	sdelay $0x4  }
0xaf: {  	[tilespmem:$0x1F430] =	vst v61;
	v61 =	vld [tilespmem:$0x1E30];
	_ =	sdelay $0x4  }
0xb0: {  	[tilespmem:$0x1F470] =	vst v61;
	v61 =	vld [tilespmem:$0x640];
	_ =	sdelay $0x4  }
0xb1: {  	[tilespmem:$0x1F450] =	vst v61;
	v61 =	vld [tilespmem:$0x1240];
	_ =	sdelay $0x4  }
0xb2: {  	[tilespmem:$0x1F460] =	vst v61;
	v61 =	vld [tilespmem:$0x1E40];
	_ =	sdelay $0x4  }
0xb3: {  	[tilespmem:$0x1F4A0] =	vst v61;
	v61 =	vld [tilespmem:$0x650];
	_ =	sdelay $0x4  }
0xb4: {  	[tilespmem:$0x1F480] =	vst v61;
	v61 =	vld [tilespmem:$0x1250];
	_ =	sdelay $0x4  }
0xb5: {  	[tilespmem:$0x1F490] =	vst v61;
	v61 =	vld [tilespmem:$0x1E50];
	_ =	sdelay $0x4  }
0xb6: {  	[tilespmem:$0x1F4D0] =	vst v61;
	v61 =	vld [tilespmem:$0x660];
	_ =	sdelay $0x4  }
0xb7: {  	[tilespmem:$0x1F4B0] =	vst v61;
	v61 =	vld [tilespmem:$0x1260];
	_ =	sdelay $0x4  }
0xb8: {  	[tilespmem:$0x1F4C0] =	vst v61;
	v61 =	vld [tilespmem:$0x1E60];
	_ =	sdelay $0x4  }
0xb9: {  	[tilespmem:$0x1F500] =	vst v61;
	v61 =	vld [tilespmem:$0x670];
	_ =	sdelay $0x4  }
0xba: {  	[tilespmem:$0x1F4E0] =	vst v61;
	v61 =	vld [tilespmem:$0x1270];
	_ =	sdelay $0x4  }
0xbb: {  	[tilespmem:$0x1F4F0] =	vst v61;
	v61 =	vld [tilespmem:$0x1E70];
	_ =	sdelay $0x4  }
0xbc: {  	[tilespmem:$0x1F530] =	vst v61;
	v61 =	vld [tilespmem:$0x680];
	_ =	sdelay $0x4  }
0xbd: {  	[tilespmem:$0x1F510] =	vst v61;
	v61 =	vld [tilespmem:$0x1280];
	_ =	sdelay $0x4  }
0xbe: {  	[tilespmem:$0x1F520] =	vst v61;
	v61 =	vld [tilespmem:$0x1E80];
	_ =	sdelay $0x4  }
0xbf: {  	[tilespmem:$0x1F560] =	vst v61;
	v61 =	vld [tilespmem:$0x690];
	_ =	sdelay $0x4  }
0xc0: {  	[tilespmem:$0x1F540] =	vst v61;
	v61 =	vld [tilespmem:$0x1290];
	_ =	sdelay $0x4  }
0xc1: {  	[tilespmem:$0x1F550] =	vst v61;
	v61 =	vld [tilespmem:$0x1E90];
	_ =	sdelay $0x4  }
0xc2: {  	[tilespmem:$0x1F590] =	vst v61;
	v61 =	vld [tilespmem:$0x6A0];
	_ =	sdelay $0x4  }
0xc3: {  	[tilespmem:$0x1F570] =	vst v61;
	v61 =	vld [tilespmem:$0x12A0];
	_ =	sdelay $0x4  }
0xc4: {  	[tilespmem:$0x1F580] =	vst v61;
	v61 =	vld [tilespmem:$0x1EA0];
	_ =	sdelay $0x4  }
0xc5: {  	[tilespmem:$0x1F5C0] =	vst v61;
	v61 =	vld [tilespmem:$0x6B0];
	_ =	sdelay $0x4  }
0xc6: {  	[tilespmem:$0x1F5A0] =	vst v61;
	v61 =	vld [tilespmem:$0x12B0];
	_ =	sdelay $0x4  }
0xc7: {  	[tilespmem:$0x1F5B0] =	vst v61;
	v61 =	vld [tilespmem:$0x1EB0];
	_ =	sdelay $0x4  }
0xc8: {  	[tilespmem:$0x1F5F0] =	vst v61;
	v61 =	vld [tilespmem:$0x6C0];
	_ =	sdelay $0x4  }
0xc9: {  	[tilespmem:$0x1F5D0] =	vst v61;
	v61 =	vld [tilespmem:$0x12C0];
	_ =	sdelay $0x4  }
0xca: {  	[tilespmem:$0x1F5E0] =	vst v61;
	v61 =	vld [tilespmem:$0x1EC0];
	_ =	sdelay $0x4  }
0xcb: {  	[tilespmem:$0x1F620] =	vst v61;
	v61 =	vld [tilespmem:$0x6D0];
	_ =	sdelay $0x4  }
0xcc: {  	[tilespmem:$0x1F600] =	vst v61;
	v61 =	vld [tilespmem:$0x12D0];
	_ =	sdelay $0x4  }
0xcd: {  	[tilespmem:$0x1F610] =	vst v61;
	v61 =	vld [tilespmem:$0x1ED0];
	_ =	sdelay $0x4  }
0xce: {  	[tilespmem:$0x1F650] =	vst v61;
	v61 =	vld [tilespmem:$0x6E0];
	_ =	sdelay $0x4  }
0xcf: {  	[tilespmem:$0x1F630] =	vst v61;
	v61 =	vld [tilespmem:$0x12E0];
	_ =	sdelay $0x4  }
0xd0: {  	[tilespmem:$0x1F640] =	vst v61;
	v61 =	vld [tilespmem:$0x1EE0];
	_ =	sdelay $0x4  }
0xd1: {  	[tilespmem:$0x1F680] =	vst v61;
	v61 =	vld [tilespmem:$0x6F0];
	_ =	sdelay $0x4  }
0xd2: {  	[tilespmem:$0x1F660] =	vst v61;
	v61 =	vld [tilespmem:$0x12F0];
	_ =	sdelay $0x4  }
0xd3: {  	[tilespmem:$0x1F670] =	vst v61;
	v61 =	vld [tilespmem:$0x1EF0];
	_ =	sdelay $0x4  }
0xd4: {  	[tilespmem:$0x1F6B0] =	vst v61;
	v61 =	vld [tilespmem:$0x700];
	_ =	sdelay $0x4  }
0xd5: {  	[tilespmem:$0x1F690] =	vst v61;
	v61 =	vld [tilespmem:$0x1300];
	_ =	sdelay $0x4  }
0xd6: {  	[tilespmem:$0x1F6A0] =	vst v61;
	v61 =	vld [tilespmem:$0x1F00];
	_ =	sdelay $0x4  }
0xd7: {  	[tilespmem:$0x1F6E0] =	vst v61;
	v61 =	vld [tilespmem:$0x710];
	_ =	sdelay $0x4  }
0xd8: {  	[tilespmem:$0x1F6C0] =	vst v61;
	v61 =	vld [tilespmem:$0x1310];
	_ =	sdelay $0x4  }
0xd9: {  	[tilespmem:$0x1F6D0] =	vst v61;
	v61 =	vld [tilespmem:$0x1F10];
	_ =	sdelay $0x4  }
0xda: {  	[tilespmem:$0x1F710] =	vst v61;
	v61 =	vld [tilespmem:$0x720];
	_ =	sdelay $0x4  }
0xdb: {  	[tilespmem:$0x1F6F0] =	vst v61;
	v61 =	vld [tilespmem:$0x1320];
	_ =	sdelay $0x4  }
0xdc: {  	[tilespmem:$0x1F700] =	vst v61;
	v61 =	vld [tilespmem:$0x1F20];
	_ =	sdelay $0x4  }
0xdd: {  	[tilespmem:$0x1F740] =	vst v61;
	v61 =	vld [tilespmem:$0x730];
	_ =	sdelay $0x4  }
0xde: {  	[tilespmem:$0x1F720] =	vst v61;
	v61 =	vld [tilespmem:$0x1330];
	_ =	sdelay $0x4  }
0xdf: {  	[tilespmem:$0x1F730] =	vst v61;
	v61 =	vld [tilespmem:$0x1F30];
	_ =	sdelay $0x4  }
0xe0: {  	[tilespmem:$0x1F770] =	vst v61;
	v61 =	vld [tilespmem:$0x740];
	_ =	sdelay $0x4  }
0xe1: {  	[tilespmem:$0x1F750] =	vst v61;
	v61 =	vld [tilespmem:$0x1340];
	_ =	sdelay $0x4  }
0xe2: {  	[tilespmem:$0x1F760] =	vst v61;
	v61 =	vld [tilespmem:$0x1F40];
	_ =	sdelay $0x4  }
0xe3: {  	[tilespmem:$0x1F7A0] =	vst v61;
	v61 =	vld [tilespmem:$0x750];
	_ =	sdelay $0x4  }
0xe4: {  	[tilespmem:$0x1F780] =	vst v61;
	v61 =	vld [tilespmem:$0x1350];
	_ =	sdelay $0x4  }
0xe5: {  	[tilespmem:$0x1F790] =	vst v61;
	v61 =	vld [tilespmem:$0x1F50];
	_ =	sdelay $0x4  }
0xe6: {  	[tilespmem:$0x1F7D0] =	vst v61;
	v61 =	vld [tilespmem:$0x760];
	_ =	sdelay $0x4  }
0xe7: {  	[tilespmem:$0x1F7B0] =	vst v61;
	v61 =	vld [tilespmem:$0x1360];
	_ =	sdelay $0x4  }
0xe8: {  	[tilespmem:$0x1F7C0] =	vst v61;
	v61 =	vld [tilespmem:$0x1F60];
	_ =	sdelay $0x4  }
0xe9: {  	[tilespmem:$0x1F800] =	vst v61;
	v61 =	vld [tilespmem:$0x770];
	_ =	sdelay $0x4  }
0xea: {  	[tilespmem:$0x1F7E0] =	vst v61;
	v61 =	vld [tilespmem:$0x1370];
	_ =	sdelay $0x4  }
0xeb: {  	[tilespmem:$0x1F7F0] =	vst v61;
	v61 =	vld [tilespmem:$0x1F70];
	_ =	sdelay $0x4  }
0xec: {  	[tilespmem:$0x1F830] =	vst v61;
	v61 =	vld [tilespmem:$0x780];
	_ =	sdelay $0x4  }
0xed: {  	[tilespmem:$0x1F810] =	vst v61;
	v61 =	vld [tilespmem:$0x1380];
	_ =	sdelay $0x4  }
0xee: {  	[tilespmem:$0x1F820] =	vst v61;
	v61 =	vld [tilespmem:$0x1F80];
	_ =	sdelay $0x4  }
0xef: {  	[tilespmem:$0x1F860] =	vst v61;
	v61 =	vld [tilespmem:$0x790];
	_ =	sdelay $0x4  }
0xf0: {  	[tilespmem:$0x1F840] =	vst v61;
	v61 =	vld [tilespmem:$0x1390];
	_ =	sdelay $0x4  }
0xf1: {  	[tilespmem:$0x1F850] =	vst v61;
	v61 =	vld [tilespmem:$0x1F90];
	_ =	sdelay $0x4  }
0xf2: {  	[tilespmem:$0x1F890] =	vst v61;
	v61 =	vld [tilespmem:$0x7A0];
	_ =	sdelay $0x4  }
0xf3: {  	[tilespmem:$0x1F870] =	vst v61;
	v61 =	vld [tilespmem:$0x13A0];
	_ =	sdelay $0x4  }
0xf4: {  	[tilespmem:$0x1F880] =	vst v61;
	v61 =	vld [tilespmem:$0x1FA0];
	_ =	sdelay $0x4  }
0xf5: {  	[tilespmem:$0x1F8C0] =	vst v61;
	v61 =	vld [tilespmem:$0x7B0];
	_ =	sdelay $0x4  }
0xf6: {  	[tilespmem:$0x1F8A0] =	vst v61;
	v61 =	vld [tilespmem:$0x13B0];
	_ =	sdelay $0x4  }
0xf7: {  	[tilespmem:$0x1F8B0] =	vst v61;
	v61 =	vld [tilespmem:$0x1FB0];
	_ =	sdelay $0x4  }
0xf8: {  	[tilespmem:$0x1F8F0] =	vst v61;
	v61 =	vld [tilespmem:$0x7C0];
	_ =	sdelay $0x4  }
0xf9: {  	[tilespmem:$0x1F8D0] =	vst v61;
	v61 =	vld [tilespmem:$0x13C0];
	_ =	sdelay $0x4  }
0xfa: {  	[tilespmem:$0x1F8E0] =	vst v61;
	v61 =	vld [tilespmem:$0x1FC0];
	_ =	sdelay $0x4  }
0xfb: {  	[tilespmem:$0x1F920] =	vst v61;
	v61 =	vld [tilespmem:$0x7D0];
	_ =	sdelay $0x4  }
0xfc: {  	[tilespmem:$0x1F900] =	vst v61;
	v61 =	vld [tilespmem:$0x13D0];
	_ =	sdelay $0x4  }
0xfd: {  	[tilespmem:$0x1F910] =	vst v61;
	v61 =	vld [tilespmem:$0x1FD0];
	_ =	sdelay $0x4  }
0xfe: {  	[tilespmem:$0x1F950] =	vst v61;
	v61 =	vld [tilespmem:$0x7E0];
	_ =	sdelay $0x4  }
0xff: {  	[tilespmem:$0x1F930] =	vst v61;
	v61 =	vld [tilespmem:$0x13E0];
	_ =	sdelay $0x4  }
0x100: {  	[tilespmem:$0x1F940] =	vst v61;
	v61 =	vld [tilespmem:$0x1FE0];
	_ =	sdelay $0x4  }
0x101: {  	[tilespmem:$0x1F980] =	vst v61;
	v61 =	vld [tilespmem:$0x7F0];
	_ =	sdelay $0x4  }
0x102: {  	[tilespmem:$0x1F960] =	vst v61;
	v61 =	vld [tilespmem:$0x13F0];
	_ =	sdelay $0x4  }
0x103: {  	[tilespmem:$0x1F970] =	vst v61;
	v61 =	vld [tilespmem:$0x1FF0];
	_ =	sdelay $0x4  }
0x104: {  	[tilespmem:$0x1F9B0] =	vst v61;
	v61 =	vld [tilespmem:$0x800];
	_ =	sdelay $0x4  }
0x105: {  	[tilespmem:$0x1F990] =	vst v61;
	v61 =	vld [tilespmem:$0x1400];
	_ =	sdelay $0x4  }
0x106: {  	[tilespmem:$0x1F9A0] =	vst v61;
	v61 =	vld [tilespmem:$0x2000];
	_ =	sdelay $0x4  }
0x107: {  	[tilespmem:$0x1F9E0] =	vst v61;
	v61 =	vld [tilespmem:$0x810];
	_ =	sdelay $0x4  }
0x108: {  	[tilespmem:$0x1F9C0] =	vst v61;
	v61 =	vld [tilespmem:$0x1410];
	_ =	sdelay $0x4  }
0x109: {  	[tilespmem:$0x1F9D0] =	vst v61;
	v61 =	vld [tilespmem:$0x2010];
	_ =	sdelay $0x4  }
0x10a: {  	[tilespmem:$0x1FA10] =	vst v61;
	v61 =	vld [tilespmem:$0x820];
	_ =	sdelay $0x4  }
0x10b: {  	[tilespmem:$0x1F9F0] =	vst v61;
	v61 =	vld [tilespmem:$0x1420];
	_ =	sdelay $0x4  }
0x10c: {  	[tilespmem:$0x1FA00] =	vst v61;
	v61 =	vld [tilespmem:$0x2020];
	_ =	sdelay $0x4  }
0x10d: {  	[tilespmem:$0x1FA40] =	vst v61;
	v61 =	vld [tilespmem:$0x830];
	_ =	sdelay $0x4  }
0x10e: {  	[tilespmem:$0x1FA20] =	vst v61;
	v61 =	vld [tilespmem:$0x1430];
	_ =	sdelay $0x4  }
0x10f: {  	[tilespmem:$0x1FA30] =	vst v61;
	v61 =	vld [tilespmem:$0x2030];
	_ =	sdelay $0x4  }
0x110: {  	[tilespmem:$0x1FA70] =	vst v61;
	v61 =	vld [tilespmem:$0x840];
	_ =	sdelay $0x4  }
0x111: {  	[tilespmem:$0x1FA50] =	vst v61;
	v61 =	vld [tilespmem:$0x1440];
	_ =	sdelay $0x4  }
0x112: {  	[tilespmem:$0x1FA60] =	vst v61;
	v61 =	vld [tilespmem:$0x2040];
	_ =	sdelay $0x4  }
0x113: {  	[tilespmem:$0x1FAA0] =	vst v61;
	v61 =	vld [tilespmem:$0x850];
	_ =	sdelay $0x4  }
0x114: {  	[tilespmem:$0x1FA80] =	vst v61;
	v61 =	vld [tilespmem:$0x1450];
	_ =	sdelay $0x4  }
0x115: {  	[tilespmem:$0x1FA90] =	vst v61;
	v61 =	vld [tilespmem:$0x2050];
	_ =	sdelay $0x4  }
0x116: {  	[tilespmem:$0x1FAD0] =	vst v61;
	v61 =	vld [tilespmem:$0x860];
	_ =	sdelay $0x4  }
0x117: {  	[tilespmem:$0x1FAB0] =	vst v61;
	v61 =	vld [tilespmem:$0x1460];
	_ =	sdelay $0x4  }
0x118: {  	[tilespmem:$0x1FAC0] =	vst v61;
	v61 =	vld [tilespmem:$0x2060];
	_ =	sdelay $0x4  }
0x119: {  	[tilespmem:$0x1FB00] =	vst v61;
	v61 =	vld [tilespmem:$0x870];
	_ =	sdelay $0x4  }
0x11a: {  	[tilespmem:$0x1FAE0] =	vst v61;
	v61 =	vld [tilespmem:$0x1470];
	_ =	sdelay $0x4  }
0x11b: {  	[tilespmem:$0x1FAF0] =	vst v61;
	v61 =	vld [tilespmem:$0x2070];
	_ =	sdelay $0x4  }
0x11c: {  	[tilespmem:$0x1FB30] =	vst v61;
	v61 =	vld [tilespmem:$0x880];
	_ =	sdelay $0x4  }
0x11d: {  	[tilespmem:$0x1FB10] =	vst v61;
	v61 =	vld [tilespmem:$0x1480];
	_ =	sdelay $0x4  }
0x11e: {  	[tilespmem:$0x1FB20] =	vst v61;
	v61 =	vld [tilespmem:$0x2080];
	_ =	sdelay $0x4  }
0x11f: {  	[tilespmem:$0x1FB60] =	vst v61;
	v61 =	vld [tilespmem:$0x890];
	_ =	sdelay $0x4  }
0x120: {  	[tilespmem:$0x1FB40] =	vst v61;
	v61 =	vld [tilespmem:$0x1490];
	_ =	sdelay $0x4  }
0x121: {  	[tilespmem:$0x1FB50] =	vst v61;
	v61 =	vld [tilespmem:$0x2090];
	_ =	sdelay $0x4  }
0x122: {  	[tilespmem:$0x1FB90] =	vst v61;
	v61 =	vld [tilespmem:$0x8A0];
	_ =	sdelay $0x4  }
0x123: {  	[tilespmem:$0x1FB70] =	vst v61;
	v61 =	vld [tilespmem:$0x14A0];
	_ =	sdelay $0x4  }
0x124: {  	[tilespmem:$0x1FB80] =	vst v61;
	v61 =	vld [tilespmem:$0x20A0];
	_ =	sdelay $0x4  }
0x125: {  	[tilespmem:$0x1FBC0] =	vst v61;
	v61 =	vld [tilespmem:$0x8B0];
	_ =	sdelay $0x4  }
0x126: {  	[tilespmem:$0x1FBA0] =	vst v61;
	v61 =	vld [tilespmem:$0x14B0];
	_ =	sdelay $0x4  }
0x127: {  	[tilespmem:$0x1FBB0] =	vst v61;
	v61 =	vld [tilespmem:$0x20B0];
	_ =	sdelay $0x4  }
0x128: {  	[tilespmem:$0x1FBF0] =	vst v61;
	v61 =	vld [tilespmem:$0x8C0];
	_ =	sdelay $0x4  }
0x129: {  	[tilespmem:$0x1FBD0] =	vst v61;
	v61 =	vld [tilespmem:$0x14C0];
	_ =	sdelay $0x4  }
0x12a: {  	[tilespmem:$0x1FBE0] =	vst v61;
	v61 =	vld [tilespmem:$0x20C0];
	_ =	sdelay $0x4  }
0x12b: {  	[tilespmem:$0x1FC20] =	vst v61;
	v61 =	vld [tilespmem:$0x8D0];
	_ =	sdelay $0x4  }
0x12c: {  	[tilespmem:$0x1FC00] =	vst v61;
	v61 =	vld [tilespmem:$0x14D0];
	_ =	sdelay $0x4  }
0x12d: {  	[tilespmem:$0x1FC10] =	vst v61;
	v61 =	vld [tilespmem:$0x20D0];
	_ =	sdelay $0x4  }
0x12e: {  	[tilespmem:$0x1FC50] =	vst v61;
	v61 =	vld [tilespmem:$0x8E0];
	_ =	sdelay $0x4  }
0x12f: {  	[tilespmem:$0x1FC30] =	vst v61;
	v61 =	vld [tilespmem:$0x14E0];
	_ =	sdelay $0x4  }
0x130: {  	[tilespmem:$0x1FC40] =	vst v61;
	v61 =	vld [tilespmem:$0x20E0];
	_ =	sdelay $0x4  }
0x131: {  	[tilespmem:$0x1FC80] =	vst v61;
	v61 =	vld [tilespmem:$0x8F0];
	_ =	sdelay $0x4  }
0x132: {  	[tilespmem:$0x1FC60] =	vst v61;
	v61 =	vld [tilespmem:$0x14F0];
	_ =	sdelay $0x4  }
0x133: {  	[tilespmem:$0x1FC70] =	vst v61;
	v61 =	vld [tilespmem:$0x20F0];
	_ =	sdelay $0x4  }
0x134: {  	[tilespmem:$0x1FCB0] =	vst v61;
	v61 =	vld [tilespmem:$0x900]  }
0x135: {  	v16 =	vld [tilespmem:$0xFC0]  }
0x136: {  	v17 =	vld [tilespmem:$0x1BC0]  }
0x137: {  	v18 =	vld [tilespmem:$0x3D0]  }
0x138: {  	v19 =	vld [tilespmem:$0xFD0]  }
0x139: {  	[tilespmem:$0x1FC90] =	vst v61;
	v61 =	vld [tilespmem:$0x1500]  }
0x13a: {  	v20 =	vld [tilespmem:$0x1BD0]  }
0x13b: {  	v21 =	vld [tilespmem:$0x3E0]  }
0x13c: {  	v43 =	vld [tilespmem:$0xFE0]  }
0x13d: {  	v23 =	vld [tilespmem:$0x1BE0]  }
0x13e: {  	[tilespmem:$0x1FCA0] =	vst v61;
	v61 =	vld [tilespmem:$0x2100]  }
0x13f: {  	v48 =	vld [tilespmem:$0x3F0]  }
0x140: {  	v49 =	vld [tilespmem:$0x1F1A0]  }
0x141: {  	v40 =	vadd.f32 v52, v51;
	v52 =	vld [tilespmem:$0xFF0]  }
0x142: {  	v55 =	vld [tilespmem:$0x1BF0]  }
0x143: {  	[tilespmem:$0x1FCE0] =	vst v61;
	v61 =	vld [tilespmem:$0x910]  }
0x144: {  	v45 =	vadd.f32 v58, v57;
	v57 =	vld [tilespmem:$0x1F1E0]  }
0x145: {  	v58 =	vld [tilespmem:$0x1F1F0]  }
0x146: {  	v60 =	vld [tilespmem:$0x400]  }
0x147: {  	v37 =	vadd.f32 v44, v34;
	v44 =	vadd.f32 v62, v40;
	v62 =	vld [tilespmem:$0x1000]  }
0x148: {  	[tilespmem:$0x1FCC0] =	vst v61;
	v61 =	vld [tilespmem:$0x1510]  }
0x149: {  	v51 =	vadd.f32 v50, v63;
	v63 =	vld [tilespmem:$0x1F210]  }
0x14a: {  	[tilespmem:$0x32A0] =	vst v29;
	v29 =	vld [tilespmem:$0x1C00]  }
0x14b: {  	v32 =	vld [tilespmem:$0x410]  }
0x14c: {  	[tilespmem:$0x32D0] =	vst v35;
	v35 =	vld [tilespmem:$0x1010]  }
0x14d: {  	[tilespmem:$0x1FCD0] =	vst v61;
	v61 =	vld [tilespmem:$0x2110]  }
0x14e: {  	v38 =	vld [tilespmem:$0x420]  }
0x14f: {  	[tilespmem:$0x3300] =	vst v41;
	v41 =	vld [tilespmem:$0x1020]  }
0x150: {  	[tilespmem:$0x3310] =	vst v44;
	v44 =	vld [tilespmem:$0x1C10]  }
0x151: {  	[tilespmem:$0x32B0] =	vst v31;
	v31 =	vadd.f32 v10, v9;
	v9 =	vld [tilespmem:$0x430]  }
0x152: {  	[tilespmem:$0x1FD10] =	vst v61;
	v61 =	vld [tilespmem:$0x920]  }
0x153: {  	v28 =	vadd.f32 v7, v6;
	v6 =	vld [tilespmem:$0x440]  }
0x154: {  	v34 =	vadd.f32 v13, v12;
	v13 =	vld [tilespmem:$0x1C40]  }
0x155: {  	v7 =	vld [tilespmem:$0x450]  }
0x156: {  	v10 =	vld [tilespmem:$0x470]  }
0x157: {  	[tilespmem:$0x1FCF0] =	vst v61;
	v61 =	vld [tilespmem:$0x1520]  }
0x158: {  	v24 =	vld [tilespmem:$0x1C70]  }
0x159: {  	v12 =	vld [tilespmem:$0x480]  }
0x15a: {  	[tilespmem:$0x32C0] =	vst v33;
	v33 =	vadd.f32 v8, v28;
	v8 =	vld [tilespmem:$0x1080]  }
0x15b: {  	[tilespmem:$0x3290] =	vst v27;
	v27 =	vld [tilespmem:$0x1C80]  }
0x15c: {  	[tilespmem:$0x1FD00] =	vst v61;
	v61 =	vld [tilespmem:$0x2120]  }
0x15d: {  	[tilespmem:$0x32F0] =	vst v39;
	v39 =	vadd.f32 v14, v34;
	v14 =	vld [tilespmem:$0x490]  }
0x15e: {  	v22 =	vld [tilespmem:$0x4B0]  }
0x15f: {  	v25 =	vld [tilespmem:$0x4C0]  }
0x160: {  	v28 =	vld [tilespmem:$0x4D0]  }
0x161: {  	[tilespmem:$0x1FD40] =	vst v61;
	v61 =	vld [tilespmem:$0x930]  }
0x162: {  	v26 =	vld [tilespmem:$0x10E0]  }
0x163: {  	v34 =	vld [tilespmem:$0x4F0]  }
0x164: {  	v36 =	vadd.f32 v11, v31;
	v11 =	vld [tilespmem:$0x1090]  }
0x165: {  	[tilespmem:$0x3390] =	vst v33;
	v33 =	vld [tilespmem:$0x1CA0]  }
0x166: {  	[tilespmem:$0x1FD20] =	vst v61;
	v61 =	vld [tilespmem:$0x1530]  }
0x167: {  	[tilespmem:$0x33B0] =	vst v39;
	v39 =	vld [tilespmem:$0x1CC0]  }
0x168: {  	v31 =	vld [tilespmem:$0x4E0]  }
0x169: {  	[tilespmem:$0x33A0] =	vst v36;
	v36 =	vld [tilespmem:$0x1CB0]  }
0x16a: {  	v1 =	vadd.f32 v1, v59;
	v59 =	vld [tilespmem:$0x1D30]  }
0x16b: {  	[tilespmem:$0x1FD30] =	vst v61;
	v61 =	vld [tilespmem:$0x2130]  }
0x16c: {  	v56 =	vld [tilespmem:$0x1F1D0]  }
0x16d: {  	[tilespmem:$0x32E0] =	vst v37;
	v37 =	vadd.f32 v16, v15;
	v16 =	vld [tilespmem:$0x1C30]  }
0x16e: {  	v40 =	vadd.f32 v19, v18;
	v18 =	vld [tilespmem:$0x1C50]  }
0x16f: {  	v43 =	vadd.f32 v43, v21;
	v21 =	vld [tilespmem:$0x1C60]  }
0x170: {  	[tilespmem:$0x1FD70] =	vst v61;
	v61 =	vld [tilespmem:$0x940]  }
0x171: {  	v19 =	vld [tilespmem:$0x4A0]  }
0x172: {  	v15 =	vld [tilespmem:$0x10A0]  }
0x173: {  	v5 =	vadd.f32 v58, v57;
	v57 =	vld [tilespmem:$0x1D50]  }
0x174: {  	v58 =	vld [tilespmem:$0x1D60]  }
0x175: {  	[tilespmem:$0x1FD50] =	vst v61;
	v61 =	vld [tilespmem:$0x1540]  }
0x176: {  	v3 =	vadd.f32 v49, v45;
	v49 =	vadd.f32 v62, v60;
	v60 =	vld [tilespmem:$0x1D70]  }
0x177: {  	v62 =	vld [tilespmem:$0x590]  }
0x178: {  	v30 =	vadd.f32 v4, v1;
	v1 =	vld [tilespmem:$0x1050]  }
0x179: {  	v4 =	vld [tilespmem:$0x1070]  }
0x17a: {  	[tilespmem:$0x1FD60] =	vst v61;
	v61 =	vld [tilespmem:$0x2140]  }
0x17b: {  	v47 =	vld [tilespmem:$0x1C20]  }
0x17c: {  	v42 =	vadd.f32 v17, v37;
	v17 =	vld [tilespmem:$0x10B0]  }
0x17d: {  	v45 =	vadd.f32 v20, v40;
	v20 =	vld [tilespmem:$0x10C0]  }
0x17e: {  	v46 =	vadd.f32 v52, v48;
	v48 =	vadd.f32 v23, v43;
	v23 =	vld [tilespmem:$0x10D0]  }
0x17f: {  	[tilespmem:$0x1FDA0] =	vst v61;
	v61 =	vld [tilespmem:$0x950]  }
0x180: {  	v52 =	vadd.f32 v29, v49;
	v29 =	vld [tilespmem:$0x10F0]  }
0x181: {  	v37 =	vld [tilespmem:$0x500]  }
0x182: {  	v40 =	vld [tilespmem:$0x510]  }
0x183: {  	v43 =	vld [tilespmem:$0x520]  }
0x184: {  	[tilespmem:$0x1FD80] =	vst v61;
	v61 =	vld [tilespmem:$0x1550]  }
0x185: {  	v53 =	vadd.f32 v41, v38;
	v38 =	vld [tilespmem:$0x1120]  }
0x186: {  	v50 =	vadd.f32 v55, v46;
	v46 =	vld [tilespmem:$0x530]  }
0x187: {  	v41 =	vld [tilespmem:$0x1130]  }
0x188: {  	v49 =	vld [tilespmem:$0x540]  }
0x189: {  	[tilespmem:$0x1FD90] =	vst v61;
	v61 =	vld [tilespmem:$0x2150]  }
0x18a: {  	[tilespmem:$0x3380] =	vst v30;
	v30 =	vld [tilespmem:$0x1C90]  }
0x18b: {  	v2 =	vld [tilespmem:$0x1060]  }
0x18c: {  	[tilespmem:$0x33C0] =	vst v42;
	v42 =	vld [tilespmem:$0x1CD0]  }
0x18d: {  	[tilespmem:$0x33D0] =	vst v45;
	v45 =	vld [tilespmem:$0x1CE0]  }
0x18e: {  	[tilespmem:$0x1FDD0] =	vst v61;
	v61 =	vld [tilespmem:$0x960]  }
0x18f: {  	[tilespmem:$0x33E0] =	vst v48;
	v48 =	vld [tilespmem:$0x1CF0]  }
0x190: {  	[tilespmem:$0x3400] =	vst v52;
	v52 =	vld [tilespmem:$0x550]  }
0x191: {  	[tilespmem:$0x33F0] =	vst v50;
	v50 =	vld [tilespmem:$0x1160]  }
0x192: {  	[tilespmem:$0x3330] =	vst v3;
	v3 =	vadd.f32 v56, v51;
	v51 =	vadd.f32 v35, v32;
	v32 =	vld [tilespmem:$0x1100]  }
0x193: {  	[tilespmem:$0x1FDB0] =	vst v61;
	v61 =	vld [tilespmem:$0x1560]  }
0x194: {  	v35 =	vld [tilespmem:$0x1110]  }
0x195: {  	v56 =	vld [tilespmem:$0x1D40]  }
0x196: {  	[tilespmem:$0x1F240] =	vst v58;
	v58 =	vld [tilespmem:$0x580]  }
0x197: {  	[tilespmem:$0x1F230] =	vst v57;
	v57 =	vld [tilespmem:$0x1180]  }
0x198: {  	[tilespmem:$0x1FDC0] =	vst v61;
	v61 =	vld [tilespmem:$0x2160]  }
0x199: {  	[tilespmem:$0x1F250] =	vst v60;
	v60 =	vld [tilespmem:$0x1D80]  }
0x19a: {  	[tilespmem:$0x3360] =	vst v0;
	v0 =	vld [tilespmem:$0x1040]  }
0x19b: {  	[tilespmem:$0x3350] =	vst v3;
	v3 =	vadd.f32 v63, v5;
	v5 =	vld [tilespmem:$0x1030]  }
0x19c: {  	v54 =	vadd.f32 v44, v51;
	v51 =	vld [tilespmem:$0x1D00]  }
0x19d: {  	[tilespmem:$0x1FE00] =	vst v61;
	v61 =	vld [tilespmem:$0x970]  }
0x19e: {  	v63 =	vld [tilespmem:$0x1D20]  }
0x19f: {  	v44 =	vld [tilespmem:$0x1140]  }
0x1a0: {  	v55 =	vadd.f32 v47, v53;
	v47 =	vld [tilespmem:$0x1150]  }
0x1a1: {  	v53 =	vld [tilespmem:$0x1170];
	[tilespmem:$0x3370] =	vst v3  }
0x1a2: {  	[tilespmem:$0x1FDE0] =	vst v61;
	v61 =	vld [tilespmem:$0x1570]  }
0x1a3: {  	[tilespmem:$0x3410] =	vst v54;
	v3 =	vld [tilespmem:$0x460]  }
0x1a4: {  	[tilespmem:$0x3420] =	vst v55;
	v54 =	vld [tilespmem:$0x1D10]  }
0x1a5: {  	v55 =	vld [tilespmem:$0x560];
	[tilespmem:$0x1F220] =	vst v56  }
0x1a6: {  	v56 =	vld [tilespmem:$0x570];
	[tilespmem:$0x1F260] =	vst v60  }
0x1a7: {  	v60 =	vld [tilespmem:$0x1190];
	v5 =	vadd.f32 v5, v9;
	[tilespmem:$0x1FDF0] =	vst v61  }
0x1a8: {  	v0 =	vadd.f32 v0, v6;
	v6 =	vld [tilespmem:$0x2170]  }
0x1a9: {  	v1 =	vadd.f32 v1, v7;
	v5 =	vadd.f32 v16, v5;
	v16 =	vld [tilespmem:$0x980]  }
0x1aa: {  	v0 =	vadd.f32 v13, v0;
	v13 =	vld [tilespmem:$0x1580]  }
0x1ab: {  	v1 =	vadd.f32 v18, v1;
	v18 =	vadd.f32 v4, v10;
	v4 =	vld [tilespmem:$0x2180]  }
0x1ac: {  	v2 =	vadd.f32 v2, v3;
	v61 =	vadd.f32 v8, v12;
	v8 =	vld [tilespmem:$0x990]  }
0x1ad: {  	v10 =	vadd.f32 v11, v14;
	v11 =	vld [tilespmem:$0x1590]  }
0x1ae: {  	v14 =	vadd.f32 v15, v19;
	v21 =	vadd.f32 v21, v2;
	v15 =	vld [tilespmem:$0x2190]  }
0x1af: {  	v9 =	vadd.f32 v24, v18;
	v18 =	vld [tilespmem:$0x9A0]  }
0x1b0: {  	[tilespmem:$0x3460] =	vst v21;
	v21 =	vld [tilespmem:$0x15A0]  }
0x1b1: {  	v17 =	vadd.f32 v17, v22;
	v24 =	vld [tilespmem:$0x21A0]  }
0x1b2: {  	v20 =	vadd.f32 v20, v25;
	v19 =	vadd.f32 v33, v14;
	v33 =	vld [tilespmem:$0x21B0]  }
0x1b3: {  	v23 =	vadd.f32 v23, v28;
	v22 =	vadd.f32 v36, v17;
	v36 =	vld [tilespmem:$0x9C0]  }
0x1b4: {  	v26 =	vadd.f32 v26, v31;
	v25 =	vadd.f32 v39, v20;
	v39 =	vld [tilespmem:$0x15C0]  }
0x1b5: {  	v29 =	vadd.f32 v29, v34;
	v28 =	vadd.f32 v42, v23;
	v42 =	vld [tilespmem:$0x21C0]  }
0x1b6: {  	v31 =	vadd.f32 v45, v26;
	v45 =	vld [tilespmem:$0x9D0]  }
0x1b7: {  	v34 =	vadd.f32 v48, v29;
	v32 =	vadd.f32 v32, v37;
	v48 =	vld [tilespmem:$0x15D0]  }
0x1b8: {  	v44 =	vadd.f32 v44, v49;
	v49 =	vld [tilespmem:$0x1F220]  }
0x1b9: {  	v37 =	vadd.f32 v51, v32;
	v51 =	vld [tilespmem:$0x21D0]  }
0x1ba: {  	v35 =	vadd.f32 v35, v40;
	v47 =	vadd.f32 v47, v52;
	v52 =	vld [tilespmem:$0x1F230]  }
0x1bb: {  	v41 =	vadd.f32 v41, v46;
	v50 =	vadd.f32 v50, v55;
	v55 =	vld [tilespmem:$0x9E0]  }
0x1bc: {  	v40 =	vadd.f32 v54, v35;
	v54 =	vadd.f32 v53, v56;
	v56 =	vld [tilespmem:$0x1F240]  }
0x1bd: {  	v57 =	vadd.f32 v57, v58;
	v58 =	vld [tilespmem:$0x15E0]  }
0x1be: {  	v38 =	vadd.f32 v38, v43;
	v46 =	vadd.f32 v59, v41;
	v59 =	vld [tilespmem:$0x1F250]  }
0x1bf: {  	v60 =	vadd.f32 v60, v62;
	v62 =	vld [tilespmem:$0x1F260]  }
0x1c0: {  	v43 =	vadd.f32 v63, v38;
	v63 =	vld [tilespmem:$0x1F270]  }
0x1c1: {  	[tilespmem:$0x3470] =	vst v9;
	v9 =	vld [tilespmem:$0x1F280]  }
0x1c2: {  	v14 =	vld [tilespmem:$0x1F2B0]  }
0x1c3: {  	v17 =	vld [tilespmem:$0x1F2C0]  }
0x1c4: {  	[tilespmem:$0x34A0] =	vst v19;
	v19 =	vld [tilespmem:$0x1F2E0]  }
0x1c5: {  	[tilespmem:$0x34B0] =	vst v22;
	v22 =	vld [tilespmem:$0x1F2F0]  }
0x1c6: {  	[tilespmem:$0x34C0] =	vst v25;
	v25 =	vld [tilespmem:$0x1F310]  }
0x1c7: {  	[tilespmem:$0x34D0] =	vst v28;
	v28 =	vld [tilespmem:$0x1F320]  }
0x1c8: {  	v29 =	vld [tilespmem:$0x1F330]  }
0x1c9: {  	v32 =	vld [tilespmem:$0x1600]  }
0x1ca: {  	v35 =	vld [tilespmem:$0x1F360]  }
0x1cb: {  	v38 =	vld [tilespmem:$0x2200]  }
0x1cc: {  	[tilespmem:$0x3510] =	vst v40;
	v40 =	vld [tilespmem:$0x1F390]  }
0x1cd: {  	v41 =	vld [tilespmem:$0x1F3A0]  }
0x1ce: {  	[tilespmem:$0x3520] =	vst v43;
	v43 =	vld [tilespmem:$0xA10]  }
0x1cf: {  	[tilespmem:$0x3530] =	vst v46;
	v46 =	vld [tilespmem:$0x1F3C0]  }
0x1d0: {  	v7 =	vld [tilespmem:$0x1F470]  }
0x1d1: {  	v12 =	vadd.f32 v27, v61;
	v27 =	vld [tilespmem:$0x9B0]  }
0x1d2: {  	v61 =	vld [tilespmem:$0x21E0]  }
0x1d3: {  	[tilespmem:$0x3480] =	vst v12;
	v12 =	vld [tilespmem:$0x1F2A0]  }
0x1d4: {  	[tilespmem:$0x1FE10] =	vst v16;
	v16 =	vadd.f32 v30, v10;
	v30 =	vld [tilespmem:$0x15B0]  }
0x1d5: {  	v10 =	vld [tilespmem:$0x9F0]  }
0x1d6: {  	[tilespmem:$0x1FE20] =	vst v11;
	v11 =	vld [tilespmem:$0x1F290]  }
0x1d7: {  	[tilespmem:$0x1FE30] =	vst v18;
	v18 =	vld [tilespmem:$0x1F2D0]  }
0x1d8: {  	[tilespmem:$0x1FE40] =	vst v21;
	v21 =	vld [tilespmem:$0x21F0]  }
0x1d9: {  	[tilespmem:$0x1FE80] =	vst v24;
	v24 =	vld [tilespmem:$0x1F300]  }
0x1da: {  	[tilespmem:$0x1FEB0] =	vst v33;
	v33 =	vld [tilespmem:$0x1F350]  }
0x1db: {  	[tilespmem:$0x1FE90] =	vst v36;
	v36 =	vld [tilespmem:$0x1F370]  }
0x1dc: {  	[tilespmem:$0x1FEA0] =	vst v39;
	v39 =	vld [tilespmem:$0x1F380]  }
0x1dd: {  	[tilespmem:$0x3440] =	vst v0;
	v0 =	vadd.f32 v49, v44;
	v44 =	vld [tilespmem:$0x1F3B0]  }
0x1de: {  	[tilespmem:$0x3450] =	vst v1;
	v1 =	vadd.f32 v52, v47;
	v47 =	vld [tilespmem:$0x1F3D0]  }
0x1df: {  	v49 =	vld [tilespmem:$0x1610]  }
0x1e0: {  	[tilespmem:$0x1FF10] =	vst v51;
	v51 =	vld [tilespmem:$0x1F3F0]  }
0x1e1: {  	v52 =	vld [tilespmem:$0x1F400]  }
0x1e2: {  	[tilespmem:$0x1FEF0] =	vst v55;
	v55 =	vld [tilespmem:$0x1F410]  }
0x1e3: {  	[tilespmem:$0x1FF60] =	vst v32;
	v32 =	vld [tilespmem:$0x1F500]  }
0x1e4: {  	[tilespmem:$0x1FEE0] =	vst v42;
	v42 =	vadd.f32 v41, v40;
	v40 =	vld [tilespmem:$0x1F550]  }
0x1e5: {  	[tilespmem:$0x1FE60] =	vst v27;
	v27 =	vld [tilespmem:$0xA00]  }
0x1e6: {  	[tilespmem:$0x1FF40] =	vst v61;
	v61 =	vld [tilespmem:$0x1F450]  }
0x1e7: {  	[tilespmem:$0x3490] =	vst v16;
	v16 =	vld [tilespmem:$0x15F0]  }
0x1e8: {  	[tilespmem:$0x3540] =	vst v0;
	v0 =	vadd.f32 v56, v50;
	v50 =	vld [tilespmem:$0x1F3E0]  }
0x1e9: {  	[tilespmem:$0x3550] =	vst v1;
	v1 =	vadd.f32 v59, v54;
	v54 =	vld [tilespmem:$0x2210]  }
0x1ea: {  	v56 =	vld [tilespmem:$0x1F420]  }
0x1eb: {  	[tilespmem:$0x3430] =	vst v5;
	v5 =	vadd.f32 v9, v63;
	v59 =	vld [tilespmem:$0xA20]  }
0x1ec: {  	[tilespmem:$0x1FE50] =	vst v15;
	v15 =	vadd.f32 v14, v12;
	v12 =	vld [tilespmem:$0x2220]  }
0x1ed: {  	v5 =	vadd.f32 v17, v5;
	[tilespmem:$0x3560] =	vst v0;
	v0 =	vadd.f32 v62, v57;
	v57 =	vld [tilespmem:$0x1F430]  }
0x1ee: {  	v62 =	vld [tilespmem:$0x1F460]  }
0x1ef: {  	[tilespmem:$0x35A0] =	vst v5;
	v5 =	vld [tilespmem:$0x1620]  }
0x1f0: {  	[tilespmem:$0x1FE70] =	vst v30;
	v30 =	vld [tilespmem:$0x1F340]  }
0x1f1: {  	v3 =	vadd.f32 v11, v60;
	v60 =	vld [tilespmem:$0x1F440]  }
0x1f2: {  	[tilespmem:$0x1FF20] =	vst v10;
	v10 =	vld [tilespmem:$0x1F490]  }
0x1f3: {  	v26 =	vadd.f32 v25, v24;
	v24 =	vld [tilespmem:$0x1F4B0]  }
0x1f4: {  	v25 =	vld [tilespmem:$0x1F4C0]  }
0x1f5: {  	[tilespmem:$0x3500] =	vst v37;
	v37 =	vadd.f32 v36, v35;
	v35 =	vld [tilespmem:$0x1F520]  }
0x1f6: {  	v23 =	vadd.f32 v22, v15;
	v22 =	vld [tilespmem:$0x1640]  }
0x1f7: {  	[tilespmem:$0x1FED0] =	vst v48;
	v48 =	vadd.f32 v47, v46;
	v47 =	vld [tilespmem:$0x1F590]  }
0x1f8: {  	[tilespmem:$0x1FF90] =	vst v49;
	v49 =	vld [tilespmem:$0x1F5B0]  }
0x1f9: {  	v53 =	vadd.f32 v52, v51;
	v51 =	vld [tilespmem:$0x1F5C0]  }
0x1fa: {  	v52 =	vld [tilespmem:$0x1F5D0]  }
0x1fb: {  	v20 =	vadd.f32 v19, v18;
	[tilespmem:$0x1FF50] =	vst v27;
	v27 =	vld [tilespmem:$0xA30]  }
0x1fc: {  	v2 =	vld [tilespmem:$0x1FF20]  }
0x1fd: {  	v9 =	vadd.f32 v28, v20;
	v28 =	vld [tilespmem:$0x1F4D0]  }
0x1fe: {  	[tilespmem:$0x1FEC0] =	vst v45;
	v45 =	vadd.f32 v44, v37;
	v37 =	vld [tilespmem:$0x1F530]  }
0x1ff: {  	v20 =	vld [tilespmem:$0xA40]  }
0x200: {  	v15 =	vadd.f32 v50, v42;
	v42 =	vld [tilespmem:$0x1F560]  }
0x201: {  	v44 =	vld [tilespmem:$0x1F570]  }
0x202: {  	v17 =	vadd.f32 v55, v48;
	v48 =	vld [tilespmem:$0x1F5A0]  }
0x203: {  	[tilespmem:$0x35B0] =	vst v23;
	v23 =	vld [tilespmem:$0xA50]  }
0x204: {  	[tilespmem:$0x34F0] =	vst v34;
	v55 =	vld [tilespmem:$0x1F5F0]  }
0x205: {  	[tilespmem:$0x1FFB0] =	vst v59;
	v59 =	vld [tilespmem:$0x1F620]  }
0x206: {  	[tilespmem:$0x3590] =	vst v3;
	v3 =	vld [tilespmem:$0x1760]  }
0x207: {  	v34 =	vadd.f32 v33, v26;
	[tilespmem:$0x1FFF0] =	vst v12;
	v12 =	vld [tilespmem:$0x1F680]  }
0x208: {  	[tilespmem:$0x35C0] =	vst v9;
	v9 =	vld [tilespmem:$0x1F480]  }
0x209: {  	[tilespmem:$0x35D0] =	vst v34;
	v34 =	vld [tilespmem:$0x1F510]  }
0x20a: {  	[tilespmem:$0x35F0] =	vst v45;
	v45 =	vld [tilespmem:$0x1F580]  }
0x20b: {  	[tilespmem:$0x1FF00] =	vst v58;
	v58 =	vadd.f32 v57, v56;
	v56 =	vld [tilespmem:$0x1F600]  }
0x20c: {  	v57 =	vld [tilespmem:$0x1F610]  }
0x20d: {  	v63 =	vadd.f32 v62, v61;
	v61 =	vld [tilespmem:$0x1F640]  }
0x20e: {  	[tilespmem:$0x1FFC0] =	vst v5;
	v5 =	vld [tilespmem:$0x1F650]  }
0x20f: {  	[tilespmem:$0x3610] =	vst v17;
	v17 =	vld [tilespmem:$0x1F6B0]  }
0x210: {  	[tilespmem:$0x34E0] =	vst v31;
	v31 =	vadd.f32 v30, v29;
	v29 =	vld [tilespmem:$0x1F4E0]  }
0x211: {  	v30 =	vld [tilespmem:$0x1F4F0]  }
0x212: {  	v18 =	vadd.f32 v60, v53;
	v53 =	vld [tilespmem:$0x1F5E0]  }
0x213: {  	v60 =	vld [tilespmem:$0x1F630]  }
0x214: {  	v14 =	vadd.f32 v39, v31;
	v39 =	vld [tilespmem:$0x1F540]  }
0x215: {  	v19 =	vadd.f32 v7, v58;
	v50 =	vadd.f32 v49, v48;
	v48 =	vld [tilespmem:$0x1F750]  }
0x216: {  	v49 =	vld [tilespmem:$0x1F760]  }
0x217: {  	[tilespmem:$0x3630] =	vst v19;
	v19 =	vld [tilespmem:$0x1630]  }
0x218: {  	[tilespmem:$0x35E0] =	vst v14;
	v14 =	vld [tilespmem:$0x1F4A0]  }
0x219: {  	v11 =	vadd.f32 v10, v9;
	v9 =	vld [tilespmem:$0x1F660]  }
0x21a: {  	v10 =	vld [tilespmem:$0x1F670]  }
0x21b: {  	v36 =	vadd.f32 v35, v34;
	v35 =	vld [tilespmem:$0x1F6C0]  }
0x21c: {  	v26 =	vadd.f32 v25, v24;
	v46 =	vadd.f32 v45, v44;
	v44 =	vld [tilespmem:$0x1F720]  }
0x21d: {  	v45 =	vld [tilespmem:$0x1F730]  }
0x21e: {  	v33 =	vadd.f32 v32, v26;
	v26 =	vadd.f32 v55, v50;
	v55 =	vld [tilespmem:$0x1F7A0]  }
0x21f: {  	v58 =	vadd.f32 v57, v56;
	v56 =	vld [tilespmem:$0x1F7B0]  }
0x220: {  	v57 =	vld [tilespmem:$0x1F7C0]  }
0x221: {  	v34 =	vld [tilespmem:$0x1680]  }
0x222: {  	v31 =	vadd.f32 v30, v29;
	v30 =	vld [tilespmem:$0x2270]  }
0x223: {  	[tilespmem:$0x1FFD0] =	vst v54;
	v54 =	vadd.f32 v53, v52;
	v52 =	vld [tilespmem:$0x1F780]  }
0x224: {  	v53 =	vld [tilespmem:$0x1F790]  }
0x225: {  	v62 =	vadd.f32 v61, v60;
	v60 =	vld [tilespmem:$0x1F7E0]  }
0x226: {  	v61 =	vld [tilespmem:$0x1F7F0]  }
0x227: {  	[tilespmem:$0x36B0] =	vst v26;
	v26 =	vld [tilespmem:$0xA60]  }
0x228: {  	[tilespmem:$0x1FF70] =	vst v21;
	v21 =	vadd.f32 v28, v11;
	v28 =	vld [tilespmem:$0x1660]  }
0x229: {  	[tilespmem:$0x1FF80] =	vst v43;
	v43 =	vadd.f32 v42, v36;
	v36 =	vld [tilespmem:$0x1F6D0]  }
0x22a: {  	v42 =	vld [tilespmem:$0x1F710]  }
0x22b: {  	v24 =	vadd.f32 v51, v46;
	v51 =	vld [tilespmem:$0x1F770]  }
0x22c: {  	v7 =	vadd.f32 v5, v58;
	v5 =	vld [tilespmem:$0x1F800]  }
0x22d: {  	v41 =	vadd.f32 v40, v39;
	v39 =	vld [tilespmem:$0x1F6F0]  }
0x22e: {  	v40 =	vld [tilespmem:$0x1F700]  }
0x22f: {  	[tilespmem:$0x1FFA0] =	vst v38;
	v38 =	vadd.f32 v37, v31;
	v31 =	vld [tilespmem:$0x1670]  }
0x230: {  	[tilespmem:$0x1FFE0] =	vst v27;
	v27 =	vadd.f32 v59, v54;
	v59 =	vld [tilespmem:$0x1F7D0]  }
0x231: {  	v29 =	vadd.f32 v12, v62;
	v12 =	vld [tilespmem:$0x1F830]  }
0x232: {  	v50 =	vadd.f32 v49, v48;
	v48 =	vld [tilespmem:$0x1F890]  }
0x233: {  	[tilespmem:$0x3650] =	vst v21;
	v21 =	vld [tilespmem:$0x2240]  }
0x234: {  	[tilespmem:$0x36A0] =	vst v24;
	v24 =	vld [tilespmem:$0x2250]  }
0x235: {  	[tilespmem:$0x3600] =	vst v15;
	v15 =	vadd.f32 v14, v63;
	v63 =	vld [tilespmem:$0x2230]  }
0x236: {  	v14 =	vld [tilespmem:$0x1F690]  }
0x237: {  	[tilespmem:$0x36C0] =	vst v27;
	v27 =	vld [tilespmem:$0x2260]  }
0x238: {  	[tilespmem:$0x3670] =	vst v38;
	v38 =	vld [tilespmem:$0x1F6E0]  }
0x239: {  	[tilespmem:$0x36E0] =	vst v29;
	v29 =	vld [tilespmem:$0xA70]  }
0x23a: {  	v25 =	vadd.f32 v47, v41;
	v47 =	vld [tilespmem:$0x1F740]  }
0x23b: {  	v11 =	vadd.f32 v10, v9;
	v9 =	vld [tilespmem:$0x1F810]  }
0x23c: {  	v10 =	vld [tilespmem:$0x1F820]  }
0x23d: {  	v46 =	vadd.f32 v45, v44;
	v45 =	vld [tilespmem:$0x1F870]  }
0x23e: {  	v58 =	vadd.f32 v57, v56;
	v56 =	vld [tilespmem:$0x1F8E0]  }
0x23f: {  	v54 =	vadd.f32 v53, v52;
	v53 =	vld [tilespmem:$0x1F8C0]  }
0x240: {  	v62 =	vadd.f32 v61, v60;
	v60 =	vld [tilespmem:$0x1F910]  }
0x241: {  	[tilespmem:$0x3690] =	vst v25;
	v25 =	vld [tilespmem:$0x1650]  }
0x242: {  	[tilespmem:$0x3640] =	vst v15;
	v15 =	vld [tilespmem:$0x1F6A0]  }
0x243: {  	[tilespmem:$0x3620] =	vst v18;
	v18 =	vadd.f32 v17, v11;
	v17 =	vld [tilespmem:$0x1F860]  }
0x244: {  	v37 =	vadd.f32 v36, v35;
	v35 =	vadd.f32 v51, v46;
	v46 =	vld [tilespmem:$0x1F880]  }
0x245: {  	v36 =	vadd.f32 v55, v50;
	v50 =	vld [tilespmem:$0x1F8A0]  }
0x246: {  	v51 =	vld [tilespmem:$0x1F8B0]  }
0x247: {  	v55 =	vld [tilespmem:$0x1F8D0]  }
0x248: {  	[tilespmem:$0x36D0] =	vst v7;
	v7 =	vadd.f32 v5, v58;
	v58 =	vld [tilespmem:$0x1F8F0]  }
0x249: {  	v5 =	vld [tilespmem:$0x1F930]  }
0x24a: {  	v28 =	vadd.f32 v28, v26;
	v26 =	vld [tilespmem:$0x1790]  }
0x24b: {  	v41 =	vadd.f32 v40, v39;
	v40 =	vld [tilespmem:$0x16A0]  }
0x24c: {  	v39 =	vadd.f32 v12, v62;
	v62 =	vld [tilespmem:$0x1F920]  }
0x24d: {  	v12 =	vld [tilespmem:$0x1F970]  }
0x24e: {  	[tilespmem:$0x3730] =	vst v35;
	v35 =	vld [tilespmem:$0xA90]  }
0x24f: {  	[tilespmem:$0x3740] =	vst v36;
	v36 =	vld [tilespmem:$0x2290]  }
0x250: {  	[tilespmem:$0x3680] =	vst v43;
	v43 =	vadd.f32 v42, v37;
	v37 =	vadd.f32 v59, v54;
	v59 =	vld [tilespmem:$0x1F900]  }
0x251: {  	[tilespmem:$0x3760] =	vst v7;
	v7 =	vld [tilespmem:$0x1F940]  }
0x252: {  	[tilespmem:$0x3770] =	vst v39;
	v39 =	vld [tilespmem:$0x22A0]  }
0x253: {  	[tilespmem:$0x3660] =	vst v33;
	v33 =	vadd.f32 v47, v41;
	v41 =	vld [tilespmem:$0xAB0]  }
0x254: {  	v11 =	vadd.f32 v10, v9;
	v10 =	vld [tilespmem:$0x1F950]  }
0x255: {  	v28 =	vadd.f32 v27, v28;
	v27 =	vld [tilespmem:$0x2390]  }
0x256: {  	[tilespmem:$0x3750] =	vst v37;
	v37 =	vld [tilespmem:$0x1690]  }
0x257: {  	[tilespmem:$0x3720] =	vst v33;
	v33 =	vld [tilespmem:$0x2280]  }
0x258: {  	[tilespmem:$0x1FF30] =	vst v16;
	v16 =	vadd.f32 v15, v14;
	v14 =	vld [tilespmem:$0x1F840]  }
0x259: {  	v15 =	vld [tilespmem:$0x1F850]  }
0x25a: {  	[tilespmem:$0x36F0] =	vst v18;
	v18 =	vadd.f32 v17, v11;
	v11 =	vld [tilespmem:$0x1F960]  }
0x25b: {  	v17 =	vld [tilespmem:$0x1F9A0]  }
0x25c: {  	v52 =	vadd.f32 v51, v50;
	v51 =	vld [tilespmem:$0x1F9B0]  }
0x25d: {  	v57 =	vadd.f32 v56, v55;
	v56 =	vld [tilespmem:$0x1F9E0]  }
0x25e: {  	v47 =	vadd.f32 v46, v45;
	v46 =	vld [tilespmem:$0x16C0]  }
0x25f: {  	v25 =	vadd.f32 v25, v23;
	v23 =	vld [tilespmem:$0xB80]  }
0x260: {  	[tilespmem:$0x3A60] =	vst v28;
	v28 =	vld [tilespmem:$0xBA0]  }
0x261: {  	v32 =	vadd.f32 v38, v16;
	v38 =	vld [tilespmem:$0xAA0]  }
0x262: {  	v54 =	vadd.f32 v53, v47;
	v53 =	vld [tilespmem:$0x1F9C0]  }
0x263: {  	v42 =	vadd.f32 v62, v57;
	v57 =	vld [tilespmem:$0x1F9F0]  }
0x264: {  	[tilespmem:$0x3710] =	vst v43;
	v43 =	vadd.f32 v58, v52;
	v58 =	vld [tilespmem:$0x1FA00]  }
0x265: {  	v61 =	vadd.f32 v60, v59;
	v60 =	vld [tilespmem:$0x1FA10]  }
0x266: {  	v62 =	vld [tilespmem:$0x1FA20]  }
0x267: {  	v9 =	vadd.f32 v7, v5;
	v5 =	vld [tilespmem:$0x1FA30]  }
0x268: {  	[tilespmem:$0x3700] =	vst v32;
	v32 =	vld [tilespmem:$0xA80]  }
0x269: {  	[tilespmem:$0x37B0] =	vst v43;
	v43 =	vld [tilespmem:$0x16B0]  }
0x26a: {  	[tilespmem:$0x37C0] =	vst v42;
	v42 =	vld [tilespmem:$0x22B0]  }
0x26b: {  	[tilespmem:$0x37A0] =	vst v54;
	v54 =	vld [tilespmem:$0x1F9D0]  }
0x26c: {  	v44 =	vadd.f32 v10, v61;
	v10 =	vld [tilespmem:$0x1FA50]  }
0x26d: {  	v16 =	vadd.f32 v15, v14;
	v15 =	vld [tilespmem:$0x1F980]  }
0x26e: {  	v14 =	vadd.f32 v12, v11;
	v11 =	vld [tilespmem:$0x1FA60]  }
0x26f: {  	[tilespmem:$0x37D0] =	vst v44;
	v44 =	vld [tilespmem:$0xAC0]  }
0x270: {  	v49 =	vadd.f32 v48, v16;
	v16 =	vld [tilespmem:$0x1F990]  }
0x271: {  	v52 =	vadd.f32 v51, v14;
	v14 =	vld [tilespmem:$0x1FA70]  }
0x272: {  	v59 =	vadd.f32 v58, v57;
	v57 =	vld [tilespmem:$0x1FAB0]  }
0x273: {  	v58 =	vld [tilespmem:$0x1FAC0]  }
0x274: {  	v48 =	vld [tilespmem:$0x22D0]  }
0x275: {  	v7 =	vadd.f32 v5, v62;
	v62 =	vld [tilespmem:$0x1FAF0]  }
0x276: {  	[tilespmem:$0x3790] =	vst v49;
	v49 =	vld [tilespmem:$0x16D0]  }
0x277: {  	[tilespmem:$0x37F0] =	vst v52;
	v52 =	vld [tilespmem:$0x16E0]  }
0x278: {  	v55 =	vadd.f32 v54, v53;
	v45 =	vadd.f32 v15, v9;
	v9 =	vld [tilespmem:$0x1FA40]  }
0x279: {  	v12 =	vadd.f32 v11, v10;
	v10 =	vld [tilespmem:$0x1FB20]  }
0x27a: {  	v61 =	vadd.f32 v60, v55;
	v60 =	vld [tilespmem:$0x1FAD0]  }
0x27b: {  	[tilespmem:$0x37E0] =	vst v45;
	v45 =	vld [tilespmem:$0x22C0]  }
0x27c: {  	[tilespmem:$0x3780] =	vst v18;
	v18 =	vadd.f32 v17, v16;
	v16 =	vld [tilespmem:$0x1FA80]  }
0x27d: {  	v17 =	vld [tilespmem:$0x1FA90]  }
0x27e: {  	v15 =	vadd.f32 v14, v7;
	v7 =	vld [tilespmem:$0x1FB00]  }
0x27f: {  	v14 =	vld [tilespmem:$0x1FB40]  }
0x280: {  	[tilespmem:$0x3810] =	vst v61;
	v61 =	vld [tilespmem:$0x1FAE0]  }
0x281: {  	v47 =	vadd.f32 v56, v18;
	v56 =	vld [tilespmem:$0x1FAA0]  }
0x282: {  	[tilespmem:$0x3830] =	vst v15;
	v15 =	vld [tilespmem:$0x1FB50]  }
0x283: {  	v50 =	vadd.f32 v9, v59;
	v9 =	vld [tilespmem:$0x1FB10]  }
0x284: {  	v59 =	vadd.f32 v58, v57;
	v58 =	vld [tilespmem:$0x1700]  }
0x285: {  	[tilespmem:$0x3800] =	vst v47;
	v47 =	vld [tilespmem:$0xAD0]  }
0x286: {  	[tilespmem:$0x3820] =	vst v50;
	v50 =	vld [tilespmem:$0xAE0]  }
0x287: {  	v18 =	vadd.f32 v17, v16;
	v17 =	vld [tilespmem:$0x1FB60]  }
0x288: {  	v54 =	vadd.f32 v7, v59;
	v7 =	vld [tilespmem:$0x1FBA0]  }
0x289: {  	v59 =	vld [tilespmem:$0xB10]  }
0x28a: {  	v5 =	vadd.f32 v62, v61;
	v61 =	vld [tilespmem:$0x1FB80]  }
0x28b: {  	v51 =	vadd.f32 v56, v12;
	v12 =	vld [tilespmem:$0x1FB30]  }
0x28c: {  	v53 =	vadd.f32 v60, v18;
	v60 =	vld [tilespmem:$0x1FB70]  }
0x28d: {  	v16 =	vadd.f32 v15, v14;
	v14 =	vld [tilespmem:$0x1FBD0]  }
0x28e: {  	v15 =	vld [tilespmem:$0x1FBE0]  }
0x28f: {  	[tilespmem:$0x3860] =	vst v54;
	v54 =	vld [tilespmem:$0x22F0]  }
0x290: {  	v56 =	vld [tilespmem:$0xB00];
	v11 =	vadd.f32 v10, v9  }
0x291: {  	v9 =	vld [tilespmem:$0x1FBB0]  }
0x292: {  	v18 =	vadd.f32 v17, v11;
	v11 =	vld [tilespmem:$0x1FBC0]  }
0x293: {  	[tilespmem:$0x3840] =	vst v51;
	v51 =	vld [tilespmem:$0x22E0]  }
0x294: {  	v55 =	vadd.f32 v12, v5;
	v5 =	vld [tilespmem:$0x1FB90]  }
0x295: {  	v17 =	vld [tilespmem:$0x1FBF0];
	v62 =	vadd.f32 v61, v60  }
0x296: {  	v10 =	vadd.f32 v9, v7;
	v9 =	vld [tilespmem:$0x1FC20]  }
0x297: {  	v12 =	vadd.f32 v11, v62;
	v62 =	vld [tilespmem:$0x1FC00]  }
0x298: {  	v11 =	vld [tilespmem:$0x1FC30]  }
0x299: {  	v57 =	vadd.f32 v5, v16;
	v5 =	vld [tilespmem:$0x1FC10]  }
0x29a: {  	[tilespmem:$0x3880] =	vst v18;
	v18 =	vadd.f32 v17, v10;
	v17 =	vld [tilespmem:$0x1FC70]  }
0x29b: {  	v16 =	vadd.f32 v15, v14;
	[tilespmem:$0x38A0] =	vst v12;
	v12 =	vld [tilespmem:$0x1FC40]  }
0x29c: {  	v15 =	vld [tilespmem:$0x1FC50]  }
0x29d: {  	v10 =	vadd.f32 v9, v16;
	v16 =	vld [tilespmem:$0x1FC60]  }
0x29e: {  	v7 =	vadd.f32 v5, v62;
	v5 =	vld [tilespmem:$0x1FC80]  }
0x29f: {  	[tilespmem:$0x38C0] =	vst v10;
	v10 =	vld [tilespmem:$0x1FCB0]  }
0x2a0: {  	v9 =	vld [tilespmem:$0x1FCA0]  }
0x2a1: {  	v14 =	vadd.f32 v12, v11;
	v61 =	vadd.f32 v15, v7;
	v7 =	vld [tilespmem:$0x1FC90]  }
0x2a2: {  	[tilespmem:$0x38B0] =	vst v18;
	v12 =	vld [tilespmem:$0x1FCC0];
	v18 =	vadd.f32 v17, v16  }
0x2a3: {  	v60 =	vadd.f32 v5, v14;
	v14 =	vld [tilespmem:$0x1FCD0]  }
0x2a4: {  	v11 =	vadd.f32 v10, v18;
	v10 =	vld [tilespmem:$0x1FD30]  }
0x2a5: {  	v5 =	vld [tilespmem:$0x1FD10]  }
0x2a6: {  	[tilespmem:$0x3580] =	vst v0;
	v0 =	vadd.f32 v9, v7;
	v9 =	vld [tilespmem:$0x1FD20]  }
0x2a7: {  	v62 =	vld [tilespmem:$0x1FDE0]  }
0x2a8: {  	v16 =	vld [tilespmem:$0x1FCE0];
	v15 =	vadd.f32 v14, v12  }
0x2a9: {  	v17 =	vld [tilespmem:$0x1FCF0]  }
0x2aa: {  	[tilespmem:$0x38E0] =	vst v60;
	v60 =	vld [tilespmem:$0x1FD00];
	v7 =	vadd.f32 v5, v15  }
0x2ab: {  	[tilespmem:$0x38F0] =	vst v11;
	v11 =	vadd.f32 v10, v9;
	v9 =	vld [tilespmem:$0x1FD90]  }
0x2ac: {  	[tilespmem:$0x3910] =	vst v7;
	v7 =	vld [tilespmem:$0x1FD80]  }
0x2ad: {  	v5 =	vld [tilespmem:$0x1FD70]  }
0x2ae: {  	v0 =	vadd.f32 v16, v0;
	v16 =	vld [tilespmem:$0x1FD60]  }
0x2af: {  	v14 =	vld [tilespmem:$0x1FD40]  }
0x2b0: {  	v15 =	vld [tilespmem:$0x1FD50]  }
0x2b1: {  	[tilespmem:$0x3570] =	vst v1;
	v10 =	vadd.f32 v9, v7;
	v7 =	vld [tilespmem:$0x1FDF0]  }
0x2b2: {  	[tilespmem:$0x38D0] =	vst v61;
	v61 =	vadd.f32 v5, v11;
	v11 =	vld [tilespmem:$0x1FDA0]  }
0x2b3: {  	[tilespmem:$0x3850] =	vst v53;
	v53 =	vld [tilespmem:$0xAF0];
	v1 =	vadd.f32 v60, v17  }
0x2b4: {  	[tilespmem:$0x3930] =	vst v61;
	v61 =	vld [tilespmem:$0x1FDD0]  }
0x2b5: {  	v12 =	vld [tilespmem:$0x1FDB0];
	[tilespmem:$0x3900] =	vst v0;
	v0 =	vadd.f32 v14, v1;
	v1 =	vadd.f32 v16, v15  }
0x2b6: {  	v14 =	vld [tilespmem:$0x1FDC0];
	v9 =	vadd.f32 v7, v62  }
0x2b7: {  	[tilespmem:$0x3920] =	vst v0;
	v0 =	vadd.f32 v11, v1;
	v11 =	vld [tilespmem:$0x1FE10]  }
0x2b8: {  	v5 =	vadd.f32 v6, v9;
	v6 =	vld [tilespmem:$0x1FE20]  }
0x2b9: {  	v61 =	vadd.f32 v61, v10;
	v10 =	vld [tilespmem:$0x1FE00]  }
0x2ba: {  	[tilespmem:$0x3970] =	vst v5;
	v5 =	vld [tilespmem:$0x1FE50]  }
0x2bb: {  	[tilespmem:$0x3870] =	vst v55;
	v55 =	vld [tilespmem:$0x16F0]  }
0x2bc: {  	[tilespmem:$0x3890] =	vst v57;
	v57 =	vld [tilespmem:$0x2300];
	v1 =	vadd.f32 v14, v12  }
0x2bd: {  	v18 =	vld [tilespmem:$0x1710];
	v7 =	vadd.f32 v6, v8  }
0x2be: {  	[tilespmem:$0x3940] =	vst v0;
	v0 =	vadd.f32 v10, v1;
	v6 =	vld [tilespmem:$0x1FE60]  }
0x2bf: {  	[tilespmem:$0x3950] =	vst v61;
	v1 =	vadd.f32 v13, v11;
	v61 =	vadd.f32 v5, v7;
	v7 =	vld [tilespmem:$0x1FE70]  }
0x2c0: {  	v10 =	vld [tilespmem:$0x1FE30]  }
0x2c1: {  	[tilespmem:$0x3960] =	vst v0;
	v0 =	vadd.f32 v4, v1;
	v4 =	vld [tilespmem:$0x1FE40]  }
0x2c2: {  	v18 =	vadd.f32 v18, v59;
	v59 =	vld [tilespmem:$0x17C0]  }
0x2c3: {  	v8 =	vld [tilespmem:$0x1FE80]  }
0x2c4: {  	v62 =	vadd.f32 v7, v6;
	v6 =	vld [tilespmem:$0x1FEB0]  }
0x2c5: {  	v5 =	vld [tilespmem:$0x1FEA0]  }
0x2c6: {  	v1 =	vadd.f32 v4, v10;
	v4 =	vld [tilespmem:$0x1FE90]  }
0x2c7: {  	v60 =	vld [tilespmem:$0x2310]  }
0x2c8: {  	v7 =	vld [tilespmem:$0x1FEC0]  }
0x2c9: {  	[tilespmem:$0x3990] =	vst v61;
	v61 =	vadd.f32 v6, v62;
	v62 =	vld [tilespmem:$0x1FED0]  }
0x2ca: {  	v17 =	vld [tilespmem:$0xB20]  }
0x2cb: {  	[tilespmem:$0x3980] =	vst v0;
	v0 =	vadd.f32 v8, v1;
	v1 =	vadd.f32 v5, v4;
	v4 =	vld [tilespmem:$0x1FEE0]  }
0x2cc: {  	[tilespmem:$0x39B0] =	vst v61;
	v61 =	vld [tilespmem:$0x1FF10]  }
0x2cd: {  	v5 =	vld [tilespmem:$0x1FEF0]  }
0x2ce: {  	v62 =	vadd.f32 v62, v7;
	v7 =	vld [tilespmem:$0x1FF00]  }
0x2cf: {  	v15 =	vld [tilespmem:$0x1720]  }
0x2d0: {  	[tilespmem:$0x39A0] =	vst v0;
	v0 =	vadd.f32 v4, v1;
	v4 =	vld [tilespmem:$0x1FF40]  }
0x2d1: {  	v61 =	vadd.f32 v61, v62;
	v62 =	vld [tilespmem:$0x1FF30]  }
0x2d2: {  	v16 =	vld [tilespmem:$0x2320]  }
0x2d3: {  	[tilespmem:$0x39D0] =	vst v61;
	v61 =	vld [tilespmem:$0x1FF70];
	v1 =	vadd.f32 v7, v5  }
0x2d4: {  	v14 =	vld [tilespmem:$0xB30]  }
0x2d5: {  	[tilespmem:$0x39C0] =	vst v0;
	v0 =	vadd.f32 v4, v1;
	v1 =	vld [tilespmem:$0x1FF50]  }
0x2d6: {  	v62 =	vadd.f32 v62, v2;
	v4 =	vld [tilespmem:$0x1FF60]  }
0x2d7: {  	v2 =	vld [tilespmem:$0x1FF80]  }
0x2d8: {  	v61 =	vadd.f32 v61, v62;
	v62 =	vld [tilespmem:$0x1FF90]  }
0x2d9: {  	[tilespmem:$0x39E0] =	vst v0;
	v0 =	vld [tilespmem:$0x1FFA0]  }
0x2da: {  	v12 =	vld [tilespmem:$0x1730]  }
0x2db: {  	[tilespmem:$0x39F0] =	vst v61;
	v61 =	vld [tilespmem:$0x1FFD0]  }
0x2dc: {  	v9 =	vld [tilespmem:$0x1740];
	v1 =	vadd.f32 v4, v1  }
0x2dd: {  	v13 =	vld [tilespmem:$0x2330]  }
0x2de: {  	v62 =	vadd.f32 v62, v2;
	v0 =	vadd.f32 v0, v1;
	v1 =	vld [tilespmem:$0x1FFB0]  }
0x2df: {  	v2 =	vld [tilespmem:$0x1FFC0]  }
0x2e0: {  	v61 =	vadd.f32 v61, v62;
	v62 =	vld [tilespmem:$0x1FFE0]  }
0x2e1: {  	[tilespmem:$0x3A00] =	vst v0;
	v0 =	vld [tilespmem:$0x1FFF0]  }
0x2e2: {  	v11 =	vld [tilespmem:$0xB40]  }
0x2e3: {  	v10 =	vld [tilespmem:$0x2340]  }
0x2e4: {  	v8 =	vld [tilespmem:$0xB50];
	v1 =	vadd.f32 v2, v1  }
0x2e5: {  	v6 =	vld [tilespmem:$0x1750];
	[tilespmem:$0x3A10] =	vst v61;
	v61 =	vadd.f32 v24, v25;
	v19 =	vadd.f32 v19, v62  }
0x2e6: {  	v7 =	vld [tilespmem:$0x2350];
	v0 =	vadd.f32 v0, v1;
	v1 =	vadd.f32 v22, v20  }
0x2e7: {  	v5 =	vld [tilespmem:$0xB60];
	[tilespmem:$0x3A50] =	vst v61;
	v61 =	vadd.f32 v60, v18  }
0x2e8: {  	v4 =	vld [tilespmem:$0x2360];
	v19 =	vadd.f32 v63, v19;
	[tilespmem:$0x3A20] =	vst v0;
	v0 =	vadd.f32 v21, v1  }
0x2e9: {  	v24 =	vld [tilespmem:$0x2380];
	v63 =	vadd.f32 v31, v29;
	v29 =	vadd.f32 v34, v32  }
0x2ea: {  	v25 =	vld [tilespmem:$0xB90];
	v32 =	vadd.f32 v37, v35;
	v35 =	vadd.f32 v40, v38  }
0x2eb: {  	v2 =	vld [tilespmem:$0xB70];
	[tilespmem:$0x3B10] =	vst v61;
	v38 =	vadd.f32 v43, v41;
	v41 =	vadd.f32 v46, v44  }
0x2ec: {  	v62 =	vld [tilespmem:$0x1770];
	v44 =	vadd.f32 v49, v47;
	[tilespmem:$0x3A30] =	vst v19;
	v31 =	vadd.f32 v30, v63  }
0x2ed: {  	v20 =	vld [tilespmem:$0x2370];
	v47 =	vadd.f32 v52, v50;
	[tilespmem:$0x3A40] =	vst v0;
	v34 =	vadd.f32 v33, v29  }
0x2ee: {  	v21 =	vld [tilespmem:$0x1780];
	v50 =	vadd.f32 v55, v53;
	v37 =	vadd.f32 v36, v32;
	[tilespmem:$0x3A70] =	vst v31  }
0x2ef: {  	v53 =	vadd.f32 v58, v56;
	v56 =	vld [tilespmem:$0xBC0];
	v40 =	vadd.f32 v39, v35;
	[tilespmem:$0x3A80] =	vst v34  }
0x2f0: {  	v29 =	vld [tilespmem:$0x17A0];
	v43 =	vadd.f32 v42, v38;
	[tilespmem:$0x3A90] =	vst v37  }
0x2f1: {  	v30 =	vld [tilespmem:$0x23A0];
	v46 =	vadd.f32 v45, v41;
	[tilespmem:$0x3AA0] =	vst v40  }
0x2f2: {  	v49 =	vadd.f32 v48, v44;
	v32 =	vld [tilespmem:$0x17B0];
	[tilespmem:$0x3AB0] =	vst v43  }
0x2f3: {  	v52 =	vadd.f32 v51, v47;
	v33 =	vld [tilespmem:$0x23B0];
	[tilespmem:$0x3AC0] =	vst v46  }
0x2f4: {  	v58 =	vadd.f32 v15, v17;
	v55 =	vadd.f32 v54, v50;
	v63 =	vld [tilespmem:$0x23C0];
	[tilespmem:$0x3AD0] =	vst v49  }
0x2f5: {  	v12 =	vadd.f32 v12, v14;
	v57 =	vadd.f32 v57, v53;
	v36 =	vld [tilespmem:$0x17D0];
	[tilespmem:$0x3AE0] =	vst v52  }
0x2f6: {  	v18 =	vadd.f32 v16, v58;
	v19 =	vadd.f32 v9, v11;
	v41 =	vld [tilespmem:$0xBE0];
	[tilespmem:$0x3AF0] =	vst v55  }
0x2f7: {  	v6 =	vadd.f32 v6, v8;
	v35 =	vadd.f32 v13, v12;
	v44 =	vld [tilespmem:$0x17E0];
	[tilespmem:$0x3B00] =	vst v57  }
0x2f8: {  	v38 =	vadd.f32 v3, v5;
	v31 =	vld [tilespmem:$0xBB0];
	[tilespmem:$0x3B20] =	vst v18;
	v37 =	vadd.f32 v10, v19  }
0x2f9: {  	v45 =	vadd.f32 v26, v25;
	v34 =	vld [tilespmem:$0xBD0];
	[tilespmem:$0x3B30] =	vst v35;
	v40 =	vadd.f32 v7, v6  }
0x2fa: {  	v2 =	vadd.f32 v62, v2;
	v42 =	vadd.f32 v4, v38;
	v46 =	vld [tilespmem:$0xBF0];
	[tilespmem:$0x3B40] =	vst v37  }
0x2fb: {  	v50 =	vadd.f32 v27, v45;
	v52 =	vld [tilespmem:$0x23E0];
	v43 =	vadd.f32 v21, v23;
	[tilespmem:$0x3B50] =	vst v40  }
0x2fc: {  	v49 =	vld [tilespmem:$0x17F0];
	v2 =	vadd.f32 v20, v2;
	v54 =	vadd.f32 v59, v56;
	[tilespmem:$0x3B60] =	vst v42  }
0x2fd: {  	v39 =	vld [tilespmem:$0x23D0];
	[tilespmem:$0x3B90] =	vst v50;
	v47 =	vadd.f32 v24, v43;
	v48 =	vadd.f32 v29, v28  }
0x2fe: {  	v55 =	vld [tilespmem:$0x23F0];
	[tilespmem:$0x3B70] =	vst v2;
	v58 =	vadd.f32 v63, v54;
	v59 =	vadd.f32 v44, v41  }
0x2ff: {  	v51 =	vadd.f32 v32, v31;
	[tilespmem:$0x3B80] =	vst v47;
	v53 =	vadd.f32 v30, v48  }
0x300: {  	v57 =	vadd.f32 v36, v34;
	[tilespmem:$0x3BC0] =	vst v58;
	v62 =	vadd.f32 v52, v59  }
0x301: {  	v61 =	vadd.f32 v49, v46;
	v56 =	vadd.f32 v33, v51;
	[tilespmem:$0x3BA0] =	vst v53  }
0x302: {  	v60 =	vadd.f32 v39, v57;
	[tilespmem:$0x3BE0] =	vst v62  }
0x303: {  	v63 =	vadd.f32 v55, v61;
	[tilespmem:$0x3BB0] =	vst v56  }
0x304: {  	[tilespmem:$0x3BD0] =	vst v60  }
0x305: {  	s31 =	simm.s32 $0x3E40;
	[tilespmem:$0x3BF0] =	vst v63  }
.LBB2_3:
0x306: {  	s0 =	sshll.u32 s30, $0x7  }
0x307: {  	v1 =	vld [tilespmem:s0+$0xE00]  }
0x308: {  	v2 =	vld [tilespmem:s0+$0x200]  }
0x309: {  	s8 =	simm.s32 $0x0  }
0x30a: {  	v3 =	vld [tilespmem:s8+$0x2600];
	_ =	sdelay $0x1  }
0x30b: {  	v0 =	vmov s31  }
0x30c: {  	v1 =	vadd.f32 v1, v2;
	_ =	sdelay $0x1  }
0x30d: {  	v1 =	vadd.f32 v3, v1;
	_ =	sdelay $0x1  }
0x30e: {  	[tilespmem:v0+s8+$0xFFFFFFC0 ss:$0x1] =	vst.idx.msk $0xffff, v1  }
0x30f: {  	v1 =	vld [tilespmem:s0+$0x210]  }
0x310: {  	v2 =	vld [tilespmem:s0+$0xE10];
	_ =	sdelay $0x1  }
0x311: {  	v3 =	vld [tilespmem:s8+$0x2610];
	_ =	sdelay $0x2  }
0x312: {  	v1 =	vadd.f32 v2, v1;
	_ =	sdelay $0x1  }
0x313: {  	v1 =	vadd.f32 v3, v1;
	_ =	sdelay $0x1  }
0x314: {  	[tilespmem:v0+s8+$0xFFFFFFD0 ss:$0x1] =	vst.idx.msk $0xffff, v1  }
0x315: {  	v1 =	vld [tilespmem:s0+$0x220]  }
0x316: {  	v2 =	vld [tilespmem:s0+$0xE20];
	_ =	sdelay $0x1  }
0x317: {  	v3 =	vld [tilespmem:s8+$0x2620];
	_ =	sdelay $0x2  }
0x318: {  	v1 =	vadd.f32 v2, v1;
	_ =	sdelay $0x1  }
0x319: {  	v1 =	vadd.f32 v3, v1;
	_ =	sdelay $0x1  }
0x31a: {  	[tilespmem:v0+s8+$0xFFFFFFE0 ss:$0x1] =	vst.idx.msk $0xffff, v1  }
0x31b: {  	v1 =	vld [tilespmem:s0+$0x230]  }
0x31c: {  	v2 =	vld [tilespmem:s0+$0xE30];
	_ =	sdelay $0x1  }
0x31d: {  	v3 =	vld [tilespmem:s8+$0x2630];
	_ =	sdelay $0x2  }
0x31e: {  	v1 =	vadd.f32 v2, v1;
	_ =	sdelay $0x1  }
0x31f: {  	v1 =	vadd.f32 v3, v1;
	_ =	sdelay $0x1  }
0x320: {  	[tilespmem:v0+s8+$0xFFFFFFF0 ss:$0x1] =	vst.idx.msk $0xffff, v1  }
0x321: {  	v1 =	vld [tilespmem:s0+$0x240]  }
0x322: {  	v2 =	vld [tilespmem:s0+$0xE40];
	_ =	sdelay $0x1  }
0x323: {  	v3 =	vld [tilespmem:s8+$0x2640];
	_ =	sdelay $0x2  }
0x324: {  	v1 =	vadd.f32 v2, v1;
	_ =	sdelay $0x1  }
0x325: {  	v1 =	vadd.f32 v3, v1;
	_ =	sdelay $0x1  }
0x326: {  	[tilespmem:v0+s8+$0x0 ss:$0x1] =	vst.idx.msk $0xffff, v1  }
0x327: {  	v1 =	vld [tilespmem:s0+$0x250]  }
0x328: {  	v2 =	vld [tilespmem:s0+$0xE50];
	_ =	sdelay $0x1  }
0x329: {  	v3 =	vld [tilespmem:s8+$0x2650];
	_ =	sdelay $0x2  }
0x32a: {  	v1 =	vadd.f32 v2, v1;
	_ =	sdelay $0x1  }
0x32b: {  	v1 =	vadd.f32 v3, v1;
	_ =	sdelay $0x1  }
0x32c: {  	[tilespmem:v0+s8+$0x10 ss:$0x1] =	vst.idx.msk $0xffff, v1  }
0x32d: {  	v1 =	vld [tilespmem:s0+$0x260]  }
0x32e: {  	v2 =	vld [tilespmem:s0+$0xE60];
	_ =	sdelay $0x1  }
0x32f: {  	v3 =	vld [tilespmem:s8+$0x2660];
	_ =	sdelay $0x2  }
0x330: {  	v1 =	vadd.f32 v2, v1;
	_ =	sdelay $0x1  }
0x331: {  	v1 =	vadd.f32 v3, v1;
	_ =	sdelay $0x1  }
0x332: {  	[tilespmem:v0+s8+$0x20 ss:$0x1] =	vst.idx.msk $0xffff, v1  }
0x333: {  	v1 =	vld [tilespmem:s0+$0x270]  }
0x334: {  	s13 =	simm.s32 $0x200;
	v2 =	vld [tilespmem:s0+$0xE70]  }
.LBB2_4:
0x335: {  	p0 =	sne.s32 s13, $0x2C00;
	v3 =	vld [tilespmem:s8+$0x2670];
	s26 =	smov.u32 s13;
	s13 =	sadd.s32 $0x200, s13  }
0x336: {  	_ =	sdelay $0x2  }
0x337: {  	v1 =	vadd.f32 v2, v1;
	_ =	sdelay $0x1  }
0x338: {  	v1 =	vadd.f32 v3, v1;
	_ =	sdelay $0x1  }
0x339: {  	[tilespmem:v0+s8+$0x30 ss:$0x1] =	vst.idx.msk $0xffff, v1  }
0x33a: {  	v1 =	vld [tilespmem:s0+$0xE00]  }
0x33b: {  	s8 =	sshra.s32 s26, $0x2;
	v2 =	vld [tilespmem:s0+$0x200]  }
0x33c: {  	v3 =	vld [tilespmem:s8+$0x2600];
	_ =	sdelay $0x3  }
0x33d: {  	v1 =	vadd.f32 v1, v2;
	_ =	sdelay $0x1  }
0x33e: {  	v1 =	vadd.f32 v3, v1;
	_ =	sdelay $0x1  }
0x33f: {  	[tilespmem:v0+s8+$0xFFFFFFC0 ss:$0x1] =	vst.idx.msk $0xffff, v1  }
0x340: {  	v1 =	vld [tilespmem:s0+$0x210]  }
0x341: {  	v2 =	vld [tilespmem:s0+$0xE10];
	_ =	sdelay $0x1  }
0x342: {  	v3 =	vld [tilespmem:s8+$0x2610];
	_ =	sdelay $0x2  }
0x343: {  	v1 =	vadd.f32 v2, v1;
	_ =	sdelay $0x1  }
0x344: {  	v1 =	vadd.f32 v3, v1;
	_ =	sdelay $0x1  }
0x345: {  	[tilespmem:v0+s8+$0xFFFFFFD0 ss:$0x1] =	vst.idx.msk $0xffff, v1  }
0x346: {  	v1 =	vld [tilespmem:s0+$0x220]  }
0x347: {  	v2 =	vld [tilespmem:s0+$0xE20];
	_ =	sdelay $0x1  }
0x348: {  	v3 =	vld [tilespmem:s8+$0x2620];
	_ =	sdelay $0x2  }
0x349: {  	v1 =	vadd.f32 v2, v1;
	_ =	sdelay $0x1  }
0x34a: {  	v1 =	vadd.f32 v3, v1;
	_ =	sdelay $0x1  }
0x34b: {  	[tilespmem:v0+s8+$0xFFFFFFE0 ss:$0x1] =	vst.idx.msk $0xffff, v1  }
0x34c: {  	v1 =	vld [tilespmem:s0+$0x230]  }
0x34d: {  	v2 =	vld [tilespmem:s0+$0xE30]  }
0x34e: {  	v3 =	vld [tilespmem:s8+$0x2630];
	_ =	sdelay $0x3  }
0x34f: {  	v1 =	vadd.f32 v2, v1;
	_ =	sdelay $0x1  }
0x350: {  	v1 =	vadd.f32 v3, v1;
	_ =	sdelay $0x1  }
0x351: {  	[tilespmem:v0+s8+$0xFFFFFFF0 ss:$0x1] =	vst.idx.msk $0xffff, v1  }
0x352: {  	v1 =	vld [tilespmem:s0+$0x240]  }
0x353: {  	v2 =	vld [tilespmem:s0+$0xE40]  }
0x354: {  	v3 =	vld [tilespmem:s8+$0x2640];
	_ =	sdelay $0x3  }
0x355: {  	v1 =	vadd.f32 v2, v1;
	_ =	sdelay $0x1  }
0x356: {  	v1 =	vadd.f32 v3, v1;
	_ =	sdelay $0x1  }
0x357: {  	[tilespmem:v0+s8+$0x0 ss:$0x1] =	vst.idx.msk $0xffff, v1  }
0x358: {  	v1 =	vld [tilespmem:s0+$0x250]  }
0x359: {  	v2 =	vld [tilespmem:s0+$0xE50]  }
0x35a: {  	v3 =	vld [tilespmem:s8+$0x2650];
	_ =	sdelay $0x3  }
0x35b: {  	v1 =	vadd.f32 v2, v1;
	_ =	sdelay $0x1  }
0x35c: {  	v1 =	vadd.f32 v3, v1;
	_ =	sdelay $0x1  }
0x35d: {  	[tilespmem:v0+s8+$0x10 ss:$0x1] =	vst.idx.msk $0xffff, v1  }
0x35e: {  	v1 =	vld [tilespmem:s0+$0x260]  }
0x35f: {  	v2 =	vld [tilespmem:s0+$0xE60]  }
0x360: {  	v3 =	vld [tilespmem:s8+$0x2660];
	_ =	sdelay $0x3  }
0x361: {  	v1 =	vadd.f32 v2, v1;
	_ =	sdelay $0x1  }
.Ltmp0:
0x362: {  	v1 =	vadd.f32 v3, v1;
	(pc) =	sbr.rel @p0 .LBB2_4-.Ltmp0, $4  }
0x363: {  	_ = 	snop  }
0x364: {  	[tilespmem:v0+s8+$0x20 ss:$0x1] =	vst.idx.msk $0xffff, v1  }
0x365: {  	v1 =	vld [tilespmem:s0+$0x270]  }
0x366: {  	v2 =	vld [tilespmem:s0+$0xE70]  }
0x367: {  	_ = 	snop  }
0x368: {  	v3 =	vld [tilespmem:s8+$0x2670]  }
0x369: {  	s30 =	sadd.s32 $0x1, s30  }
0x36a: {  	p0 =	sne.s32 s30, $0x14  }
.Ltmp1:
0x36b: {  	v1 =	vadd.f32 v2, v1;
	(pc) =	sbr.rel @p0 .LBB2_3-.Ltmp1, $3  }
0x36c: {  	_ = 	snop  }
0x36d: {  	v1 =	vadd.f32 v3, v1;
	_ =	sdelay $0x1  }
0x36e: {  	s31 =	sadd.s32 $0xB80, s31;
	[tilespmem:v0+s8+$0x30 ss:$0x1] =	vst.idx.msk $0xffff, v1  }
0x36f: {  	s0 =	smul.u32 $0x180, s29;
	_ =	sdelay $0x1  }
0x370: {  	s0 =	sadd.s32 s10, s0  }
0x371: {  	[hbm4b:s0+s5] =	stream.linear.scatter [tilespmem:s24], [sflag:$0x2], $0xA00, $0x38;
	[tilespmem:$0x12600] =	vst v63  }
0x372: {  	s31 =	smul.u32 $0x1D00, s29;
	s28 =	sadd.s32 $0x1, s28;
	_ =	swait.ge [sflag:s14], $0xA00  }
0x373: {  	p0 =	sne.s32 s28, $0x20;
	[sflag:s14] =	ssyncset.done $0x0  }
.Ltmp2:
0x374: {  	s0 =	sadd.s32 s11, s31;
	[sflag:s14] =	ssyncadd.s32 $0xFFFFF600;
	(pc) =	sbr.rel @p0 .LBB2_2-.Ltmp2, $4  }
0x375: {  	[hbm4b:s0+s5] =	stream.linear.scatter [tilespmem:s25], [sflag:$0x2], $0xE600, $0x38;
	[tilespmem:$0x12600] =	vst v63  }
0x376: {  	_ =	swait.ge [sflag:s14], $0xE600  }
0x377: {  	[sflag:s14] =	ssyncset.done $0x0  }
0x378: {  	[sflag:s14] =	ssyncadd.s32 $0xFFFF1A00  }
0x379: {  	s8 =	rddreg [dreg:$0x7]  }
0x37a: {  	s0 =	rddreg [dreg:$0x6];
	s8 =	sadd.s32 $0x1, s8  }
0x37b: {  	p0 =	sne.s32 s8, s0  }
.Ltmp3:
0x37c: {  	_ = 	snop;
	(pc) =	sbr.rel @p0 .LBB2_1-.Ltmp3, $1  }
0x37d: {  	_ =	sdelay $0x3  }
0x37e: {  	_ =	sfence.sel $0x180000  }
0x37f: {  	[bflag:$0x0] =	sbarrier.arrive $0xFFFF  }
0x380: {  	_ =	strace $0x90000047  }
0x381: {  	s0 =	stileid.u32;
	[bflag:$0x2] =	sbarrier.arrive $0xFFFF  }
0x382: {  	p0 =	sne.s32 s0, $0x0;
	s0 =	rddreg [dreg:$0x5]  }
0x383: {  	s0 =	sadd.s32 @!p0 $0x100000, s0  }
0x384: {  	[sflag:s0] =	ssyncadd.tile.s32 @!p0 $0x1;
	_ =	shalt  }
.Lfunc_end2:
_tile_overlayer_lowered:
.L_overlay_start_2:
0x385: {  	(tag) =	ssettag $0x2  }
0x386: {  	s0 =	rddreg [dreg:$0x0];
	s2 =	stileid.u32  }
0x387: {  	s1 =	rddreg [dreg:$0x1];
	p0 =	sne.s32 s2, $0x0  }
0x388: {  	s3 =	rddreg [dreg:$0x2];
	[bflag:$0x3] =	sbarrier.arrive $0xFFFF;
	s2 =	simm.s32 @!p0 $0x1C02  }
0x389: {  	[timem:s3], [sflag:s2] =	dma.local @!p0 [hbm:s0], s1  }
0x38a: {  	s0 =	simm.s32 @!p0 $0x2  }
0x38b: {  	_ =	swait.ge @!p0 [sflag:s0], s1  }
0x38c: {  	s1 =	ssub.s32 @!p0 $0x0, s1;
	[sflag:s0] =	ssyncset.done @!p0 $0x0  }
0x38d: {  	[sflag:s0] =	ssyncadd.s32 @!p0 s1  }
0x38e: {  	[bflag:$0x3] =	sbarrier.arrive $0xFFFF  }
0x38f: {  	_ =	shalt  }

</sc_bundles>
